<compile_context>
chip_gen: v7x
topology: tpu7x:2x2x1
jax: 0.10.2.dev20260603
libtpu: 0.0.44.dev20260713+nightly
codegen_flags: <defaults>
</compile_context>

<pallas_src>
import functools

import jax
import jax.numpy as jnp
import numpy as np
from jax import lax
from jax.experimental import pallas as pl
from jax.experimental.pallas import tpu as pltpu
from jax.experimental.pallas import tpu_sc as plsc

N_NODES = 10000
N_EDGES = 160000
IN_DIM = 1152
HID_DIM = 768
EDGE_DIM = 16
EDGE_HID = 64

_M_BLK = 1000


def _pack_halves(h):
    half = h.shape[-1] // 2
    a = jax.lax.bitcast_convert_type(
        h[:, :half].astype(jnp.bfloat16), jnp.uint16).astype(jnp.uint32)
    b = jax.lax.bitcast_convert_type(
        h[:, half:].astype(jnp.bfloat16), jnp.uint16).astype(jnp.uint32)
    return jax.lax.bitcast_convert_type(a | (b << 16), jnp.int32)


def _h_body(nf, w1, w2, h1_out, h2_out):
    x = nf[...]
    h1_out[...] = _pack_halves(
        jnp.dot(x, w1[...], preferred_element_type=jnp.float32))
    h2_out[...] = _pack_halves(
        jnp.dot(x, w2[...], preferred_element_type=jnp.float32))


def _h_kernel(node_feat, w1, w2):
    grid = (N_NODES // _M_BLK,)
    out_shape = [
        jax.ShapeDtypeStruct((N_NODES, HID_DIM // 2), jnp.int32),
        jax.ShapeDtypeStruct((N_NODES, HID_DIM // 2), jnp.int32),
    ]
    return pl.pallas_call(
        _h_body,
        grid=grid,
        in_specs=[
            pl.BlockSpec((_M_BLK, IN_DIM), lambda i: (i, 0)),
            pl.BlockSpec((IN_DIM, HID_DIM), lambda i: (0, 0)),
            pl.BlockSpec((IN_DIM, HID_DIM), lambda i: (0, 0)),
        ],
        out_specs=[
            pl.BlockSpec((_M_BLK, HID_DIM // 2), lambda i: (i, 0)),
            pl.BlockSpec((_M_BLK, HID_DIM // 2), lambda i: (i, 0)),
        ],
        out_shape=out_shape,
    )(node_feat, w1, w2)


def _fii_body(nf, fii, wa, wb, fii_out):
    x = nf[...]
    a = jnp.dot(x, wa[...], preferred_element_type=jnp.float32)
    b = jnp.dot(x, wb[...], preferred_element_type=jnp.float32)
    fii_out[...] = fii[...] + a * jax.nn.sigmoid(a) * b


def _fii_kernel(node_feat, fii, wa, wb):
    grid = (N_NODES // _M_BLK,)
    return pl.pallas_call(
        _fii_body,
        grid=grid,
        in_specs=[
            pl.BlockSpec((_M_BLK, IN_DIM), lambda i: (i, 0)),
            pl.BlockSpec((_M_BLK, HID_DIM), lambda i: (i, 0)),
            pl.BlockSpec((IN_DIM, HID_DIM), lambda i: (0, 0)),
            pl.BlockSpec((IN_DIM, HID_DIM), lambda i: (0, 0)),
        ],
        out_specs=pl.BlockSpec((_M_BLK, HID_DIM), lambda i: (i, 0)),
        out_shape=jax.ShapeDtypeStruct((N_NODES, HID_DIM), jnp.float32),
    )(node_feat, fii, wa, wb)


_E_BLK = 2000


def _gate_body(ea, we1, be1, we2, be2, gate_out):
    t = jnp.dot(ea[...], we1[...], preferred_element_type=jnp.float32) + be1[...]
    t = t * jax.nn.sigmoid(t)
    gate_out[...] = _pack_halves(
        jnp.dot(t, we2[...], preferred_element_type=jnp.float32) + be2[...])


def _gate_kernel(edge_attr, we1, be1, we2, be2):
    grid = (N_EDGES // _E_BLK,)
    return pl.pallas_call(
        _gate_body,
        grid=grid,
        in_specs=[
            pl.BlockSpec((_E_BLK, EDGE_DIM), lambda i: (i, 0)),
            pl.BlockSpec((EDGE_DIM, EDGE_HID), lambda i: (0, 0)),
            pl.BlockSpec((1, EDGE_HID), lambda i: (0, 0)),
            pl.BlockSpec((EDGE_HID, HID_DIM), lambda i: (0, 0)),
            pl.BlockSpec((1, HID_DIM), lambda i: (0, 0)),
        ],
        out_specs=pl.BlockSpec((_E_BLK, HID_DIM // 2), lambda i: (i, 0)),
        out_shape=jax.ShapeDtypeStruct((N_EDGES, HID_DIM // 2), jnp.int32),
    )(edge_attr, we1, be1, we2, be2)


_NC = 2
_NS = 16
_NW = _NC * _NS
_E_PER_W = N_EDGES // _NW
_B = 8
_NBUF = 4
_N_CHUNKS = _E_PER_W // _B
_N_GROUPS = (_N_CHUNKS + _NBUF - 1) // _NBUF
_LANES = 16
_COLS = HID_DIM // _LANES
_PAIRS = HID_DIM // (2 * _LANES)

_HALF = HID_DIM // 2

_K = np.arange(HID_DIM)
_PERM = np.where(
    _K < _HALF,
    32 * (_K // 16) + _K % 16,
    32 * ((_K - _HALF) // 16) + 16 + (_K - _HALF) % 16,
)


def _edge_body(h1_hbm, h2_hbm, gate_hbm, fij_hbm, src_hbm, dst_hbm, out_hbm,
               src_all, dst_all, r1, r2, gv, fv,
               si0, si1, si2, si3, so0, so1, so2, so3):
    sem_in = [si0, si1, si2, si3]
    sem_out = [so0, so1, so2, so3]
    wid = lax.axis_index("s") * _NC + lax.axis_index("c")
    base0 = wid * _E_PER_W
    pltpu.sync_copy(src_hbm.at[pl.ds(base0, _E_PER_W)], src_all)
    pltpu.sync_copy(dst_hbm.at[pl.ds(base0, _E_PER_W)], dst_all)

    def in_copies(c, b):
        base = base0 + c * _B
        return [
            pltpu.make_async_copy(
                h1_hbm.at[src_all.at[pl.ds(c * _B, _B)]], r1.at[b], sem_in[b]),
            pltpu.make_async_copy(
                h2_hbm.at[dst_all.at[pl.ds(c * _B, _B)]], r2.at[b], sem_in[b]),
            pltpu.make_async_copy(
                gate_hbm.at[pl.ds(base, _B), :], gv.at[b], sem_in[b]),
            pltpu.make_async_copy(
                fij_hbm.at[pl.ds(base, _B), :], fv.at[b], sem_in[b]),
        ]

    def out_copy(c, b):
        base = base0 + c * _B
        return pltpu.make_async_copy(
            fv.at[b], out_hbm.at[pl.ds(base, _B), :], sem_out[b])

    for b in range(_NBUF - 1):
        for cp in in_copies(b, b):
            cp.start()

    def group_body(g, carry):
        for b in range(_NBUF):
            c = g * _NBUF + b

            @pl.when(c < _N_CHUNKS)
            def _():
                for cp in in_copies(c, b):
                    cp.wait()

                def pair_body(j, carry2):
                    jw = pl.multiple_of(j * _LANES, _LANES)
                    jo = pl.multiple_of(j * 2 * _LANES, 2 * _LANES)
                    jo2 = pl.multiple_of(j * 2 * _LANES + _LANES, _LANES)
                    mask = jnp.int32(-65536)
                    for i in range(_B):
                        sl = pl.ds(jw, _LANES)
                        u1 = r1[b, i, sl]
                        u2 = r2[b, i, sl]
                        ug = gv[b, i, sl]
                        bc = jax.lax.bitcast_convert_type
                        lo = (bc(u1 << 16, jnp.float32)
                              * bc(u2 << 16, jnp.float32)
                              * bc(ug << 16, jnp.float32))
                        hi = (bc(u1 & mask, jnp.float32)
                              * bc(u2 & mask, jnp.float32)
                              * bc(ug & mask, jnp.float32))
                        plsc.addupdate(fv.at[b, i, pl.ds(jo, _LANES)], lo)
                        plsc.addupdate(fv.at[b, i, pl.ds(jo2, _LANES)], hi)
                    return carry2

                lax.fori_loop(0, _PAIRS, pair_body, 0)
                out_copy(c, b).start()

            c2 = c + _NBUF - 1
            b2 = (b + _NBUF - 1) % _NBUF

            @pl.when((c2 >= _NBUF) & (c2 < _N_CHUNKS))
            def _():
                out_copy(c2 - _NBUF, b2).wait()

            @pl.when(c2 < _N_CHUNKS)
            def _():
                for cp in in_copies(c2, b2):
                    cp.start()

        return carry

    lax.fori_loop(0, _N_GROUPS, group_body, 0)
    for b in range(_NBUF):
        last_c = _N_CHUNKS - 1 - ((_N_CHUNKS - 1 - b) % _NBUF)
        out_copy(last_c, b).wait()


def _edge_kernel(h1, h2, gate, fij, src, dst):
    mesh = plsc.VectorSubcoreMesh(core_axis_name="c", subcore_axis_name="s")
    f = functools.partial(
        pl.kernel,
        out_type=jax.ShapeDtypeStruct((N_EDGES, HID_DIM), jnp.float32),
        mesh=mesh,
        scratch_types=[
            pltpu.VMEM((_E_PER_W,), jnp.int32),
            pltpu.VMEM((_E_PER_W,), jnp.int32),
            pltpu.VMEM((_NBUF, _B, _HALF), jnp.int32),
            pltpu.VMEM((_NBUF, _B, _HALF), jnp.int32),
            pltpu.VMEM((_NBUF, _B, _HALF), jnp.int32),
            pltpu.VMEM((_NBUF, _B, HID_DIM), jnp.float32),
        ] + [pltpu.SemaphoreType.DMA] * (2 * _NBUF),
    )(_edge_body)
    return f(h1, h2, gate, fij, src, dst)


def kernel(node_feat, edge_attr, edge_index, fii, fij,
           W_self_a, W_self_b, W1, W2, We1, be1, We2, be2):
    src = edge_index[0].astype(jnp.int32)
    dst = edge_index[1].astype(jnp.int32)
    perm = jnp.asarray(_PERM, dtype=jnp.int32)
    w1p = jnp.take(W1, perm, axis=1)
    w2p = jnp.take(W2, perm, axis=1)
    we2p = jnp.take(We2, perm, axis=1)
    be2p = jnp.take(be2, perm, axis=0)
    h1, h2 = _h_kernel(node_feat, w1p, w2p)
    gate = _gate_kernel(
        edge_attr, We1, be1.reshape(1, EDGE_HID), we2p, be2p.reshape(1, HID_DIM)
    )
    fij_out = _edge_kernel(h1, h2, gate, fij, src, dst)
    fii_out = _fii_kernel(node_feat, fii, W_self_a, W_self_b)
    return (fii_out, fij_out)

# --- scband reference (transcript-rebuilt; emitter-appended) ---
"""Pipeline reference for scband-mat-trans-42399917146481 (READ-ONLY COPY).

The authoritative reference and input builder live on the scoring server;
editing this copy changes nothing except your own understanding.
"""

import jax, jax.numpy as jnp
import numpy as np

N_NODES = 10000
N_EDGES = 160000
NODE_DIM = 128
HIDDEN_DIM = 64
MAX_L = 2
EDGE_DIM = 16
IN_DIM = NODE_DIM * sum(2 * l + 1 for l in range(MAX_L + 1))  # 1152
HID_DIM = HIDDEN_DIM * (1 + sum(2 * (l // 2) + 1 for l in range(2, 2 * MAX_L + 1)))  # 768
EDGE_HID = 64


def setup_inputs(seed: int = 0) -> dict:
    key = jax.random.key(seed)
    ks = jax.random.split(key, 16)
    node_feat = jax.random.normal(ks[0], (N_NODES, IN_DIM), dtype=jnp.float32)
    edge_attr = jax.random.normal(ks[1], (N_EDGES, EDGE_DIM), dtype=jnp.float32)
    edge_index = jax.random.randint(ks[2], (2, N_EDGES), 0, N_NODES, dtype=jnp.int64)
    fii = jax.random.normal(ks[3], (N_NODES, HID_DIM), dtype=jnp.float32)
    fij = jax.random.normal(ks[4], (N_EDGES, HID_DIM), dtype=jnp.float32)
    # SelfLayer params: gated linear projection irreps_in -> irreps_hidden
    W_self_a = jax.random.normal(ks[5], (IN_DIM, HID_DIM), dtype=jnp.float32) / np.sqrt(IN_DIM)
    W_self_b = jax.random.normal(ks[6], (IN_DIM, HID_DIM), dtype=jnp.float32) / np.sqrt(IN_DIM)
    # PairLayer params: src/dst projections + edge-attr MLP gate
    W1 = jax.random.normal(ks[7], (IN_DIM, HID_DIM), dtype=jnp.float32) / np.sqrt(IN_DIM)
    W2 = jax.random.normal(ks[8], (IN_DIM, HID_DIM), dtype=jnp.float32) / np.sqrt(IN_DIM)
    We1 = jax.random.normal(ks[9], (EDGE_DIM, EDGE_HID), dtype=jnp.float32) / np.sqrt(EDGE_DIM)
    be1 = jnp.zeros((EDGE_HID,), dtype=jnp.float32)
    We2 = jax.random.normal(ks[10], (EDGE_HID, HID_DIM), dtype=jnp.float32) / np.sqrt(EDGE_HID)
    be2 = jnp.zeros((HID_DIM,), dtype=jnp.float32)
    return {
        "node_feat": node_feat,
        "edge_attr": edge_attr,
        "edge_index": edge_index,
        "fii": fii,
        "fij": fij,
        "W_self_a": W_self_a,
        "W_self_b": W_self_b,
        "W1": W1,
        "W2": W2,
        "We1": We1,
        "be1": be1,
        "We2": We2,
        "be2": be2,
    }


def reference(node_feat, edge_attr, edge_index, fii, fij, W_self_a, W_self_b, W1, W2, We1, be1, We2, be2):
    # SelfLayer: gated self-interaction projecting node features into hidden irreps,
    # accumulated onto the running diagonal feature fii.
    fii_out = fii + jax.nn.silu(node_feat @ W_self_a) * (node_feat @ W_self_b)

    # PairLayer: project node features, gather at edge endpoints, gate by an MLP of
    # edge attributes, accumulate onto the running off-diagonal feature fij.
    src = edge_index[0]
    dst = edge_index[1]
    h1 = node_feat @ W1  # [N, HID_DIM]
    h2 = node_feat @ W2  # [N, HID_DIM]
    h_src = jnp.take(h1, src, axis=0)  # [E, HID_DIM] gather
    h_dst = jnp.take(h2, dst, axis=0)  # [E, HID_DIM] gather
    gate = jax.nn.silu(edge_attr @ We1 + be1) @ We2 + be2  # [E, HID_DIM]
    msg = h_src * h_dst * gate
    fij_out = fij + msg
    return (fii_out, fij_out)

if __name__ == "__main__":
    import jax
    _d = setup_inputs()
    print(jax.jit(kernel)(*tuple(_d.values())))

</pallas_src>

<mosaic_0001>
#map = affine_map<(d0, d1) -> (0, 0)>
#map1 = affine_map<(d0, d1) -> (0)>
module attributes {stable_mosaic.version = 14 : i64} {
  func.func @_edge_body(%arg0: i32, %arg1: i32, %arg2: memref<10000x384xi32, #tpu.memory_space<hbm>>, %arg3: memref<10000x384xi32, #tpu.memory_space<hbm>>, %arg4: memref<160000x384xi32, #tpu.memory_space<hbm>>, %arg5: memref<160000x768xf32, #tpu.memory_space<hbm>>, %arg6: memref<160000xi32, #tpu.memory_space<hbm>>, %arg7: memref<160000xi32, #tpu.memory_space<hbm>>, %arg8: memref<160000x768xf32, #tpu.memory_space<hbm>>, %arg9: memref<5000xi32, #tpu.memory_space<vmem>>, %arg10: memref<5000xi32, #tpu.memory_space<vmem>>, %arg11: memref<4x8x384xi32, #tpu.memory_space<vmem>>, %arg12: memref<4x8x384xi32, #tpu.memory_space<vmem>>, %arg13: memref<4x8x384xi32, #tpu.memory_space<vmem>>, %arg14: memref<4x8x768xf32, #tpu.memory_space<vmem>>, %arg15: memref<!tpu.dma_semaphore, #tpu.memory_space<semaphore_mem>>, %arg16: memref<!tpu.dma_semaphore, #tpu.memory_space<semaphore_mem>>, %arg17: memref<!tpu.dma_semaphore, #tpu.memory_space<semaphore_mem>>, %arg18: memref<!tpu.dma_semaphore, #tpu.memory_space<semaphore_mem>>, %arg19: memref<!tpu.dma_semaphore, #tpu.memory_space<semaphore_mem>>, %arg20: memref<!tpu.dma_semaphore, #tpu.memory_space<semaphore_mem>>, %arg21: memref<!tpu.dma_semaphore, #tpu.memory_space<semaphore_mem>>, %arg22: memref<!tpu.dma_semaphore, #tpu.memory_space<semaphore_mem>>) attributes {dimension_semantics = [#tpu.dimension_semantics<core_parallel>, #tpu.dimension_semantics<subcore_parallel>], iteration_bounds = array<i64: 2, 16>, scalar_prefetch = 0 : i64, scratch_operands = 14 : i64, tpu.core_type = #tpu.core_type<sc_vector_subcore>, window_params = [{transform_indices = #map}, {transform_indices = #map}, {transform_indices = #map}, {transform_indices = #map}, {transform_indices = #map1}, {transform_indices = #map1}, {transform_indices = #map}]} {
    %mul3A = arith.constant 2 : i32
    %mul3A_0 = arith.muli %arg1, %mul3A : i32
    %add3A = arith.addi %mul3A_0, %arg0 : i32
    %mul3A_1 = arith.constant 5000 : i32
    %mul3A_2 = arith.muli %add3A, %mul3A_1 : i32
    "tpu.region"() ({
      %run_scoped3A = tpu.sem_alloc : memref<!tpu.dma_semaphore, #tpu.memory_space<semaphore_mem>>
      %dma_start3A_210 = tpu.memref_slice %arg6[%mul3A_2] : memref<160000xi32, #tpu.memory_space<hbm>> -> memref<5000xi32, #tpu.memory_space<hbm>>
      %dma_start3A_211 = tpu.memref_slice %arg6[%mul3A_2] : memref<160000xi32, #tpu.memory_space<hbm>> -> memref<5000xi32, #tpu.memory_space<hbm>>
      tpu.enqueue_dma source(%dma_start3A_211 : memref<5000xi32, #tpu.memory_space<hbm>>) target(%arg9 : memref<5000xi32, #tpu.memory_space<vmem>>) target_semaphore(%run_scoped3A : memref<!tpu.dma_semaphore, #tpu.memory_space<semaphore_mem>>)
      %dma_wait3A_212 = tpu.memref_slice %arg6[%mul3A_2] : memref<160000xi32, #tpu.memory_space<hbm>> -> memref<5000xi32, #tpu.memory_space<hbm>>
      %dma_wait3A_213 = tpu.memref_slice %arg6[%mul3A_2] : memref<160000xi32, #tpu.memory_space<hbm>> -> memref<5000xi32, #tpu.memory_space<hbm>>
      tpu.wait_dma2 semaphore(%run_scoped3A : memref<!tpu.dma_semaphore, #tpu.memory_space<semaphore_mem>>) src(%dma_wait3A_213 : memref<5000xi32, #tpu.memory_space<hbm>>) dst(%arg9 : memref<5000xi32, #tpu.memory_space<vmem>>)
      tpu.yield
    }) : () -> ()
    "tpu.region"() ({
      %run_scoped3A = tpu.sem_alloc : memref<!tpu.dma_semaphore, #tpu.memory_space<semaphore_mem>>
      %dma_start3A_210 = tpu.memref_slice %arg7[%mul3A_2] : memref<160000xi32, #tpu.memory_space<hbm>> -> memref<5000xi32, #tpu.memory_space<hbm>>
      %dma_start3A_211 = tpu.memref_slice %arg7[%mul3A_2] : memref<160000xi32, #tpu.memory_space<hbm>> -> memref<5000xi32, #tpu.memory_space<hbm>>
      tpu.enqueue_dma source(%dma_start3A_211 : memref<5000xi32, #tpu.memory_space<hbm>>) target(%arg10 : memref<5000xi32, #tpu.memory_space<vmem>>) target_semaphore(%run_scoped3A : memref<!tpu.dma_semaphore, #tpu.memory_space<semaphore_mem>>)
      %dma_wait3A_212 = tpu.memref_slice %arg7[%mul3A_2] : memref<160000xi32, #tpu.memory_space<hbm>> -> memref<5000xi32, #tpu.memory_space<hbm>>
      %dma_wait3A_213 = tpu.memref_slice %arg7[%mul3A_2] : memref<160000xi32, #tpu.memory_space<hbm>> -> memref<5000xi32, #tpu.memory_space<hbm>>
      tpu.wait_dma2 semaphore(%run_scoped3A : memref<!tpu.dma_semaphore, #tpu.memory_space<semaphore_mem>>) src(%dma_wait3A_213 : memref<5000xi32, #tpu.memory_space<hbm>>) dst(%arg10 : memref<5000xi32, #tpu.memory_space<vmem>>)
      tpu.yield
    }) : () -> ()
    %add3A_3 = arith.constant 0 : i32
    %add3A_4 = arith.addi %mul3A_2, %add3A_3 : i32
    %dma_start3A = arith.constant 0 : i32
    %dma_start3A_5 = arith.constant 0 : i32
    %dma_start3A_6 = arith.constant 0 : i32
    %dma_start3A_7 = tpu.memref_slice %arg11[%dma_start3A, %dma_start3A_5, %dma_start3A_6] : memref<4x8x384xi32, #tpu.memory_space<vmem>> -> memref<1x8x384xi32, #tpu.memory_space<vmem>>
    %dma_start3A_8 = tpu.memref_squeeze %dma_start3A_7 : memref<1x8x384xi32, #tpu.memory_space<vmem>> -> memref<8x384xi32, #tpu.memory_space<vmem>>
    %dma_start3A_9 = arith.constant 0 : i32
    %dma_start3A_10 = tpu.memref_slice %arg9[%dma_start3A_9] : memref<5000xi32, #tpu.memory_space<vmem>> -> memref<8xi32, #tpu.memory_space<vmem>>
    %dma_start3A_11 = arith.constant 0 : i32
    %dma_start3A_12 = arith.constant 0 : i32
    %dma_start3A_13 = tpu.memref_slice %arg2[%dma_start3A_11, %dma_start3A_12] : memref<10000x384xi32, #tpu.memory_space<hbm>> -> memref<10000x384xi32, #tpu.memory_space<hbm>>
    tpu.enqueue_indirect_dma source(%dma_start3A_13 : memref<10000x384xi32, #tpu.memory_space<hbm>>) target(%dma_start3A_8 : memref<8x384xi32, #tpu.memory_space<vmem>>) offsets(%dma_start3A_10 : memref<8xi32, #tpu.memory_space<vmem>>) semaphore(%arg15 : memref<!tpu.dma_semaphore, #tpu.memory_space<semaphore_mem>>)
    %dma_start3A_14 = arith.constant 0 : i32
    %dma_start3A_15 = arith.constant 0 : i32
    %dma_start3A_16 = arith.constant 0 : i32
    %dma_start3A_17 = tpu.memref_slice %arg12[%dma_start3A_14, %dma_start3A_15, %dma_start3A_16] : memref<4x8x384xi32, #tpu.memory_space<vmem>> -> memref<1x8x384xi32, #tpu.memory_space<vmem>>
    %dma_start3A_18 = tpu.memref_squeeze %dma_start3A_17 : memref<1x8x384xi32, #tpu.memory_space<vmem>> -> memref<8x384xi32, #tpu.memory_space<vmem>>
    %dma_start3A_19 = arith.constant 0 : i32
    %dma_start3A_20 = tpu.memref_slice %arg10[%dma_start3A_19] : memref<5000xi32, #tpu.memory_space<vmem>> -> memref<8xi32, #tpu.memory_space<vmem>>
    %dma_start3A_21 = arith.constant 0 : i32
    %dma_start3A_22 = arith.constant 0 : i32
    %dma_start3A_23 = tpu.memref_slice %arg3[%dma_start3A_21, %dma_start3A_22] : memref<10000x384xi32, #tpu.memory_space<hbm>> -> memref<10000x384xi32, #tpu.memory_space<hbm>>
    tpu.enqueue_indirect_dma source(%dma_start3A_23 : memref<10000x384xi32, #tpu.memory_space<hbm>>) target(%dma_start3A_18 : memref<8x384xi32, #tpu.memory_space<vmem>>) offsets(%dma_start3A_20 : memref<8xi32, #tpu.memory_space<vmem>>) semaphore(%arg15 : memref<!tpu.dma_semaphore, #tpu.memory_space<semaphore_mem>>)
    %dma_start3A_24 = arith.constant 0 : i32
    %dma_start3A_25 = arith.constant 0 : i32
    %dma_start3A_26 = arith.constant 0 : i32
    %dma_start3A_27 = tpu.memref_slice %arg13[%dma_start3A_24, %dma_start3A_25, %dma_start3A_26] : memref<4x8x384xi32, #tpu.memory_space<vmem>> -> memref<1x8x384xi32, #tpu.memory_space<vmem>>
    %dma_start3A_28 = tpu.memref_squeeze %dma_start3A_27 : memref<1x8x384xi32, #tpu.memory_space<vmem>> -> memref<8x384xi32, #tpu.memory_space<vmem>>
    %dma_start3A_29 = arith.constant 0 : i32
    %dma_start3A_30 = tpu.memref_slice %arg4[%add3A_4, %dma_start3A_29] : memref<160000x384xi32, #tpu.memory_space<hbm>> -> memref<8x384xi32, #tpu.memory_space<hbm>>
    %dma_start3A_31 = arith.constant 0 : i32
    %dma_start3A_32 = arith.constant 0 : i32
    %dma_start3A_33 = tpu.memref_slice %arg13[%dma_start3A_24, %dma_start3A_31, %dma_start3A_32] : memref<4x8x384xi32, #tpu.memory_space<vmem>> -> memref<1x8x384xi32, #tpu.memory_space<vmem>>
    %dma_start3A_34 = tpu.memref_squeeze %dma_start3A_33 : memref<1x8x384xi32, #tpu.memory_space<vmem>> -> memref<8x384xi32, #tpu.memory_space<vmem>>
    %dma_start3A_35 = arith.constant 0 : i32
    %dma_start3A_36 = tpu.memref_slice %arg4[%add3A_4, %dma_start3A_35] : memref<160000x384xi32, #tpu.memory_space<hbm>> -> memref<8x384xi32, #tpu.memory_space<hbm>>
    tpu.enqueue_dma source(%dma_start3A_36 : memref<8x384xi32, #tpu.memory_space<hbm>>) target(%dma_start3A_34 : memref<8x384xi32, #tpu.memory_space<vmem>>) target_semaphore(%arg15 : memref<!tpu.dma_semaphore, #tpu.memory_space<semaphore_mem>>)
    %dma_start3A_37 = arith.constant 0 : i32
    %dma_start3A_38 = arith.constant 0 : i32
    %dma_start3A_39 = arith.constant 0 : i32
    %dma_start3A_40 = tpu.memref_slice %arg14[%dma_start3A_37, %dma_start3A_38, %dma_start3A_39] : memref<4x8x768xf32, #tpu.memory_space<vmem>> -> memref<1x8x768xf32, #tpu.memory_space<vmem>>
    %dma_start3A_41 = tpu.memref_squeeze %dma_start3A_40 : memref<1x8x768xf32, #tpu.memory_space<vmem>> -> memref<8x768xf32, #tpu.memory_space<vmem>>
    %dma_start3A_42 = arith.constant 0 : i32
    %dma_start3A_43 = tpu.memref_slice %arg5[%add3A_4, %dma_start3A_42] : memref<160000x768xf32, #tpu.memory_space<hbm>> -> memref<8x768xf32, #tpu.memory_space<hbm>>
    %dma_start3A_44 = arith.constant 0 : i32
    %dma_start3A_45 = arith.constant 0 : i32
    %dma_start3A_46 = tpu.memref_slice %arg14[%dma_start3A_37, %dma_start3A_44, %dma_start3A_45] : memref<4x8x768xf32, #tpu.memory_space<vmem>> -> memref<1x8x768xf32, #tpu.memory_space<vmem>>
    %dma_start3A_47 = tpu.memref_squeeze %dma_start3A_46 : memref<1x8x768xf32, #tpu.memory_space<vmem>> -> memref<8x768xf32, #tpu.memory_space<vmem>>
    %dma_start3A_48 = arith.constant 0 : i32
    %dma_start3A_49 = tpu.memref_slice %arg5[%add3A_4, %dma_start3A_48] : memref<160000x768xf32, #tpu.memory_space<hbm>> -> memref<8x768xf32, #tpu.memory_space<hbm>>
    tpu.enqueue_dma source(%dma_start3A_49 : memref<8x768xf32, #tpu.memory_space<hbm>>) target(%dma_start3A_47 : memref<8x768xf32, #tpu.memory_space<vmem>>) target_semaphore(%arg15 : memref<!tpu.dma_semaphore, #tpu.memory_space<semaphore_mem>>)
    %add3A_50 = arith.constant 8 : i32
    %add3A_51 = arith.addi %mul3A_2, %add3A_50 : i32
    %dma_start3A_52 = arith.constant 1 : i32
    %dma_start3A_53 = arith.constant 0 : i32
    %dma_start3A_54 = arith.constant 0 : i32
    %dma_start3A_55 = tpu.memref_slice %arg11[%dma_start3A_52, %dma_start3A_53, %dma_start3A_54] : memref<4x8x384xi32, #tpu.memory_space<vmem>> -> memref<1x8x384xi32, #tpu.memory_space<vmem>>
    %dma_start3A_56 = tpu.memref_squeeze %dma_start3A_55 : memref<1x8x384xi32, #tpu.memory_space<vmem>> -> memref<8x384xi32, #tpu.memory_space<vmem>>
    %dma_start3A_57 = arith.constant 8 : i32
    %dma_start3A_58 = tpu.memref_slice %arg9[%dma_start3A_57] : memref<5000xi32, #tpu.memory_space<vmem>> -> memref<8xi32, #tpu.memory_space<vmem>>
    %dma_start3A_59 = arith.constant 0 : i32
    %dma_start3A_60 = arith.constant 0 : i32
    %dma_start3A_61 = tpu.memref_slice %arg2[%dma_start3A_59, %dma_start3A_60] : memref<10000x384xi32, #tpu.memory_space<hbm>> -> memref<10000x384xi32, #tpu.memory_space<hbm>>
    tpu.enqueue_indirect_dma source(%dma_start3A_61 : memref<10000x384xi32, #tpu.memory_space<hbm>>) target(%dma_start3A_56 : memref<8x384xi32, #tpu.memory_space<vmem>>) offsets(%dma_start3A_58 : memref<8xi32, #tpu.memory_space<vmem>>) semaphore(%arg16 : memref<!tpu.dma_semaphore, #tpu.memory_space<semaphore_mem>>)
    %dma_start3A_62 = arith.constant 1 : i32
    %dma_start3A_63 = arith.constant 0 : i32
    %dma_start3A_64 = arith.constant 0 : i32
    %dma_start3A_65 = tpu.memref_slice %arg12[%dma_start3A_62, %dma_start3A_63, %dma_start3A_64] : memref<4x8x384xi32, #tpu.memory_space<vmem>> -> memref<1x8x384xi32, #tpu.memory_space<vmem>>
    %dma_start3A_66 = tpu.memref_squeeze %dma_start3A_65 : memref<1x8x384xi32, #tpu.memory_space<vmem>> -> memref<8x384xi32, #tpu.memory_space<vmem>>
    %dma_start3A_67 = arith.constant 8 : i32
    %dma_start3A_68 = tpu.memref_slice %arg10[%dma_start3A_67] : memref<5000xi32, #tpu.memory_space<vmem>> -> memref<8xi32, #tpu.memory_space<vmem>>
    %dma_start3A_69 = arith.constant 0 : i32
    %dma_start3A_70 = arith.constant 0 : i32
    %dma_start3A_71 = tpu.memref_slice %arg3[%dma_start3A_69, %dma_start3A_70] : memref<10000x384xi32, #tpu.memory_space<hbm>> -> memref<10000x384xi32, #tpu.memory_space<hbm>>
    tpu.enqueue_indirect_dma source(%dma_start3A_71 : memref<10000x384xi32, #tpu.memory_space<hbm>>) target(%dma_start3A_66 : memref<8x384xi32, #tpu.memory_space<vmem>>) offsets(%dma_start3A_68 : memref<8xi32, #tpu.memory_space<vmem>>) semaphore(%arg16 : memref<!tpu.dma_semaphore, #tpu.memory_space<semaphore_mem>>)
    %dma_start3A_72 = arith.constant 1 : i32
    %dma_start3A_73 = arith.constant 0 : i32
    %dma_start3A_74 = arith.constant 0 : i32
    %dma_start3A_75 = tpu.memref_slice %arg13[%dma_start3A_72, %dma_start3A_73, %dma_start3A_74] : memref<4x8x384xi32, #tpu.memory_space<vmem>> -> memref<1x8x384xi32, #tpu.memory_space<vmem>>
    %dma_start3A_76 = tpu.memref_squeeze %dma_start3A_75 : memref<1x8x384xi32, #tpu.memory_space<vmem>> -> memref<8x384xi32, #tpu.memory_space<vmem>>
    %dma_start3A_77 = arith.constant 0 : i32
    %dma_start3A_78 = tpu.memref_slice %arg4[%add3A_51, %dma_start3A_77] : memref<160000x384xi32, #tpu.memory_space<hbm>> -> memref<8x384xi32, #tpu.memory_space<hbm>>
    %dma_start3A_79 = arith.constant 0 : i32
    %dma_start3A_80 = arith.constant 0 : i32
    %dma_start3A_81 = tpu.memref_slice %arg13[%dma_start3A_72, %dma_start3A_79, %dma_start3A_80] : memref<4x8x384xi32, #tpu.memory_space<vmem>> -> memref<1x8x384xi32, #tpu.memory_space<vmem>>
    %dma_start3A_82 = tpu.memref_squeeze %dma_start3A_81 : memref<1x8x384xi32, #tpu.memory_space<vmem>> -> memref<8x384xi32, #tpu.memory_space<vmem>>
    %dma_start3A_83 = arith.constant 0 : i32
    %dma_start3A_84 = tpu.memref_slice %arg4[%add3A_51, %dma_start3A_83] : memref<160000x384xi32, #tpu.memory_space<hbm>> -> memref<8x384xi32, #tpu.memory_space<hbm>>
    tpu.enqueue_dma source(%dma_start3A_84 : memref<8x384xi32, #tpu.memory_space<hbm>>) target(%dma_start3A_82 : memref<8x384xi32, #tpu.memory_space<vmem>>) target_semaphore(%arg16 : memref<!tpu.dma_semaphore, #tpu.memory_space<semaphore_mem>>)
    %dma_start3A_85 = arith.constant 1 : i32
    %dma_start3A_86 = arith.constant 0 : i32
    %dma_start3A_87 = arith.constant 0 : i32
    %dma_start3A_88 = tpu.memref_slice %arg14[%dma_start3A_85, %dma_start3A_86, %dma_start3A_87] : memref<4x8x768xf32, #tpu.memory_space<vmem>> -> memref<1x8x768xf32, #tpu.memory_space<vmem>>
    %dma_start3A_89 = tpu.memref_squeeze %dma_start3A_88 : memref<1x8x768xf32, #tpu.memory_space<vmem>> -> memref<8x768xf32, #tpu.memory_space<vmem>>
    %dma_start3A_90 = arith.constant 0 : i32
    %dma_start3A_91 = tpu.memref_slice %arg5[%add3A_51, %dma_start3A_90] : memref<160000x768xf32, #tpu.memory_space<hbm>> -> memref<8x768xf32, #tpu.memory_space<hbm>>
    %dma_start3A_92 = arith.constant 0 : i32
    %dma_start3A_93 = arith.constant 0 : i32
    %dma_start3A_94 = tpu.memref_slice %arg14[%dma_start3A_85, %dma_start3A_92, %dma_start3A_93] : memref<4x8x768xf32, #tpu.memory_space<vmem>> -> memref<1x8x768xf32, #tpu.memory_space<vmem>>
    %dma_start3A_95 = tpu.memref_squeeze %dma_start3A_94 : memref<1x8x768xf32, #tpu.memory_space<vmem>> -> memref<8x768xf32, #tpu.memory_space<vmem>>
    %dma_start3A_96 = arith.constant 0 : i32
    %dma_start3A_97 = tpu.memref_slice %arg5[%add3A_51, %dma_start3A_96] : memref<160000x768xf32, #tpu.memory_space<hbm>> -> memref<8x768xf32, #tpu.memory_space<hbm>>
    tpu.enqueue_dma source(%dma_start3A_97 : memref<8x768xf32, #tpu.memory_space<hbm>>) target(%dma_start3A_95 : memref<8x768xf32, #tpu.memory_space<vmem>>) target_semaphore(%arg16 : memref<!tpu.dma_semaphore, #tpu.memory_space<semaphore_mem>>)
    %add3A_98 = arith.constant 16 : i32
    %add3A_99 = arith.addi %mul3A_2, %add3A_98 : i32
    %dma_start3A_100 = arith.constant 2 : i32
    %dma_start3A_101 = arith.constant 0 : i32
    %dma_start3A_102 = arith.constant 0 : i32
    %dma_start3A_103 = tpu.memref_slice %arg11[%dma_start3A_100, %dma_start3A_101, %dma_start3A_102] : memref<4x8x384xi32, #tpu.memory_space<vmem>> -> memref<1x8x384xi32, #tpu.memory_space<vmem>>
    %dma_start3A_104 = tpu.memref_squeeze %dma_start3A_103 : memref<1x8x384xi32, #tpu.memory_space<vmem>> -> memref<8x384xi32, #tpu.memory_space<vmem>>
    %dma_start3A_105 = arith.constant 16 : i32
    %dma_start3A_106 = tpu.memref_slice %arg9[%dma_start3A_105] : memref<5000xi32, #tpu.memory_space<vmem>> -> memref<8xi32, #tpu.memory_space<vmem>>
    %dma_start3A_107 = arith.constant 0 : i32
    %dma_start3A_108 = arith.constant 0 : i32
    %dma_start3A_109 = tpu.memref_slice %arg2[%dma_start3A_107, %dma_start3A_108] : memref<10000x384xi32, #tpu.memory_space<hbm>> -> memref<10000x384xi32, #tpu.memory_space<hbm>>
    tpu.enqueue_indirect_dma source(%dma_start3A_109 : memref<10000x384xi32, #tpu.memory_space<hbm>>) target(%dma_start3A_104 : memref<8x384xi32, #tpu.memory_space<vmem>>) offsets(%dma_start3A_106 : memref<8xi32, #tpu.memory_space<vmem>>) semaphore(%arg17 : memref<!tpu.dma_semaphore, #tpu.memory_space<semaphore_mem>>)
    %dma_start3A_110 = arith.constant 2 : i32
    %dma_start3A_111 = arith.constant 0 : i32
    %dma_start3A_112 = arith.constant 0 : i32
    %dma_start3A_113 = tpu.memref_slice %arg12[%dma_start3A_110, %dma_start3A_111, %dma_start3A_112] : memref<4x8x384xi32, #tpu.memory_space<vmem>> -> memref<1x8x384xi32, #tpu.memory_space<vmem>>
    %dma_start3A_114 = tpu.memref_squeeze %dma_start3A_113 : memref<1x8x384xi32, #tpu.memory_space<vmem>> -> memref<8x384xi32, #tpu.memory_space<vmem>>
    %dma_start3A_115 = arith.constant 16 : i32
    %dma_start3A_116 = tpu.memref_slice %arg10[%dma_start3A_115] : memref<5000xi32, #tpu.memory_space<vmem>> -> memref<8xi32, #tpu.memory_space<vmem>>
    %dma_start3A_117 = arith.constant 0 : i32
    %dma_start3A_118 = arith.constant 0 : i32
    %dma_start3A_119 = tpu.memref_slice %arg3[%dma_start3A_117, %dma_start3A_118] : memref<10000x384xi32, #tpu.memory_space<hbm>> -> memref<10000x384xi32, #tpu.memory_space<hbm>>
    tpu.enqueue_indirect_dma source(%dma_start3A_119 : memref<10000x384xi32, #tpu.memory_space<hbm>>) target(%dma_start3A_114 : memref<8x384xi32, #tpu.memory_space<vmem>>) offsets(%dma_start3A_116 : memref<8xi32, #tpu.memory_space<vmem>>) semaphore(%arg17 : memref<!tpu.dma_semaphore, #tpu.memory_space<semaphore_mem>>)
    %dma_start3A_120 = arith.constant 2 : i32
    %dma_start3A_121 = arith.constant 0 : i32
    %dma_start3A_122 = arith.constant 0 : i32
    %dma_start3A_123 = tpu.memref_slice %arg13[%dma_start3A_120, %dma_start3A_121, %dma_start3A_122] : memref<4x8x384xi32, #tpu.memory_space<vmem>> -> memref<1x8x384xi32, #tpu.memory_space<vmem>>
    %dma_start3A_124 = tpu.memref_squeeze %dma_start3A_123 : memref<1x8x384xi32, #tpu.memory_space<vmem>> -> memref<8x384xi32, #tpu.memory_space<vmem>>
    %dma_start3A_125 = arith.constant 0 : i32
    %dma_start3A_126 = tpu.memref_slice %arg4[%add3A_99, %dma_start3A_125] : memref<160000x384xi32, #tpu.memory_space<hbm>> -> memref<8x384xi32, #tpu.memory_space<hbm>>
    %dma_start3A_127 = arith.constant 0 : i32
    %dma_start3A_128 = arith.constant 0 : i32
    %dma_start3A_129 = tpu.memref_slice %arg13[%dma_start3A_120, %dma_start3A_127, %dma_start3A_128] : memref<4x8x384xi32, #tpu.memory_space<vmem>> -> memref<1x8x384xi32, #tpu.memory_space<vmem>>
    %dma_start3A_130 = tpu.memref_squeeze %dma_start3A_129 : memref<1x8x384xi32, #tpu.memory_space<vmem>> -> memref<8x384xi32, #tpu.memory_space<vmem>>
    %dma_start3A_131 = arith.constant 0 : i32
    %dma_start3A_132 = tpu.memref_slice %arg4[%add3A_99, %dma_start3A_131] : memref<160000x384xi32, #tpu.memory_space<hbm>> -> memref<8x384xi32, #tpu.memory_space<hbm>>
    tpu.enqueue_dma source(%dma_start3A_132 : memref<8x384xi32, #tpu.memory_space<hbm>>) target(%dma_start3A_130 : memref<8x384xi32, #tpu.memory_space<vmem>>) target_semaphore(%arg17 : memref<!tpu.dma_semaphore, #tpu.memory_space<semaphore_mem>>)
    %dma_start3A_133 = arith.constant 2 : i32
    %dma_start3A_134 = arith.constant 0 : i32
    %dma_start3A_135 = arith.constant 0 : i32
    %dma_start3A_136 = tpu.memref_slice %arg14[%dma_start3A_133, %dma_start3A_134, %dma_start3A_135] : memref<4x8x768xf32, #tpu.memory_space<vmem>> -> memref<1x8x768xf32, #tpu.memory_space<vmem>>
    %dma_start3A_137 = tpu.memref_squeeze %dma_start3A_136 : memref<1x8x768xf32, #tpu.memory_space<vmem>> -> memref<8x768xf32, #tpu.memory_space<vmem>>
    %dma_start3A_138 = arith.constant 0 : i32
    %dma_start3A_139 = tpu.memref_slice %arg5[%add3A_99, %dma_start3A_138] : memref<160000x768xf32, #tpu.memory_space<hbm>> -> memref<8x768xf32, #tpu.memory_space<hbm>>
    %dma_start3A_140 = arith.constant 0 : i32
    %dma_start3A_141 = arith.constant 0 : i32
    %dma_start3A_142 = tpu.memref_slice %arg14[%dma_start3A_133, %dma_start3A_140, %dma_start3A_141] : memref<4x8x768xf32, #tpu.memory_space<vmem>> -> memref<1x8x768xf32, #tpu.memory_space<vmem>>
    %dma_start3A_143 = tpu.memref_squeeze %dma_start3A_142 : memref<1x8x768xf32, #tpu.memory_space<vmem>> -> memref<8x768xf32, #tpu.memory_space<vmem>>
    %dma_start3A_144 = arith.constant 0 : i32
    %dma_start3A_145 = tpu.memref_slice %arg5[%add3A_99, %dma_start3A_144] : memref<160000x768xf32, #tpu.memory_space<hbm>> -> memref<8x768xf32, #tpu.memory_space<hbm>>
    tpu.enqueue_dma source(%dma_start3A_145 : memref<8x768xf32, #tpu.memory_space<hbm>>) target(%dma_start3A_143 : memref<8x768xf32, #tpu.memory_space<vmem>>) target_semaphore(%arg17 : memref<!tpu.dma_semaphore, #tpu.memory_space<semaphore_mem>>)
    %scan3A = arith.constant 0 : i32
    %scan3A_146 = arith.constant 0 : i32
    %scan3A_147 = arith.constant 157 : i32
    %scan3A_148 = arith.addi %scan3A_146, %scan3A_147 : i32
    %scan3A_149 = arith.constant 1 : i32
    scf.for %scan3A_210 = %scan3A_146 to %scan3A_148 step %scan3A_149  : i32 {
      %mul3A_211 = arith.constant 4 : i32
      %mul3A_212 = arith.muli %scan3A_210, %mul3A_211 : i32
      %add3A_213 = arith.constant 0 : i32
      %add3A_214 = arith.addi %mul3A_212, %add3A_213 : i32
      %lt3A = arith.constant 625 : i32
      %lt3A_215 = arith.cmpi slt, %add3A_214, %lt3A : i32
      %convert_element_type3A = arith.extui %lt3A_215 : i1 to i32
      %cond3A = arith.constant 0 : i32
      %cond3A_216 = arith.cmpi ne, %convert_element_type3A, %cond3A : i32
      scf.if %cond3A_216 {
        %mul3A_309 = arith.constant 8 : i32
        %mul3A_310 = arith.muli %add3A_214, %mul3A_309 : i32
        %add3A_311 = arith.addi %mul3A_2, %mul3A_310 : i32
        %mul3A_312 = arith.constant 8 : i32
        %mul3A_313 = arith.muli %add3A_214, %mul3A_312 : i32
        %mul3A_314 = arith.constant 8 : i32
        %mul3A_315 = arith.muli %add3A_214, %mul3A_314 : i32
        %dma_wait3A_316 = arith.constant 0 : i32
        %dma_wait3A_317 = arith.constant 0 : i32
        %dma_wait3A_318 = arith.constant 0 : i32
        %dma_wait3A_319 = tpu.memref_slice %arg11[%dma_wait3A_316, %dma_wait3A_317, %dma_wait3A_318] : memref<4x8x384xi32, #tpu.memory_space<vmem>> -> memref<1x8x384xi32, #tpu.memory_space<vmem>>
        %dma_wait3A_320 = tpu.memref_squeeze %dma_wait3A_319 : memref<1x8x384xi32, #tpu.memory_space<vmem>> -> memref<8x384xi32, #tpu.memory_space<vmem>>
        %dma_wait3A_321 = tpu.memref_slice %arg9[%mul3A_313] : memref<5000xi32, #tpu.memory_space<vmem>> -> memref<8xi32, #tpu.memory_space<vmem>>
        %dma_wait3A_322 = arith.constant 0 : i32
        %dma_wait3A_323 = arith.constant 0 : i32
        %dma_wait3A_324 = tpu.memref_slice %arg2[%dma_wait3A_322, %dma_wait3A_323] : memref<10000x384xi32, #tpu.memory_space<hbm>> -> memref<10000x384xi32, #tpu.memory_space<hbm>>
        tpu.wait_indirect_dma semaphore(%arg15 : memref<!tpu.dma_semaphore, #tpu.memory_space<semaphore_mem>>) src(%dma_wait3A_324 : memref<10000x384xi32, #tpu.memory_space<hbm>>) dst(%dma_wait3A_320 : memref<8x384xi32, #tpu.memory_space<vmem>>)
        %dma_wait3A_325 = arith.constant 0 : i32
        %dma_wait3A_326 = arith.constant 0 : i32
        %dma_wait3A_327 = arith.constant 0 : i32
        %dma_wait3A_328 = tpu.memref_slice %arg12[%dma_wait3A_325, %dma_wait3A_326, %dma_wait3A_327] : memref<4x8x384xi32, #tpu.memory_space<vmem>> -> memref<1x8x384xi32, #tpu.memory_space<vmem>>
        %dma_wait3A_329 = tpu.memref_squeeze %dma_wait3A_328 : memref<1x8x384xi32, #tpu.memory_space<vmem>> -> memref<8x384xi32, #tpu.memory_space<vmem>>
        %dma_wait3A_330 = tpu.memref_slice %arg10[%mul3A_315] : memref<5000xi32, #tpu.memory_space<vmem>> -> memref<8xi32, #tpu.memory_space<vmem>>
        %dma_wait3A_331 = arith.constant 0 : i32
        %dma_wait3A_332 = arith.constant 0 : i32
        %dma_wait3A_333 = tpu.memref_slice %arg3[%dma_wait3A_331, %dma_wait3A_332] : memref<10000x384xi32, #tpu.memory_space<hbm>> -> memref<10000x384xi32, #tpu.memory_space<hbm>>
        tpu.wait_indirect_dma semaphore(%arg15 : memref<!tpu.dma_semaphore, #tpu.memory_space<semaphore_mem>>) src(%dma_wait3A_333 : memref<10000x384xi32, #tpu.memory_space<hbm>>) dst(%dma_wait3A_329 : memref<8x384xi32, #tpu.memory_space<vmem>>)
        %dma_wait3A_334 = arith.constant 0 : i32
        %dma_wait3A_335 = arith.constant 0 : i32
        %dma_wait3A_336 = arith.constant 0 : i32
        %dma_wait3A_337 = tpu.memref_slice %arg13[%dma_wait3A_334, %dma_wait3A_335, %dma_wait3A_336] : memref<4x8x384xi32, #tpu.memory_space<vmem>> -> memref<1x8x384xi32, #tpu.memory_space<vmem>>
        %dma_wait3A_338 = tpu.memref_squeeze %dma_wait3A_337 : memref<1x8x384xi32, #tpu.memory_space<vmem>> -> memref<8x384xi32, #tpu.memory_space<vmem>>
        %dma_wait3A_339 = arith.constant 0 : i32
        %dma_wait3A_340 = tpu.memref_slice %arg4[%add3A_311, %dma_wait3A_339] : memref<160000x384xi32, #tpu.memory_space<hbm>> -> memref<8x384xi32, #tpu.memory_space<hbm>>
        %dma_wait3A_341 = arith.constant 0 : i32
        %dma_wait3A_342 = arith.constant 0 : i32
        %dma_wait3A_343 = tpu.memref_slice %arg13[%dma_wait3A_334, %dma_wait3A_341, %dma_wait3A_342] : memref<4x8x384xi32, #tpu.memory_space<vmem>> -> memref<1x8x384xi32, #tpu.memory_space<vmem>>
        %dma_wait3A_344 = tpu.memref_squeeze %dma_wait3A_343 : memref<1x8x384xi32, #tpu.memory_space<vmem>> -> memref<8x384xi32, #tpu.memory_space<vmem>>
        %dma_wait3A_345 = arith.constant 0 : i32
        %dma_wait3A_346 = tpu.memref_slice %arg4[%add3A_311, %dma_wait3A_345] : memref<160000x384xi32, #tpu.memory_space<hbm>> -> memref<8x384xi32, #tpu.memory_space<hbm>>
        tpu.wait_dma2 semaphore(%arg15 : memref<!tpu.dma_semaphore, #tpu.memory_space<semaphore_mem>>) src(%dma_wait3A_346 : memref<8x384xi32, #tpu.memory_space<hbm>>) dst(%dma_wait3A_344 : memref<8x384xi32, #tpu.memory_space<vmem>>)
        %dma_wait3A_347 = arith.constant 0 : i32
        %dma_wait3A_348 = arith.constant 0 : i32
        %dma_wait3A_349 = arith.constant 0 : i32
        %dma_wait3A_350 = tpu.memref_slice %arg14[%dma_wait3A_347, %dma_wait3A_348, %dma_wait3A_349] : memref<4x8x768xf32, #tpu.memory_space<vmem>> -> memref<1x8x768xf32, #tpu.memory_space<vmem>>
        %dma_wait3A_351 = tpu.memref_squeeze %dma_wait3A_350 : memref<1x8x768xf32, #tpu.memory_space<vmem>> -> memref<8x768xf32, #tpu.memory_space<vmem>>
        %dma_wait3A_352 = arith.constant 0 : i32
        %dma_wait3A_353 = tpu.memref_slice %arg5[%add3A_311, %dma_wait3A_352] : memref<160000x768xf32, #tpu.memory_space<hbm>> -> memref<8x768xf32, #tpu.memory_space<hbm>>
        %dma_wait3A_354 = arith.constant 0 : i32
        %dma_wait3A_355 = arith.constant 0 : i32
        %dma_wait3A_356 = tpu.memref_slice %arg14[%dma_wait3A_347, %dma_wait3A_354, %dma_wait3A_355] : memref<4x8x768xf32, #tpu.memory_space<vmem>> -> memref<1x8x768xf32, #tpu.memory_space<vmem>>
        %dma_wait3A_357 = tpu.memref_squeeze %dma_wait3A_356 : memref<1x8x768xf32, #tpu.memory_space<vmem>> -> memref<8x768xf32, #tpu.memory_space<vmem>>
        %dma_wait3A_358 = arith.constant 0 : i32
        %dma_wait3A_359 = tpu.memref_slice %arg5[%add3A_311, %dma_wait3A_358] : memref<160000x768xf32, #tpu.memory_space<hbm>> -> memref<8x768xf32, #tpu.memory_space<hbm>>
        tpu.wait_dma2 semaphore(%arg15 : memref<!tpu.dma_semaphore, #tpu.memory_space<semaphore_mem>>) src(%dma_wait3A_359 : memref<8x768xf32, #tpu.memory_space<hbm>>) dst(%dma_wait3A_357 : memref<8x768xf32, #tpu.memory_space<vmem>>)
        %scan3A_360 = arith.constant 0 : i32
        %scan3A_361 = arith.constant 0 : i32
        %scan3A_362 = arith.constant 24 : i32
        %scan3A_363 = arith.addi %scan3A_361, %scan3A_362 : i32
        %scan3A_364 = arith.constant 1 : i32
        scf.for %scan3A_382 = %scan3A_361 to %scan3A_363 step %scan3A_364  : i32 {
          %mul3A_383 = arith.constant 16 : i32
          %mul3A_384 = arith.muli %scan3A_382, %mul3A_383 : i32
          %multiple_of3A = tpu.assume_multiple %mul3A_384, 16 : i32
          %mul3A_385 = arith.constant 2 : i32
          %mul3A_386 = arith.muli %scan3A_382, %mul3A_385 : i32
          %mul3A_387 = arith.constant 16 : i32
          %mul3A_388 = arith.muli %mul3A_386, %mul3A_387 : i32
          %multiple_of3A_389 = tpu.assume_multiple %mul3A_388, 32 : i32
          %mul3A_390 = arith.constant 2 : i32
          %mul3A_391 = arith.muli %scan3A_382, %mul3A_390 : i32
          %mul3A_392 = arith.constant 16 : i32
          %mul3A_393 = arith.muli %mul3A_391, %mul3A_392 : i32
          %add3A_394 = arith.constant 16 : i32
          %add3A_395 = arith.addi %mul3A_393, %add3A_394 : i32
          %multiple_of3A_396 = tpu.assume_multiple %add3A_395, 16 : i32
          %get3A = arith.constant 0 : i32
          %get3A_397 = arith.constant 0 : i32
          %get3A_398 = arith.index_cast %get3A : i32 to index
          %get3A_399 = arith.index_cast %get3A_397 : i32 to index
          %get3A_400 = arith.index_cast %multiple_of3A : i32 to index
          %get3A_401 = tpu.vector_load %arg11[%get3A_398, %get3A_399, %get3A_400] {strides = array<i32>} : memref<4x8x384xi32, #tpu.memory_space<vmem>>, vector<1x1x16xi32>,
          %get3A_402 = vector.shape_cast %get3A_401 : vector<1x1x16xi32> to vector<16xi32>
          %get3A_403 = arith.constant 0 : i32
          %get3A_404 = arith.constant 0 : i32
          %get3A_405 = arith.index_cast %get3A_403 : i32 to index
          %get3A_406 = arith.index_cast %get3A_404 : i32 to index
          %get3A_407 = arith.index_cast %multiple_of3A : i32 to index
          %get3A_408 = tpu.vector_load %arg12[%get3A_405, %get3A_406, %get3A_407] {strides = array<i32>} : memref<4x8x384xi32, #tpu.memory_space<vmem>>, vector<1x1x16xi32>,
          %get3A_409 = vector.shape_cast %get3A_408 : vector<1x1x16xi32> to vector<16xi32>
          %get3A_410 = arith.constant 0 : i32
          %get3A_411 = arith.constant 0 : i32
          %get3A_412 = arith.index_cast %get3A_410 : i32 to index
          %get3A_413 = arith.index_cast %get3A_411 : i32 to index
          %get3A_414 = arith.index_cast %multiple_of3A : i32 to index
          %get3A_415 = tpu.vector_load %arg13[%get3A_412, %get3A_413, %get3A_414] {strides = array<i32>} : memref<4x8x384xi32, #tpu.memory_space<vmem>>, vector<1x1x16xi32>,
          %get3A_416 = vector.shape_cast %get3A_415 : vector<1x1x16xi32> to vector<16xi32>
          %shift_left3A = arith.constant 16 : i32
          %shift_left3A_417 = vector.broadcast %shift_left3A : i32 to vector<16xi32>
          %shift_left3A_418 = arith.shli %get3A_402, %shift_left3A_417 : vector<16xi32>
          %bitcast_convert_type3A = tpu.bitcast %shift_left3A_418 : vector<16xi32> -> vector<16xf32>
          %shift_left3A_419 = arith.constant 16 : i32
          %shift_left3A_420 = vector.broadcast %shift_left3A_419 : i32 to vector<16xi32>
          %shift_left3A_421 = arith.shli %get3A_409, %shift_left3A_420 : vector<16xi32>
          %bitcast_convert_type3A_422 = tpu.bitcast %shift_left3A_421 : vector<16xi32> -> vector<16xf32>
          %mul3A_423 = arith.mulf %bitcast_convert_type3A, %bitcast_convert_type3A_422 : vector<16xf32>
          %shift_left3A_424 = arith.constant 16 : i32
          %shift_left3A_425 = vector.broadcast %shift_left3A_424 : i32 to vector<16xi32>
          %shift_left3A_426 = arith.shli %get3A_416, %shift_left3A_425 : vector<16xi32>
          %bitcast_convert_type3A_427 = tpu.bitcast %shift_left3A_426 : vector<16xi32> -> vector<16xf32>
          %mul3A_428 = arith.mulf %mul3A_423, %bitcast_convert_type3A_427 : vector<16xf32>
          %and3A_429 = arith.constant -65536 : i32
          %and3A_430 = vector.broadcast %and3A_429 : i32 to vector<16xi32>
          %and3A_431 = arith.andi %get3A_402, %and3A_430 : vector<16xi32>
          %bitcast_convert_type3A_432 = tpu.bitcast %and3A_431 : vector<16xi32> -> vector<16xf32>
          %and3A_433 = arith.constant -65536 : i32
          %and3A_434 = vector.broadcast %and3A_433 : i32 to vector<16xi32>
          %and3A_435 = arith.andi %get3A_409, %and3A_434 : vector<16xi32>
          %bitcast_convert_type3A_436 = tpu.bitcast %and3A_435 : vector<16xi32> -> vector<16xf32>
          %mul3A_437 = arith.mulf %bitcast_convert_type3A_432, %bitcast_convert_type3A_436 : vector<16xf32>
          %and3A_438 = arith.constant -65536 : i32
          %and3A_439 = vector.broadcast %and3A_438 : i32 to vector<16xi32>
          %and3A_440 = arith.andi %get3A_416, %and3A_439 : vector<16xi32>
          %bitcast_convert_type3A_441 = tpu.bitcast %and3A_440 : vector<16xi32> -> vector<16xf32>
          %mul3A_442 = arith.mulf %mul3A_437, %bitcast_convert_type3A_441 : vector<16xf32>
          %swap3A = arith.constant 0 : i32
          %swap3A_443 = arith.constant 0 : i32
          %swap3A_444 = arith.index_cast %swap3A : i32 to index
          %swap3A_445 = arith.index_cast %swap3A_443 : i32 to index
          %swap3A_446 = arith.index_cast %multiple_of3A_389 : i32 to index
          %swap3A_447 = tpu.vector_load %arg14[%swap3A_444, %swap3A_445, %swap3A_446] {strides = array<i32>} : memref<4x8x768xf32, #tpu.memory_space<vmem>>, vector<1x1x16xf32>,
          %swap3A_448 = vector.shape_cast %swap3A_447 : vector<1x1x16xf32> to vector<16xf32>
          %swap3A_449 = vector.shape_cast %mul3A_428 : vector<16xf32> to vector<1x1x16xf32>
          tpu.vector_store %arg14[%swap3A_444, %swap3A_445, %swap3A_446], %swap3A_449 {add = true, strides = array<i32>} : memref<4x8x768xf32, #tpu.memory_space<vmem>>, vector<1x1x16xf32>,
          %swap3A_450 = arith.constant 0 : i32
          %swap3A_451 = arith.constant 0 : i32
          %swap3A_452 = arith.index_cast %swap3A_450 : i32 to index
          %swap3A_453 = arith.index_cast %swap3A_451 : i32 to index
          %swap3A_454 = arith.index_cast %multiple_of3A_396 : i32 to index
          %swap3A_455 = tpu.vector_load %arg14[%swap3A_452, %swap3A_453, %swap3A_454] {strides = array<i32>} : memref<4x8x768xf32, #tpu.memory_space<vmem>>, vector<1x1x16xf32>,
          %swap3A_456 = vector.shape_cast %swap3A_455 : vector<1x1x16xf32> to vector<16xf32>
          %swap3A_457 = vector.shape_cast %mul3A_442 : vector<16xf32> to vector<1x1x16xf32>
          tpu.vector_store %arg14[%swap3A_452, %swap3A_453, %swap3A_454], %swap3A_457 {add = true, strides = array<i32>} : memref<4x8x768xf32, #tpu.memory_space<vmem>>, vector<1x1x16xf32>,
          %get3A_458 = arith.constant 0 : i32
          %get3A_459 = arith.constant 1 : i32
          %get3A_460 = arith.index_cast %get3A_458 : i32 to index
          %get3A_461 = arith.index_cast %get3A_459 : i32 to index
          %get3A_462 = arith.index_cast %multiple_of3A : i32 to index
          %get3A_463 = tpu.vector_load %arg11[%get3A_460, %get3A_461, %get3A_462] {strides = array<i32>} : memref<4x8x384xi32, #tpu.memory_space<vmem>>, vector<1x1x16xi32>,
          %get3A_464 = vector.shape_cast %get3A_463 : vector<1x1x16xi32> to vector<16xi32>
          %get3A_465 = arith.constant 0 : i32
          %get3A_466 = arith.constant 1 : i32
          %get3A_467 = arith.index_cast %get3A_465 : i32 to index
          %get3A_468 = arith.index_cast %get3A_466 : i32 to index
          %get3A_469 = arith.index_cast %multiple_of3A : i32 to index
          %get3A_470 = tpu.vector_load %arg12[%get3A_467, %get3A_468, %get3A_469] {strides = array<i32>} : memref<4x8x384xi32, #tpu.memory_space<vmem>>, vector<1x1x16xi32>,
          %get3A_471 = vector.shape_cast %get3A_470 : vector<1x1x16xi32> to vector<16xi32>
          %get3A_472 = arith.constant 0 : i32
          %get3A_473 = arith.constant 1 : i32
          %get3A_474 = arith.index_cast %get3A_472 : i32 to index
          %get3A_475 = arith.index_cast %get3A_473 : i32 to index
          %get3A_476 = arith.index_cast %multiple_of3A : i32 to index
          %get3A_477 = tpu.vector_load %arg13[%get3A_474, %get3A_475, %get3A_476] {strides = array<i32>} : memref<4x8x384xi32, #tpu.memory_space<vmem>>, vector<1x1x16xi32>,
          %get3A_478 = vector.shape_cast %get3A_477 : vector<1x1x16xi32> to vector<16xi32>
          %shift_left3A_479 = arith.constant 16 : i32
          %shift_left3A_480 = vector.broadcast %shift_left3A_479 : i32 to vector<16xi32>
          %shift_left3A_481 = arith.shli %get3A_464, %shift_left3A_480 : vector<16xi32>
          %bitcast_convert_type3A_482 = tpu.bitcast %shift_left3A_481 : vector<16xi32> -> vector<16xf32>
          %shift_left3A_483 = arith.constant 16 : i32
          %shift_left3A_484 = vector.broadcast %shift_left3A_483 : i32 to vector<16xi32>
          %shift_left3A_485 = arith.shli %get3A_471, %shift_left3A_484 : vector<16xi32>
          %bitcast_convert_type3A_486 = tpu.bitcast %shift_left3A_485 : vector<16xi32> -> vector<16xf32>
          %mul3A_487 = arith.mulf %bitcast_convert_type3A_482, %bitcast_convert_type3A_486 : vector<16xf32>
          %shift_left3A_488 = arith.constant 16 : i32
          %shift_left3A_489 = vector.broadcast %shift_left3A_488 : i32 to vector<16xi32>
          %shift_left3A_490 = arith.shli %get3A_478, %shift_left3A_489 : vector<16xi32>
          %bitcast_convert_type3A_491 = tpu.bitcast %shift_left3A_490 : vector<16xi32> -> vector<16xf32>
          %mul3A_492 = arith.mulf %mul3A_487, %bitcast_convert_type3A_491 : vector<16xf32>
          %and3A_493 = arith.constant -65536 : i32
          %and3A_494 = vector.broadcast %and3A_493 : i32 to vector<16xi32>
          %and3A_495 = arith.andi %get3A_464, %and3A_494 : vector<16xi32>
          %bitcast_convert_type3A_496 = tpu.bitcast %and3A_495 : vector<16xi32> -> vector<16xf32>
          %and3A_497 = arith.constant -65536 : i32
          %and3A_498 = vector.broadcast %and3A_497 : i32 to vector<16xi32>
          %and3A_499 = arith.andi %get3A_471, %and3A_498 : vector<16xi32>
          %bitcast_convert_type3A_500 = tpu.bitcast %and3A_499 : vector<16xi32> -> vector<16xf32>
          %mul3A_501 = arith.mulf %bitcast_convert_type3A_496, %bitcast_convert_type3A_500 : vector<16xf32>
          %and3A_502 = arith.constant -65536 : i32
          %and3A_503 = vector.broadcast %and3A_502 : i32 to vector<16xi32>
          %and3A_504 = arith.andi %get3A_478, %and3A_503 : vector<16xi32>
          %bitcast_convert_type3A_505 = tpu.bitcast %and3A_504 : vector<16xi32> -> vector<16xf32>
          %mul3A_506 = arith.mulf %mul3A_501, %bitcast_convert_type3A_505 : vector<16xf32>
          %swap3A_507 = arith.constant 0 : i32
          %swap3A_508 = arith.constant 1 : i32
          %swap3A_509 = arith.index_cast %swap3A_507 : i32 to index
          %swap3A_510 = arith.index_cast %swap3A_508 : i32 to index
          %swap3A_511 = arith.index_cast %multiple_of3A_389 : i32 to index
          %swap3A_512 = tpu.vector_load %arg14[%swap3A_509, %swap3A_510, %swap3A_511] {strides = array<i32>} : memref<4x8x768xf32, #tpu.memory_space<vmem>>, vector<1x1x16xf32>,
          %swap3A_513 = vector.shape_cast %swap3A_512 : vector<1x1x16xf32> to vector<16xf32>
          %swap3A_514 = vector.shape_cast %mul3A_492 : vector<16xf32> to vector<1x1x16xf32>
          tpu.vector_store %arg14[%swap3A_509, %swap3A_510, %swap3A_511], %swap3A_514 {add = true, strides = array<i32>} : memref<4x8x768xf32, #tpu.memory_space<vmem>>, vector<1x1x16xf32>,
          %swap3A_515 = arith.constant 0 : i32
          %swap3A_516 = arith.constant 1 : i32
          %swap3A_517 = arith.index_cast %swap3A_515 : i32 to index
          %swap3A_518 = arith.index_cast %swap3A_516 : i32 to index
          %swap3A_519 = arith.index_cast %multiple_of3A_396 : i32 to index
          %swap3A_520 = tpu.vector_load %arg14[%swap3A_517, %swap3A_518, %swap3A_519] {strides = array<i32>} : memref<4x8x768xf32, #tpu.memory_space<vmem>>, vector<1x1x16xf32>,
          %swap3A_521 = vector.shape_cast %swap3A_520 : vector<1x1x16xf32> to vector<16xf32>
          %swap3A_522 = vector.shape_cast %mul3A_506 : vector<16xf32> to vector<1x1x16xf32>
          tpu.vector_store %arg14[%swap3A_517, %swap3A_518, %swap3A_519], %swap3A_522 {add = true, strides = array<i32>} : memref<4x8x768xf32, #tpu.memory_space<vmem>>, vector<1x1x16xf32>,
          %get3A_523 = arith.constant 0 : i32
          %get3A_524 = arith.constant 2 : i32
          %get3A_525 = arith.index_cast %get3A_523 : i32 to index
          %get3A_526 = arith.index_cast %get3A_524 : i32 to index
          %get3A_527 = arith.index_cast %multiple_of3A : i32 to index
          %get3A_528 = tpu.vector_load %arg11[%get3A_525, %get3A_526, %get3A_527] {strides = array<i32>} : memref<4x8x384xi32, #tpu.memory_space<vmem>>, vector<1x1x16xi32>,
          %get3A_529 = vector.shape_cast %get3A_528 : vector<1x1x16xi32> to vector<16xi32>
          %get3A_530 = arith.constant 0 : i32
          %get3A_531 = arith.constant 2 : i32
          %get3A_532 = arith.index_cast %get3A_530 : i32 to index
          %get3A_533 = arith.index_cast %get3A_531 : i32 to index
          %get3A_534 = arith.index_cast %multiple_of3A : i32 to index
          %get3A_535 = tpu.vector_load %arg12[%get3A_532, %get3A_533, %get3A_534] {strides = array<i32>} : memref<4x8x384xi32, #tpu.memory_space<vmem>>, vector<1x1x16xi32>,
          %get3A_536 = vector.shape_cast %get3A_535 : vector<1x1x16xi32> to vector<16xi32>
          %get3A_537 = arith.constant 0 : i32
          %get3A_538 = arith.constant 2 : i32
          %get3A_539 = arith.index_cast %get3A_537 : i32 to index
          %get3A_540 = arith.index_cast %get3A_538 : i32 to index
          %get3A_541 = arith.index_cast %multiple_of3A : i32 to index
          %get3A_542 = tpu.vector_load %arg13[%get3A_539, %get3A_540, %get3A_541] {strides = array<i32>} : memref<4x8x384xi32, #tpu.memory_space<vmem>>, vector<1x1x16xi32>,
          %get3A_543 = vector.shape_cast %get3A_542 : vector<1x1x16xi32> to vector<16xi32>
          %shift_left3A_544 = arith.constant 16 : i32
          %shift_left3A_545 = vector.broadcast %shift_left3A_544 : i32 to vector<16xi32>
          %shift_left3A_546 = arith.shli %get3A_529, %shift_left3A_545 : vector<16xi32>
          %bitcast_convert_type3A_547 = tpu.bitcast %shift_left3A_546 : vector<16xi32> -> vector<16xf32>
          %shift_left3A_548 = arith.constant 16 : i32
          %shift_left3A_549 = vector.broadcast %shift_left3A_548 : i32 to vector<16xi32>
          %shift_left3A_550 = arith.shli %get3A_536, %shift_left3A_549 : vector<16xi32>
          %bitcast_convert_type3A_551 = tpu.bitcast %shift_left3A_550 : vector<16xi32> -> vector<16xf32>
          %mul3A_552 = arith.mulf %bitcast_convert_type3A_547, %bitcast_convert_type3A_551 : vector<16xf32>
          %shift_left3A_553 = arith.constant 16 : i32
          %shift_left3A_554 = vector.broadcast %shift_left3A_553 : i32 to vector<16xi32>
          %shift_left3A_555 = arith.shli %get3A_543, %shift_left3A_554 : vector<16xi32>
          %bitcast_convert_type3A_556 = tpu.bitcast %shift_left3A_555 : vector<16xi32> -> vector<16xf32>
          %mul3A_557 = arith.mulf %mul3A_552, %bitcast_convert_type3A_556 : vector<16xf32>
          %and3A_558 = arith.constant -65536 : i32
          %and3A_559 = vector.broadcast %and3A_558 : i32 to vector<16xi32>
          %and3A_560 = arith.andi %get3A_529, %and3A_559 : vector<16xi32>
          %bitcast_convert_type3A_561 = tpu.bitcast %and3A_560 : vector<16xi32> -> vector<16xf32>
          %and3A_562 = arith.constant -65536 : i32
          %and3A_563 = vector.broadcast %and3A_562 : i32 to vector<16xi32>
          %and3A_564 = arith.andi %get3A_536, %and3A_563 : vector<16xi32>
          %bitcast_convert_type3A_565 = tpu.bitcast %and3A_564 : vector<16xi32> -> vector<16xf32>
          %mul3A_566 = arith.mulf %bitcast_convert_type3A_561, %bitcast_convert_type3A_565 : vector<16xf32>
          %and3A_567 = arith.constant -65536 : i32
          %and3A_568 = vector.broadcast %and3A_567 : i32 to vector<16xi32>
          %and3A_569 = arith.andi %get3A_543, %and3A_568 : vector<16xi32>
          %bitcast_convert_type3A_570 = tpu.bitcast %and3A_569 : vector<16xi32> -> vector<16xf32>
          %mul3A_571 = arith.mulf %mul3A_566, %bitcast_convert_type3A_570 : vector<16xf32>
          %swap3A_572 = arith.constant 0 : i32
          %swap3A_573 = arith.constant 2 : i32
          %swap3A_574 = arith.index_cast %swap3A_572 : i32 to index
          %swap3A_575 = arith.index_cast %swap3A_573 : i32 to index
          %swap3A_576 = arith.index_cast %multiple_of3A_389 : i32 to index
          %swap3A_577 = tpu.vector_load %arg14[%swap3A_574, %swap3A_575, %swap3A_576] {strides = array<i32>} : memref<4x8x768xf32, #tpu.memory_space<vmem>>, vector<1x1x16xf32>,
          %swap3A_578 = vector.shape_cast %swap3A_577 : vector<1x1x16xf32> to vector<16xf32>
          %swap3A_579 = vector.shape_cast %mul3A_557 : vector<16xf32> to vector<1x1x16xf32>
          tpu.vector_store %arg14[%swap3A_574, %swap3A_575, %swap3A_576], %swap3A_579 {add = true, strides = array<i32>} : memref<4x8x768xf32, #tpu.memory_space<vmem>>, vector<1x1x16xf32>,
          %swap3A_580 = arith.constant 0 : i32
          %swap3A_581 = arith.constant 2 : i32
          %swap3A_582 = arith.index_cast %swap3A_580 : i32 to index
          %swap3A_583 = arith.index_cast %swap3A_581 : i32 to index
          %swap3A_584 = arith.index_cast %multiple_of3A_396 : i32 to index
          %swap3A_585 = tpu.vector_load %arg14[%swap3A_582, %swap3A_583, %swap3A_584] {strides = array<i32>} : memref<4x8x768xf32, #tpu.memory_space<vmem>>, vector<1x1x16xf32>,
          %swap3A_586 = vector.shape_cast %swap3A_585 : vector<1x1x16xf32> to vector<16xf32>
          %swap3A_587 = vector.shape_cast %mul3A_571 : vector<16xf32> to vector<1x1x16xf32>
          tpu.vector_store %arg14[%swap3A_582, %swap3A_583, %swap3A_584], %swap3A_587 {add = true, strides = array<i32>} : memref<4x8x768xf32, #tpu.memory_space<vmem>>, vector<1x1x16xf32>,
          %get3A_588 = arith.constant 0 : i32
          %get3A_589 = arith.constant 3 : i32
          %get3A_590 = arith.index_cast %get3A_588 : i32 to index
          %get3A_591 = arith.index_cast %get3A_589 : i32 to index
          %get3A_592 = arith.index_cast %multiple_of3A : i32 to index
          %get3A_593 = tpu.vector_load %arg11[%get3A_590, %get3A_591, %get3A_592] {strides = array<i32>} : memref<4x8x384xi32, #tpu.memory_space<vmem>>, vector<1x1x16xi32>,
          %get3A_594 = vector.shape_cast %get3A_593 : vector<1x1x16xi32> to vector<16xi32>
          %get3A_595 = arith.constant 0 : i32
          %get3A_596 = arith.constant 3 : i32
          %get3A_597 = arith.index_cast %get3A_595 : i32 to index
          %get3A_598 = arith.index_cast %get3A_596 : i32 to index
          %get3A_599 = arith.index_cast %multiple_of3A : i32 to index
          %get3A_600 = tpu.vector_load %arg12[%get3A_597, %get3A_598, %get3A_599] {strides = array<i32>} : memref<4x8x384xi32, #tpu.memory_space<vmem>>, vector<1x1x16xi32>,
          %get3A_601 = vector.shape_cast %get3A_600 : vector<1x1x16xi32> to vector<16xi32>
          %get3A_602 = arith.constant 0 : i32
          %get3A_603 = arith.constant 3 : i32
          %get3A_604 = arith.index_cast %get3A_602 : i32 to index
          %get3A_605 = arith.index_cast %get3A_603 : i32 to index
          %get3A_606 = arith.index_cast %multiple_of3A : i32 to index
          %get3A_607 = tpu.vector_load %arg13[%get3A_604, %get3A_605, %get3A_606] {strides = array<i32>} : memref<4x8x384xi32, #tpu.memory_space<vmem>>, vector<1x1x16xi32>,
          %get3A_608 = vector.shape_cast %get3A_607 : vector<1x1x16xi32> to vector<16xi32>
          %shift_left3A_609 = arith.constant 16 : i32
          %shift_left3A_610 = vector.broadcast %shift_left3A_609 : i32 to vector<16xi32>
          %shift_left3A_611 = arith.shli %get3A_594, %shift_left3A_610 : vector<16xi32>
          %bitcast_convert_type3A_612 = tpu.bitcast %shift_left3A_611 : vector<16xi32> -> vector<16xf32>
          %shift_left3A_613 = arith.constant 16 : i32
          %shift_left3A_614 = vector.broadcast %shift_left3A_613 : i32 to vector<16xi32>
          %shift_left3A_615 = arith.shli %get3A_601, %shift_left3A_614 : vector<16xi32>
          %bitcast_convert_type3A_616 = tpu.bitcast %shift_left3A_615 : vector<16xi32> -> vector<16xf32>
          %mul3A_617 = arith.mulf %bitcast_convert_type3A_612, %bitcast_convert_type3A_616 : vector<16xf32>
          %shift_left3A_618 = arith.constant 16 : i32
          %shift_left3A_619 = vector.broadcast %shift_left3A_618 : i32 to vector<16xi32>
          %shift_left3A_620 = arith.shli %get3A_608, %shift_left3A_619 : vector<16xi32>
          %bitcast_convert_type3A_621 = tpu.bitcast %shift_left3A_620 : vector<16xi32> -> vector<16xf32>
          %mul3A_622 = arith.mulf %mul3A_617, %bitcast_convert_type3A_621 : vector<16xf32>
          %and3A_623 = arith.constant -65536 : i32
          %and3A_624 = vector.broadcast %and3A_623 : i32 to vector<16xi32>
          %and3A_625 = arith.andi %get3A_594, %and3A_624 : vector<16xi32>
          %bitcast_convert_type3A_626 = tpu.bitcast %and3A_625 : vector<16xi32> -> vector<16xf32>
          %and3A_627 = arith.constant -65536 : i32
          %and3A_628 = vector.broadcast %and3A_627 : i32 to vector<16xi32>
          %and3A_629 = arith.andi %get3A_601, %and3A_628 : vector<16xi32>
          %bitcast_convert_type3A_630 = tpu.bitcast %and3A_629 : vector<16xi32> -> vector<16xf32>
          %mul3A_631 = arith.mulf %bitcast_convert_type3A_626, %bitcast_convert_type3A_630 : vector<16xf32>
          %and3A_632 = arith.constant -65536 : i32
          %and3A_633 = vector.broadcast %and3A_632 : i32 to vector<16xi32>
          %and3A_634 = arith.andi %get3A_608, %and3A_633 : vector<16xi32>
          %bitcast_convert_type3A_635 = tpu.bitcast %and3A_634 : vector<16xi32> -> vector<16xf32>
          %mul3A_636 = arith.mulf %mul3A_631, %bitcast_convert_type3A_635 : vector<16xf32>
          %swap3A_637 = arith.constant 0 : i32
          %swap3A_638 = arith.constant 3 : i32
          %swap3A_639 = arith.index_cast %swap3A_637 : i32 to index
          %swap3A_640 = arith.index_cast %swap3A_638 : i32 to index
          %swap3A_641 = arith.index_cast %multiple_of3A_389 : i32 to index
          %swap3A_642 = tpu.vector_load %arg14[%swap3A_639, %swap3A_640, %swap3A_641] {strides = array<i32>} : memref<4x8x768xf32, #tpu.memory_space<vmem>>, vector<1x1x16xf32>,
          %swap3A_643 = vector.shape_cast %swap3A_642 : vector<1x1x16xf32> to vector<16xf32>
          %swap3A_644 = vector.shape_cast %mul3A_622 : vector<16xf32> to vector<1x1x16xf32>
          tpu.vector_store %arg14[%swap3A_639, %swap3A_640, %swap3A_641], %swap3A_644 {add = true, strides = array<i32>} : memref<4x8x768xf32, #tpu.memory_space<vmem>>, vector<1x1x16xf32>,
          %swap3A_645 = arith.constant 0 : i32
          %swap3A_646 = arith.constant 3 : i32
          %swap3A_647 = arith.index_cast %swap3A_645 : i32 to index
          %swap3A_648 = arith.index_cast %swap3A_646 : i32 to index
          %swap3A_649 = arith.index_cast %multiple_of3A_396 : i32 to index
          %swap3A_650 = tpu.vector_load %arg14[%swap3A_647, %swap3A_648, %swap3A_649] {strides = array<i32>} : memref<4x8x768xf32, #tpu.memory_space<vmem>>, vector<1x1x16xf32>,
          %swap3A_651 = vector.shape_cast %swap3A_650 : vector<1x1x16xf32> to vector<16xf32>
          %swap3A_652 = vector.shape_cast %mul3A_636 : vector<16xf32> to vector<1x1x16xf32>
          tpu.vector_store %arg14[%swap3A_647, %swap3A_648, %swap3A_649], %swap3A_652 {add = true, strides = array<i32>} : memref<4x8x768xf32, #tpu.memory_space<vmem>>, vector<1x1x16xf32>,
          %get3A_653 = arith.constant 0 : i32
          %get3A_654 = arith.constant 4 : i32
          %get3A_655 = arith.index_cast %get3A_653 : i32 to index
          %get3A_656 = arith.index_cast %get3A_654 : i32 to index
          %get3A_657 = arith.index_cast %multiple_of3A : i32 to index
          %get3A_658 = tpu.vector_load %arg11[%get3A_655, %get3A_656, %get3A_657] {strides = array<i32>} : memref<4x8x384xi32, #tpu.memory_space<vmem>>, vector<1x1x16xi32>,
          %get3A_659 = vector.shape_cast %get3A_658 : vector<1x1x16xi32> to vector<16xi32>
          %get3A_660 = arith.constant 0 : i32
          %get3A_661 = arith.constant 4 : i32
          %get3A_662 = arith.index_cast %get3A_660 : i32 to index
          %get3A_663 = arith.index_cast %get3A_661 : i32 to index
          %get3A_664 = arith.index_cast %multiple_of3A : i32 to index
          %get3A_665 = tpu.vector_load %arg12[%get3A_662, %get3A_663, %get3A_664] {strides = array<i32>} : memref<4x8x384xi32, #tpu.memory_space<vmem>>, vector<1x1x16xi32>,
          %get3A_666 = vector.shape_cast %get3A_665 : vector<1x1x16xi32> to vector<16xi32>
          %get3A_667 = arith.constant 0 : i32
          %get3A_668 = arith.constant 4 : i32
          %get3A_669 = arith.index_cast %get3A_667 : i32 to index
          %get3A_670 = arith.index_cast %get3A_668 : i32 to index
          %get3A_671 = arith.index_cast %multiple_of3A : i32 to index
          %get3A_672 = tpu.vector_load %arg13[%get3A_669, %get3A_670, %get3A_671] {strides = array<i32>} : memref<4x8x384xi32, #tpu.memory_space<vmem>>, vector<1x1x16xi32>,
          %get3A_673 = vector.shape_cast %get3A_672 : vector<1x1x16xi32> to vector<16xi32>
          %shift_left3A_674 = arith.constant 16 : i32
          %shift_left3A_675 = vector.broadcast %shift_left3A_674 : i32 to vector<16xi32>
          %shift_left3A_676 = arith.shli %get3A_659, %shift_left3A_675 : vector<16xi32>
          %bitcast_convert_type3A_677 = tpu.bitcast %shift_left3A_676 : vector<16xi32> -> vector<16xf32>
          %shift_left3A_678 = arith.constant 16 : i32
          %shift_left3A_679 = vector.broadcast %shift_left3A_678 : i32 to vector<16xi32>
          %shift_left3A_680 = arith.shli %get3A_666, %shift_left3A_679 : vector<16xi32>
          %bitcast_convert_type3A_681 = tpu.bitcast %shift_left3A_680 : vector<16xi32> -> vector<16xf32>
          %mul3A_682 = arith.mulf %bitcast_convert_type3A_677, %bitcast_convert_type3A_681 : vector<16xf32>
          %shift_left3A_683 = arith.constant 16 : i32
          %shift_left3A_684 = vector.broadcast %shift_left3A_683 : i32 to vector<16xi32>
          %shift_left3A_685 = arith.shli %get3A_673, %shift_left3A_684 : vector<16xi32>
          %bitcast_convert_type3A_686 = tpu.bitcast %shift_left3A_685 : vector<16xi32> -> vector<16xf32>
          %mul3A_687 = arith.mulf %mul3A_682, %bitcast_convert_type3A_686 : vector<16xf32>
          %and3A_688 = arith.constant -65536 : i32
          %and3A_689 = vector.broadcast %and3A_688 : i32 to vector<16xi32>
          %and3A_690 = arith.andi %get3A_659, %and3A_689 : vector<16xi32>
          %bitcast_convert_type3A_691 = tpu.bitcast %and3A_690 : vector<16xi32> -> vector<16xf32>
          %and3A_692 = arith.constant -65536 : i32
          %and3A_693 = vector.broadcast %and3A_692 : i32 to vector<16xi32>
          %and3A_694 = arith.andi %get3A_666, %and3A_693 : vector<16xi32>
          %bitcast_convert_type3A_695 = tpu.bitcast %and3A_694 : vector<16xi32> -> vector<16xf32>
          %mul3A_696 = arith.mulf %bitcast_convert_type3A_691, %bitcast_convert_type3A_695 : vector<16xf32>
          %and3A_697 = arith.constant -65536 : i32
          %and3A_698 = vector.broadcast %and3A_697 : i32 to vector<16xi32>
          %and3A_699 = arith.andi %get3A_673, %and3A_698 : vector<16xi32>
          %bitcast_convert_type3A_700 = tpu.bitcast %and3A_699 : vector<16xi32> -> vector<16xf32>
          %mul3A_701 = arith.mulf %mul3A_696, %bitcast_convert_type3A_700 : vector<16xf32>
          %swap3A_702 = arith.constant 0 : i32
          %swap3A_703 = arith.constant 4 : i32
          %swap3A_704 = arith.index_cast %swap3A_702 : i32 to index
          %swap3A_705 = arith.index_cast %swap3A_703 : i32 to index
          %swap3A_706 = arith.index_cast %multiple_of3A_389 : i32 to index
          %swap3A_707 = tpu.vector_load %arg14[%swap3A_704, %swap3A_705, %swap3A_706] {strides = array<i32>} : memref<4x8x768xf32, #tpu.memory_space<vmem>>, vector<1x1x16xf32>,
          %swap3A_708 = vector.shape_cast %swap3A_707 : vector<1x1x16xf32> to vector<16xf32>
          %swap3A_709 = vector.shape_cast %mul3A_687 : vector<16xf32> to vector<1x1x16xf32>
          tpu.vector_store %arg14[%swap3A_704, %swap3A_705, %swap3A_706], %swap3A_709 {add = true, strides = array<i32>} : memref<4x8x768xf32, #tpu.memory_space<vmem>>, vector<1x1x16xf32>,
          %swap3A_710 = arith.constant 0 : i32
          %swap3A_711 = arith.constant 4 : i32
          %swap3A_712 = arith.index_cast %swap3A_710 : i32 to index
          %swap3A_713 = arith.index_cast %swap3A_711 : i32 to index
          %swap3A_714 = arith.index_cast %multiple_of3A_396 : i32 to index
          %swap3A_715 = tpu.vector_load %arg14[%swap3A_712, %swap3A_713, %swap3A_714] {strides = array<i32>} : memref<4x8x768xf32, #tpu.memory_space<vmem>>, vector<1x1x16xf32>,
          %swap3A_716 = vector.shape_cast %swap3A_715 : vector<1x1x16xf32> to vector<16xf32>
          %swap3A_717 = vector.shape_cast %mul3A_701 : vector<16xf32> to vector<1x1x16xf32>
          tpu.vector_store %arg14[%swap3A_712, %swap3A_713, %swap3A_714], %swap3A_717 {add = true, strides = array<i32>} : memref<4x8x768xf32, #tpu.memory_space<vmem>>, vector<1x1x16xf32>,
          %get3A_718 = arith.constant 0 : i32
          %get3A_719 = arith.constant 5 : i32
          %get3A_720 = arith.index_cast %get3A_718 : i32 to index
          %get3A_721 = arith.index_cast %get3A_719 : i32 to index
          %get3A_722 = arith.index_cast %multiple_of3A : i32 to index
          %get3A_723 = tpu.vector_load %arg11[%get3A_720, %get3A_721, %get3A_722] {strides = array<i32>} : memref<4x8x384xi32, #tpu.memory_space<vmem>>, vector<1x1x16xi32>,
          %get3A_724 = vector.shape_cast %get3A_723 : vector<1x1x16xi32> to vector<16xi32>
          %get3A_725 = arith.constant 0 : i32
          %get3A_726 = arith.constant 5 : i32
          %get3A_727 = arith.index_cast %get3A_725 : i32 to index
          %get3A_728 = arith.index_cast %get3A_726 : i32 to index
          %get3A_729 = arith.index_cast %multiple_of3A : i32 to index
          %get3A_730 = tpu.vector_load %arg12[%get3A_727, %get3A_728, %get3A_729] {strides = array<i32>} : memref<4x8x384xi32, #tpu.memory_space<vmem>>, vector<1x1x16xi32>,
          %get3A_731 = vector.shape_cast %get3A_730 : vector<1x1x16xi32> to vector<16xi32>
          %get3A_732 = arith.constant 0 : i32
          %get3A_733 = arith.constant 5 : i32
          %get3A_734 = arith.index_cast %get3A_732 : i32 to index
          %get3A_735 = arith.index_cast %get3A_733 : i32 to index
          %get3A_736 = arith.index_cast %multiple_of3A : i32 to index
          %get3A_737 = tpu.vector_load %arg13[%get3A_734, %get3A_735, %get3A_736] {strides = array<i32>} : memref<4x8x384xi32, #tpu.memory_space<vmem>>, vector<1x1x16xi32>,
          %get3A_738 = vector.shape_cast %get3A_737 : vector<1x1x16xi32> to vector<16xi32>
          %shift_left3A_739 = arith.constant 16 : i32
          %shift_left3A_740 = vector.broadcast %shift_left3A_739 : i32 to vector<16xi32>
          %shift_left3A_741 = arith.shli %get3A_724, %shift_left3A_740 : vector<16xi32>
          %bitcast_convert_type3A_742 = tpu.bitcast %shift_left3A_741 : vector<16xi32> -> vector<16xf32>
          %shift_left3A_743 = arith.constant 16 : i32
          %shift_left3A_744 = vector.broadcast %shift_left3A_743 : i32 to vector<16xi32>
          %shift_left3A_745 = arith.shli %get3A_731, %shift_left3A_744 : vector<16xi32>
          %bitcast_convert_type3A_746 = tpu.bitcast %shift_left3A_745 : vector<16xi32> -> vector<16xf32>
          %mul3A_747 = arith.mulf %bitcast_convert_type3A_742, %bitcast_convert_type3A_746 : vector<16xf32>
          %shift_left3A_748 = arith.constant 16 : i32
          %shift_left3A_749 = vector.broadcast %shift_left3A_748 : i32 to vector<16xi32>
          %shift_left3A_750 = arith.shli %get3A_738, %shift_left3A_749 : vector<16xi32>
          %bitcast_convert_type3A_751 = tpu.bitcast %shift_left3A_750 : vector<16xi32> -> vector<16xf32>
          %mul3A_752 = arith.mulf %mul3A_747, %bitcast_convert_type3A_751 : vector<16xf32>
          %and3A_753 = arith.constant -65536 : i32
          %and3A_754 = vector.broadcast %and3A_753 : i32 to vector<16xi32>
          %and3A_755 = arith.andi %get3A_724, %and3A_754 : vector<16xi32>
          %bitcast_convert_type3A_756 = tpu.bitcast %and3A_755 : vector<16xi32> -> vector<16xf32>
          %and3A_757 = arith.constant -65536 : i32
          %and3A_758 = vector.broadcast %and3A_757 : i32 to vector<16xi32>
          %and3A_759 = arith.andi %get3A_731, %and3A_758 : vector<16xi32>
          %bitcast_convert_type3A_760 = tpu.bitcast %and3A_759 : vector<16xi32> -> vector<16xf32>
          %mul3A_761 = arith.mulf %bitcast_convert_type3A_756, %bitcast_convert_type3A_760 : vector<16xf32>
          %and3A_762 = arith.constant -65536 : i32
          %and3A_763 = vector.broadcast %and3A_762 : i32 to vector<16xi32>
          %and3A_764 = arith.andi %get3A_738, %and3A_763 : vector<16xi32>
          %bitcast_convert_type3A_765 = tpu.bitcast %and3A_764 : vector<16xi32> -> vector<16xf32>
          %mul3A_766 = arith.mulf %mul3A_761, %bitcast_convert_type3A_765 : vector<16xf32>
          %swap3A_767 = arith.constant 0 : i32
          %swap3A_768 = arith.constant 5 : i32
          %swap3A_769 = arith.index_cast %swap3A_767 : i32 to index
          %swap3A_770 = arith.index_cast %swap3A_768 : i32 to index
          %swap3A_771 = arith.index_cast %multiple_of3A_389 : i32 to index
          %swap3A_772 = tpu.vector_load %arg14[%swap3A_769, %swap3A_770, %swap3A_771] {strides = array<i32>} : memref<4x8x768xf32, #tpu.memory_space<vmem>>, vector<1x1x16xf32>,
          %swap3A_773 = vector.shape_cast %swap3A_772 : vector<1x1x16xf32> to vector<16xf32>
          %swap3A_774 = vector.shape_cast %mul3A_752 : vector<16xf32> to vector<1x1x16xf32>
          tpu.vector_store %arg14[%swap3A_769, %swap3A_770, %swap3A_771], %swap3A_774 {add = true, strides = array<i32>} : memref<4x8x768xf32, #tpu.memory_space<vmem>>, vector<1x1x16xf32>,
          %swap3A_775 = arith.constant 0 : i32
          %swap3A_776 = arith.constant 5 : i32
          %swap3A_777 = arith.index_cast %swap3A_775 : i32 to index
          %swap3A_778 = arith.index_cast %swap3A_776 : i32 to index
          %swap3A_779 = arith.index_cast %multiple_of3A_396 : i32 to index
          %swap3A_780 = tpu.vector_load %arg14[%swap3A_777, %swap3A_778, %swap3A_779] {strides = array<i32>} : memref<4x8x768xf32, #tpu.memory_space<vmem>>, vector<1x1x16xf32>,
          %swap3A_781 = vector.shape_cast %swap3A_780 : vector<1x1x16xf32> to vector<16xf32>
          %swap3A_782 = vector.shape_cast %mul3A_766 : vector<16xf32> to vector<1x1x16xf32>
          tpu.vector_store %arg14[%swap3A_777, %swap3A_778, %swap3A_779], %swap3A_782 {add = true, strides = array<i32>} : memref<4x8x768xf32, #tpu.memory_space<vmem>>, vector<1x1x16xf32>,
          %get3A_783 = arith.constant 0 : i32
          %get3A_784 = arith.constant 6 : i32
          %get3A_785 = arith.index_cast %get3A_783 : i32 to index
          %get3A_786 = arith.index_cast %get3A_784 : i32 to index
          %get3A_787 = arith.index_cast %multiple_of3A : i32 to index
          %get3A_788 = tpu.vector_load %arg11[%get3A_785, %get3A_786, %get3A_787] {strides = array<i32>} : memref<4x8x384xi32, #tpu.memory_space<vmem>>, vector<1x1x16xi32>,
          %get3A_789 = vector.shape_cast %get3A_788 : vector<1x1x16xi32> to vector<16xi32>
          %get3A_790 = arith.constant 0 : i32
          %get3A_791 = arith.constant 6 : i32
          %get3A_792 = arith.index_cast %get3A_790 : i32 to index
          %get3A_793 = arith.index_cast %get3A_791 : i32 to index
          %get3A_794 = arith.index_cast %multiple_of3A : i32 to index
          %get3A_795 = tpu.vector_load %arg12[%get3A_792, %get3A_793, %get3A_794] {strides = array<i32>} : memref<4x8x384xi32, #tpu.memory_space<vmem>>, vector<1x1x16xi32>,
          %get3A_796 = vector.shape_cast %get3A_795 : vector<1x1x16xi32> to vector<16xi32>
          %get3A_797 = arith.constant 0 : i32
          %get3A_798 = arith.constant 6 : i32
          %get3A_799 = arith.index_cast %get3A_797 : i32 to index
          %get3A_800 = arith.index_cast %get3A_798 : i32 to index
          %get3A_801 = arith.index_cast %multiple_of3A : i32 to index
          %get3A_802 = tpu.vector_load %arg13[%get3A_799, %get3A_800, %get3A_801] {strides = array<i32>} : memref<4x8x384xi32, #tpu.memory_space<vmem>>, vector<1x1x16xi32>,
          %get3A_803 = vector.shape_cast %get3A_802 : vector<1x1x16xi32> to vector<16xi32>
          %shift_left3A_804 = arith.constant 16 : i32
          %shift_left3A_805 = vector.broadcast %shift_left3A_804 : i32 to vector<16xi32>
          %shift_left3A_806 = arith.shli %get3A_789, %shift_left3A_805 : vector<16xi32>
          %bitcast_convert_type3A_807 = tpu.bitcast %shift_left3A_806 : vector<16xi32> -> vector<16xf32>
          %shift_left3A_808 = arith.constant 16 : i32
          %shift_left3A_809 = vector.broadcast %shift_left3A_808 : i32 to vector<16xi32>
          %shift_left3A_810 = arith.shli %get3A_796, %shift_left3A_809 : vector<16xi32>
          %bitcast_convert_type3A_811 = tpu.bitcast %shift_left3A_810 : vector<16xi32> -> vector<16xf32>
          %mul3A_812 = arith.mulf %bitcast_convert_type3A_807, %bitcast_convert_type3A_811 : vector<16xf32>
          %shift_left3A_813 = arith.constant 16 : i32
          %shift_left3A_814 = vector.broadcast %shift_left3A_813 : i32 to vector<16xi32>
          %shift_left3A_815 = arith.shli %get3A_803, %shift_left3A_814 : vector<16xi32>
          %bitcast_convert_type3A_816 = tpu.bitcast %shift_left3A_815 : vector<16xi32> -> vector<16xf32>
          %mul3A_817 = arith.mulf %mul3A_812, %bitcast_convert_type3A_816 : vector<16xf32>
          %and3A_818 = arith.constant -65536 : i32
          %and3A_819 = vector.broadcast %and3A_818 : i32 to vector<16xi32>
          %and3A_820 = arith.andi %get3A_789, %and3A_819 : vector<16xi32>
          %bitcast_convert_type3A_821 = tpu.bitcast %and3A_820 : vector<16xi32> -> vector<16xf32>
          %and3A_822 = arith.constant -65536 : i32
          %and3A_823 = vector.broadcast %and3A_822 : i32 to vector<16xi32>
          %and3A_824 = arith.andi %get3A_796, %and3A_823 : vector<16xi32>
          %bitcast_convert_type3A_825 = tpu.bitcast %and3A_824 : vector<16xi32> -> vector<16xf32>
          %mul3A_826 = arith.mulf %bitcast_convert_type3A_821, %bitcast_convert_type3A_825 : vector<16xf32>
          %and3A_827 = arith.constant -65536 : i32
          %and3A_828 = vector.broadcast %and3A_827 : i32 to vector<16xi32>
          %and3A_829 = arith.andi %get3A_803, %and3A_828 : vector<16xi32>
          %bitcast_convert_type3A_830 = tpu.bitcast %and3A_829 : vector<16xi32> -> vector<16xf32>
          %mul3A_831 = arith.mulf %mul3A_826, %bitcast_convert_type3A_830 : vector<16xf32>
          %swap3A_832 = arith.constant 0 : i32
          %swap3A_833 = arith.constant 6 : i32
          %swap3A_834 = arith.index_cast %swap3A_832 : i32 to index
          %swap3A_835 = arith.index_cast %swap3A_833 : i32 to index
          %swap3A_836 = arith.index_cast %multiple_of3A_389 : i32 to index
          %swap3A_837 = tpu.vector_load %arg14[%swap3A_834, %swap3A_835, %swap3A_836] {strides = array<i32>} : memref<4x8x768xf32, #tpu.memory_space<vmem>>, vector<1x1x16xf32>,
          %swap3A_838 = vector.shape_cast %swap3A_837 : vector<1x1x16xf32> to vector<16xf32>
          %swap3A_839 = vector.shape_cast %mul3A_817 : vector<16xf32> to vector<1x1x16xf32>
          tpu.vector_store %arg14[%swap3A_834, %swap3A_835, %swap3A_836], %swap3A_839 {add = true, strides = array<i32>} : memref<4x8x768xf32, #tpu.memory_space<vmem>>, vector<1x1x16xf32>,
          %swap3A_840 = arith.constant 0 : i32
          %swap3A_841 = arith.constant 6 : i32
          %swap3A_842 = arith.index_cast %swap3A_840 : i32 to index
          %swap3A_843 = arith.index_cast %swap3A_841 : i32 to index
          %swap3A_844 = arith.index_cast %multiple_of3A_396 : i32 to index
          %swap3A_845 = tpu.vector_load %arg14[%swap3A_842, %swap3A_843, %swap3A_844] {strides = array<i32>} : memref<4x8x768xf32, #tpu.memory_space<vmem>>, vector<1x1x16xf32>,
          %swap3A_846 = vector.shape_cast %swap3A_845 : vector<1x1x16xf32> to vector<16xf32>
          %swap3A_847 = vector.shape_cast %mul3A_831 : vector<16xf32> to vector<1x1x16xf32>
          tpu.vector_store %arg14[%swap3A_842, %swap3A_843, %swap3A_844], %swap3A_847 {add = true, strides = array<i32>} : memref<4x8x768xf32, #tpu.memory_space<vmem>>, vector<1x1x16xf32>,
          %get3A_848 = arith.constant 0 : i32
          %get3A_849 = arith.constant 7 : i32
          %get3A_850 = arith.index_cast %get3A_848 : i32 to index
          %get3A_851 = arith.index_cast %get3A_849 : i32 to index
          %get3A_852 = arith.index_cast %multiple_of3A : i32 to index
          %get3A_853 = tpu.vector_load %arg11[%get3A_850, %get3A_851, %get3A_852] {strides = array<i32>} : memref<4x8x384xi32, #tpu.memory_space<vmem>>, vector<1x1x16xi32>,
          %get3A_854 = vector.shape_cast %get3A_853 : vector<1x1x16xi32> to vector<16xi32>
          %get3A_855 = arith.constant 0 : i32
          %get3A_856 = arith.constant 7 : i32
          %get3A_857 = arith.index_cast %get3A_855 : i32 to index
          %get3A_858 = arith.index_cast %get3A_856 : i32 to index
          %get3A_859 = arith.index_cast %multiple_of3A : i32 to index
          %get3A_860 = tpu.vector_load %arg12[%get3A_857, %get3A_858, %get3A_859] {strides = array<i32>} : memref<4x8x384xi32, #tpu.memory_space<vmem>>, vector<1x1x16xi32>,
          %get3A_861 = vector.shape_cast %get3A_860 : vector<1x1x16xi32> to vector<16xi32>
          %get3A_862 = arith.constant 0 : i32
          %get3A_863 = arith.constant 7 : i32
          %get3A_864 = arith.index_cast %get3A_862 : i32 to index
          %get3A_865 = arith.index_cast %get3A_863 : i32 to index
          %get3A_866 = arith.index_cast %multiple_of3A : i32 to index
          %get3A_867 = tpu.vector_load %arg13[%get3A_864, %get3A_865, %get3A_866] {strides = array<i32>} : memref<4x8x384xi32, #tpu.memory_space<vmem>>, vector<1x1x16xi32>,
          %get3A_868 = vector.shape_cast %get3A_867 : vector<1x1x16xi32> to vector<16xi32>
          %shift_left3A_869 = arith.constant 16 : i32
          %shift_left3A_870 = vector.broadcast %shift_left3A_869 : i32 to vector<16xi32>
          %shift_left3A_871 = arith.shli %get3A_854, %shift_left3A_870 : vector<16xi32>
          %bitcast_convert_type3A_872 = tpu.bitcast %shift_left3A_871 : vector<16xi32> -> vector<16xf32>
          %shift_left3A_873 = arith.constant 16 : i32
          %shift_left3A_874 = vector.broadcast %shift_left3A_873 : i32 to vector<16xi32>
          %shift_left3A_875 = arith.shli %get3A_861, %shift_left3A_874 : vector<16xi32>
          %bitcast_convert_type3A_876 = tpu.bitcast %shift_left3A_875 : vector<16xi32> -> vector<16xf32>
          %mul3A_877 = arith.mulf %bitcast_convert_type3A_872, %bitcast_convert_type3A_876 : vector<16xf32>
          %shift_left3A_878 = arith.constant 16 : i32
          %shift_left3A_879 = vector.broadcast %shift_left3A_878 : i32 to vector<16xi32>
          %shift_left3A_880 = arith.shli %get3A_868, %shift_left3A_879 : vector<16xi32>
          %bitcast_convert_type3A_881 = tpu.bitcast %shift_left3A_880 : vector<16xi32> -> vector<16xf32>
          %mul3A_882 = arith.mulf %mul3A_877, %bitcast_convert_type3A_881 : vector<16xf32>
          %and3A_883 = arith.constant -65536 : i32
          %and3A_884 = vector.broadcast %and3A_883 : i32 to vector<16xi32>
          %and3A_885 = arith.andi %get3A_854, %and3A_884 : vector<16xi32>
          %bitcast_convert_type3A_886 = tpu.bitcast %and3A_885 : vector<16xi32> -> vector<16xf32>
          %and3A_887 = arith.constant -65536 : i32
          %and3A_888 = vector.broadcast %and3A_887 : i32 to vector<16xi32>
          %and3A_889 = arith.andi %get3A_861, %and3A_888 : vector<16xi32>
          %bitcast_convert_type3A_890 = tpu.bitcast %and3A_889 : vector<16xi32> -> vector<16xf32>
          %mul3A_891 = arith.mulf %bitcast_convert_type3A_886, %bitcast_convert_type3A_890 : vector<16xf32>
          %and3A_892 = arith.constant -65536 : i32
          %and3A_893 = vector.broadcast %and3A_892 : i32 to vector<16xi32>
          %and3A_894 = arith.andi %get3A_868, %and3A_893 : vector<16xi32>
          %bitcast_convert_type3A_895 = tpu.bitcast %and3A_894 : vector<16xi32> -> vector<16xf32>
          %mul3A_896 = arith.mulf %mul3A_891, %bitcast_convert_type3A_895 : vector<16xf32>
          %swap3A_897 = arith.constant 0 : i32
          %swap3A_898 = arith.constant 7 : i32
          %swap3A_899 = arith.index_cast %swap3A_897 : i32 to index
          %swap3A_900 = arith.index_cast %swap3A_898 : i32 to index
          %swap3A_901 = arith.index_cast %multiple_of3A_389 : i32 to index
          %swap3A_902 = tpu.vector_load %arg14[%swap3A_899, %swap3A_900, %swap3A_901] {strides = array<i32>} : memref<4x8x768xf32, #tpu.memory_space<vmem>>, vector<1x1x16xf32>,
          %swap3A_903 = vector.shape_cast %swap3A_902 : vector<1x1x16xf32> to vector<16xf32>
          %swap3A_904 = vector.shape_cast %mul3A_882 : vector<16xf32> to vector<1x1x16xf32>
          tpu.vector_store %arg14[%swap3A_899, %swap3A_900, %swap3A_901], %swap3A_904 {add = true, strides = array<i32>} : memref<4x8x768xf32, #tpu.memory_space<vmem>>, vector<1x1x16xf32>,
          %swap3A_905 = arith.constant 0 : i32
          %swap3A_906 = arith.constant 7 : i32
          %swap3A_907 = arith.index_cast %swap3A_905 : i32 to index
          %swap3A_908 = arith.index_cast %swap3A_906 : i32 to index
          %swap3A_909 = arith.index_cast %multiple_of3A_396 : i32 to index
          %swap3A_910 = tpu.vector_load %arg14[%swap3A_907, %swap3A_908, %swap3A_909] {strides = array<i32>} : memref<4x8x768xf32, #tpu.memory_space<vmem>>, vector<1x1x16xf32>,
          %swap3A_911 = vector.shape_cast %swap3A_910 : vector<1x1x16xf32> to vector<16xf32>
          %swap3A_912 = vector.shape_cast %mul3A_896 : vector<16xf32> to vector<1x1x16xf32>
          tpu.vector_store %arg14[%swap3A_907, %swap3A_908, %swap3A_909], %swap3A_912 {add = true, strides = array<i32>} : memref<4x8x768xf32, #tpu.memory_space<vmem>>, vector<1x1x16xf32>,
        }
        %scan3A_365 = arith.constant 24 : i32
        %mul3A_366 = arith.constant 8 : i32
        %mul3A_367 = arith.muli %add3A_214, %mul3A_366 : i32
        %add3A_368 = arith.addi %mul3A_2, %mul3A_367 : i32
        %dma_start3A_369 = arith.constant 0 : i32
        %dma_start3A_370 = arith.constant 0 : i32
        %dma_start3A_371 = arith.constant 0 : i32
        %dma_start3A_372 = tpu.memref_slice %arg14[%dma_start3A_369, %dma_start3A_370, %dma_start3A_371] : memref<4x8x768xf32, #tpu.memory_space<vmem>> -> memref<1x8x768xf32, #tpu.memory_space<vmem>>
        %dma_start3A_373 = tpu.memref_squeeze %dma_start3A_372 : memref<1x8x768xf32, #tpu.memory_space<vmem>> -> memref<8x768xf32, #tpu.memory_space<vmem>>
        %dma_start3A_374 = arith.constant 0 : i32
        %dma_start3A_375 = tpu.memref_slice %arg8[%add3A_368, %dma_start3A_374] : memref<160000x768xf32, #tpu.memory_space<hbm>> -> memref<8x768xf32, #tpu.memory_space<hbm>>
        %dma_start3A_376 = arith.constant 0 : i32
        %dma_start3A_377 = tpu.memref_slice %arg8[%add3A_368, %dma_start3A_376] : memref<160000x768xf32, #tpu.memory_space<hbm>> -> memref<8x768xf32, #tpu.memory_space<hbm>>
        %dma_start3A_378 = arith.constant 0 : i32
        %dma_start3A_379 = arith.constant 0 : i32
        %dma_start3A_380 = tpu.memref_slice %arg14[%dma_start3A_369, %dma_start3A_378, %dma_start3A_379] : memref<4x8x768xf32, #tpu.memory_space<vmem>> -> memref<1x8x768xf32, #tpu.memory_space<vmem>>
        %dma_start3A_381 = tpu.memref_squeeze %dma_start3A_380 : memref<1x8x768xf32, #tpu.memory_space<vmem>> -> memref<8x768xf32, #tpu.memory_space<vmem>>
        tpu.enqueue_dma source(%dma_start3A_381 : memref<8x768xf32, #tpu.memory_space<vmem>>) target(%dma_start3A_377 : memref<8x768xf32, #tpu.memory_space<hbm>>) target_semaphore(%arg19 : memref<!tpu.dma_semaphore, #tpu.memory_space<semaphore_mem>>)
      } else {
      }
      %add3A_217 = arith.constant 4 : i32
      %add3A_218 = arith.addi %add3A_214, %add3A_217 : i32
      %sub3A = arith.constant 1 : i32
      %sub3A_219 = arith.subi %add3A_218, %sub3A : i32
      %ge3A = arith.constant 4 : i32
      %ge3A_220 = arith.cmpi sge, %sub3A_219, %ge3A : i32
      %lt3A_221 = arith.constant 625 : i32
      %lt3A_222 = arith.cmpi slt, %sub3A_219, %lt3A_221 : i32
      %and3A = arith.andi %ge3A_220, %lt3A_222 : i1
      %convert_element_type3A_223 = arith.extui %and3A : i1 to i32
      %cond3A_224 = arith.constant 0 : i32
      %cond3A_225 = arith.cmpi ne, %convert_element_type3A_223, %cond3A_224 : i32
      scf.if %cond3A_225 {
        %sub3A_309 = arith.constant 4 : i32
        %sub3A_310 = arith.subi %sub3A_219, %sub3A_309 : i32
        %mul3A_311 = arith.constant 8 : i32
        %mul3A_312 = arith.muli %sub3A_310, %mul3A_311 : i32
        %add3A_313 = arith.addi %mul3A_2, %mul3A_312 : i32
        %dma_wait3A_314 = arith.constant 3 : i32
        %dma_wait3A_315 = arith.constant 0 : i32
        %dma_wait3A_316 = arith.constant 0 : i32
        %dma_wait3A_317 = tpu.memref_slice %arg14[%dma_wait3A_314, %dma_wait3A_315, %dma_wait3A_316] : memref<4x8x768xf32, #tpu.memory_space<vmem>> -> memref<1x8x768xf32, #tpu.memory_space<vmem>>
        %dma_wait3A_318 = tpu.memref_squeeze %dma_wait3A_317 : memref<1x8x768xf32, #tpu.memory_space<vmem>> -> memref<8x768xf32, #tpu.memory_space<vmem>>
        %dma_wait3A_319 = arith.constant 0 : i32
        %dma_wait3A_320 = tpu.memref_slice %arg8[%add3A_313, %dma_wait3A_319] : memref<160000x768xf32, #tpu.memory_space<hbm>> -> memref<8x768xf32, #tpu.memory_space<hbm>>
        %dma_wait3A_321 = arith.constant 0 : i32
        %dma_wait3A_322 = tpu.memref_slice %arg8[%add3A_313, %dma_wait3A_321] : memref<160000x768xf32, #tpu.memory_space<hbm>> -> memref<8x768xf32, #tpu.memory_space<hbm>>
        %dma_wait3A_323 = arith.constant 0 : i32
        %dma_wait3A_324 = arith.constant 0 : i32
        %dma_wait3A_325 = tpu.memref_slice %arg14[%dma_wait3A_314, %dma_wait3A_323, %dma_wait3A_324] : memref<4x8x768xf32, #tpu.memory_space<vmem>> -> memref<1x8x768xf32, #tpu.memory_space<vmem>>
        %dma_wait3A_326 = tpu.memref_squeeze %dma_wait3A_325 : memref<1x8x768xf32, #tpu.memory_space<vmem>> -> memref<8x768xf32, #tpu.memory_space<vmem>>
        tpu.wait_dma2 semaphore(%arg22 : memref<!tpu.dma_semaphore, #tpu.memory_space<semaphore_mem>>) src(%dma_wait3A_326 : memref<8x768xf32, #tpu.memory_space<vmem>>) dst(%dma_wait3A_322 : memref<8x768xf32, #tpu.memory_space<hbm>>)
      } else {
      }
      %lt3A_226 = arith.constant 625 : i32
      %lt3A_227 = arith.cmpi slt, %sub3A_219, %lt3A_226 : i32
      %convert_element_type3A_228 = arith.extui %lt3A_227 : i1 to i32
      %cond3A_229 = arith.constant 0 : i32
      %cond3A_230 = arith.cmpi ne, %convert_element_type3A_228, %cond3A_229 : i32
      scf.if %cond3A_230 {
        %mul3A_309 = arith.constant 8 : i32
        %mul3A_310 = arith.muli %sub3A_219, %mul3A_309 : i32
        %add3A_311 = arith.addi %mul3A_2, %mul3A_310 : i32
        %mul3A_312 = arith.constant 8 : i32
        %mul3A_313 = arith.muli %sub3A_219, %mul3A_312 : i32
        %mul3A_314 = arith.constant 8 : i32
        %mul3A_315 = arith.muli %sub3A_219, %mul3A_314 : i32
        %dma_start3A_316 = arith.constant 3 : i32
        %dma_start3A_317 = arith.constant 0 : i32
        %dma_start3A_318 = arith.constant 0 : i32
        %dma_start3A_319 = tpu.memref_slice %arg11[%dma_start3A_316, %dma_start3A_317, %dma_start3A_318] : memref<4x8x384xi32, #tpu.memory_space<vmem>> -> memref<1x8x384xi32, #tpu.memory_space<vmem>>
        %dma_start3A_320 = tpu.memref_squeeze %dma_start3A_319 : memref<1x8x384xi32, #tpu.memory_space<vmem>> -> memref<8x384xi32, #tpu.memory_space<vmem>>
        %dma_start3A_321 = tpu.memref_slice %arg9[%mul3A_313] : memref<5000xi32, #tpu.memory_space<vmem>> -> memref<8xi32, #tpu.memory_space<vmem>>
        %dma_start3A_322 = arith.constant 0 : i32
        %dma_start3A_323 = arith.constant 0 : i32
        %dma_start3A_324 = tpu.memref_slice %arg2[%dma_start3A_322, %dma_start3A_323] : memref<10000x384xi32, #tpu.memory_space<hbm>> -> memref<10000x384xi32, #tpu.memory_space<hbm>>
        tpu.enqueue_indirect_dma source(%dma_start3A_324 : memref<10000x384xi32, #tpu.memory_space<hbm>>) target(%dma_start3A_320 : memref<8x384xi32, #tpu.memory_space<vmem>>) offsets(%dma_start3A_321 : memref<8xi32, #tpu.memory_space<vmem>>) semaphore(%arg18 : memref<!tpu.dma_semaphore, #tpu.memory_space<semaphore_mem>>)
        %dma_start3A_325 = arith.constant 3 : i32
        %dma_start3A_326 = arith.constant 0 : i32
        %dma_start3A_327 = arith.constant 0 : i32
        %dma_start3A_328 = tpu.memref_slice %arg12[%dma_start3A_325, %dma_start3A_326, %dma_start3A_327] : memref<4x8x384xi32, #tpu.memory_space<vmem>> -> memref<1x8x384xi32, #tpu.memory_space<vmem>>
        %dma_start3A_329 = tpu.memref_squeeze %dma_start3A_328 : memref<1x8x384xi32, #tpu.memory_space<vmem>> -> memref<8x384xi32, #tpu.memory_space<vmem>>
        %dma_start3A_330 = tpu.memref_slice %arg10[%mul3A_315] : memref<5000xi32, #tpu.memory_space<vmem>> -> memref<8xi32, #tpu.memory_space<vmem>>
        %dma_start3A_331 = arith.constant 0 : i32
        %dma_start3A_332 = arith.constant 0 : i32
        %dma_start3A_333 = tpu.memref_slice %arg3[%dma_start3A_331, %dma_start3A_332] : memref<10000x384xi32, #tpu.memory_space<hbm>> -> memref<10000x384xi32, #tpu.memory_space<hbm>>
        tpu.enqueue_indirect_dma source(%dma_start3A_333 : memref<10000x384xi32, #tpu.memory_space<hbm>>) target(%dma_start3A_329 : memref<8x384xi32, #tpu.memory_space<vmem>>) offsets(%dma_start3A_330 : memref<8xi32, #tpu.memory_space<vmem>>) semaphore(%arg18 : memref<!tpu.dma_semaphore, #tpu.memory_space<semaphore_mem>>)
        %dma_start3A_334 = arith.constant 3 : i32
        %dma_start3A_335 = arith.constant 0 : i32
        %dma_start3A_336 = arith.constant 0 : i32
        %dma_start3A_337 = tpu.memref_slice %arg13[%dma_start3A_334, %dma_start3A_335, %dma_start3A_336] : memref<4x8x384xi32, #tpu.memory_space<vmem>> -> memref<1x8x384xi32, #tpu.memory_space<vmem>>
        %dma_start3A_338 = tpu.memref_squeeze %dma_start3A_337 : memref<1x8x384xi32, #tpu.memory_space<vmem>> -> memref<8x384xi32, #tpu.memory_space<vmem>>
        %dma_start3A_339 = arith.constant 0 : i32
        %dma_start3A_340 = tpu.memref_slice %arg4[%add3A_311, %dma_start3A_339] : memref<160000x384xi32, #tpu.memory_space<hbm>> -> memref<8x384xi32, #tpu.memory_space<hbm>>
        %dma_start3A_341 = arith.constant 0 : i32
        %dma_start3A_342 = arith.constant 0 : i32
        %dma_start3A_343 = tpu.memref_slice %arg13[%dma_start3A_334, %dma_start3A_341, %dma_start3A_342] : memref<4x8x384xi32, #tpu.memory_space<vmem>> -> memref<1x8x384xi32, #tpu.memory_space<vmem>>
        %dma_start3A_344 = tpu.memref_squeeze %dma_start3A_343 : memref<1x8x384xi32, #tpu.memory_space<vmem>> -> memref<8x384xi32, #tpu.memory_space<vmem>>
        %dma_start3A_345 = arith.constant 0 : i32
        %dma_start3A_346 = tpu.memref_slice %arg4[%add3A_311, %dma_start3A_345] : memref<160000x384xi32, #tpu.memory_space<hbm>> -> memref<8x384xi32, #tpu.memory_space<hbm>>
        tpu.enqueue_dma source(%dma_start3A_346 : memref<8x384xi32, #tpu.memory_space<hbm>>) target(%dma_start3A_344 : memref<8x384xi32, #tpu.memory_space<vmem>>) target_semaphore(%arg18 : memref<!tpu.dma_semaphore, #tpu.memory_space<semaphore_mem>>)
        %dma_start3A_347 = arith.constant 3 : i32
        %dma_start3A_348 = arith.constant 0 : i32
        %dma_start3A_349 = arith.constant 0 : i32
        %dma_start3A_350 = tpu.memref_slice %arg14[%dma_start3A_347, %dma_start3A_348, %dma_start3A_349] : memref<4x8x768xf32, #tpu.memory_space<vmem>> -> memref<1x8x768xf32, #tpu.memory_space<vmem>>
        %dma_start3A_351 = tpu.memref_squeeze %dma_start3A_350 : memref<1x8x768xf32, #tpu.memory_space<vmem>> -> memref<8x768xf32, #tpu.memory_space<vmem>>
        %dma_start3A_352 = arith.constant 0 : i32
        %dma_start3A_353 = tpu.memref_slice %arg5[%add3A_311, %dma_start3A_352] : memref<160000x768xf32, #tpu.memory_space<hbm>> -> memref<8x768xf32, #tpu.memory_space<hbm>>
        %dma_start3A_354 = arith.constant 0 : i32
        %dma_start3A_355 = arith.constant 0 : i32
        %dma_start3A_356 = tpu.memref_slice %arg14[%dma_start3A_347, %dma_start3A_354, %dma_start3A_355] : memref<4x8x768xf32, #tpu.memory_space<vmem>> -> memref<1x8x768xf32, #tpu.memory_space<vmem>>
        %dma_start3A_357 = tpu.memref_squeeze %dma_start3A_356 : memref<1x8x768xf32, #tpu.memory_space<vmem>> -> memref<8x768xf32, #tpu.memory_space<vmem>>
        %dma_start3A_358 = arith.constant 0 : i32
        %dma_start3A_359 = tpu.memref_slice %arg5[%add3A_311, %dma_start3A_358] : memref<160000x768xf32, #tpu.memory_space<hbm>> -> memref<8x768xf32, #tpu.memory_space<hbm>>
        tpu.enqueue_dma source(%dma_start3A_359 : memref<8x768xf32, #tpu.memory_space<hbm>>) target(%dma_start3A_357 : memref<8x768xf32, #tpu.memory_space<vmem>>) target_semaphore(%arg18 : memref<!tpu.dma_semaphore, #tpu.memory_space<semaphore_mem>>)
      } else {
      }
      %mul3A_231 = arith.constant 4 : i32
      %mul3A_232 = arith.muli %scan3A_210, %mul3A_231 : i32
      %add3A_233 = arith.constant 1 : i32
      %add3A_234 = arith.addi %mul3A_232, %add3A_233 : i32
      %lt3A_235 = arith.constant 625 : i32
      %lt3A_236 = arith.cmpi slt, %add3A_234, %lt3A_235 : i32
      %convert_element_type3A_237 = arith.extui %lt3A_236 : i1 to i32
      %cond3A_238 = arith.constant 0 : i32
      %cond3A_239 = arith.cmpi ne, %convert_element_type3A_237, %cond3A_238 : i32
      scf.if %cond3A_239 {
        %mul3A_309 = arith.constant 8 : i32
        %mul3A_310 = arith.muli %add3A_234, %mul3A_309 : i32
        %add3A_311 = arith.addi %mul3A_2, %mul3A_310 : i32
        %mul3A_312 = arith.constant 8 : i32
        %mul3A_313 = arith.muli %add3A_234, %mul3A_312 : i32
        %mul3A_314 = arith.constant 8 : i32
        %mul3A_315 = arith.muli %add3A_234, %mul3A_314 : i32
        %dma_wait3A_316 = arith.constant 1 : i32
        %dma_wait3A_317 = arith.constant 0 : i32
        %dma_wait3A_318 = arith.constant 0 : i32
        %dma_wait3A_319 = tpu.memref_slice %arg11[%dma_wait3A_316, %dma_wait3A_317, %dma_wait3A_318] : memref<4x8x384xi32, #tpu.memory_space<vmem>> -> memref<1x8x384xi32, #tpu.memory_space<vmem>>
        %dma_wait3A_320 = tpu.memref_squeeze %dma_wait3A_319 : memref<1x8x384xi32, #tpu.memory_space<vmem>> -> memref<8x384xi32, #tpu.memory_space<vmem>>
        %dma_wait3A_321 = tpu.memref_slice %arg9[%mul3A_313] : memref<5000xi32, #tpu.memory_space<vmem>> -> memref<8xi32, #tpu.memory_space<vmem>>
        %dma_wait3A_322 = arith.constant 0 : i32
        %dma_wait3A_323 = arith.constant 0 : i32
        %dma_wait3A_324 = tpu.memref_slice %arg2[%dma_wait3A_322, %dma_wait3A_323] : memref<10000x384xi32, #tpu.memory_space<hbm>> -> memref<10000x384xi32, #tpu.memory_space<hbm>>
        tpu.wait_indirect_dma semaphore(%arg16 : memref<!tpu.dma_semaphore, #tpu.memory_space<semaphore_mem>>) src(%dma_wait3A_324 : memref<10000x384xi32, #tpu.memory_space<hbm>>) dst(%dma_wait3A_320 : memref<8x384xi32, #tpu.memory_space<vmem>>)
        %dma_wait3A_325 = arith.constant 1 : i32
        %dma_wait3A_326 = arith.constant 0 : i32
        %dma_wait3A_327 = arith.constant 0 : i32
        %dma_wait3A_328 = tpu.memref_slice %arg12[%dma_wait3A_325, %dma_wait3A_326, %dma_wait3A_327] : memref<4x8x384xi32, #tpu.memory_space<vmem>> -> memref<1x8x384xi32, #tpu.memory_space<vmem>>
        %dma_wait3A_329 = tpu.memref_squeeze %dma_wait3A_328 : memref<1x8x384xi32, #tpu.memory_space<vmem>> -> memref<8x384xi32, #tpu.memory_space<vmem>>
        %dma_wait3A_330 = tpu.memref_slice %arg10[%mul3A_315] : memref<5000xi32, #tpu.memory_space<vmem>> -> memref<8xi32, #tpu.memory_space<vmem>>
        %dma_wait3A_331 = arith.constant 0 : i32
        %dma_wait3A_332 = arith.constant 0 : i32
        %dma_wait3A_333 = tpu.memref_slice %arg3[%dma_wait3A_331, %dma_wait3A_332] : memref<10000x384xi32, #tpu.memory_space<hbm>> -> memref<10000x384xi32, #tpu.memory_space<hbm>>
        tpu.wait_indirect_dma semaphore(%arg16 : memref<!tpu.dma_semaphore, #tpu.memory_space<semaphore_mem>>) src(%dma_wait3A_333 : memref<10000x384xi32, #tpu.memory_space<hbm>>) dst(%dma_wait3A_329 : memref<8x384xi32, #tpu.memory_space<vmem>>)
        %dma_wait3A_334 = arith.constant 1 : i32
        %dma_wait3A_335 = arith.constant 0 : i32
        %dma_wait3A_336 = arith.constant 0 : i32
        %dma_wait3A_337 = tpu.memref_slice %arg13[%dma_wait3A_334, %dma_wait3A_335, %dma_wait3A_336] : memref<4x8x384xi32, #tpu.memory_space<vmem>> -> memref<1x8x384xi32, #tpu.memory_space<vmem>>
        %dma_wait3A_338 = tpu.memref_squeeze %dma_wait3A_337 : memref<1x8x384xi32, #tpu.memory_space<vmem>> -> memref<8x384xi32, #tpu.memory_space<vmem>>
        %dma_wait3A_339 = arith.constant 0 : i32
        %dma_wait3A_340 = tpu.memref_slice %arg4[%add3A_311, %dma_wait3A_339] : memref<160000x384xi32, #tpu.memory_space<hbm>> -> memref<8x384xi32, #tpu.memory_space<hbm>>
        %dma_wait3A_341 = arith.constant 0 : i32
        %dma_wait3A_342 = arith.constant 0 : i32
        %dma_wait3A_343 = tpu.memref_slice %arg13[%dma_wait3A_334, %dma_wait3A_341, %dma_wait3A_342] : memref<4x8x384xi32, #tpu.memory_space<vmem>> -> memref<1x8x384xi32, #tpu.memory_space<vmem>>
        %dma_wait3A_344 = tpu.memref_squeeze %dma_wait3A_343 : memref<1x8x384xi32, #tpu.memory_space<vmem>> -> memref<8x384xi32, #tpu.memory_space<vmem>>
        %dma_wait3A_345 = arith.constant 0 : i32
        %dma_wait3A_346 = tpu.memref_slice %arg4[%add3A_311, %dma_wait3A_345] : memref<160000x384xi32, #tpu.memory_space<hbm>> -> memref<8x384xi32, #tpu.memory_space<hbm>>
        tpu.wait_dma2 semaphore(%arg16 : memref<!tpu.dma_semaphore, #tpu.memory_space<semaphore_mem>>) src(%dma_wait3A_346 : memref<8x384xi32, #tpu.memory_space<hbm>>) dst(%dma_wait3A_344 : memref<8x384xi32, #tpu.memory_space<vmem>>)
        %dma_wait3A_347 = arith.constant 1 : i32
        %dma_wait3A_348 = arith.constant 0 : i32
        %dma_wait3A_349 = arith.constant 0 : i32
        %dma_wait3A_350 = tpu.memref_slice %arg14[%dma_wait3A_347, %dma_wait3A_348, %dma_wait3A_349] : memref<4x8x768xf32, #tpu.memory_space<vmem>> -> memref<1x8x768xf32, #tpu.memory_space<vmem>>
        %dma_wait3A_351 = tpu.memref_squeeze %dma_wait3A_350 : memref<1x8x768xf32, #tpu.memory_space<vmem>> -> memref<8x768xf32, #tpu.memory_space<vmem>>
        %dma_wait3A_352 = arith.constant 0 : i32
        %dma_wait3A_353 = tpu.memref_slice %arg5[%add3A_311, %dma_wait3A_352] : memref<160000x768xf32, #tpu.memory_space<hbm>> -> memref<8x768xf32, #tpu.memory_space<hbm>>
        %dma_wait3A_354 = arith.constant 0 : i32
        %dma_wait3A_355 = arith.constant 0 : i32
        %dma_wait3A_356 = tpu.memref_slice %arg14[%dma_wait3A_347, %dma_wait3A_354, %dma_wait3A_355] : memref<4x8x768xf32, #tpu.memory_space<vmem>> -> memref<1x8x768xf32, #tpu.memory_space<vmem>>
        %dma_wait3A_357 = tpu.memref_squeeze %dma_wait3A_356 : memref<1x8x768xf32, #tpu.memory_space<vmem>> -> memref<8x768xf32, #tpu.memory_space<vmem>>
        %dma_wait3A_358 = arith.constant 0 : i32
        %dma_wait3A_359 = tpu.memref_slice %arg5[%add3A_311, %dma_wait3A_358] : memref<160000x768xf32, #tpu.memory_space<hbm>> -> memref<8x768xf32, #tpu.memory_space<hbm>>
        tpu.wait_dma2 semaphore(%arg16 : memref<!tpu.dma_semaphore, #tpu.memory_space<semaphore_mem>>) src(%dma_wait3A_359 : memref<8x768xf32, #tpu.memory_space<hbm>>) dst(%dma_wait3A_357 : memref<8x768xf32, #tpu.memory_space<vmem>>)
        %scan3A_360 = arith.constant 0 : i32
        %scan3A_361 = arith.constant 0 : i32
        %scan3A_362 = arith.constant 24 : i32
        %scan3A_363 = arith.addi %scan3A_361, %scan3A_362 : i32
        %scan3A_364 = arith.constant 1 : i32
        scf.for %scan3A_382 = %scan3A_361 to %scan3A_363 step %scan3A_364  : i32 {
          %mul3A_383 = arith.constant 16 : i32
          %mul3A_384 = arith.muli %scan3A_382, %mul3A_383 : i32
          %multiple_of3A = tpu.assume_multiple %mul3A_384, 16 : i32
          %mul3A_385 = arith.constant 2 : i32
          %mul3A_386 = arith.muli %scan3A_382, %mul3A_385 : i32
          %mul3A_387 = arith.constant 16 : i32
          %mul3A_388 = arith.muli %mul3A_386, %mul3A_387 : i32
          %multiple_of3A_389 = tpu.assume_multiple %mul3A_388, 32 : i32
          %mul3A_390 = arith.constant 2 : i32
          %mul3A_391 = arith.muli %scan3A_382, %mul3A_390 : i32
          %mul3A_392 = arith.constant 16 : i32
          %mul3A_393 = arith.muli %mul3A_391, %mul3A_392 : i32
          %add3A_394 = arith.constant 16 : i32
          %add3A_395 = arith.addi %mul3A_393, %add3A_394 : i32
          %multiple_of3A_396 = tpu.assume_multiple %add3A_395, 16 : i32
          %get3A = arith.constant 1 : i32
          %get3A_397 = arith.constant 0 : i32
          %get3A_398 = arith.index_cast %get3A : i32 to index
          %get3A_399 = arith.index_cast %get3A_397 : i32 to index
          %get3A_400 = arith.index_cast %multiple_of3A : i32 to index
          %get3A_401 = tpu.vector_load %arg11[%get3A_398, %get3A_399, %get3A_400] {strides = array<i32>} : memref<4x8x384xi32, #tpu.memory_space<vmem>>, vector<1x1x16xi32>,
          %get3A_402 = vector.shape_cast %get3A_401 : vector<1x1x16xi32> to vector<16xi32>
          %get3A_403 = arith.constant 1 : i32
          %get3A_404 = arith.constant 0 : i32
          %get3A_405 = arith.index_cast %get3A_403 : i32 to index
          %get3A_406 = arith.index_cast %get3A_404 : i32 to index
          %get3A_407 = arith.index_cast %multiple_of3A : i32 to index
          %get3A_408 = tpu.vector_load %arg12[%get3A_405, %get3A_406, %get3A_407] {strides = array<i32>} : memref<4x8x384xi32, #tpu.memory_space<vmem>>, vector<1x1x16xi32>,
          %get3A_409 = vector.shape_cast %get3A_408 : vector<1x1x16xi32> to vector<16xi32>
          %get3A_410 = arith.constant 1 : i32
          %get3A_411 = arith.constant 0 : i32
          %get3A_412 = arith.index_cast %get3A_410 : i32 to index
          %get3A_413 = arith.index_cast %get3A_411 : i32 to index
          %get3A_414 = arith.index_cast %multiple_of3A : i32 to index
          %get3A_415 = tpu.vector_load %arg13[%get3A_412, %get3A_413, %get3A_414] {strides = array<i32>} : memref<4x8x384xi32, #tpu.memory_space<vmem>>, vector<1x1x16xi32>,
          %get3A_416 = vector.shape_cast %get3A_415 : vector<1x1x16xi32> to vector<16xi32>
          %shift_left3A = arith.constant 16 : i32
          %shift_left3A_417 = vector.broadcast %shift_left3A : i32 to vector<16xi32>
          %shift_left3A_418 = arith.shli %get3A_402, %shift_left3A_417 : vector<16xi32>
          %bitcast_convert_type3A = tpu.bitcast %shift_left3A_418 : vector<16xi32> -> vector<16xf32>
          %shift_left3A_419 = arith.constant 16 : i32
          %shift_left3A_420 = vector.broadcast %shift_left3A_419 : i32 to vector<16xi32>
          %shift_left3A_421 = arith.shli %get3A_409, %shift_left3A_420 : vector<16xi32>
          %bitcast_convert_type3A_422 = tpu.bitcast %shift_left3A_421 : vector<16xi32> -> vector<16xf32>
          %mul3A_423 = arith.mulf %bitcast_convert_type3A, %bitcast_convert_type3A_422 : vector<16xf32>
          %shift_left3A_424 = arith.constant 16 : i32
          %shift_left3A_425 = vector.broadcast %shift_left3A_424 : i32 to vector<16xi32>
          %shift_left3A_426 = arith.shli %get3A_416, %shift_left3A_425 : vector<16xi32>
          %bitcast_convert_type3A_427 = tpu.bitcast %shift_left3A_426 : vector<16xi32> -> vector<16xf32>
          %mul3A_428 = arith.mulf %mul3A_423, %bitcast_convert_type3A_427 : vector<16xf32>
          %and3A_429 = arith.constant -65536 : i32
          %and3A_430 = vector.broadcast %and3A_429 : i32 to vector<16xi32>
          %and3A_431 = arith.andi %get3A_402, %and3A_430 : vector<16xi32>
          %bitcast_convert_type3A_432 = tpu.bitcast %and3A_431 : vector<16xi32> -> vector<16xf32>
          %and3A_433 = arith.constant -65536 : i32
          %and3A_434 = vector.broadcast %and3A_433 : i32 to vector<16xi32>
          %and3A_435 = arith.andi %get3A_409, %and3A_434 : vector<16xi32>
          %bitcast_convert_type3A_436 = tpu.bitcast %and3A_435 : vector<16xi32> -> vector<16xf32>
          %mul3A_437 = arith.mulf %bitcast_convert_type3A_432, %bitcast_convert_type3A_436 : vector<16xf32>
          %and3A_438 = arith.constant -65536 : i32
          %and3A_439 = vector.broadcast %and3A_438 : i32 to vector<16xi32>
          %and3A_440 = arith.andi %get3A_416, %and3A_439 : vector<16xi32>
          %bitcast_convert_type3A_441 = tpu.bitcast %and3A_440 : vector<16xi32> -> vector<16xf32>
          %mul3A_442 = arith.mulf %mul3A_437, %bitcast_convert_type3A_441 : vector<16xf32>
          %swap3A = arith.constant 1 : i32
          %swap3A_443 = arith.constant 0 : i32
          %swap3A_444 = arith.index_cast %swap3A : i32 to index
          %swap3A_445 = arith.index_cast %swap3A_443 : i32 to index
          %swap3A_446 = arith.index_cast %multiple_of3A_389 : i32 to index
          %swap3A_447 = tpu.vector_load %arg14[%swap3A_444, %swap3A_445, %swap3A_446] {strides = array<i32>} : memref<4x8x768xf32, #tpu.memory_space<vmem>>, vector<1x1x16xf32>,
          %swap3A_448 = vector.shape_cast %swap3A_447 : vector<1x1x16xf32> to vector<16xf32>
          %swap3A_449 = vector.shape_cast %mul3A_428 : vector<16xf32> to vector<1x1x16xf32>
          tpu.vector_store %arg14[%swap3A_444, %swap3A_445, %swap3A_446], %swap3A_449 {add = true, strides = array<i32>} : memref<4x8x768xf32, #tpu.memory_space<vmem>>, vector<1x1x16xf32>,
          %swap3A_450 = arith.constant 1 : i32
          %swap3A_451 = arith.constant 0 : i32
          %swap3A_452 = arith.index_cast %swap3A_450 : i32 to index
          %swap3A_453 = arith.index_cast %swap3A_451 : i32 to index
          %swap3A_454 = arith.index_cast %multiple_of3A_396 : i32 to index
          %swap3A_455 = tpu.vector_load %arg14[%swap3A_452, %swap3A_453, %swap3A_454] {strides = array<i32>} : memref<4x8x768xf32, #tpu.memory_space<vmem>>, vector<1x1x16xf32>,
          %swap3A_456 = vector.shape_cast %swap3A_455 : vector<1x1x16xf32> to vector<16xf32>
          %swap3A_457 = vector.shape_cast %mul3A_442 : vector<16xf32> to vector<1x1x16xf32>
          tpu.vector_store %arg14[%swap3A_452, %swap3A_453, %swap3A_454], %swap3A_457 {add = true, strides = array<i32>} : memref<4x8x768xf32, #tpu.memory_space<vmem>>, vector<1x1x16xf32>,
          %get3A_458 = arith.constant 1 : i32
          %get3A_459 = arith.constant 1 : i32
          %get3A_460 = arith.index_cast %get3A_458 : i32 to index
          %get3A_461 = arith.index_cast %get3A_459 : i32 to index
          %get3A_462 = arith.index_cast %multiple_of3A : i32 to index
          %get3A_463 = tpu.vector_load %arg11[%get3A_460, %get3A_461, %get3A_462] {strides = array<i32>} : memref<4x8x384xi32, #tpu.memory_space<vmem>>, vector<1x1x16xi32>,
          %get3A_464 = vector.shape_cast %get3A_463 : vector<1x1x16xi32> to vector<16xi32>
          %get3A_465 = arith.constant 1 : i32
          %get3A_466 = arith.constant 1 : i32
          %get3A_467 = arith.index_cast %get3A_465 : i32 to index
          %get3A_468 = arith.index_cast %get3A_466 : i32 to index
          %get3A_469 = arith.index_cast %multiple_of3A : i32 to index
          %get3A_470 = tpu.vector_load %arg12[%get3A_467, %get3A_468, %get3A_469] {strides = array<i32>} : memref<4x8x384xi32, #tpu.memory_space<vmem>>, vector<1x1x16xi32>,
          %get3A_471 = vector.shape_cast %get3A_470 : vector<1x1x16xi32> to vector<16xi32>
          %get3A_472 = arith.constant 1 : i32
          %get3A_473 = arith.constant 1 : i32
          %get3A_474 = arith.index_cast %get3A_472 : i32 to index
          %get3A_475 = arith.index_cast %get3A_473 : i32 to index
          %get3A_476 = arith.index_cast %multiple_of3A : i32 to index
          %get3A_477 = tpu.vector_load %arg13[%get3A_474, %get3A_475, %get3A_476] {strides = array<i32>} : memref<4x8x384xi32, #tpu.memory_space<vmem>>, vector<1x1x16xi32>,
          %get3A_478 = vector.shape_cast %get3A_477 : vector<1x1x16xi32> to vector<16xi32>
          %shift_left3A_479 = arith.constant 16 : i32
          %shift_left3A_480 = vector.broadcast %shift_left3A_479 : i32 to vector<16xi32>
          %shift_left3A_481 = arith.shli %get3A_464, %shift_left3A_480 : vector<16xi32>
          %bitcast_convert_type3A_482 = tpu.bitcast %shift_left3A_481 : vector<16xi32> -> vector<16xf32>
          %shift_left3A_483 = arith.constant 16 : i32
          %shift_left3A_484 = vector.broadcast %shift_left3A_483 : i32 to vector<16xi32>
          %shift_left3A_485 = arith.shli %get3A_471, %shift_left3A_484 : vector<16xi32>
          %bitcast_convert_type3A_486 = tpu.bitcast %shift_left3A_485 : vector<16xi32> -> vector<16xf32>
          %mul3A_487 = arith.mulf %bitcast_convert_type3A_482, %bitcast_convert_type3A_486 : vector<16xf32>
          %shift_left3A_488 = arith.constant 16 : i32
          %shift_left3A_489 = vector.broadcast %shift_left3A_488 : i32 to vector<16xi32>
          %shift_left3A_490 = arith.shli %get3A_478, %shift_left3A_489 : vector<16xi32>
          %bitcast_convert_type3A_491 = tpu.bitcast %shift_left3A_490 : vector<16xi32> -> vector<16xf32>
          %mul3A_492 = arith.mulf %mul3A_487, %bitcast_convert_type3A_491 : vector<16xf32>
          %and3A_493 = arith.constant -65536 : i32
          %and3A_494 = vector.broadcast %and3A_493 : i32 to vector<16xi32>
          %and3A_495 = arith.andi %get3A_464, %and3A_494 : vector<16xi32>
          %bitcast_convert_type3A_496 = tpu.bitcast %and3A_495 : vector<16xi32> -> vector<16xf32>
          %and3A_497 = arith.constant -65536 : i32
          %and3A_498 = vector.broadcast %and3A_497 : i32 to vector<16xi32>
          %and3A_499 = arith.andi %get3A_471, %and3A_498 : vector<16xi32>
          %bitcast_convert_type3A_500 = tpu.bitcast %and3A_499 : vector<16xi32> -> vector<16xf32>
          %mul3A_501 = arith.mulf %bitcast_convert_type3A_496, %bitcast_convert_type3A_500 : vector<16xf32>
          %and3A_502 = arith.constant -65536 : i32
          %and3A_503 = vector.broadcast %and3A_502 : i32 to vector<16xi32>
          %and3A_504 = arith.andi %get3A_478, %and3A_503 : vector<16xi32>
          %bitcast_convert_type3A_505 = tpu.bitcast %and3A_504 : vector<16xi32> -> vector<16xf32>
          %mul3A_506 = arith.mulf %mul3A_501, %bitcast_convert_type3A_505 : vector<16xf32>
          %swap3A_507 = arith.constant 1 : i32
          %swap3A_508 = arith.constant 1 : i32
          %swap3A_509 = arith.index_cast %swap3A_507 : i32 to index
          %swap3A_510 = arith.index_cast %swap3A_508 : i32 to index
          %swap3A_511 = arith.index_cast %multiple_of3A_389 : i32 to index
          %swap3A_512 = tpu.vector_load %arg14[%swap3A_509, %swap3A_510, %swap3A_511] {strides = array<i32>} : memref<4x8x768xf32, #tpu.memory_space<vmem>>, vector<1x1x16xf32>,
          %swap3A_513 = vector.shape_cast %swap3A_512 : vector<1x1x16xf32> to vector<16xf32>
          %swap3A_514 = vector.shape_cast %mul3A_492 : vector<16xf32> to vector<1x1x16xf32>
          tpu.vector_store %arg14[%swap3A_509, %swap3A_510, %swap3A_511], %swap3A_514 {add = true, strides = array<i32>} : memref<4x8x768xf32, #tpu.memory_space<vmem>>, vector<1x1x16xf32>,
          %swap3A_515 = arith.constant 1 : i32
          %swap3A_516 = arith.constant 1 : i32
          %swap3A_517 = arith.index_cast %swap3A_515 : i32 to index
          %swap3A_518 = arith.index_cast %swap3A_516 : i32 to index
          %swap3A_519 = arith.index_cast %multiple_of3A_396 : i32 to index
          %swap3A_520 = tpu.vector_load %arg14[%swap3A_517, %swap3A_518, %swap3A_519] {strides = array<i32>} : memref<4x8x768xf32, #tpu.memory_space<vmem>>, vector<1x1x16xf32>,
          %swap3A_521 = vector.shape_cast %swap3A_520 : vector<1x1x16xf32> to vector<16xf32>
          %swap3A_522 = vector.shape_cast %mul3A_506 : vector<16xf32> to vector<1x1x16xf32>
          tpu.vector_store %arg14[%swap3A_517, %swap3A_518, %swap3A_519], %swap3A_522 {add = true, strides = array<i32>} : memref<4x8x768xf32, #tpu.memory_space<vmem>>, vector<1x1x16xf32>,
          %get3A_523 = arith.constant 1 : i32
          %get3A_524 = arith.constant 2 : i32
          %get3A_525 = arith.index_cast %get3A_523 : i32 to index
          %get3A_526 = arith.index_cast %get3A_524 : i32 to index
          %get3A_527 = arith.index_cast %multiple_of3A : i32 to index
          %get3A_528 = tpu.vector_load %arg11[%get3A_525, %get3A_526, %get3A_527] {strides = array<i32>} : memref<4x8x384xi32, #tpu.memory_space<vmem>>, vector<1x1x16xi32>,
          %get3A_529 = vector.shape_cast %get3A_528 : vector<1x1x16xi32> to vector<16xi32>
          %get3A_530 = arith.constant 1 : i32
          %get3A_531 = arith.constant 2 : i32
          %get3A_532 = arith.index_cast %get3A_530 : i32 to index
          %get3A_533 = arith.index_cast %get3A_531 : i32 to index
          %get3A_534 = arith.index_cast %multiple_of3A : i32 to index
          %get3A_535 = tpu.vector_load %arg12[%get3A_532, %get3A_533, %get3A_534] {strides = array<i32>} : memref<4x8x384xi32, #tpu.memory_space<vmem>>, vector<1x1x16xi32>,
          %get3A_536 = vector.shape_cast %get3A_535 : vector<1x1x16xi32> to vector<16xi32>
          %get3A_537 = arith.constant 1 : i32
          %get3A_538 = arith.constant 2 : i32
          %get3A_539 = arith.index_cast %get3A_537 : i32 to index
          %get3A_540 = arith.index_cast %get3A_538 : i32 to index
          %get3A_541 = arith.index_cast %multiple_of3A : i32 to index
          %get3A_542 = tpu.vector_load %arg13[%get3A_539, %get3A_540, %get3A_541] {strides = array<i32>} : memref<4x8x384xi32, #tpu.memory_space<vmem>>, vector<1x1x16xi32>,
          %get3A_543 = vector.shape_cast %get3A_542 : vector<1x1x16xi32> to vector<16xi32>
          %shift_left3A_544 = arith.constant 16 : i32
          %shift_left3A_545 = vector.broadcast %shift_left3A_544 : i32 to vector<16xi32>
          %shift_left3A_546 = arith.shli %get3A_529, %shift_left3A_545 : vector<16xi32>
          %bitcast_convert_type3A_547 = tpu.bitcast %shift_left3A_546 : vector<16xi32> -> vector<16xf32>
          %shift_left3A_548 = arith.constant 16 : i32
          %shift_left3A_549 = vector.broadcast %shift_left3A_548 : i32 to vector<16xi32>
          %shift_left3A_550 = arith.shli %get3A_536, %shift_left3A_549 : vector<16xi32>
          %bitcast_convert_type3A_551 = tpu.bitcast %shift_left3A_550 : vector<16xi32> -> vector<16xf32>
          %mul3A_552 = arith.mulf %bitcast_convert_type3A_547, %bitcast_convert_type3A_551 : vector<16xf32>
          %shift_left3A_553 = arith.constant 16 : i32
          %shift_left3A_554 = vector.broadcast %shift_left3A_553 : i32 to vector<16xi32>
          %shift_left3A_555 = arith.shli %get3A_543, %shift_left3A_554 : vector<16xi32>
          %bitcast_convert_type3A_556 = tpu.bitcast %shift_left3A_555 : vector<16xi32> -> vector<16xf32>
          %mul3A_557 = arith.mulf %mul3A_552, %bitcast_convert_type3A_556 : vector<16xf32>
          %and3A_558 = arith.constant -65536 : i32
          %and3A_559 = vector.broadcast %and3A_558 : i32 to vector<16xi32>
          %and3A_560 = arith.andi %get3A_529, %and3A_559 : vector<16xi32>
          %bitcast_convert_type3A_561 = tpu.bitcast %and3A_560 : vector<16xi32> -> vector<16xf32>
          %and3A_562 = arith.constant -65536 : i32
          %and3A_563 = vector.broadcast %and3A_562 : i32 to vector<16xi32>
          %and3A_564 = arith.andi %get3A_536, %and3A_563 : vector<16xi32>
          %bitcast_convert_type3A_565 = tpu.bitcast %and3A_564 : vector<16xi32> -> vector<16xf32>
          %mul3A_566 = arith.mulf %bitcast_convert_type3A_561, %bitcast_convert_type3A_565 : vector<16xf32>
          %and3A_567 = arith.constant -65536 : i32
          %and3A_568 = vector.broadcast %and3A_567 : i32 to vector<16xi32>
          %and3A_569 = arith.andi %get3A_543, %and3A_568 : vector<16xi32>
          %bitcast_convert_type3A_570 = tpu.bitcast %and3A_569 : vector<16xi32> -> vector<16xf32>
          %mul3A_571 = arith.mulf %mul3A_566, %bitcast_convert_type3A_570 : vector<16xf32>
          %swap3A_572 = arith.constant 1 : i32
          %swap3A_573 = arith.constant 2 : i32
          %swap3A_574 = arith.index_cast %swap3A_572 : i32 to index
          %swap3A_575 = arith.index_cast %swap3A_573 : i32 to index
          %swap3A_576 = arith.index_cast %multiple_of3A_389 : i32 to index
          %swap3A_577 = tpu.vector_load %arg14[%swap3A_574, %swap3A_575, %swap3A_576] {strides = array<i32>} : memref<4x8x768xf32, #tpu.memory_space<vmem>>, vector<1x1x16xf32>,
          %swap3A_578 = vector.shape_cast %swap3A_577 : vector<1x1x16xf32> to vector<16xf32>
          %swap3A_579 = vector.shape_cast %mul3A_557 : vector<16xf32> to vector<1x1x16xf32>
          tpu.vector_store %arg14[%swap3A_574, %swap3A_575, %swap3A_576], %swap3A_579 {add = true, strides = array<i32>} : memref<4x8x768xf32, #tpu.memory_space<vmem>>, vector<1x1x16xf32>,
          %swap3A_580 = arith.constant 1 : i32
          %swap3A_581 = arith.constant 2 : i32
          %swap3A_582 = arith.index_cast %swap3A_580 : i32 to index
          %swap3A_583 = arith.index_cast %swap3A_581 : i32 to index
          %swap3A_584 = arith.index_cast %multiple_of3A_396 : i32 to index
          %swap3A_585 = tpu.vector_load %arg14[%swap3A_582, %swap3A_583, %swap3A_584] {strides = array<i32>} : memref<4x8x768xf32, #tpu.memory_space<vmem>>, vector<1x1x16xf32>,
          %swap3A_586 = vector.shape_cast %swap3A_585 : vector<1x1x16xf32> to vector<16xf32>
          %swap3A_587 = vector.shape_cast %mul3A_571 : vector<16xf32> to vector<1x1x16xf32>
          tpu.vector_store %arg14[%swap3A_582, %swap3A_583, %swap3A_584], %swap3A_587 {add = true, strides = array<i32>} : memref<4x8x768xf32, #tpu.memory_space<vmem>>, vector<1x1x16xf32>,
          %get3A_588 = arith.constant 1 : i32
          %get3A_589 = arith.constant 3 : i32
          %get3A_590 = arith.index_cast %get3A_588 : i32 to index
          %get3A_591 = arith.index_cast %get3A_589 : i32 to index
          %get3A_592 = arith.index_cast %multiple_of3A : i32 to index
          %get3A_593 = tpu.vector_load %arg11[%get3A_590, %get3A_591, %get3A_592] {strides = array<i32>} : memref<4x8x384xi32, #tpu.memory_space<vmem>>, vector<1x1x16xi32>,
          %get3A_594 = vector.shape_cast %get3A_593 : vector<1x1x16xi32> to vector<16xi32>
          %get3A_595 = arith.constant 1 : i32
          %get3A_596 = arith.constant 3 : i32
          %get3A_597 = arith.index_cast %get3A_595 : i32 to index
          %get3A_598 = arith.index_cast %get3A_596 : i32 to index
          %get3A_599 = arith.index_cast %multiple_of3A : i32 to index
          %get3A_600 = tpu.vector_load %arg12[%get3A_597, %get3A_598, %get3A_599] {strides = array<i32>} : memref<4x8x384xi32, #tpu.memory_space<vmem>>, vector<1x1x16xi32>,
          %get3A_601 = vector.shape_cast %get3A_600 : vector<1x1x16xi32> to vector<16xi32>
          %get3A_602 = arith.constant 1 : i32
          %get3A_603 = arith.constant 3 : i32
          %get3A_604 = arith.index_cast %get3A_602 : i32 to index
          %get3A_605 = arith.index_cast %get3A_603 : i32 to index
          %get3A_606 = arith.index_cast %multiple_of3A : i32 to index
          %get3A_607 = tpu.vector_load %arg13[%get3A_604, %get3A_605, %get3A_606] {strides = array<i32>} : memref<4x8x384xi32, #tpu.memory_space<vmem>>, vector<1x1x16xi32>,
          %get3A_608 = vector.shape_cast %get3A_607 : vector<1x1x16xi32> to vector<16xi32>
          %shift_left3A_609 = arith.constant 16 : i32
          %shift_left3A_610 = vector.broadcast %shift_left3A_609 : i32 to vector<16xi32>
          %shift_left3A_611 = arith.shli %get3A_594, %shift_left3A_610 : vector<16xi32>
          %bitcast_convert_type3A_612 = tpu.bitcast %shift_left3A_611 : vector<16xi32> -> vector<16xf32>
          %shift_left3A_613 = arith.constant 16 : i32
          %shift_left3A_614 = vector.broadcast %shift_left3A_613 : i32 to vector<16xi32>
          %shift_left3A_615 = arith.shli %get3A_601, %shift_left3A_614 : vector<16xi32>
          %bitcast_convert_type3A_616 = tpu.bitcast %shift_left3A_615 : vector<16xi32> -> vector<16xf32>
          %mul3A_617 = arith.mulf %bitcast_convert_type3A_612, %bitcast_convert_type3A_616 : vector<16xf32>
          %shift_left3A_618 = arith.constant 16 : i32
          %shift_left3A_619 = vector.broadcast %shift_left3A_618 : i32 to vector<16xi32>
          %shift_left3A_620 = arith.shli %get3A_608, %shift_left3A_619 : vector<16xi32>
          %bitcast_convert_type3A_621 = tpu.bitcast %shift_left3A_620 : vector<16xi32> -> vector<16xf32>
          %mul3A_622 = arith.mulf %mul3A_617, %bitcast_convert_type3A_621 : vector<16xf32>
          %and3A_623 = arith.constant -65536 : i32
          %and3A_624 = vector.broadcast %and3A_623 : i32 to vector<16xi32>
          %and3A_625 = arith.andi %get3A_594, %and3A_624 : vector<16xi32>
          %bitcast_convert_type3A_626 = tpu.bitcast %and3A_625 : vector<16xi32> -> vector<16xf32>
          %and3A_627 = arith.constant -65536 : i32
          %and3A_628 = vector.broadcast %and3A_627 : i32 to vector<16xi32>
          %and3A_629 = arith.andi %get3A_601, %and3A_628 : vector<16xi32>
          %bitcast_convert_type3A_630 = tpu.bitcast %and3A_629 : vector<16xi32> -> vector<16xf32>
          %mul3A_631 = arith.mulf %bitcast_convert_type3A_626, %bitcast_convert_type3A_630 : vector<16xf32>
          %and3A_632 = arith.constant -65536 : i32
          %and3A_633 = vector.broadcast %and3A_632 : i32 to vector<16xi32>
          %and3A_634 = arith.andi %get3A_608, %and3A_633 : vector<16xi32>
          %bitcast_convert_type3A_635 = tpu.bitcast %and3A_634 : vector<16xi32> -> vector<16xf32>
          %mul3A_636 = arith.mulf %mul3A_631, %bitcast_convert_type3A_635 : vector<16xf32>
          %swap3A_637 = arith.constant 1 : i32
          %swap3A_638 = arith.constant 3 : i32
          %swap3A_639 = arith.index_cast %swap3A_637 : i32 to index
          %swap3A_640 = arith.index_cast %swap3A_638 : i32 to index
          %swap3A_641 = arith.index_cast %multiple_of3A_389 : i32 to index
          %swap3A_642 = tpu.vector_load %arg14[%swap3A_639, %swap3A_640, %swap3A_641] {strides = array<i32>} : memref<4x8x768xf32, #tpu.memory_space<vmem>>, vector<1x1x16xf32>,
          %swap3A_643 = vector.shape_cast %swap3A_642 : vector<1x1x16xf32> to vector<16xf32>
          %swap3A_644 = vector.shape_cast %mul3A_622 : vector<16xf32> to vector<1x1x16xf32>
          tpu.vector_store %arg14[%swap3A_639, %swap3A_640, %swap3A_641], %swap3A_644 {add = true, strides = array<i32>} : memref<4x8x768xf32, #tpu.memory_space<vmem>>, vector<1x1x16xf32>,
          %swap3A_645 = arith.constant 1 : i32
          %swap3A_646 = arith.constant 3 : i32
          %swap3A_647 = arith.index_cast %swap3A_645 : i32 to index
          %swap3A_648 = arith.index_cast %swap3A_646 : i32 to index
          %swap3A_649 = arith.index_cast %multiple_of3A_396 : i32 to index
          %swap3A_650 = tpu.vector_load %arg14[%swap3A_647, %swap3A_648, %swap3A_649] {strides = array<i32>} : memref<4x8x768xf32, #tpu.memory_space<vmem>>, vector<1x1x16xf32>,
          %swap3A_651 = vector.shape_cast %swap3A_650 : vector<1x1x16xf32> to vector<16xf32>
          %swap3A_652 = vector.shape_cast %mul3A_636 : vector<16xf32> to vector<1x1x16xf32>
          tpu.vector_store %arg14[%swap3A_647, %swap3A_648, %swap3A_649], %swap3A_652 {add = true, strides = array<i32>} : memref<4x8x768xf32, #tpu.memory_space<vmem>>, vector<1x1x16xf32>,
          %get3A_653 = arith.constant 1 : i32
          %get3A_654 = arith.constant 4 : i32
          %get3A_655 = arith.index_cast %get3A_653 : i32 to index
          %get3A_656 = arith.index_cast %get3A_654 : i32 to index
          %get3A_657 = arith.index_cast %multiple_of3A : i32 to index
          %get3A_658 = tpu.vector_load %arg11[%get3A_655, %get3A_656, %get3A_657] {strides = array<i32>} : memref<4x8x384xi32, #tpu.memory_space<vmem>>, vector<1x1x16xi32>,
          %get3A_659 = vector.shape_cast %get3A_658 : vector<1x1x16xi32> to vector<16xi32>
          %get3A_660 = arith.constant 1 : i32
          %get3A_661 = arith.constant 4 : i32
          %get3A_662 = arith.index_cast %get3A_660 : i32 to index
          %get3A_663 = arith.index_cast %get3A_661 : i32 to index
          %get3A_664 = arith.index_cast %multiple_of3A : i32 to index
          %get3A_665 = tpu.vector_load %arg12[%get3A_662, %get3A_663, %get3A_664] {strides = array<i32>} : memref<4x8x384xi32, #tpu.memory_space<vmem>>, vector<1x1x16xi32>,
          %get3A_666 = vector.shape_cast %get3A_665 : vector<1x1x16xi32> to vector<16xi32>
          %get3A_667 = arith.constant 1 : i32
          %get3A_668 = arith.constant 4 : i32
          %get3A_669 = arith.index_cast %get3A_667 : i32 to index
          %get3A_670 = arith.index_cast %get3A_668 : i32 to index
          %get3A_671 = arith.index_cast %multiple_of3A : i32 to index
          %get3A_672 = tpu.vector_load %arg13[%get3A_669, %get3A_670, %get3A_671] {strides = array<i32>} : memref<4x8x384xi32, #tpu.memory_space<vmem>>, vector<1x1x16xi32>,
          %get3A_673 = vector.shape_cast %get3A_672 : vector<1x1x16xi32> to vector<16xi32>
          %shift_left3A_674 = arith.constant 16 : i32
          %shift_left3A_675 = vector.broadcast %shift_left3A_674 : i32 to vector<16xi32>
          %shift_left3A_676 = arith.shli %get3A_659, %shift_left3A_675 : vector<16xi32>
          %bitcast_convert_type3A_677 = tpu.bitcast %shift_left3A_676 : vector<16xi32> -> vector<16xf32>
          %shift_left3A_678 = arith.constant 16 : i32
          %shift_left3A_679 = vector.broadcast %shift_left3A_678 : i32 to vector<16xi32>
          %shift_left3A_680 = arith.shli %get3A_666, %shift_left3A_679 : vector<16xi32>
          %bitcast_convert_type3A_681 = tpu.bitcast %shift_left3A_680 : vector<16xi32> -> vector<16xf32>
          %mul3A_682 = arith.mulf %bitcast_convert_type3A_677, %bitcast_convert_type3A_681 : vector<16xf32>
          %shift_left3A_683 = arith.constant 16 : i32
          %shift_left3A_684 = vector.broadcast %shift_left3A_683 : i32 to vector<16xi32>
          %shift_left3A_685 = arith.shli %get3A_673, %shift_left3A_684 : vector<16xi32>
          %bitcast_convert_type3A_686 = tpu.bitcast %shift_left3A_685 : vector<16xi32> -> vector<16xf32>
          %mul3A_687 = arith.mulf %mul3A_682, %bitcast_convert_type3A_686 : vector<16xf32>
          %and3A_688 = arith.constant -65536 : i32
          %and3A_689 = vector.broadcast %and3A_688 : i32 to vector<16xi32>
          %and3A_690 = arith.andi %get3A_659, %and3A_689 : vector<16xi32>
          %bitcast_convert_type3A_691 = tpu.bitcast %and3A_690 : vector<16xi32> -> vector<16xf32>
          %and3A_692 = arith.constant -65536 : i32
          %and3A_693 = vector.broadcast %and3A_692 : i32 to vector<16xi32>
          %and3A_694 = arith.andi %get3A_666, %and3A_693 : vector<16xi32>
          %bitcast_convert_type3A_695 = tpu.bitcast %and3A_694 : vector<16xi32> -> vector<16xf32>
          %mul3A_696 = arith.mulf %bitcast_convert_type3A_691, %bitcast_convert_type3A_695 : vector<16xf32>
          %and3A_697 = arith.constant -65536 : i32
          %and3A_698 = vector.broadcast %and3A_697 : i32 to vector<16xi32>
          %and3A_699 = arith.andi %get3A_673, %and3A_698 : vector<16xi32>
          %bitcast_convert_type3A_700 = tpu.bitcast %and3A_699 : vector<16xi32> -> vector<16xf32>
          %mul3A_701 = arith.mulf %mul3A_696, %bitcast_convert_type3A_700 : vector<16xf32>
          %swap3A_702 = arith.constant 1 : i32
          %swap3A_703 = arith.constant 4 : i32
          %swap3A_704 = arith.index_cast %swap3A_702 : i32 to index
          %swap3A_705 = arith.index_cast %swap3A_703 : i32 to index
          %swap3A_706 = arith.index_cast %multiple_of3A_389 : i32 to index
          %swap3A_707 = tpu.vector_load %arg14[%swap3A_704, %swap3A_705, %swap3A_706] {strides = array<i32>} : memref<4x8x768xf32, #tpu.memory_space<vmem>>, vector<1x1x16xf32>,
          %swap3A_708 = vector.shape_cast %swap3A_707 : vector<1x1x16xf32> to vector<16xf32>
          %swap3A_709 = vector.shape_cast %mul3A_687 : vector<16xf32> to vector<1x1x16xf32>
          tpu.vector_store %arg14[%swap3A_704, %swap3A_705, %swap3A_706], %swap3A_709 {add = true, strides = array<i32>} : memref<4x8x768xf32, #tpu.memory_space<vmem>>, vector<1x1x16xf32>,
          %swap3A_710 = arith.constant 1 : i32
          %swap3A_711 = arith.constant 4 : i32
          %swap3A_712 = arith.index_cast %swap3A_710 : i32 to index
          %swap3A_713 = arith.index_cast %swap3A_711 : i32 to index
          %swap3A_714 = arith.index_cast %multiple_of3A_396 : i32 to index
          %swap3A_715 = tpu.vector_load %arg14[%swap3A_712, %swap3A_713, %swap3A_714] {strides = array<i32>} : memref<4x8x768xf32, #tpu.memory_space<vmem>>, vector<1x1x16xf32>,
          %swap3A_716 = vector.shape_cast %swap3A_715 : vector<1x1x16xf32> to vector<16xf32>
          %swap3A_717 = vector.shape_cast %mul3A_701 : vector<16xf32> to vector<1x1x16xf32>
          tpu.vector_store %arg14[%swap3A_712, %swap3A_713, %swap3A_714], %swap3A_717 {add = true, strides = array<i32>} : memref<4x8x768xf32, #tpu.memory_space<vmem>>, vector<1x1x16xf32>,
          %get3A_718 = arith.constant 1 : i32
          %get3A_719 = arith.constant 5 : i32
          %get3A_720 = arith.index_cast %get3A_718 : i32 to index
          %get3A_721 = arith.index_cast %get3A_719 : i32 to index
          %get3A_722 = arith.index_cast %multiple_of3A : i32 to index
          %get3A_723 = tpu.vector_load %arg11[%get3A_720, %get3A_721, %get3A_722] {strides = array<i32>} : memref<4x8x384xi32, #tpu.memory_space<vmem>>, vector<1x1x16xi32>,
          %get3A_724 = vector.shape_cast %get3A_723 : vector<1x1x16xi32> to vector<16xi32>
          %get3A_725 = arith.constant 1 : i32
          %get3A_726 = arith.constant 5 : i32
          %get3A_727 = arith.index_cast %get3A_725 : i32 to index
          %get3A_728 = arith.index_cast %get3A_726 : i32 to index
          %get3A_729 = arith.index_cast %multiple_of3A : i32 to index
          %get3A_730 = tpu.vector_load %arg12[%get3A_727, %get3A_728, %get3A_729] {strides = array<i32>} : memref<4x8x384xi32, #tpu.memory_space<vmem>>, vector<1x1x16xi32>,
          %get3A_731 = vector.shape_cast %get3A_730 : vector<1x1x16xi32> to vector<16xi32>
          %get3A_732 = arith.constant 1 : i32
          %get3A_733 = arith.constant 5 : i32
          %get3A_734 = arith.index_cast %get3A_732 : i32 to index
          %get3A_735 = arith.index_cast %get3A_733 : i32 to index
          %get3A_736 = arith.index_cast %multiple_of3A : i32 to index
          %get3A_737 = tpu.vector_load %arg13[%get3A_734, %get3A_735, %get3A_736] {strides = array<i32>} : memref<4x8x384xi32, #tpu.memory_space<vmem>>, vector<1x1x16xi32>,
          %get3A_738 = vector.shape_cast %get3A_737 : vector<1x1x16xi32> to vector<16xi32>
          %shift_left3A_739 = arith.constant 16 : i32
          %shift_left3A_740 = vector.broadcast %shift_left3A_739 : i32 to vector<16xi32>
          %shift_left3A_741 = arith.shli %get3A_724, %shift_left3A_740 : vector<16xi32>
          %bitcast_convert_type3A_742 = tpu.bitcast %shift_left3A_741 : vector<16xi32> -> vector<16xf32>
          %shift_left3A_743 = arith.constant 16 : i32
          %shift_left3A_744 = vector.broadcast %shift_left3A_743 : i32 to vector<16xi32>
          %shift_left3A_745 = arith.shli %get3A_731, %shift_left3A_744 : vector<16xi32>
          %bitcast_convert_type3A_746 = tpu.bitcast %shift_left3A_745 : vector<16xi32> -> vector<16xf32>
          %mul3A_747 = arith.mulf %bitcast_convert_type3A_742, %bitcast_convert_type3A_746 : vector<16xf32>
          %shift_left3A_748 = arith.constant 16 : i32
          %shift_left3A_749 = vector.broadcast %shift_left3A_748 : i32 to vector<16xi32>
          %shift_left3A_750 = arith.shli %get3A_738, %shift_left3A_749 : vector<16xi32>
          %bitcast_convert_type3A_751 = tpu.bitcast %shift_left3A_750 : vector<16xi32> -> vector<16xf32>
          %mul3A_752 = arith.mulf %mul3A_747, %bitcast_convert_type3A_751 : vector<16xf32>
          %and3A_753 = arith.constant -65536 : i32
          %and3A_754 = vector.broadcast %and3A_753 : i32 to vector<16xi32>
          %and3A_755 = arith.andi %get3A_724, %and3A_754 : vector<16xi32>
          %bitcast_convert_type3A_756 = tpu.bitcast %and3A_755 : vector<16xi32> -> vector<16xf32>
          %and3A_757 = arith.constant -65536 : i32
          %and3A_758 = vector.broadcast %and3A_757 : i32 to vector<16xi32>
          %and3A_759 = arith.andi %get3A_731, %and3A_758 : vector<16xi32>
          %bitcast_convert_type3A_760 = tpu.bitcast %and3A_759 : vector<16xi32> -> vector<16xf32>
          %mul3A_761 = arith.mulf %bitcast_convert_type3A_756, %bitcast_convert_type3A_760 : vector<16xf32>
          %and3A_762 = arith.constant -65536 : i32
          %and3A_763 = vector.broadcast %and3A_762 : i32 to vector<16xi32>
          %and3A_764 = arith.andi %get3A_738, %and3A_763 : vector<16xi32>
          %bitcast_convert_type3A_765 = tpu.bitcast %and3A_764 : vector<16xi32> -> vector<16xf32>
          %mul3A_766 = arith.mulf %mul3A_761, %bitcast_convert_type3A_765 : vector<16xf32>
          %swap3A_767 = arith.constant 1 : i32
          %swap3A_768 = arith.constant 5 : i32
          %swap3A_769 = arith.index_cast %swap3A_767 : i32 to index
          %swap3A_770 = arith.index_cast %swap3A_768 : i32 to index
          %swap3A_771 = arith.index_cast %multiple_of3A_389 : i32 to index
          %swap3A_772 = tpu.vector_load %arg14[%swap3A_769, %swap3A_770, %swap3A_771] {strides = array<i32>} : memref<4x8x768xf32, #tpu.memory_space<vmem>>, vector<1x1x16xf32>,
          %swap3A_773 = vector.shape_cast %swap3A_772 : vector<1x1x16xf32> to vector<16xf32>
          %swap3A_774 = vector.shape_cast %mul3A_752 : vector<16xf32> to vector<1x1x16xf32>
          tpu.vector_store %arg14[%swap3A_769, %swap3A_770, %swap3A_771], %swap3A_774 {add = true, strides = array<i32>} : memref<4x8x768xf32, #tpu.memory_space<vmem>>, vector<1x1x16xf32>,
          %swap3A_775 = arith.constant 1 : i32
          %swap3A_776 = arith.constant 5 : i32
          %swap3A_777 = arith.index_cast %swap3A_775 : i32 to index
          %swap3A_778 = arith.index_cast %swap3A_776 : i32 to index
          %swap3A_779 = arith.index_cast %multiple_of3A_396 : i32 to index
          %swap3A_780 = tpu.vector_load %arg14[%swap3A_777, %swap3A_778, %swap3A_779] {strides = array<i32>} : memref<4x8x768xf32, #tpu.memory_space<vmem>>, vector<1x1x16xf32>,
          %swap3A_781 = vector.shape_cast %swap3A_780 : vector<1x1x16xf32> to vector<16xf32>
          %swap3A_782 = vector.shape_cast %mul3A_766 : vector<16xf32> to vector<1x1x16xf32>
          tpu.vector_store %arg14[%swap3A_777, %swap3A_778, %swap3A_779], %swap3A_782 {add = true, strides = array<i32>} : memref<4x8x768xf32, #tpu.memory_space<vmem>>, vector<1x1x16xf32>,
          %get3A_783 = arith.constant 1 : i32
          %get3A_784 = arith.constant 6 : i32
          %get3A_785 = arith.index_cast %get3A_783 : i32 to index
          %get3A_786 = arith.index_cast %get3A_784 : i32 to index
          %get3A_787 = arith.index_cast %multiple_of3A : i32 to index
          %get3A_788 = tpu.vector_load %arg11[%get3A_785, %get3A_786, %get3A_787] {strides = array<i32>} : memref<4x8x384xi32, #tpu.memory_space<vmem>>, vector<1x1x16xi32>,
          %get3A_789 = vector.shape_cast %get3A_788 : vector<1x1x16xi32> to vector<16xi32>
          %get3A_790 = arith.constant 1 : i32
          %get3A_791 = arith.constant 6 : i32
          %get3A_792 = arith.index_cast %get3A_790 : i32 to index
          %get3A_793 = arith.index_cast %get3A_791 : i32 to index
          %get3A_794 = arith.index_cast %multiple_of3A : i32 to index
          %get3A_795 = tpu.vector_load %arg12[%get3A_792, %get3A_793, %get3A_794] {strides = array<i32>} : memref<4x8x384xi32, #tpu.memory_space<vmem>>, vector<1x1x16xi32>,
          %get3A_796 = vector.shape_cast %get3A_795 : vector<1x1x16xi32> to vector<16xi32>
          %get3A_797 = arith.constant 1 : i32
          %get3A_798 = arith.constant 6 : i32
          %get3A_799 = arith.index_cast %get3A_797 : i32 to index
          %get3A_800 = arith.index_cast %get3A_798 : i32 to index
          %get3A_801 = arith.index_cast %multiple_of3A : i32 to index
          %get3A_802 = tpu.vector_load %arg13[%get3A_799, %get3A_800, %get3A_801] {strides = array<i32>} : memref<4x8x384xi32, #tpu.memory_space<vmem>>, vector<1x1x16xi32>,
          %get3A_803 = vector.shape_cast %get3A_802 : vector<1x1x16xi32> to vector<16xi32>
          %shift_left3A_804 = arith.constant 16 : i32
          %shift_left3A_805 = vector.broadcast %shift_left3A_804 : i32 to vector<16xi32>
          %shift_left3A_806 = arith.shli %get3A_789, %shift_left3A_805 : vector<16xi32>
          %bitcast_convert_type3A_807 = tpu.bitcast %shift_left3A_806 : vector<16xi32> -> vector<16xf32>
          %shift_left3A_808 = arith.constant 16 : i32
          %shift_left3A_809 = vector.broadcast %shift_left3A_808 : i32 to vector<16xi32>
          %shift_left3A_810 = arith.shli %get3A_796, %shift_left3A_809 : vector<16xi32>
          %bitcast_convert_type3A_811 = tpu.bitcast %shift_left3A_810 : vector<16xi32> -> vector<16xf32>
          %mul3A_812 = arith.mulf %bitcast_convert_type3A_807, %bitcast_convert_type3A_811 : vector<16xf32>
          %shift_left3A_813 = arith.constant 16 : i32
          %shift_left3A_814 = vector.broadcast %shift_left3A_813 : i32 to vector<16xi32>
          %shift_left3A_815 = arith.shli %get3A_803, %shift_left3A_814 : vector<16xi32>
          %bitcast_convert_type3A_816 = tpu.bitcast %shift_left3A_815 : vector<16xi32> -> vector<16xf32>
          %mul3A_817 = arith.mulf %mul3A_812, %bitcast_convert_type3A_816 : vector<16xf32>
          %and3A_818 = arith.constant -65536 : i32
          %and3A_819 = vector.broadcast %and3A_818 : i32 to vector<16xi32>
          %and3A_820 = arith.andi %get3A_789, %and3A_819 : vector<16xi32>
          %bitcast_convert_type3A_821 = tpu.bitcast %and3A_820 : vector<16xi32> -> vector<16xf32>
          %and3A_822 = arith.constant -65536 : i32
          %and3A_823 = vector.broadcast %and3A_822 : i32 to vector<16xi32>
          %and3A_824 = arith.andi %get3A_796, %and3A_823 : vector<16xi32>
          %bitcast_convert_type3A_825 = tpu.bitcast %and3A_824 : vector<16xi32> -> vector<16xf32>
          %mul3A_826 = arith.mulf %bitcast_convert_type3A_821, %bitcast_convert_type3A_825 : vector<16xf32>
          %and3A_827 = arith.constant -65536 : i32
          %and3A_828 = vector.broadcast %and3A_827 : i32 to vector<16xi32>
          %and3A_829 = arith.andi %get3A_803, %and3A_828 : vector<16xi32>
          %bitcast_convert_type3A_830 = tpu.bitcast %and3A_829 : vector<16xi32> -> vector<16xf32>
          %mul3A_831 = arith.mulf %mul3A_826, %bitcast_convert_type3A_830 : vector<16xf32>
          %swap3A_832 = arith.constant 1 : i32
          %swap3A_833 = arith.constant 6 : i32
          %swap3A_834 = arith.index_cast %swap3A_832 : i32 to index
          %swap3A_835 = arith.index_cast %swap3A_833 : i32 to index
          %swap3A_836 = arith.index_cast %multiple_of3A_389 : i32 to index
          %swap3A_837 = tpu.vector_load %arg14[%swap3A_834, %swap3A_835, %swap3A_836] {strides = array<i32>} : memref<4x8x768xf32, #tpu.memory_space<vmem>>, vector<1x1x16xf32>,
          %swap3A_838 = vector.shape_cast %swap3A_837 : vector<1x1x16xf32> to vector<16xf32>
          %swap3A_839 = vector.shape_cast %mul3A_817 : vector<16xf32> to vector<1x1x16xf32>
          tpu.vector_store %arg14[%swap3A_834, %swap3A_835, %swap3A_836], %swap3A_839 {add = true, strides = array<i32>} : memref<4x8x768xf32, #tpu.memory_space<vmem>>, vector<1x1x16xf32>,
          %swap3A_840 = arith.constant 1 : i32
          %swap3A_841 = arith.constant 6 : i32
          %swap3A_842 = arith.index_cast %swap3A_840 : i32 to index
          %swap3A_843 = arith.index_cast %swap3A_841 : i32 to index
          %swap3A_844 = arith.index_cast %multiple_of3A_396 : i32 to index
          %swap3A_845 = tpu.vector_load %arg14[%swap3A_842, %swap3A_843, %swap3A_844] {strides = array<i32>} : memref<4x8x768xf32, #tpu.memory_space<vmem>>, vector<1x1x16xf32>,
          %swap3A_846 = vector.shape_cast %swap3A_845 : vector<1x1x16xf32> to vector<16xf32>
          %swap3A_847 = vector.shape_cast %mul3A_831 : vector<16xf32> to vector<1x1x16xf32>
          tpu.vector_store %arg14[%swap3A_842, %swap3A_843, %swap3A_844], %swap3A_847 {add = true, strides = array<i32>} : memref<4x8x768xf32, #tpu.memory_space<vmem>>, vector<1x1x16xf32>,
          %get3A_848 = arith.constant 1 : i32
          %get3A_849 = arith.constant 7 : i32
          %get3A_850 = arith.index_cast %get3A_848 : i32 to index
          %get3A_851 = arith.index_cast %get3A_849 : i32 to index
          %get3A_852 = arith.index_cast %multiple_of3A : i32 to index
          %get3A_853 = tpu.vector_load %arg11[%get3A_850, %get3A_851, %get3A_852] {strides = array<i32>} : memref<4x8x384xi32, #tpu.memory_space<vmem>>, vector<1x1x16xi32>,
          %get3A_854 = vector.shape_cast %get3A_853 : vector<1x1x16xi32> to vector<16xi32>
          %get3A_855 = arith.constant 1 : i32
          %get3A_856 = arith.constant 7 : i32
          %get3A_857 = arith.index_cast %get3A_855 : i32 to index
          %get3A_858 = arith.index_cast %get3A_856 : i32 to index
          %get3A_859 = arith.index_cast %multiple_of3A : i32 to index
          %get3A_860 = tpu.vector_load %arg12[%get3A_857, %get3A_858, %get3A_859] {strides = array<i32>} : memref<4x8x384xi32, #tpu.memory_space<vmem>>, vector<1x1x16xi32>,
          %get3A_861 = vector.shape_cast %get3A_860 : vector<1x1x16xi32> to vector<16xi32>
          %get3A_862 = arith.constant 1 : i32
          %get3A_863 = arith.constant 7 : i32
          %get3A_864 = arith.index_cast %get3A_862 : i32 to index
          %get3A_865 = arith.index_cast %get3A_863 : i32 to index
          %get3A_866 = arith.index_cast %multiple_of3A : i32 to index
          %get3A_867 = tpu.vector_load %arg13[%get3A_864, %get3A_865, %get3A_866] {strides = array<i32>} : memref<4x8x384xi32, #tpu.memory_space<vmem>>, vector<1x1x16xi32>,
          %get3A_868 = vector.shape_cast %get3A_867 : vector<1x1x16xi32> to vector<16xi32>
          %shift_left3A_869 = arith.constant 16 : i32
          %shift_left3A_870 = vector.broadcast %shift_left3A_869 : i32 to vector<16xi32>
          %shift_left3A_871 = arith.shli %get3A_854, %shift_left3A_870 : vector<16xi32>
          %bitcast_convert_type3A_872 = tpu.bitcast %shift_left3A_871 : vector<16xi32> -> vector<16xf32>
          %shift_left3A_873 = arith.constant 16 : i32
          %shift_left3A_874 = vector.broadcast %shift_left3A_873 : i32 to vector<16xi32>
          %shift_left3A_875 = arith.shli %get3A_861, %shift_left3A_874 : vector<16xi32>
          %bitcast_convert_type3A_876 = tpu.bitcast %shift_left3A_875 : vector<16xi32> -> vector<16xf32>
          %mul3A_877 = arith.mulf %bitcast_convert_type3A_872, %bitcast_convert_type3A_876 : vector<16xf32>
          %shift_left3A_878 = arith.constant 16 : i32
          %shift_left3A_879 = vector.broadcast %shift_left3A_878 : i32 to vector<16xi32>
          %shift_left3A_880 = arith.shli %get3A_868, %shift_left3A_879 : vector<16xi32>
          %bitcast_convert_type3A_881 = tpu.bitcast %shift_left3A_880 : vector<16xi32> -> vector<16xf32>
          %mul3A_882 = arith.mulf %mul3A_877, %bitcast_convert_type3A_881 : vector<16xf32>
          %and3A_883 = arith.constant -65536 : i32
          %and3A_884 = vector.broadcast %and3A_883 : i32 to vector<16xi32>
          %and3A_885 = arith.andi %get3A_854, %and3A_884 : vector<16xi32>
          %bitcast_convert_type3A_886 = tpu.bitcast %and3A_885 : vector<16xi32> -> vector<16xf32>
          %and3A_887 = arith.constant -65536 : i32
          %and3A_888 = vector.broadcast %and3A_887 : i32 to vector<16xi32>
          %and3A_889 = arith.andi %get3A_861, %and3A_888 : vector<16xi32>
          %bitcast_convert_type3A_890 = tpu.bitcast %and3A_889 : vector<16xi32> -> vector<16xf32>
          %mul3A_891 = arith.mulf %bitcast_convert_type3A_886, %bitcast_convert_type3A_890 : vector<16xf32>
          %and3A_892 = arith.constant -65536 : i32
          %and3A_893 = vector.broadcast %and3A_892 : i32 to vector<16xi32>
          %and3A_894 = arith.andi %get3A_868, %and3A_893 : vector<16xi32>
          %bitcast_convert_type3A_895 = tpu.bitcast %and3A_894 : vector<16xi32> -> vector<16xf32>
          %mul3A_896 = arith.mulf %mul3A_891, %bitcast_convert_type3A_895 : vector<16xf32>
          %swap3A_897 = arith.constant 1 : i32
          %swap3A_898 = arith.constant 7 : i32
          %swap3A_899 = arith.index_cast %swap3A_897 : i32 to index
          %swap3A_900 = arith.index_cast %swap3A_898 : i32 to index
          %swap3A_901 = arith.index_cast %multiple_of3A_389 : i32 to index
          %swap3A_902 = tpu.vector_load %arg14[%swap3A_899, %swap3A_900, %swap3A_901] {strides = array<i32>} : memref<4x8x768xf32, #tpu.memory_space<vmem>>, vector<1x1x16xf32>,
          %swap3A_903 = vector.shape_cast %swap3A_902 : vector<1x1x16xf32> to vector<16xf32>
          %swap3A_904 = vector.shape_cast %mul3A_882 : vector<16xf32> to vector<1x1x16xf32>
          tpu.vector_store %arg14[%swap3A_899, %swap3A_900, %swap3A_901], %swap3A_904 {add = true, strides = array<i32>} : memref<4x8x768xf32, #tpu.memory_space<vmem>>, vector<1x1x16xf32>,
          %swap3A_905 = arith.constant 1 : i32
          %swap3A_906 = arith.constant 7 : i32
          %swap3A_907 = arith.index_cast %swap3A_905 : i32 to index
          %swap3A_908 = arith.index_cast %swap3A_906 : i32 to index
          %swap3A_909 = arith.index_cast %multiple_of3A_396 : i32 to index
          %swap3A_910 = tpu.vector_load %arg14[%swap3A_907, %swap3A_908, %swap3A_909] {strides = array<i32>} : memref<4x8x768xf32, #tpu.memory_space<vmem>>, vector<1x1x16xf32>,
          %swap3A_911 = vector.shape_cast %swap3A_910 : vector<1x1x16xf32> to vector<16xf32>
          %swap3A_912 = vector.shape_cast %mul3A_896 : vector<16xf32> to vector<1x1x16xf32>
          tpu.vector_store %arg14[%swap3A_907, %swap3A_908, %swap3A_909], %swap3A_912 {add = true, strides = array<i32>} : memref<4x8x768xf32, #tpu.memory_space<vmem>>, vector<1x1x16xf32>,
        }
        %scan3A_365 = arith.constant 24 : i32
        %mul3A_366 = arith.constant 8 : i32
        %mul3A_367 = arith.muli %add3A_234, %mul3A_366 : i32
        %add3A_368 = arith.addi %mul3A_2, %mul3A_367 : i32
        %dma_start3A_369 = arith.constant 1 : i32
        %dma_start3A_370 = arith.constant 0 : i32
        %dma_start3A_371 = arith.constant 0 : i32
        %dma_start3A_372 = tpu.memref_slice %arg14[%dma_start3A_369, %dma_start3A_370, %dma_start3A_371] : memref<4x8x768xf32, #tpu.memory_space<vmem>> -> memref<1x8x768xf32, #tpu.memory_space<vmem>>
        %dma_start3A_373 = tpu.memref_squeeze %dma_start3A_372 : memref<1x8x768xf32, #tpu.memory_space<vmem>> -> memref<8x768xf32, #tpu.memory_space<vmem>>
        %dma_start3A_374 = arith.constant 0 : i32
        %dma_start3A_375 = tpu.memref_slice %arg8[%add3A_368, %dma_start3A_374] : memref<160000x768xf32, #tpu.memory_space<hbm>> -> memref<8x768xf32, #tpu.memory_space<hbm>>
        %dma_start3A_376 = arith.constant 0 : i32
        %dma_start3A_377 = tpu.memref_slice %arg8[%add3A_368, %dma_start3A_376] : memref<160000x768xf32, #tpu.memory_space<hbm>> -> memref<8x768xf32, #tpu.memory_space<hbm>>
        %dma_start3A_378 = arith.constant 0 : i32
        %dma_start3A_379 = arith.constant 0 : i32
        %dma_start3A_380 = tpu.memref_slice %arg14[%dma_start3A_369, %dma_start3A_378, %dma_start3A_379] : memref<4x8x768xf32, #tpu.memory_space<vmem>> -> memref<1x8x768xf32, #tpu.memory_space<vmem>>
        %dma_start3A_381 = tpu.memref_squeeze %dma_start3A_380 : memref<1x8x768xf32, #tpu.memory_space<vmem>> -> memref<8x768xf32, #tpu.memory_space<vmem>>
        tpu.enqueue_dma source(%dma_start3A_381 : memref<8x768xf32, #tpu.memory_space<vmem>>) target(%dma_start3A_377 : memref<8x768xf32, #tpu.memory_space<hbm>>) target_semaphore(%arg20 : memref<!tpu.dma_semaphore, #tpu.memory_space<semaphore_mem>>)
      } else {
      }
      %add3A_240 = arith.constant 4 : i32
      %add3A_241 = arith.addi %add3A_234, %add3A_240 : i32
      %sub3A_242 = arith.constant 1 : i32
      %sub3A_243 = arith.subi %add3A_241, %sub3A_242 : i32
      %ge3A_244 = arith.constant 4 : i32
      %ge3A_245 = arith.cmpi sge, %sub3A_243, %ge3A_244 : i32
      %lt3A_246 = arith.constant 625 : i32
      %lt3A_247 = arith.cmpi slt, %sub3A_243, %lt3A_246 : i32
      %and3A_248 = arith.andi %ge3A_245, %lt3A_247 : i1
      %convert_element_type3A_249 = arith.extui %and3A_248 : i1 to i32
      %cond3A_250 = arith.constant 0 : i32
      %cond3A_251 = arith.cmpi ne, %convert_element_type3A_249, %cond3A_250 : i32
      scf.if %cond3A_251 {
        %sub3A_309 = arith.constant 4 : i32
        %sub3A_310 = arith.subi %sub3A_243, %sub3A_309 : i32
        %mul3A_311 = arith.constant 8 : i32
        %mul3A_312 = arith.muli %sub3A_310, %mul3A_311 : i32
        %add3A_313 = arith.addi %mul3A_2, %mul3A_312 : i32
        %dma_wait3A_314 = arith.constant 0 : i32
        %dma_wait3A_315 = arith.constant 0 : i32
        %dma_wait3A_316 = arith.constant 0 : i32
        %dma_wait3A_317 = tpu.memref_slice %arg14[%dma_wait3A_314, %dma_wait3A_315, %dma_wait3A_316] : memref<4x8x768xf32, #tpu.memory_space<vmem>> -> memref<1x8x768xf32, #tpu.memory_space<vmem>>
        %dma_wait3A_318 = tpu.memref_squeeze %dma_wait3A_317 : memref<1x8x768xf32, #tpu.memory_space<vmem>> -> memref<8x768xf32, #tpu.memory_space<vmem>>
        %dma_wait3A_319 = arith.constant 0 : i32
        %dma_wait3A_320 = tpu.memref_slice %arg8[%add3A_313, %dma_wait3A_319] : memref<160000x768xf32, #tpu.memory_space<hbm>> -> memref<8x768xf32, #tpu.memory_space<hbm>>
        %dma_wait3A_321 = arith.constant 0 : i32
        %dma_wait3A_322 = tpu.memref_slice %arg8[%add3A_313, %dma_wait3A_321] : memref<160000x768xf32, #tpu.memory_space<hbm>> -> memref<8x768xf32, #tpu.memory_space<hbm>>
        %dma_wait3A_323 = arith.constant 0 : i32
        %dma_wait3A_324 = arith.constant 0 : i32
        %dma_wait3A_325 = tpu.memref_slice %arg14[%dma_wait3A_314, %dma_wait3A_323, %dma_wait3A_324] : memref<4x8x768xf32, #tpu.memory_space<vmem>> -> memref<1x8x768xf32, #tpu.memory_space<vmem>>
        %dma_wait3A_326 = tpu.memref_squeeze %dma_wait3A_325 : memref<1x8x768xf32, #tpu.memory_space<vmem>> -> memref<8x768xf32, #tpu.memory_space<vmem>>
        tpu.wait_dma2 semaphore(%arg19 : memref<!tpu.dma_semaphore, #tpu.memory_space<semaphore_mem>>) src(%dma_wait3A_326 : memref<8x768xf32, #tpu.memory_space<vmem>>) dst(%dma_wait3A_322 : memref<8x768xf32, #tpu.memory_space<hbm>>)
      } else {
      }
      %lt3A_252 = arith.constant 625 : i32
      %lt3A_253 = arith.cmpi slt, %sub3A_243, %lt3A_252 : i32
      %convert_element_type3A_254 = arith.extui %lt3A_253 : i1 to i32
      %cond3A_255 = arith.constant 0 : i32
      %cond3A_256 = arith.cmpi ne, %convert_element_type3A_254, %cond3A_255 : i32
      scf.if %cond3A_256 {
        %mul3A_309 = arith.constant 8 : i32
        %mul3A_310 = arith.muli %sub3A_243, %mul3A_309 : i32
        %add3A_311 = arith.addi %mul3A_2, %mul3A_310 : i32
        %mul3A_312 = arith.constant 8 : i32
        %mul3A_313 = arith.muli %sub3A_243, %mul3A_312 : i32
        %mul3A_314 = arith.constant 8 : i32
        %mul3A_315 = arith.muli %sub3A_243, %mul3A_314 : i32
        %dma_start3A_316 = arith.constant 0 : i32
        %dma_start3A_317 = arith.constant 0 : i32
        %dma_start3A_318 = arith.constant 0 : i32
        %dma_start3A_319 = tpu.memref_slice %arg11[%dma_start3A_316, %dma_start3A_317, %dma_start3A_318] : memref<4x8x384xi32, #tpu.memory_space<vmem>> -> memref<1x8x384xi32, #tpu.memory_space<vmem>>
        %dma_start3A_320 = tpu.memref_squeeze %dma_start3A_319 : memref<1x8x384xi32, #tpu.memory_space<vmem>> -> memref<8x384xi32, #tpu.memory_space<vmem>>
        %dma_start3A_321 = tpu.memref_slice %arg9[%mul3A_313] : memref<5000xi32, #tpu.memory_space<vmem>> -> memref<8xi32, #tpu.memory_space<vmem>>
        %dma_start3A_322 = arith.constant 0 : i32
        %dma_start3A_323 = arith.constant 0 : i32
        %dma_start3A_324 = tpu.memref_slice %arg2[%dma_start3A_322, %dma_start3A_323] : memref<10000x384xi32, #tpu.memory_space<hbm>> -> memref<10000x384xi32, #tpu.memory_space<hbm>>
        tpu.enqueue_indirect_dma source(%dma_start3A_324 : memref<10000x384xi32, #tpu.memory_space<hbm>>) target(%dma_start3A_320 : memref<8x384xi32, #tpu.memory_space<vmem>>) offsets(%dma_start3A_321 : memref<8xi32, #tpu.memory_space<vmem>>) semaphore(%arg15 : memref<!tpu.dma_semaphore, #tpu.memory_space<semaphore_mem>>)
        %dma_start3A_325 = arith.constant 0 : i32
        %dma_start3A_326 = arith.constant 0 : i32
        %dma_start3A_327 = arith.constant 0 : i32
        %dma_start3A_328 = tpu.memref_slice %arg12[%dma_start3A_325, %dma_start3A_326, %dma_start3A_327] : memref<4x8x384xi32, #tpu.memory_space<vmem>> -> memref<1x8x384xi32, #tpu.memory_space<vmem>>
        %dma_start3A_329 = tpu.memref_squeeze %dma_start3A_328 : memref<1x8x384xi32, #tpu.memory_space<vmem>> -> memref<8x384xi32, #tpu.memory_space<vmem>>
        %dma_start3A_330 = tpu.memref_slice %arg10[%mul3A_315] : memref<5000xi32, #tpu.memory_space<vmem>> -> memref<8xi32, #tpu.memory_space<vmem>>
        %dma_start3A_331 = arith.constant 0 : i32
        %dma_start3A_332 = arith.constant 0 : i32
        %dma_start3A_333 = tpu.memref_slice %arg3[%dma_start3A_331, %dma_start3A_332] : memref<10000x384xi32, #tpu.memory_space<hbm>> -> memref<10000x384xi32, #tpu.memory_space<hbm>>
        tpu.enqueue_indirect_dma source(%dma_start3A_333 : memref<10000x384xi32, #tpu.memory_space<hbm>>) target(%dma_start3A_329 : memref<8x384xi32, #tpu.memory_space<vmem>>) offsets(%dma_start3A_330 : memref<8xi32, #tpu.memory_space<vmem>>) semaphore(%arg15 : memref<!tpu.dma_semaphore, #tpu.memory_space<semaphore_mem>>)
        %dma_start3A_334 = arith.constant 0 : i32
        %dma_start3A_335 = arith.constant 0 : i32
        %dma_start3A_336 = arith.constant 0 : i32
        %dma_start3A_337 = tpu.memref_slice %arg13[%dma_start3A_334, %dma_start3A_335, %dma_start3A_336] : memref<4x8x384xi32, #tpu.memory_space<vmem>> -> memref<1x8x384xi32, #tpu.memory_space<vmem>>
        %dma_start3A_338 = tpu.memref_squeeze %dma_start3A_337 : memref<1x8x384xi32, #tpu.memory_space<vmem>> -> memref<8x384xi32, #tpu.memory_space<vmem>>
        %dma_start3A_339 = arith.constant 0 : i32
        %dma_start3A_340 = tpu.memref_slice %arg4[%add3A_311, %dma_start3A_339] : memref<160000x384xi32, #tpu.memory_space<hbm>> -> memref<8x384xi32, #tpu.memory_space<hbm>>
        %dma_start3A_341 = arith.constant 0 : i32
        %dma_start3A_342 = arith.constant 0 : i32
        %dma_start3A_343 = tpu.memref_slice %arg13[%dma_start3A_334, %dma_start3A_341, %dma_start3A_342] : memref<4x8x384xi32, #tpu.memory_space<vmem>> -> memref<1x8x384xi32, #tpu.memory_space<vmem>>
        %dma_start3A_344 = tpu.memref_squeeze %dma_start3A_343 : memref<1x8x384xi32, #tpu.memory_space<vmem>> -> memref<8x384xi32, #tpu.memory_space<vmem>>
        %dma_start3A_345 = arith.constant 0 : i32
        %dma_start3A_346 = tpu.memref_slice %arg4[%add3A_311, %dma_start3A_345] : memref<160000x384xi32, #tpu.memory_space<hbm>> -> memref<8x384xi32, #tpu.memory_space<hbm>>
        tpu.enqueue_dma source(%dma_start3A_346 : memref<8x384xi32, #tpu.memory_space<hbm>>) target(%dma_start3A_344 : memref<8x384xi32, #tpu.memory_space<vmem>>) target_semaphore(%arg15 : memref<!tpu.dma_semaphore, #tpu.memory_space<semaphore_mem>>)
        %dma_start3A_347 = arith.constant 0 : i32
        %dma_start3A_348 = arith.constant 0 : i32
        %dma_start3A_349 = arith.constant 0 : i32
        %dma_start3A_350 = tpu.memref_slice %arg14[%dma_start3A_347, %dma_start3A_348, %dma_start3A_349] : memref<4x8x768xf32, #tpu.memory_space<vmem>> -> memref<1x8x768xf32, #tpu.memory_space<vmem>>
        %dma_start3A_351 = tpu.memref_squeeze %dma_start3A_350 : memref<1x8x768xf32, #tpu.memory_space<vmem>> -> memref<8x768xf32, #tpu.memory_space<vmem>>
        %dma_start3A_352 = arith.constant 0 : i32
        %dma_start3A_353 = tpu.memref_slice %arg5[%add3A_311, %dma_start3A_352] : memref<160000x768xf32, #tpu.memory_space<hbm>> -> memref<8x768xf32, #tpu.memory_space<hbm>>
        %dma_start3A_354 = arith.constant 0 : i32
        %dma_start3A_355 = arith.constant 0 : i32
        %dma_start3A_356 = tpu.memref_slice %arg14[%dma_start3A_347, %dma_start3A_354, %dma_start3A_355] : memref<4x8x768xf32, #tpu.memory_space<vmem>> -> memref<1x8x768xf32, #tpu.memory_space<vmem>>
        %dma_start3A_357 = tpu.memref_squeeze %dma_start3A_356 : memref<1x8x768xf32, #tpu.memory_space<vmem>> -> memref<8x768xf32, #tpu.memory_space<vmem>>
        %dma_start3A_358 = arith.constant 0 : i32
        %dma_start3A_359 = tpu.memref_slice %arg5[%add3A_311, %dma_start3A_358] : memref<160000x768xf32, #tpu.memory_space<hbm>> -> memref<8x768xf32, #tpu.memory_space<hbm>>
        tpu.enqueue_dma source(%dma_start3A_359 : memref<8x768xf32, #tpu.memory_space<hbm>>) target(%dma_start3A_357 : memref<8x768xf32, #tpu.memory_space<vmem>>) target_semaphore(%arg15 : memref<!tpu.dma_semaphore, #tpu.memory_space<semaphore_mem>>)
      } else {
      }
      %mul3A_257 = arith.constant 4 : i32
      %mul3A_258 = arith.muli %scan3A_210, %mul3A_257 : i32
      %add3A_259 = arith.constant 2 : i32
      %add3A_260 = arith.addi %mul3A_258, %add3A_259 : i32
      %lt3A_261 = arith.constant 625 : i32
      %lt3A_262 = arith.cmpi slt, %add3A_260, %lt3A_261 : i32
      %convert_element_type3A_263 = arith.extui %lt3A_262 : i1 to i32
      %cond3A_264 = arith.constant 0 : i32
      %cond3A_265 = arith.cmpi ne, %convert_element_type3A_263, %cond3A_264 : i32
      scf.if %cond3A_265 {
        %mul3A_309 = arith.constant 8 : i32
        %mul3A_310 = arith.muli %add3A_260, %mul3A_309 : i32
        %add3A_311 = arith.addi %mul3A_2, %mul3A_310 : i32
        %mul3A_312 = arith.constant 8 : i32
        %mul3A_313 = arith.muli %add3A_260, %mul3A_312 : i32
        %mul3A_314 = arith.constant 8 : i32
        %mul3A_315 = arith.muli %add3A_260, %mul3A_314 : i32
        %dma_wait3A_316 = arith.constant 2 : i32
        %dma_wait3A_317 = arith.constant 0 : i32
        %dma_wait3A_318 = arith.constant 0 : i32
        %dma_wait3A_319 = tpu.memref_slice %arg11[%dma_wait3A_316, %dma_wait3A_317, %dma_wait3A_318] : memref<4x8x384xi32, #tpu.memory_space<vmem>> -> memref<1x8x384xi32, #tpu.memory_space<vmem>>
        %dma_wait3A_320 = tpu.memref_squeeze %dma_wait3A_319 : memref<1x8x384xi32, #tpu.memory_space<vmem>> -> memref<8x384xi32, #tpu.memory_space<vmem>>
        %dma_wait3A_321 = tpu.memref_slice %arg9[%mul3A_313] : memref<5000xi32, #tpu.memory_space<vmem>> -> memref<8xi32, #tpu.memory_space<vmem>>
        %dma_wait3A_322 = arith.constant 0 : i32
        %dma_wait3A_323 = arith.constant 0 : i32
        %dma_wait3A_324 = tpu.memref_slice %arg2[%dma_wait3A_322, %dma_wait3A_323] : memref<10000x384xi32, #tpu.memory_space<hbm>> -> memref<10000x384xi32, #tpu.memory_space<hbm>>
        tpu.wait_indirect_dma semaphore(%arg17 : memref<!tpu.dma_semaphore, #tpu.memory_space<semaphore_mem>>) src(%dma_wait3A_324 : memref<10000x384xi32, #tpu.memory_space<hbm>>) dst(%dma_wait3A_320 : memref<8x384xi32, #tpu.memory_space<vmem>>)
        %dma_wait3A_325 = arith.constant 2 : i32
        %dma_wait3A_326 = arith.constant 0 : i32
        %dma_wait3A_327 = arith.constant 0 : i32
        %dma_wait3A_328 = tpu.memref_slice %arg12[%dma_wait3A_325, %dma_wait3A_326, %dma_wait3A_327] : memref<4x8x384xi32, #tpu.memory_space<vmem>> -> memref<1x8x384xi32, #tpu.memory_space<vmem>>
        %dma_wait3A_329 = tpu.memref_squeeze %dma_wait3A_328 : memref<1x8x384xi32, #tpu.memory_space<vmem>> -> memref<8x384xi32, #tpu.memory_space<vmem>>
        %dma_wait3A_330 = tpu.memref_slice %arg10[%mul3A_315] : memref<5000xi32, #tpu.memory_space<vmem>> -> memref<8xi32, #tpu.memory_space<vmem>>
        %dma_wait3A_331 = arith.constant 0 : i32
        %dma_wait3A_332 = arith.constant 0 : i32
        %dma_wait3A_333 = tpu.memref_slice %arg3[%dma_wait3A_331, %dma_wait3A_332] : memref<10000x384xi32, #tpu.memory_space<hbm>> -> memref<10000x384xi32, #tpu.memory_space<hbm>>
        tpu.wait_indirect_dma semaphore(%arg17 : memref<!tpu.dma_semaphore, #tpu.memory_space<semaphore_mem>>) src(%dma_wait3A_333 : memref<10000x384xi32, #tpu.memory_space<hbm>>) dst(%dma_wait3A_329 : memref<8x384xi32, #tpu.memory_space<vmem>>)
        %dma_wait3A_334 = arith.constant 2 : i32
        %dma_wait3A_335 = arith.constant 0 : i32
        %dma_wait3A_336 = arith.constant 0 : i32
        %dma_wait3A_337 = tpu.memref_slice %arg13[%dma_wait3A_334, %dma_wait3A_335, %dma_wait3A_336] : memref<4x8x384xi32, #tpu.memory_space<vmem>> -> memref<1x8x384xi32, #tpu.memory_space<vmem>>
        %dma_wait3A_338 = tpu.memref_squeeze %dma_wait3A_337 : memref<1x8x384xi32, #tpu.memory_space<vmem>> -> memref<8x384xi32, #tpu.memory_space<vmem>>
        %dma_wait3A_339 = arith.constant 0 : i32
        %dma_wait3A_340 = tpu.memref_slice %arg4[%add3A_311, %dma_wait3A_339] : memref<160000x384xi32, #tpu.memory_space<hbm>> -> memref<8x384xi32, #tpu.memory_space<hbm>>
        %dma_wait3A_341 = arith.constant 0 : i32
        %dma_wait3A_342 = arith.constant 0 : i32
        %dma_wait3A_343 = tpu.memref_slice %arg13[%dma_wait3A_334, %dma_wait3A_341, %dma_wait3A_342] : memref<4x8x384xi32, #tpu.memory_space<vmem>> -> memref<1x8x384xi32, #tpu.memory_space<vmem>>
        %dma_wait3A_344 = tpu.memref_squeeze %dma_wait3A_343 : memref<1x8x384xi32, #tpu.memory_space<vmem>> -> memref<8x384xi32, #tpu.memory_space<vmem>>
        %dma_wait3A_345 = arith.constant 0 : i32
        %dma_wait3A_346 = tpu.memref_slice %arg4[%add3A_311, %dma_wait3A_345] : memref<160000x384xi32, #tpu.memory_space<hbm>> -> memref<8x384xi32, #tpu.memory_space<hbm>>
        tpu.wait_dma2 semaphore(%arg17 : memref<!tpu.dma_semaphore, #tpu.memory_space<semaphore_mem>>) src(%dma_wait3A_346 : memref<8x384xi32, #tpu.memory_space<hbm>>) dst(%dma_wait3A_344 : memref<8x384xi32, #tpu.memory_space<vmem>>)
        %dma_wait3A_347 = arith.constant 2 : i32
        %dma_wait3A_348 = arith.constant 0 : i32
        %dma_wait3A_349 = arith.constant 0 : i32
        %dma_wait3A_350 = tpu.memref_slice %arg14[%dma_wait3A_347, %dma_wait3A_348, %dma_wait3A_349] : memref<4x8x768xf32, #tpu.memory_space<vmem>> -> memref<1x8x768xf32, #tpu.memory_space<vmem>>
        %dma_wait3A_351 = tpu.memref_squeeze %dma_wait3A_350 : memref<1x8x768xf32, #tpu.memory_space<vmem>> -> memref<8x768xf32, #tpu.memory_space<vmem>>
        %dma_wait3A_352 = arith.constant 0 : i32
        %dma_wait3A_353 = tpu.memref_slice %arg5[%add3A_311, %dma_wait3A_352] : memref<160000x768xf32, #tpu.memory_space<hbm>> -> memref<8x768xf32, #tpu.memory_space<hbm>>
        %dma_wait3A_354 = arith.constant 0 : i32
        %dma_wait3A_355 = arith.constant 0 : i32
        %dma_wait3A_356 = tpu.memref_slice %arg14[%dma_wait3A_347, %dma_wait3A_354, %dma_wait3A_355] : memref<4x8x768xf32, #tpu.memory_space<vmem>> -> memref<1x8x768xf32, #tpu.memory_space<vmem>>
        %dma_wait3A_357 = tpu.memref_squeeze %dma_wait3A_356 : memref<1x8x768xf32, #tpu.memory_space<vmem>> -> memref<8x768xf32, #tpu.memory_space<vmem>>
        %dma_wait3A_358 = arith.constant 0 : i32
        %dma_wait3A_359 = tpu.memref_slice %arg5[%add3A_311, %dma_wait3A_358] : memref<160000x768xf32, #tpu.memory_space<hbm>> -> memref<8x768xf32, #tpu.memory_space<hbm>>
        tpu.wait_dma2 semaphore(%arg17 : memref<!tpu.dma_semaphore, #tpu.memory_space<semaphore_mem>>) src(%dma_wait3A_359 : memref<8x768xf32, #tpu.memory_space<hbm>>) dst(%dma_wait3A_357 : memref<8x768xf32, #tpu.memory_space<vmem>>)
        %scan3A_360 = arith.constant 0 : i32
        %scan3A_361 = arith.constant 0 : i32
        %scan3A_362 = arith.constant 24 : i32
        %scan3A_363 = arith.addi %scan3A_361, %scan3A_362 : i32
        %scan3A_364 = arith.constant 1 : i32
        scf.for %scan3A_382 = %scan3A_361 to %scan3A_363 step %scan3A_364  : i32 {
          %mul3A_383 = arith.constant 16 : i32
          %mul3A_384 = arith.muli %scan3A_382, %mul3A_383 : i32
          %multiple_of3A = tpu.assume_multiple %mul3A_384, 16 : i32
          %mul3A_385 = arith.constant 2 : i32
          %mul3A_386 = arith.muli %scan3A_382, %mul3A_385 : i32
          %mul3A_387 = arith.constant 16 : i32
          %mul3A_388 = arith.muli %mul3A_386, %mul3A_387 : i32
          %multiple_of3A_389 = tpu.assume_multiple %mul3A_388, 32 : i32
          %mul3A_390 = arith.constant 2 : i32
          %mul3A_391 = arith.muli %scan3A_382, %mul3A_390 : i32
          %mul3A_392 = arith.constant 16 : i32
          %mul3A_393 = arith.muli %mul3A_391, %mul3A_392 : i32
          %add3A_394 = arith.constant 16 : i32
          %add3A_395 = arith.addi %mul3A_393, %add3A_394 : i32
          %multiple_of3A_396 = tpu.assume_multiple %add3A_395, 16 : i32
          %get3A = arith.constant 2 : i32
          %get3A_397 = arith.constant 0 : i32
          %get3A_398 = arith.index_cast %get3A : i32 to index
          %get3A_399 = arith.index_cast %get3A_397 : i32 to index
          %get3A_400 = arith.index_cast %multiple_of3A : i32 to index
          %get3A_401 = tpu.vector_load %arg11[%get3A_398, %get3A_399, %get3A_400] {strides = array<i32>} : memref<4x8x384xi32, #tpu.memory_space<vmem>>, vector<1x1x16xi32>,
          %get3A_402 = vector.shape_cast %get3A_401 : vector<1x1x16xi32> to vector<16xi32>
          %get3A_403 = arith.constant 2 : i32
          %get3A_404 = arith.constant 0 : i32
          %get3A_405 = arith.index_cast %get3A_403 : i32 to index
          %get3A_406 = arith.index_cast %get3A_404 : i32 to index
          %get3A_407 = arith.index_cast %multiple_of3A : i32 to index
          %get3A_408 = tpu.vector_load %arg12[%get3A_405, %get3A_406, %get3A_407] {strides = array<i32>} : memref<4x8x384xi32, #tpu.memory_space<vmem>>, vector<1x1x16xi32>,
          %get3A_409 = vector.shape_cast %get3A_408 : vector<1x1x16xi32> to vector<16xi32>
          %get3A_410 = arith.constant 2 : i32
          %get3A_411 = arith.constant 0 : i32
          %get3A_412 = arith.index_cast %get3A_410 : i32 to index
          %get3A_413 = arith.index_cast %get3A_411 : i32 to index
          %get3A_414 = arith.index_cast %multiple_of3A : i32 to index
          %get3A_415 = tpu.vector_load %arg13[%get3A_412, %get3A_413, %get3A_414] {strides = array<i32>} : memref<4x8x384xi32, #tpu.memory_space<vmem>>, vector<1x1x16xi32>,
          %get3A_416 = vector.shape_cast %get3A_415 : vector<1x1x16xi32> to vector<16xi32>
          %shift_left3A = arith.constant 16 : i32
          %shift_left3A_417 = vector.broadcast %shift_left3A : i32 to vector<16xi32>
          %shift_left3A_418 = arith.shli %get3A_402, %shift_left3A_417 : vector<16xi32>
          %bitcast_convert_type3A = tpu.bitcast %shift_left3A_418 : vector<16xi32> -> vector<16xf32>
          %shift_left3A_419 = arith.constant 16 : i32
          %shift_left3A_420 = vector.broadcast %shift_left3A_419 : i32 to vector<16xi32>
          %shift_left3A_421 = arith.shli %get3A_409, %shift_left3A_420 : vector<16xi32>
          %bitcast_convert_type3A_422 = tpu.bitcast %shift_left3A_421 : vector<16xi32> -> vector<16xf32>
          %mul3A_423 = arith.mulf %bitcast_convert_type3A, %bitcast_convert_type3A_422 : vector<16xf32>
          %shift_left3A_424 = arith.constant 16 : i32
          %shift_left3A_425 = vector.broadcast %shift_left3A_424 : i32 to vector<16xi32>
          %shift_left3A_426 = arith.shli %get3A_416, %shift_left3A_425 : vector<16xi32>
          %bitcast_convert_type3A_427 = tpu.bitcast %shift_left3A_426 : vector<16xi32> -> vector<16xf32>
          %mul3A_428 = arith.mulf %mul3A_423, %bitcast_convert_type3A_427 : vector<16xf32>
          %and3A_429 = arith.constant -65536 : i32
          %and3A_430 = vector.broadcast %and3A_429 : i32 to vector<16xi32>
          %and3A_431 = arith.andi %get3A_402, %and3A_430 : vector<16xi32>
          %bitcast_convert_type3A_432 = tpu.bitcast %and3A_431 : vector<16xi32> -> vector<16xf32>
          %and3A_433 = arith.constant -65536 : i32
          %and3A_434 = vector.broadcast %and3A_433 : i32 to vector<16xi32>
          %and3A_435 = arith.andi %get3A_409, %and3A_434 : vector<16xi32>
          %bitcast_convert_type3A_436 = tpu.bitcast %and3A_435 : vector<16xi32> -> vector<16xf32>
          %mul3A_437 = arith.mulf %bitcast_convert_type3A_432, %bitcast_convert_type3A_436 : vector<16xf32>
          %and3A_438 = arith.constant -65536 : i32
          %and3A_439 = vector.broadcast %and3A_438 : i32 to vector<16xi32>
          %and3A_440 = arith.andi %get3A_416, %and3A_439 : vector<16xi32>
          %bitcast_convert_type3A_441 = tpu.bitcast %and3A_440 : vector<16xi32> -> vector<16xf32>
          %mul3A_442 = arith.mulf %mul3A_437, %bitcast_convert_type3A_441 : vector<16xf32>
          %swap3A = arith.constant 2 : i32
          %swap3A_443 = arith.constant 0 : i32
          %swap3A_444 = arith.index_cast %swap3A : i32 to index
          %swap3A_445 = arith.index_cast %swap3A_443 : i32 to index
          %swap3A_446 = arith.index_cast %multiple_of3A_389 : i32 to index
          %swap3A_447 = tpu.vector_load %arg14[%swap3A_444, %swap3A_445, %swap3A_446] {strides = array<i32>} : memref<4x8x768xf32, #tpu.memory_space<vmem>>, vector<1x1x16xf32>,
          %swap3A_448 = vector.shape_cast %swap3A_447 : vector<1x1x16xf32> to vector<16xf32>
          %swap3A_449 = vector.shape_cast %mul3A_428 : vector<16xf32> to vector<1x1x16xf32>
          tpu.vector_store %arg14[%swap3A_444, %swap3A_445, %swap3A_446], %swap3A_449 {add = true, strides = array<i32>} : memref<4x8x768xf32, #tpu.memory_space<vmem>>, vector<1x1x16xf32>,
          %swap3A_450 = arith.constant 2 : i32
          %swap3A_451 = arith.constant 0 : i32
          %swap3A_452 = arith.index_cast %swap3A_450 : i32 to index
          %swap3A_453 = arith.index_cast %swap3A_451 : i32 to index
          %swap3A_454 = arith.index_cast %multiple_of3A_396 : i32 to index
          %swap3A_455 = tpu.vector_load %arg14[%swap3A_452, %swap3A_453, %swap3A_454] {strides = array<i32>} : memref<4x8x768xf32, #tpu.memory_space<vmem>>, vector<1x1x16xf32>,
          %swap3A_456 = vector.shape_cast %swap3A_455 : vector<1x1x16xf32> to vector<16xf32>
          %swap3A_457 = vector.shape_cast %mul3A_442 : vector<16xf32> to vector<1x1x16xf32>
          tpu.vector_store %arg14[%swap3A_452, %swap3A_453, %swap3A_454], %swap3A_457 {add = true, strides = array<i32>} : memref<4x8x768xf32, #tpu.memory_space<vmem>>, vector<1x1x16xf32>,
          %get3A_458 = arith.constant 2 : i32
          %get3A_459 = arith.constant 1 : i32
          %get3A_460 = arith.index_cast %get3A_458 : i32 to index
          %get3A_461 = arith.index_cast %get3A_459 : i32 to index
          %get3A_462 = arith.index_cast %multiple_of3A : i32 to index
          %get3A_463 = tpu.vector_load %arg11[%get3A_460, %get3A_461, %get3A_462] {strides = array<i32>} : memref<4x8x384xi32, #tpu.memory_space<vmem>>, vector<1x1x16xi32>,
          %get3A_464 = vector.shape_cast %get3A_463 : vector<1x1x16xi32> to vector<16xi32>
          %get3A_465 = arith.constant 2 : i32
          %get3A_466 = arith.constant 1 : i32
          %get3A_467 = arith.index_cast %get3A_465 : i32 to index
          %get3A_468 = arith.index_cast %get3A_466 : i32 to index
          %get3A_469 = arith.index_cast %multiple_of3A : i32 to index
          %get3A_470 = tpu.vector_load %arg12[%get3A_467, %get3A_468, %get3A_469] {strides = array<i32>} : memref<4x8x384xi32, #tpu.memory_space<vmem>>, vector<1x1x16xi32>,
          %get3A_471 = vector.shape_cast %get3A_470 : vector<1x1x16xi32> to vector<16xi32>
          %get3A_472 = arith.constant 2 : i32
          %get3A_473 = arith.constant 1 : i32
          %get3A_474 = arith.index_cast %get3A_472 : i32 to index
          %get3A_475 = arith.index_cast %get3A_473 : i32 to index
          %get3A_476 = arith.index_cast %multiple_of3A : i32 to index
          %get3A_477 = tpu.vector_load %arg13[%get3A_474, %get3A_475, %get3A_476] {strides = array<i32>} : memref<4x8x384xi32, #tpu.memory_space<vmem>>, vector<1x1x16xi32>,
          %get3A_478 = vector.shape_cast %get3A_477 : vector<1x1x16xi32> to vector<16xi32>
          %shift_left3A_479 = arith.constant 16 : i32
          %shift_left3A_480 = vector.broadcast %shift_left3A_479 : i32 to vector<16xi32>
          %shift_left3A_481 = arith.shli %get3A_464, %shift_left3A_480 : vector<16xi32>
          %bitcast_convert_type3A_482 = tpu.bitcast %shift_left3A_481 : vector<16xi32> -> vector<16xf32>
          %shift_left3A_483 = arith.constant 16 : i32
          %shift_left3A_484 = vector.broadcast %shift_left3A_483 : i32 to vector<16xi32>
          %shift_left3A_485 = arith.shli %get3A_471, %shift_left3A_484 : vector<16xi32>
          %bitcast_convert_type3A_486 = tpu.bitcast %shift_left3A_485 : vector<16xi32> -> vector<16xf32>
          %mul3A_487 = arith.mulf %bitcast_convert_type3A_482, %bitcast_convert_type3A_486 : vector<16xf32>
          %shift_left3A_488 = arith.constant 16 : i32
          %shift_left3A_489 = vector.broadcast %shift_left3A_488 : i32 to vector<16xi32>
          %shift_left3A_490 = arith.shli %get3A_478, %shift_left3A_489 : vector<16xi32>
          %bitcast_convert_type3A_491 = tpu.bitcast %shift_left3A_490 : vector<16xi32> -> vector<16xf32>
          %mul3A_492 = arith.mulf %mul3A_487, %bitcast_convert_type3A_491 : vector<16xf32>
          %and3A_493 = arith.constant -65536 : i32
          %and3A_494 = vector.broadcast %and3A_493 : i32 to vector<16xi32>
          %and3A_495 = arith.andi %get3A_464, %and3A_494 : vector<16xi32>
          %bitcast_convert_type3A_496 = tpu.bitcast %and3A_495 : vector<16xi32> -> vector<16xf32>
          %and3A_497 = arith.constant -65536 : i32
          %and3A_498 = vector.broadcast %and3A_497 : i32 to vector<16xi32>
          %and3A_499 = arith.andi %get3A_471, %and3A_498 : vector<16xi32>
          %bitcast_convert_type3A_500 = tpu.bitcast %and3A_499 : vector<16xi32> -> vector<16xf32>
          %mul3A_501 = arith.mulf %bitcast_convert_type3A_496, %bitcast_convert_type3A_500 : vector<16xf32>
          %and3A_502 = arith.constant -65536 : i32
          %and3A_503 = vector.broadcast %and3A_502 : i32 to vector<16xi32>
          %and3A_504 = arith.andi %get3A_478, %and3A_503 : vector<16xi32>
          %bitcast_convert_type3A_505 = tpu.bitcast %and3A_504 : vector<16xi32> -> vector<16xf32>
          %mul3A_506 = arith.mulf %mul3A_501, %bitcast_convert_type3A_505 : vector<16xf32>
          %swap3A_507 = arith.constant 2 : i32
          %swap3A_508 = arith.constant 1 : i32
          %swap3A_509 = arith.index_cast %swap3A_507 : i32 to index
          %swap3A_510 = arith.index_cast %swap3A_508 : i32 to index
          %swap3A_511 = arith.index_cast %multiple_of3A_389 : i32 to index
          %swap3A_512 = tpu.vector_load %arg14[%swap3A_509, %swap3A_510, %swap3A_511] {strides = array<i32>} : memref<4x8x768xf32, #tpu.memory_space<vmem>>, vector<1x1x16xf32>,
          %swap3A_513 = vector.shape_cast %swap3A_512 : vector<1x1x16xf32> to vector<16xf32>
          %swap3A_514 = vector.shape_cast %mul3A_492 : vector<16xf32> to vector<1x1x16xf32>
          tpu.vector_store %arg14[%swap3A_509, %swap3A_510, %swap3A_511], %swap3A_514 {add = true, strides = array<i32>} : memref<4x8x768xf32, #tpu.memory_space<vmem>>, vector<1x1x16xf32>,
          %swap3A_515 = arith.constant 2 : i32
          %swap3A_516 = arith.constant 1 : i32
          %swap3A_517 = arith.index_cast %swap3A_515 : i32 to index
          %swap3A_518 = arith.index_cast %swap3A_516 : i32 to index
          %swap3A_519 = arith.index_cast %multiple_of3A_396 : i32 to index
          %swap3A_520 = tpu.vector_load %arg14[%swap3A_517, %swap3A_518, %swap3A_519] {strides = array<i32>} : memref<4x8x768xf32, #tpu.memory_space<vmem>>, vector<1x1x16xf32>,
          %swap3A_521 = vector.shape_cast %swap3A_520 : vector<1x1x16xf32> to vector<16xf32>
          %swap3A_522 = vector.shape_cast %mul3A_506 : vector<16xf32> to vector<1x1x16xf32>
          tpu.vector_store %arg14[%swap3A_517, %swap3A_518, %swap3A_519], %swap3A_522 {add = true, strides = array<i32>} : memref<4x8x768xf32, #tpu.memory_space<vmem>>, vector<1x1x16xf32>,
          %get3A_523 = arith.constant 2 : i32
          %get3A_524 = arith.constant 2 : i32
          %get3A_525 = arith.index_cast %get3A_523 : i32 to index
          %get3A_526 = arith.index_cast %get3A_524 : i32 to index
          %get3A_527 = arith.index_cast %multiple_of3A : i32 to index
          %get3A_528 = tpu.vector_load %arg11[%get3A_525, %get3A_526, %get3A_527] {strides = array<i32>} : memref<4x8x384xi32, #tpu.memory_space<vmem>>, vector<1x1x16xi32>,
          %get3A_529 = vector.shape_cast %get3A_528 : vector<1x1x16xi32> to vector<16xi32>
          %get3A_530 = arith.constant 2 : i32
          %get3A_531 = arith.constant 2 : i32
          %get3A_532 = arith.index_cast %get3A_530 : i32 to index
          %get3A_533 = arith.index_cast %get3A_531 : i32 to index
          %get3A_534 = arith.index_cast %multiple_of3A : i32 to index
          %get3A_535 = tpu.vector_load %arg12[%get3A_532, %get3A_533, %get3A_534] {strides = array<i32>} : memref<4x8x384xi32, #tpu.memory_space<vmem>>, vector<1x1x16xi32>,
          %get3A_536 = vector.shape_cast %get3A_535 : vector<1x1x16xi32> to vector<16xi32>
          %get3A_537 = arith.constant 2 : i32
          %get3A_538 = arith.constant 2 : i32
          %get3A_539 = arith.index_cast %get3A_537 : i32 to index
          %get3A_540 = arith.index_cast %get3A_538 : i32 to index
          %get3A_541 = arith.index_cast %multiple_of3A : i32 to index
          %get3A_542 = tpu.vector_load %arg13[%get3A_539, %get3A_540, %get3A_541] {strides = array<i32>} : memref<4x8x384xi32, #tpu.memory_space<vmem>>, vector<1x1x16xi32>,
          %get3A_543 = vector.shape_cast %get3A_542 : vector<1x1x16xi32> to vector<16xi32>
          %shift_left3A_544 = arith.constant 16 : i32
          %shift_left3A_545 = vector.broadcast %shift_left3A_544 : i32 to vector<16xi32>
          %shift_left3A_546 = arith.shli %get3A_529, %shift_left3A_545 : vector<16xi32>
          %bitcast_convert_type3A_547 = tpu.bitcast %shift_left3A_546 : vector<16xi32> -> vector<16xf32>
          %shift_left3A_548 = arith.constant 16 : i32
          %shift_left3A_549 = vector.broadcast %shift_left3A_548 : i32 to vector<16xi32>
          %shift_left3A_550 = arith.shli %get3A_536, %shift_left3A_549 : vector<16xi32>
          %bitcast_convert_type3A_551 = tpu.bitcast %shift_left3A_550 : vector<16xi32> -> vector<16xf32>
          %mul3A_552 = arith.mulf %bitcast_convert_type3A_547, %bitcast_convert_type3A_551 : vector<16xf32>
          %shift_left3A_553 = arith.constant 16 : i32
          %shift_left3A_554 = vector.broadcast %shift_left3A_553 : i32 to vector<16xi32>
          %shift_left3A_555 = arith.shli %get3A_543, %shift_left3A_554 : vector<16xi32>
          %bitcast_convert_type3A_556 = tpu.bitcast %shift_left3A_555 : vector<16xi32> -> vector<16xf32>
          %mul3A_557 = arith.mulf %mul3A_552, %bitcast_convert_type3A_556 : vector<16xf32>
          %and3A_558 = arith.constant -65536 : i32
          %and3A_559 = vector.broadcast %and3A_558 : i32 to vector<16xi32>
          %and3A_560 = arith.andi %get3A_529, %and3A_559 : vector<16xi32>
          %bitcast_convert_type3A_561 = tpu.bitcast %and3A_560 : vector<16xi32> -> vector<16xf32>
          %and3A_562 = arith.constant -65536 : i32
          %and3A_563 = vector.broadcast %and3A_562 : i32 to vector<16xi32>
          %and3A_564 = arith.andi %get3A_536, %and3A_563 : vector<16xi32>
          %bitcast_convert_type3A_565 = tpu.bitcast %and3A_564 : vector<16xi32> -> vector<16xf32>
          %mul3A_566 = arith.mulf %bitcast_convert_type3A_561, %bitcast_convert_type3A_565 : vector<16xf32>
          %and3A_567 = arith.constant -65536 : i32
          %and3A_568 = vector.broadcast %and3A_567 : i32 to vector<16xi32>
          %and3A_569 = arith.andi %get3A_543, %and3A_568 : vector<16xi32>
          %bitcast_convert_type3A_570 = tpu.bitcast %and3A_569 : vector<16xi32> -> vector<16xf32>
          %mul3A_571 = arith.mulf %mul3A_566, %bitcast_convert_type3A_570 : vector<16xf32>
          %swap3A_572 = arith.constant 2 : i32
          %swap3A_573 = arith.constant 2 : i32
          %swap3A_574 = arith.index_cast %swap3A_572 : i32 to index
          %swap3A_575 = arith.index_cast %swap3A_573 : i32 to index
          %swap3A_576 = arith.index_cast %multiple_of3A_389 : i32 to index
          %swap3A_577 = tpu.vector_load %arg14[%swap3A_574, %swap3A_575, %swap3A_576] {strides = array<i32>} : memref<4x8x768xf32, #tpu.memory_space<vmem>>, vector<1x1x16xf32>,
          %swap3A_578 = vector.shape_cast %swap3A_577 : vector<1x1x16xf32> to vector<16xf32>
          %swap3A_579 = vector.shape_cast %mul3A_557 : vector<16xf32> to vector<1x1x16xf32>
          tpu.vector_store %arg14[%swap3A_574, %swap3A_575, %swap3A_576], %swap3A_579 {add = true, strides = array<i32>} : memref<4x8x768xf32, #tpu.memory_space<vmem>>, vector<1x1x16xf32>,
          %swap3A_580 = arith.constant 2 : i32
          %swap3A_581 = arith.constant 2 : i32
          %swap3A_582 = arith.index_cast %swap3A_580 : i32 to index
          %swap3A_583 = arith.index_cast %swap3A_581 : i32 to index
          %swap3A_584 = arith.index_cast %multiple_of3A_396 : i32 to index
          %swap3A_585 = tpu.vector_load %arg14[%swap3A_582, %swap3A_583, %swap3A_584] {strides = array<i32>} : memref<4x8x768xf32, #tpu.memory_space<vmem>>, vector<1x1x16xf32>,
          %swap3A_586 = vector.shape_cast %swap3A_585 : vector<1x1x16xf32> to vector<16xf32>
          %swap3A_587 = vector.shape_cast %mul3A_571 : vector<16xf32> to vector<1x1x16xf32>
          tpu.vector_store %arg14[%swap3A_582, %swap3A_583, %swap3A_584], %swap3A_587 {add = true, strides = array<i32>} : memref<4x8x768xf32, #tpu.memory_space<vmem>>, vector<1x1x16xf32>,
          %get3A_588 = arith.constant 2 : i32
          %get3A_589 = arith.constant 3 : i32
          %get3A_590 = arith.index_cast %get3A_588 : i32 to index
          %get3A_591 = arith.index_cast %get3A_589 : i32 to index
          %get3A_592 = arith.index_cast %multiple_of3A : i32 to index
          %get3A_593 = tpu.vector_load %arg11[%get3A_590, %get3A_591, %get3A_592] {strides = array<i32>} : memref<4x8x384xi32, #tpu.memory_space<vmem>>, vector<1x1x16xi32>,
          %get3A_594 = vector.shape_cast %get3A_593 : vector<1x1x16xi32> to vector<16xi32>
          %get3A_595 = arith.constant 2 : i32
          %get3A_596 = arith.constant 3 : i32
          %get3A_597 = arith.index_cast %get3A_595 : i32 to index
          %get3A_598 = arith.index_cast %get3A_596 : i32 to index
          %get3A_599 = arith.index_cast %multiple_of3A : i32 to index
          %get3A_600 = tpu.vector_load %arg12[%get3A_597, %get3A_598, %get3A_599] {strides = array<i32>} : memref<4x8x384xi32, #tpu.memory_space<vmem>>, vector<1x1x16xi32>,
          %get3A_601 = vector.shape_cast %get3A_600 : vector<1x1x16xi32> to vector<16xi32>
          %get3A_602 = arith.constant 2 : i32
          %get3A_603 = arith.constant 3 : i32
          %get3A_604 = arith.index_cast %get3A_602 : i32 to index
          %get3A_605 = arith.index_cast %get3A_603 : i32 to index
          %get3A_606 = arith.index_cast %multiple_of3A : i32 to index
          %get3A_607 = tpu.vector_load %arg13[%get3A_604, %get3A_605, %get3A_606] {strides = array<i32>} : memref<4x8x384xi32, #tpu.memory_space<vmem>>, vector<1x1x16xi32>,
          %get3A_608 = vector.shape_cast %get3A_607 : vector<1x1x16xi32> to vector<16xi32>
          %shift_left3A_609 = arith.constant 16 : i32
          %shift_left3A_610 = vector.broadcast %shift_left3A_609 : i32 to vector<16xi32>
          %shift_left3A_611 = arith.shli %get3A_594, %shift_left3A_610 : vector<16xi32>
          %bitcast_convert_type3A_612 = tpu.bitcast %shift_left3A_611 : vector<16xi32> -> vector<16xf32>
          %shift_left3A_613 = arith.constant 16 : i32
          %shift_left3A_614 = vector.broadcast %shift_left3A_613 : i32 to vector<16xi32>
          %shift_left3A_615 = arith.shli %get3A_601, %shift_left3A_614 : vector<16xi32>
          %bitcast_convert_type3A_616 = tpu.bitcast %shift_left3A_615 : vector<16xi32> -> vector<16xf32>
          %mul3A_617 = arith.mulf %bitcast_convert_type3A_612, %bitcast_convert_type3A_616 : vector<16xf32>
          %shift_left3A_618 = arith.constant 16 : i32
          %shift_left3A_619 = vector.broadcast %shift_left3A_618 : i32 to vector<16xi32>
          %shift_left3A_620 = arith.shli %get3A_608, %shift_left3A_619 : vector<16xi32>
          %bitcast_convert_type3A_621 = tpu.bitcast %shift_left3A_620 : vector<16xi32> -> vector<16xf32>
          %mul3A_622 = arith.mulf %mul3A_617, %bitcast_convert_type3A_621 : vector<16xf32>
          %and3A_623 = arith.constant -65536 : i32
          %and3A_624 = vector.broadcast %and3A_623 : i32 to vector<16xi32>
          %and3A_625 = arith.andi %get3A_594, %and3A_624 : vector<16xi32>
          %bitcast_convert_type3A_626 = tpu.bitcast %and3A_625 : vector<16xi32> -> vector<16xf32>
          %and3A_627 = arith.constant -65536 : i32
          %and3A_628 = vector.broadcast %and3A_627 : i32 to vector<16xi32>
          %and3A_629 = arith.andi %get3A_601, %and3A_628 : vector<16xi32>
          %bitcast_convert_type3A_630 = tpu.bitcast %and3A_629 : vector<16xi32> -> vector<16xf32>
          %mul3A_631 = arith.mulf %bitcast_convert_type3A_626, %bitcast_convert_type3A_630 : vector<16xf32>
          %and3A_632 = arith.constant -65536 : i32
          %and3A_633 = vector.broadcast %and3A_632 : i32 to vector<16xi32>
          %and3A_634 = arith.andi %get3A_608, %and3A_633 : vector<16xi32>
          %bitcast_convert_type3A_635 = tpu.bitcast %and3A_634 : vector<16xi32> -> vector<16xf32>
          %mul3A_636 = arith.mulf %mul3A_631, %bitcast_convert_type3A_635 : vector<16xf32>
          %swap3A_637 = arith.constant 2 : i32
          %swap3A_638 = arith.constant 3 : i32
          %swap3A_639 = arith.index_cast %swap3A_637 : i32 to index
          %swap3A_640 = arith.index_cast %swap3A_638 : i32 to index
          %swap3A_641 = arith.index_cast %multiple_of3A_389 : i32 to index
          %swap3A_642 = tpu.vector_load %arg14[%swap3A_639, %swap3A_640, %swap3A_641] {strides = array<i32>} : memref<4x8x768xf32, #tpu.memory_space<vmem>>, vector<1x1x16xf32>,
          %swap3A_643 = vector.shape_cast %swap3A_642 : vector<1x1x16xf32> to vector<16xf32>
          %swap3A_644 = vector.shape_cast %mul3A_622 : vector<16xf32> to vector<1x1x16xf32>
          tpu.vector_store %arg14[%swap3A_639, %swap3A_640, %swap3A_641], %swap3A_644 {add = true, strides = array<i32>} : memref<4x8x768xf32, #tpu.memory_space<vmem>>, vector<1x1x16xf32>,
          %swap3A_645 = arith.constant 2 : i32
          %swap3A_646 = arith.constant 3 : i32
          %swap3A_647 = arith.index_cast %swap3A_645 : i32 to index
          %swap3A_648 = arith.index_cast %swap3A_646 : i32 to index
          %swap3A_649 = arith.index_cast %multiple_of3A_396 : i32 to index
          %swap3A_650 = tpu.vector_load %arg14[%swap3A_647, %swap3A_648, %swap3A_649] {strides = array<i32>} : memref<4x8x768xf32, #tpu.memory_space<vmem>>, vector<1x1x16xf32>,
          %swap3A_651 = vector.shape_cast %swap3A_650 : vector<1x1x16xf32> to vector<16xf32>
          %swap3A_652 = vector.shape_cast %mul3A_636 : vector<16xf32> to vector<1x1x16xf32>
          tpu.vector_store %arg14[%swap3A_647, %swap3A_648, %swap3A_649], %swap3A_652 {add = true, strides = array<i32>} : memref<4x8x768xf32, #tpu.memory_space<vmem>>, vector<1x1x16xf32>,
          %get3A_653 = arith.constant 2 : i32
          %get3A_654 = arith.constant 4 : i32
          %get3A_655 = arith.index_cast %get3A_653 : i32 to index
          %get3A_656 = arith.index_cast %get3A_654 : i32 to index
          %get3A_657 = arith.index_cast %multiple_of3A : i32 to index
          %get3A_658 = tpu.vector_load %arg11[%get3A_655, %get3A_656, %get3A_657] {strides = array<i32>} : memref<4x8x384xi32, #tpu.memory_space<vmem>>, vector<1x1x16xi32>,
          %get3A_659 = vector.shape_cast %get3A_658 : vector<1x1x16xi32> to vector<16xi32>
          %get3A_660 = arith.constant 2 : i32
          %get3A_661 = arith.constant 4 : i32
          %get3A_662 = arith.index_cast %get3A_660 : i32 to index
          %get3A_663 = arith.index_cast %get3A_661 : i32 to index
          %get3A_664 = arith.index_cast %multiple_of3A : i32 to index
          %get3A_665 = tpu.vector_load %arg12[%get3A_662, %get3A_663, %get3A_664] {strides = array<i32>} : memref<4x8x384xi32, #tpu.memory_space<vmem>>, vector<1x1x16xi32>,
          %get3A_666 = vector.shape_cast %get3A_665 : vector<1x1x16xi32> to vector<16xi32>
          %get3A_667 = arith.constant 2 : i32
          %get3A_668 = arith.constant 4 : i32
          %get3A_669 = arith.index_cast %get3A_667 : i32 to index
          %get3A_670 = arith.index_cast %get3A_668 : i32 to index
          %get3A_671 = arith.index_cast %multiple_of3A : i32 to index
          %get3A_672 = tpu.vector_load %arg13[%get3A_669, %get3A_670, %get3A_671] {strides = array<i32>} : memref<4x8x384xi32, #tpu.memory_space<vmem>>, vector<1x1x16xi32>,
          %get3A_673 = vector.shape_cast %get3A_672 : vector<1x1x16xi32> to vector<16xi32>
          %shift_left3A_674 = arith.constant 16 : i32
          %shift_left3A_675 = vector.broadcast %shift_left3A_674 : i32 to vector<16xi32>
          %shift_left3A_676 = arith.shli %get3A_659, %shift_left3A_675 : vector<16xi32>
          %bitcast_convert_type3A_677 = tpu.bitcast %shift_left3A_676 : vector<16xi32> -> vector<16xf32>
          %shift_left3A_678 = arith.constant 16 : i32
          %shift_left3A_679 = vector.broadcast %shift_left3A_678 : i32 to vector<16xi32>
          %shift_left3A_680 = arith.shli %get3A_666, %shift_left3A_679 : vector<16xi32>
          %bitcast_convert_type3A_681 = tpu.bitcast %shift_left3A_680 : vector<16xi32> -> vector<16xf32>
          %mul3A_682 = arith.mulf %bitcast_convert_type3A_677, %bitcast_convert_type3A_681 : vector<16xf32>
          %shift_left3A_683 = arith.constant 16 : i32
          %shift_left3A_684 = vector.broadcast %shift_left3A_683 : i32 to vector<16xi32>
          %shift_left3A_685 = arith.shli %get3A_673, %shift_left3A_684 : vector<16xi32>
          %bitcast_convert_type3A_686 = tpu.bitcast %shift_left3A_685 : vector<16xi32> -> vector<16xf32>
          %mul3A_687 = arith.mulf %mul3A_682, %bitcast_convert_type3A_686 : vector<16xf32>
          %and3A_688 = arith.constant -65536 : i32
          %and3A_689 = vector.broadcast %and3A_688 : i32 to vector<16xi32>
          %and3A_690 = arith.andi %get3A_659, %and3A_689 : vector<16xi32>
          %bitcast_convert_type3A_691 = tpu.bitcast %and3A_690 : vector<16xi32> -> vector<16xf32>
          %and3A_692 = arith.constant -65536 : i32
          %and3A_693 = vector.broadcast %and3A_692 : i32 to vector<16xi32>
          %and3A_694 = arith.andi %get3A_666, %and3A_693 : vector<16xi32>
          %bitcast_convert_type3A_695 = tpu.bitcast %and3A_694 : vector<16xi32> -> vector<16xf32>
          %mul3A_696 = arith.mulf %bitcast_convert_type3A_691, %bitcast_convert_type3A_695 : vector<16xf32>
          %and3A_697 = arith.constant -65536 : i32
          %and3A_698 = vector.broadcast %and3A_697 : i32 to vector<16xi32>
          %and3A_699 = arith.andi %get3A_673, %and3A_698 : vector<16xi32>
          %bitcast_convert_type3A_700 = tpu.bitcast %and3A_699 : vector<16xi32> -> vector<16xf32>
          %mul3A_701 = arith.mulf %mul3A_696, %bitcast_convert_type3A_700 : vector<16xf32>
          %swap3A_702 = arith.constant 2 : i32
          %swap3A_703 = arith.constant 4 : i32
          %swap3A_704 = arith.index_cast %swap3A_702 : i32 to index
          %swap3A_705 = arith.index_cast %swap3A_703 : i32 to index
          %swap3A_706 = arith.index_cast %multiple_of3A_389 : i32 to index
          %swap3A_707 = tpu.vector_load %arg14[%swap3A_704, %swap3A_705, %swap3A_706] {strides = array<i32>} : memref<4x8x768xf32, #tpu.memory_space<vmem>>, vector<1x1x16xf32>,
          %swap3A_708 = vector.shape_cast %swap3A_707 : vector<1x1x16xf32> to vector<16xf32>
          %swap3A_709 = vector.shape_cast %mul3A_687 : vector<16xf32> to vector<1x1x16xf32>
          tpu.vector_store %arg14[%swap3A_704, %swap3A_705, %swap3A_706], %swap3A_709 {add = true, strides = array<i32>} : memref<4x8x768xf32, #tpu.memory_space<vmem>>, vector<1x1x16xf32>,
          %swap3A_710 = arith.constant 2 : i32
          %swap3A_711 = arith.constant 4 : i32
          %swap3A_712 = arith.index_cast %swap3A_710 : i32 to index
          %swap3A_713 = arith.index_cast %swap3A_711 : i32 to index
          %swap3A_714 = arith.index_cast %multiple_of3A_396 : i32 to index
          %swap3A_715 = tpu.vector_load %arg14[%swap3A_712, %swap3A_713, %swap3A_714] {strides = array<i32>} : memref<4x8x768xf32, #tpu.memory_space<vmem>>, vector<1x1x16xf32>,
          %swap3A_716 = vector.shape_cast %swap3A_715 : vector<1x1x16xf32> to vector<16xf32>
          %swap3A_717 = vector.shape_cast %mul3A_701 : vector<16xf32> to vector<1x1x16xf32>
          tpu.vector_store %arg14[%swap3A_712, %swap3A_713, %swap3A_714], %swap3A_717 {add = true, strides = array<i32>} : memref<4x8x768xf32, #tpu.memory_space<vmem>>, vector<1x1x16xf32>,
          %get3A_718 = arith.constant 2 : i32
          %get3A_719 = arith.constant 5 : i32
          %get3A_720 = arith.index_cast %get3A_718 : i32 to index
          %get3A_721 = arith.index_cast %get3A_719 : i32 to index
          %get3A_722 = arith.index_cast %multiple_of3A : i32 to index
          %get3A_723 = tpu.vector_load %arg11[%get3A_720, %get3A_721, %get3A_722] {strides = array<i32>} : memref<4x8x384xi32, #tpu.memory_space<vmem>>, vector<1x1x16xi32>,
          %get3A_724 = vector.shape_cast %get3A_723 : vector<1x1x16xi32> to vector<16xi32>
          %get3A_725 = arith.constant 2 : i32
          %get3A_726 = arith.constant 5 : i32
          %get3A_727 = arith.index_cast %get3A_725 : i32 to index
          %get3A_728 = arith.index_cast %get3A_726 : i32 to index
          %get3A_729 = arith.index_cast %multiple_of3A : i32 to index
          %get3A_730 = tpu.vector_load %arg12[%get3A_727, %get3A_728, %get3A_729] {strides = array<i32>} : memref<4x8x384xi32, #tpu.memory_space<vmem>>, vector<1x1x16xi32>,
          %get3A_731 = vector.shape_cast %get3A_730 : vector<1x1x16xi32> to vector<16xi32>
          %get3A_732 = arith.constant 2 : i32
          %get3A_733 = arith.constant 5 : i32
          %get3A_734 = arith.index_cast %get3A_732 : i32 to index
          %get3A_735 = arith.index_cast %get3A_733 : i32 to index
          %get3A_736 = arith.index_cast %multiple_of3A : i32 to index
          %get3A_737 = tpu.vector_load %arg13[%get3A_734, %get3A_735, %get3A_736] {strides = array<i32>} : memref<4x8x384xi32, #tpu.memory_space<vmem>>, vector<1x1x16xi32>,
          %get3A_738 = vector.shape_cast %get3A_737 : vector<1x1x16xi32> to vector<16xi32>
          %shift_left3A_739 = arith.constant 16 : i32
          %shift_left3A_740 = vector.broadcast %shift_left3A_739 : i32 to vector<16xi32>
          %shift_left3A_741 = arith.shli %get3A_724, %shift_left3A_740 : vector<16xi32>
          %bitcast_convert_type3A_742 = tpu.bitcast %shift_left3A_741 : vector<16xi32> -> vector<16xf32>
          %shift_left3A_743 = arith.constant 16 : i32
          %shift_left3A_744 = vector.broadcast %shift_left3A_743 : i32 to vector<16xi32>
          %shift_left3A_745 = arith.shli %get3A_731, %shift_left3A_744 : vector<16xi32>
          %bitcast_convert_type3A_746 = tpu.bitcast %shift_left3A_745 : vector<16xi32> -> vector<16xf32>
          %mul3A_747 = arith.mulf %bitcast_convert_type3A_742, %bitcast_convert_type3A_746 : vector<16xf32>
          %shift_left3A_748 = arith.constant 16 : i32
          %shift_left3A_749 = vector.broadcast %shift_left3A_748 : i32 to vector<16xi32>
          %shift_left3A_750 = arith.shli %get3A_738, %shift_left3A_749 : vector<16xi32>
          %bitcast_convert_type3A_751 = tpu.bitcast %shift_left3A_750 : vector<16xi32> -> vector<16xf32>
          %mul3A_752 = arith.mulf %mul3A_747, %bitcast_convert_type3A_751 : vector<16xf32>
          %and3A_753 = arith.constant -65536 : i32
          %and3A_754 = vector.broadcast %and3A_753 : i32 to vector<16xi32>
          %and3A_755 = arith.andi %get3A_724, %and3A_754 : vector<16xi32>
          %bitcast_convert_type3A_756 = tpu.bitcast %and3A_755 : vector<16xi32> -> vector<16xf32>
          %and3A_757 = arith.constant -65536 : i32
          %and3A_758 = vector.broadcast %and3A_757 : i32 to vector<16xi32>
          %and3A_759 = arith.andi %get3A_731, %and3A_758 : vector<16xi32>
          %bitcast_convert_type3A_760 = tpu.bitcast %and3A_759 : vector<16xi32> -> vector<16xf32>
          %mul3A_761 = arith.mulf %bitcast_convert_type3A_756, %bitcast_convert_type3A_760 : vector<16xf32>
          %and3A_762 = arith.constant -65536 : i32
          %and3A_763 = vector.broadcast %and3A_762 : i32 to vector<16xi32>
          %and3A_764 = arith.andi %get3A_738, %and3A_763 : vector<16xi32>
          %bitcast_convert_type3A_765 = tpu.bitcast %and3A_764 : vector<16xi32> -> vector<16xf32>
          %mul3A_766 = arith.mulf %mul3A_761, %bitcast_convert_type3A_765 : vector<16xf32>
          %swap3A_767 = arith.constant 2 : i32
          %swap3A_768 = arith.constant 5 : i32
          %swap3A_769 = arith.index_cast %swap3A_767 : i32 to index
          %swap3A_770 = arith.index_cast %swap3A_768 : i32 to index
          %swap3A_771 = arith.index_cast %multiple_of3A_389 : i32 to index
          %swap3A_772 = tpu.vector_load %arg14[%swap3A_769, %swap3A_770, %swap3A_771] {strides = array<i32>} : memref<4x8x768xf32, #tpu.memory_space<vmem>>, vector<1x1x16xf32>,
          %swap3A_773 = vector.shape_cast %swap3A_772 : vector<1x1x16xf32> to vector<16xf32>
          %swap3A_774 = vector.shape_cast %mul3A_752 : vector<16xf32> to vector<1x1x16xf32>
          tpu.vector_store %arg14[%swap3A_769, %swap3A_770, %swap3A_771], %swap3A_774 {add = true, strides = array<i32>} : memref<4x8x768xf32, #tpu.memory_space<vmem>>, vector<1x1x16xf32>,
          %swap3A_775 = arith.constant 2 : i32
          %swap3A_776 = arith.constant 5 : i32
          %swap3A_777 = arith.index_cast %swap3A_775 : i32 to index
          %swap3A_778 = arith.index_cast %swap3A_776 : i32 to index
          %swap3A_779 = arith.index_cast %multiple_of3A_396 : i32 to index
          %swap3A_780 = tpu.vector_load %arg14[%swap3A_777, %swap3A_778, %swap3A_779] {strides = array<i32>} : memref<4x8x768xf32, #tpu.memory_space<vmem>>, vector<1x1x16xf32>,
          %swap3A_781 = vector.shape_cast %swap3A_780 : vector<1x1x16xf32> to vector<16xf32>
          %swap3A_782 = vector.shape_cast %mul3A_766 : vector<16xf32> to vector<1x1x16xf32>
          tpu.vector_store %arg14[%swap3A_777, %swap3A_778, %swap3A_779], %swap3A_782 {add = true, strides = array<i32>} : memref<4x8x768xf32, #tpu.memory_space<vmem>>, vector<1x1x16xf32>,
          %get3A_783 = arith.constant 2 : i32
          %get3A_784 = arith.constant 6 : i32
          %get3A_785 = arith.index_cast %get3A_783 : i32 to index
          %get3A_786 = arith.index_cast %get3A_784 : i32 to index
          %get3A_787 = arith.index_cast %multiple_of3A : i32 to index
          %get3A_788 = tpu.vector_load %arg11[%get3A_785, %get3A_786, %get3A_787] {strides = array<i32>} : memref<4x8x384xi32, #tpu.memory_space<vmem>>, vector<1x1x16xi32>,
          %get3A_789 = vector.shape_cast %get3A_788 : vector<1x1x16xi32> to vector<16xi32>
          %get3A_790 = arith.constant 2 : i32
          %get3A_791 = arith.constant 6 : i32
          %get3A_792 = arith.index_cast %get3A_790 : i32 to index
          %get3A_793 = arith.index_cast %get3A_791 : i32 to index
          %get3A_794 = arith.index_cast %multiple_of3A : i32 to index
          %get3A_795 = tpu.vector_load %arg12[%get3A_792, %get3A_793, %get3A_794] {strides = array<i32>} : memref<4x8x384xi32, #tpu.memory_space<vmem>>, vector<1x1x16xi32>,
          %get3A_796 = vector.shape_cast %get3A_795 : vector<1x1x16xi32> to vector<16xi32>
          %get3A_797 = arith.constant 2 : i32
          %get3A_798 = arith.constant 6 : i32
          %get3A_799 = arith.index_cast %get3A_797 : i32 to index
          %get3A_800 = arith.index_cast %get3A_798 : i32 to index
          %get3A_801 = arith.index_cast %multiple_of3A : i32 to index
          %get3A_802 = tpu.vector_load %arg13[%get3A_799, %get3A_800, %get3A_801] {strides = array<i32>} : memref<4x8x384xi32, #tpu.memory_space<vmem>>, vector<1x1x16xi32>,
          %get3A_803 = vector.shape_cast %get3A_802 : vector<1x1x16xi32> to vector<16xi32>
          %shift_left3A_804 = arith.constant 16 : i32
          %shift_left3A_805 = vector.broadcast %shift_left3A_804 : i32 to vector<16xi32>
          %shift_left3A_806 = arith.shli %get3A_789, %shift_left3A_805 : vector<16xi32>
          %bitcast_convert_type3A_807 = tpu.bitcast %shift_left3A_806 : vector<16xi32> -> vector<16xf32>
          %shift_left3A_808 = arith.constant 16 : i32
          %shift_left3A_809 = vector.broadcast %shift_left3A_808 : i32 to vector<16xi32>
          %shift_left3A_810 = arith.shli %get3A_796, %shift_left3A_809 : vector<16xi32>
          %bitcast_convert_type3A_811 = tpu.bitcast %shift_left3A_810 : vector<16xi32> -> vector<16xf32>
          %mul3A_812 = arith.mulf %bitcast_convert_type3A_807, %bitcast_convert_type3A_811 : vector<16xf32>
          %shift_left3A_813 = arith.constant 16 : i32
          %shift_left3A_814 = vector.broadcast %shift_left3A_813 : i32 to vector<16xi32>
          %shift_left3A_815 = arith.shli %get3A_803, %shift_left3A_814 : vector<16xi32>
          %bitcast_convert_type3A_816 = tpu.bitcast %shift_left3A_815 : vector<16xi32> -> vector<16xf32>
          %mul3A_817 = arith.mulf %mul3A_812, %bitcast_convert_type3A_816 : vector<16xf32>
          %and3A_818 = arith.constant -65536 : i32
          %and3A_819 = vector.broadcast %and3A_818 : i32 to vector<16xi32>
          %and3A_820 = arith.andi %get3A_789, %and3A_819 : vector<16xi32>
          %bitcast_convert_type3A_821 = tpu.bitcast %and3A_820 : vector<16xi32> -> vector<16xf32>
          %and3A_822 = arith.constant -65536 : i32
          %and3A_823 = vector.broadcast %and3A_822 : i32 to vector<16xi32>
          %and3A_824 = arith.andi %get3A_796, %and3A_823 : vector<16xi32>
          %bitcast_convert_type3A_825 = tpu.bitcast %and3A_824 : vector<16xi32> -> vector<16xf32>
          %mul3A_826 = arith.mulf %bitcast_convert_type3A_821, %bitcast_convert_type3A_825 : vector<16xf32>
          %and3A_827 = arith.constant -65536 : i32
          %and3A_828 = vector.broadcast %and3A_827 : i32 to vector<16xi32>
          %and3A_829 = arith.andi %get3A_803, %and3A_828 : vector<16xi32>
          %bitcast_convert_type3A_830 = tpu.bitcast %and3A_829 : vector<16xi32> -> vector<16xf32>
          %mul3A_831 = arith.mulf %mul3A_826, %bitcast_convert_type3A_830 : vector<16xf32>
          %swap3A_832 = arith.constant 2 : i32
          %swap3A_833 = arith.constant 6 : i32
          %swap3A_834 = arith.index_cast %swap3A_832 : i32 to index
          %swap3A_835 = arith.index_cast %swap3A_833 : i32 to index
          %swap3A_836 = arith.index_cast %multiple_of3A_389 : i32 to index
          %swap3A_837 = tpu.vector_load %arg14[%swap3A_834, %swap3A_835, %swap3A_836] {strides = array<i32>} : memref<4x8x768xf32, #tpu.memory_space<vmem>>, vector<1x1x16xf32>,
          %swap3A_838 = vector.shape_cast %swap3A_837 : vector<1x1x16xf32> to vector<16xf32>
          %swap3A_839 = vector.shape_cast %mul3A_817 : vector<16xf32> to vector<1x1x16xf32>
          tpu.vector_store %arg14[%swap3A_834, %swap3A_835, %swap3A_836], %swap3A_839 {add = true, strides = array<i32>} : memref<4x8x768xf32, #tpu.memory_space<vmem>>, vector<1x1x16xf32>,
          %swap3A_840 = arith.constant 2 : i32
          %swap3A_841 = arith.constant 6 : i32
          %swap3A_842 = arith.index_cast %swap3A_840 : i32 to index
          %swap3A_843 = arith.index_cast %swap3A_841 : i32 to index
          %swap3A_844 = arith.index_cast %multiple_of3A_396 : i32 to index
          %swap3A_845 = tpu.vector_load %arg14[%swap3A_842, %swap3A_843, %swap3A_844] {strides = array<i32>} : memref<4x8x768xf32, #tpu.memory_space<vmem>>, vector<1x1x16xf32>,
          %swap3A_846 = vector.shape_cast %swap3A_845 : vector<1x1x16xf32> to vector<16xf32>
          %swap3A_847 = vector.shape_cast %mul3A_831 : vector<16xf32> to vector<1x1x16xf32>
          tpu.vector_store %arg14[%swap3A_842, %swap3A_843, %swap3A_844], %swap3A_847 {add = true, strides = array<i32>} : memref<4x8x768xf32, #tpu.memory_space<vmem>>, vector<1x1x16xf32>,
          %get3A_848 = arith.constant 2 : i32
          %get3A_849 = arith.constant 7 : i32
          %get3A_850 = arith.index_cast %get3A_848 : i32 to index
          %get3A_851 = arith.index_cast %get3A_849 : i32 to index
          %get3A_852 = arith.index_cast %multiple_of3A : i32 to index
          %get3A_853 = tpu.vector_load %arg11[%get3A_850, %get3A_851, %get3A_852] {strides = array<i32>} : memref<4x8x384xi32, #tpu.memory_space<vmem>>, vector<1x1x16xi32>,
          %get3A_854 = vector.shape_cast %get3A_853 : vector<1x1x16xi32> to vector<16xi32>
          %get3A_855 = arith.constant 2 : i32
          %get3A_856 = arith.constant 7 : i32
          %get3A_857 = arith.index_cast %get3A_855 : i32 to index
          %get3A_858 = arith.index_cast %get3A_856 : i32 to index
          %get3A_859 = arith.index_cast %multiple_of3A : i32 to index
          %get3A_860 = tpu.vector_load %arg12[%get3A_857, %get3A_858, %get3A_859] {strides = array<i32>} : memref<4x8x384xi32, #tpu.memory_space<vmem>>, vector<1x1x16xi32>,
          %get3A_861 = vector.shape_cast %get3A_860 : vector<1x1x16xi32> to vector<16xi32>
          %get3A_862 = arith.constant 2 : i32
          %get3A_863 = arith.constant 7 : i32
          %get3A_864 = arith.index_cast %get3A_862 : i32 to index
          %get3A_865 = arith.index_cast %get3A_863 : i32 to index
          %get3A_866 = arith.index_cast %multiple_of3A : i32 to index
          %get3A_867 = tpu.vector_load %arg13[%get3A_864, %get3A_865, %get3A_866] {strides = array<i32>} : memref<4x8x384xi32, #tpu.memory_space<vmem>>, vector<1x1x16xi32>,
          %get3A_868 = vector.shape_cast %get3A_867 : vector<1x1x16xi32> to vector<16xi32>
          %shift_left3A_869 = arith.constant 16 : i32
          %shift_left3A_870 = vector.broadcast %shift_left3A_869 : i32 to vector<16xi32>
          %shift_left3A_871 = arith.shli %get3A_854, %shift_left3A_870 : vector<16xi32>
          %bitcast_convert_type3A_872 = tpu.bitcast %shift_left3A_871 : vector<16xi32> -> vector<16xf32>
          %shift_left3A_873 = arith.constant 16 : i32
          %shift_left3A_874 = vector.broadcast %shift_left3A_873 : i32 to vector<16xi32>
          %shift_left3A_875 = arith.shli %get3A_861, %shift_left3A_874 : vector<16xi32>
          %bitcast_convert_type3A_876 = tpu.bitcast %shift_left3A_875 : vector<16xi32> -> vector<16xf32>
          %mul3A_877 = arith.mulf %bitcast_convert_type3A_872, %bitcast_convert_type3A_876 : vector<16xf32>
          %shift_left3A_878 = arith.constant 16 : i32
          %shift_left3A_879 = vector.broadcast %shift_left3A_878 : i32 to vector<16xi32>
          %shift_left3A_880 = arith.shli %get3A_868, %shift_left3A_879 : vector<16xi32>
          %bitcast_convert_type3A_881 = tpu.bitcast %shift_left3A_880 : vector<16xi32> -> vector<16xf32>
          %mul3A_882 = arith.mulf %mul3A_877, %bitcast_convert_type3A_881 : vector<16xf32>
          %and3A_883 = arith.constant -65536 : i32
          %and3A_884 = vector.broadcast %and3A_883 : i32 to vector<16xi32>
          %and3A_885 = arith.andi %get3A_854, %and3A_884 : vector<16xi32>
          %bitcast_convert_type3A_886 = tpu.bitcast %and3A_885 : vector<16xi32> -> vector<16xf32>
          %and3A_887 = arith.constant -65536 : i32
          %and3A_888 = vector.broadcast %and3A_887 : i32 to vector<16xi32>
          %and3A_889 = arith.andi %get3A_861, %and3A_888 : vector<16xi32>
          %bitcast_convert_type3A_890 = tpu.bitcast %and3A_889 : vector<16xi32> -> vector<16xf32>
          %mul3A_891 = arith.mulf %bitcast_convert_type3A_886, %bitcast_convert_type3A_890 : vector<16xf32>
          %and3A_892 = arith.constant -65536 : i32
          %and3A_893 = vector.broadcast %and3A_892 : i32 to vector<16xi32>
          %and3A_894 = arith.andi %get3A_868, %and3A_893 : vector<16xi32>
          %bitcast_convert_type3A_895 = tpu.bitcast %and3A_894 : vector<16xi32> -> vector<16xf32>
          %mul3A_896 = arith.mulf %mul3A_891, %bitcast_convert_type3A_895 : vector<16xf32>
          %swap3A_897 = arith.constant 2 : i32
          %swap3A_898 = arith.constant 7 : i32
          %swap3A_899 = arith.index_cast %swap3A_897 : i32 to index
          %swap3A_900 = arith.index_cast %swap3A_898 : i32 to index
          %swap3A_901 = arith.index_cast %multiple_of3A_389 : i32 to index
          %swap3A_902 = tpu.vector_load %arg14[%swap3A_899, %swap3A_900, %swap3A_901] {strides = array<i32>} : memref<4x8x768xf32, #tpu.memory_space<vmem>>, vector<1x1x16xf32>,
          %swap3A_903 = vector.shape_cast %swap3A_902 : vector<1x1x16xf32> to vector<16xf32>
          %swap3A_904 = vector.shape_cast %mul3A_882 : vector<16xf32> to vector<1x1x16xf32>
          tpu.vector_store %arg14[%swap3A_899, %swap3A_900, %swap3A_901], %swap3A_904 {add = true, strides = array<i32>} : memref<4x8x768xf32, #tpu.memory_space<vmem>>, vector<1x1x16xf32>,
          %swap3A_905 = arith.constant 2 : i32
          %swap3A_906 = arith.constant 7 : i32
          %swap3A_907 = arith.index_cast %swap3A_905 : i32 to index
          %swap3A_908 = arith.index_cast %swap3A_906 : i32 to index
          %swap3A_909 = arith.index_cast %multiple_of3A_396 : i32 to index
          %swap3A_910 = tpu.vector_load %arg14[%swap3A_907, %swap3A_908, %swap3A_909] {strides = array<i32>} : memref<4x8x768xf32, #tpu.memory_space<vmem>>, vector<1x1x16xf32>,
          %swap3A_911 = vector.shape_cast %swap3A_910 : vector<1x1x16xf32> to vector<16xf32>
          %swap3A_912 = vector.shape_cast %mul3A_896 : vector<16xf32> to vector<1x1x16xf32>
          tpu.vector_store %arg14[%swap3A_907, %swap3A_908, %swap3A_909], %swap3A_912 {add = true, strides = array<i32>} : memref<4x8x768xf32, #tpu.memory_space<vmem>>, vector<1x1x16xf32>,
        }
        %scan3A_365 = arith.constant 24 : i32
        %mul3A_366 = arith.constant 8 : i32
        %mul3A_367 = arith.muli %add3A_260, %mul3A_366 : i32
        %add3A_368 = arith.addi %mul3A_2, %mul3A_367 : i32
        %dma_start3A_369 = arith.constant 2 : i32
        %dma_start3A_370 = arith.constant 0 : i32
        %dma_start3A_371 = arith.constant 0 : i32
        %dma_start3A_372 = tpu.memref_slice %arg14[%dma_start3A_369, %dma_start3A_370, %dma_start3A_371] : memref<4x8x768xf32, #tpu.memory_space<vmem>> -> memref<1x8x768xf32, #tpu.memory_space<vmem>>
        %dma_start3A_373 = tpu.memref_squeeze %dma_start3A_372 : memref<1x8x768xf32, #tpu.memory_space<vmem>> -> memref<8x768xf32, #tpu.memory_space<vmem>>
        %dma_start3A_374 = arith.constant 0 : i32
        %dma_start3A_375 = tpu.memref_slice %arg8[%add3A_368, %dma_start3A_374] : memref<160000x768xf32, #tpu.memory_space<hbm>> -> memref<8x768xf32, #tpu.memory_space<hbm>>
        %dma_start3A_376 = arith.constant 0 : i32
        %dma_start3A_377 = tpu.memref_slice %arg8[%add3A_368, %dma_start3A_376] : memref<160000x768xf32, #tpu.memory_space<hbm>> -> memref<8x768xf32, #tpu.memory_space<hbm>>
        %dma_start3A_378 = arith.constant 0 : i32
        %dma_start3A_379 = arith.constant 0 : i32
        %dma_start3A_380 = tpu.memref_slice %arg14[%dma_start3A_369, %dma_start3A_378, %dma_start3A_379] : memref<4x8x768xf32, #tpu.memory_space<vmem>> -> memref<1x8x768xf32, #tpu.memory_space<vmem>>
        %dma_start3A_381 = tpu.memref_squeeze %dma_start3A_380 : memref<1x8x768xf32, #tpu.memory_space<vmem>> -> memref<8x768xf32, #tpu.memory_space<vmem>>
        tpu.enqueue_dma source(%dma_start3A_381 : memref<8x768xf32, #tpu.memory_space<vmem>>) target(%dma_start3A_377 : memref<8x768xf32, #tpu.memory_space<hbm>>) target_semaphore(%arg21 : memref<!tpu.dma_semaphore, #tpu.memory_space<semaphore_mem>>)
      } else {
      }
      %add3A_266 = arith.constant 4 : i32
      %add3A_267 = arith.addi %add3A_260, %add3A_266 : i32
      %sub3A_268 = arith.constant 1 : i32
      %sub3A_269 = arith.subi %add3A_267, %sub3A_268 : i32
      %ge3A_270 = arith.constant 4 : i32
      %ge3A_271 = arith.cmpi sge, %sub3A_269, %ge3A_270 : i32
      %lt3A_272 = arith.constant 625 : i32
      %lt3A_273 = arith.cmpi slt, %sub3A_269, %lt3A_272 : i32
      %and3A_274 = arith.andi %ge3A_271, %lt3A_273 : i1
      %convert_element_type3A_275 = arith.extui %and3A_274 : i1 to i32
      %cond3A_276 = arith.constant 0 : i32
      %cond3A_277 = arith.cmpi ne, %convert_element_type3A_275, %cond3A_276 : i32
      scf.if %cond3A_277 {
        %sub3A_309 = arith.constant 4 : i32
        %sub3A_310 = arith.subi %sub3A_269, %sub3A_309 : i32
        %mul3A_311 = arith.constant 8 : i32
        %mul3A_312 = arith.muli %sub3A_310, %mul3A_311 : i32
        %add3A_313 = arith.addi %mul3A_2, %mul3A_312 : i32
        %dma_wait3A_314 = arith.constant 1 : i32
        %dma_wait3A_315 = arith.constant 0 : i32
        %dma_wait3A_316 = arith.constant 0 : i32
        %dma_wait3A_317 = tpu.memref_slice %arg14[%dma_wait3A_314, %dma_wait3A_315, %dma_wait3A_316] : memref<4x8x768xf32, #tpu.memory_space<vmem>> -> memref<1x8x768xf32, #tpu.memory_space<vmem>>
        %dma_wait3A_318 = tpu.memref_squeeze %dma_wait3A_317 : memref<1x8x768xf32, #tpu.memory_space<vmem>> -> memref<8x768xf32, #tpu.memory_space<vmem>>
        %dma_wait3A_319 = arith.constant 0 : i32
        %dma_wait3A_320 = tpu.memref_slice %arg8[%add3A_313, %dma_wait3A_319] : memref<160000x768xf32, #tpu.memory_space<hbm>> -> memref<8x768xf32, #tpu.memory_space<hbm>>
        %dma_wait3A_321 = arith.constant 0 : i32
        %dma_wait3A_322 = tpu.memref_slice %arg8[%add3A_313, %dma_wait3A_321] : memref<160000x768xf32, #tpu.memory_space<hbm>> -> memref<8x768xf32, #tpu.memory_space<hbm>>
        %dma_wait3A_323 = arith.constant 0 : i32
        %dma_wait3A_324 = arith.constant 0 : i32
        %dma_wait3A_325 = tpu.memref_slice %arg14[%dma_wait3A_314, %dma_wait3A_323, %dma_wait3A_324] : memref<4x8x768xf32, #tpu.memory_space<vmem>> -> memref<1x8x768xf32, #tpu.memory_space<vmem>>
        %dma_wait3A_326 = tpu.memref_squeeze %dma_wait3A_325 : memref<1x8x768xf32, #tpu.memory_space<vmem>> -> memref<8x768xf32, #tpu.memory_space<vmem>>
        tpu.wait_dma2 semaphore(%arg20 : memref<!tpu.dma_semaphore, #tpu.memory_space<semaphore_mem>>) src(%dma_wait3A_326 : memref<8x768xf32, #tpu.memory_space<vmem>>) dst(%dma_wait3A_322 : memref<8x768xf32, #tpu.memory_space<hbm>>)
      } else {
      }
      %lt3A_278 = arith.constant 625 : i32
      %lt3A_279 = arith.cmpi slt, %sub3A_269, %lt3A_278 : i32
      %convert_element_type3A_280 = arith.extui %lt3A_279 : i1 to i32
      %cond3A_281 = arith.constant 0 : i32
      %cond3A_282 = arith.cmpi ne, %convert_element_type3A_280, %cond3A_281 : i32
      scf.if %cond3A_282 {
        %mul3A_309 = arith.constant 8 : i32
        %mul3A_310 = arith.muli %sub3A_269, %mul3A_309 : i32
        %add3A_311 = arith.addi %mul3A_2, %mul3A_310 : i32
        %mul3A_312 = arith.constant 8 : i32
        %mul3A_313 = arith.muli %sub3A_269, %mul3A_312 : i32
        %mul3A_314 = arith.constant 8 : i32
        %mul3A_315 = arith.muli %sub3A_269, %mul3A_314 : i32
        %dma_start3A_316 = arith.constant 1 : i32
        %dma_start3A_317 = arith.constant 0 : i32
        %dma_start3A_318 = arith.constant 0 : i32
        %dma_start3A_319 = tpu.memref_slice %arg11[%dma_start3A_316, %dma_start3A_317, %dma_start3A_318] : memref<4x8x384xi32, #tpu.memory_space<vmem>> -> memref<1x8x384xi32, #tpu.memory_space<vmem>>
        %dma_start3A_320 = tpu.memref_squeeze %dma_start3A_319 : memref<1x8x384xi32, #tpu.memory_space<vmem>> -> memref<8x384xi32, #tpu.memory_space<vmem>>
        %dma_start3A_321 = tpu.memref_slice %arg9[%mul3A_313] : memref<5000xi32, #tpu.memory_space<vmem>> -> memref<8xi32, #tpu.memory_space<vmem>>
        %dma_start3A_322 = arith.constant 0 : i32
        %dma_start3A_323 = arith.constant 0 : i32
        %dma_start3A_324 = tpu.memref_slice %arg2[%dma_start3A_322, %dma_start3A_323] : memref<10000x384xi32, #tpu.memory_space<hbm>> -> memref<10000x384xi32, #tpu.memory_space<hbm>>
        tpu.enqueue_indirect_dma source(%dma_start3A_324 : memref<10000x384xi32, #tpu.memory_space<hbm>>) target(%dma_start3A_320 : memref<8x384xi32, #tpu.memory_space<vmem>>) offsets(%dma_start3A_321 : memref<8xi32, #tpu.memory_space<vmem>>) semaphore(%arg16 : memref<!tpu.dma_semaphore, #tpu.memory_space<semaphore_mem>>)
        %dma_start3A_325 = arith.constant 1 : i32
        %dma_start3A_326 = arith.constant 0 : i32
        %dma_start3A_327 = arith.constant 0 : i32
        %dma_start3A_328 = tpu.memref_slice %arg12[%dma_start3A_325, %dma_start3A_326, %dma_start3A_327] : memref<4x8x384xi32, #tpu.memory_space<vmem>> -> memref<1x8x384xi32, #tpu.memory_space<vmem>>
        %dma_start3A_329 = tpu.memref_squeeze %dma_start3A_328 : memref<1x8x384xi32, #tpu.memory_space<vmem>> -> memref<8x384xi32, #tpu.memory_space<vmem>>
        %dma_start3A_330 = tpu.memref_slice %arg10[%mul3A_315] : memref<5000xi32, #tpu.memory_space<vmem>> -> memref<8xi32, #tpu.memory_space<vmem>>
        %dma_start3A_331 = arith.constant 0 : i32
        %dma_start3A_332 = arith.constant 0 : i32
        %dma_start3A_333 = tpu.memref_slice %arg3[%dma_start3A_331, %dma_start3A_332] : memref<10000x384xi32, #tpu.memory_space<hbm>> -> memref<10000x384xi32, #tpu.memory_space<hbm>>
        tpu.enqueue_indirect_dma source(%dma_start3A_333 : memref<10000x384xi32, #tpu.memory_space<hbm>>) target(%dma_start3A_329 : memref<8x384xi32, #tpu.memory_space<vmem>>) offsets(%dma_start3A_330 : memref<8xi32, #tpu.memory_space<vmem>>) semaphore(%arg16 : memref<!tpu.dma_semaphore, #tpu.memory_space<semaphore_mem>>)
        %dma_start3A_334 = arith.constant 1 : i32
        %dma_start3A_335 = arith.constant 0 : i32
        %dma_start3A_336 = arith.constant 0 : i32
        %dma_start3A_337 = tpu.memref_slice %arg13[%dma_start3A_334, %dma_start3A_335, %dma_start3A_336] : memref<4x8x384xi32, #tpu.memory_space<vmem>> -> memref<1x8x384xi32, #tpu.memory_space<vmem>>
        %dma_start3A_338 = tpu.memref_squeeze %dma_start3A_337 : memref<1x8x384xi32, #tpu.memory_space<vmem>> -> memref<8x384xi32, #tpu.memory_space<vmem>>
        %dma_start3A_339 = arith.constant 0 : i32
        %dma_start3A_340 = tpu.memref_slice %arg4[%add3A_311, %dma_start3A_339] : memref<160000x384xi32, #tpu.memory_space<hbm>> -> memref<8x384xi32, #tpu.memory_space<hbm>>
        %dma_start3A_341 = arith.constant 0 : i32
        %dma_start3A_342 = arith.constant 0 : i32
        %dma_start3A_343 = tpu.memref_slice %arg13[%dma_start3A_334, %dma_start3A_341, %dma_start3A_342] : memref<4x8x384xi32, #tpu.memory_space<vmem>> -> memref<1x8x384xi32, #tpu.memory_space<vmem>>
        %dma_start3A_344 = tpu.memref_squeeze %dma_start3A_343 : memref<1x8x384xi32, #tpu.memory_space<vmem>> -> memref<8x384xi32, #tpu.memory_space<vmem>>
        %dma_start3A_345 = arith.constant 0 : i32
        %dma_start3A_346 = tpu.memref_slice %arg4[%add3A_311, %dma_start3A_345] : memref<160000x384xi32, #tpu.memory_space<hbm>> -> memref<8x384xi32, #tpu.memory_space<hbm>>
        tpu.enqueue_dma source(%dma_start3A_346 : memref<8x384xi32, #tpu.memory_space<hbm>>) target(%dma_start3A_344 : memref<8x384xi32, #tpu.memory_space<vmem>>) target_semaphore(%arg16 : memref<!tpu.dma_semaphore, #tpu.memory_space<semaphore_mem>>)
        %dma_start3A_347 = arith.constant 1 : i32
        %dma_start3A_348 = arith.constant 0 : i32
        %dma_start3A_349 = arith.constant 0 : i32
        %dma_start3A_350 = tpu.memref_slice %arg14[%dma_start3A_347, %dma_start3A_348, %dma_start3A_349] : memref<4x8x768xf32, #tpu.memory_space<vmem>> -> memref<1x8x768xf32, #tpu.memory_space<vmem>>
        %dma_start3A_351 = tpu.memref_squeeze %dma_start3A_350 : memref<1x8x768xf32, #tpu.memory_space<vmem>> -> memref<8x768xf32, #tpu.memory_space<vmem>>
        %dma_start3A_352 = arith.constant 0 : i32
        %dma_start3A_353 = tpu.memref_slice %arg5[%add3A_311, %dma_start3A_352] : memref<160000x768xf32, #tpu.memory_space<hbm>> -> memref<8x768xf32, #tpu.memory_space<hbm>>
        %dma_start3A_354 = arith.constant 0 : i32
        %dma_start3A_355 = arith.constant 0 : i32
        %dma_start3A_356 = tpu.memref_slice %arg14[%dma_start3A_347, %dma_start3A_354, %dma_start3A_355] : memref<4x8x768xf32, #tpu.memory_space<vmem>> -> memref<1x8x768xf32, #tpu.memory_space<vmem>>
        %dma_start3A_357 = tpu.memref_squeeze %dma_start3A_356 : memref<1x8x768xf32, #tpu.memory_space<vmem>> -> memref<8x768xf32, #tpu.memory_space<vmem>>
        %dma_start3A_358 = arith.constant 0 : i32
        %dma_start3A_359 = tpu.memref_slice %arg5[%add3A_311, %dma_start3A_358] : memref<160000x768xf32, #tpu.memory_space<hbm>> -> memref<8x768xf32, #tpu.memory_space<hbm>>
        tpu.enqueue_dma source(%dma_start3A_359 : memref<8x768xf32, #tpu.memory_space<hbm>>) target(%dma_start3A_357 : memref<8x768xf32, #tpu.memory_space<vmem>>) target_semaphore(%arg16 : memref<!tpu.dma_semaphore, #tpu.memory_space<semaphore_mem>>)
      } else {
      }
      %mul3A_283 = arith.constant 4 : i32
      %mul3A_284 = arith.muli %scan3A_210, %mul3A_283 : i32
      %add3A_285 = arith.constant 3 : i32
      %add3A_286 = arith.addi %mul3A_284, %add3A_285 : i32
      %lt3A_287 = arith.constant 625 : i32
      %lt3A_288 = arith.cmpi slt, %add3A_286, %lt3A_287 : i32
      %convert_element_type3A_289 = arith.extui %lt3A_288 : i1 to i32
      %cond3A_290 = arith.constant 0 : i32
      %cond3A_291 = arith.cmpi ne, %convert_element_type3A_289, %cond3A_290 : i32
      scf.if %cond3A_291 {
        %mul3A_309 = arith.constant 8 : i32
        %mul3A_310 = arith.muli %add3A_286, %mul3A_309 : i32
        %add3A_311 = arith.addi %mul3A_2, %mul3A_310 : i32
        %mul3A_312 = arith.constant 8 : i32
        %mul3A_313 = arith.muli %add3A_286, %mul3A_312 : i32
        %mul3A_314 = arith.constant 8 : i32
        %mul3A_315 = arith.muli %add3A_286, %mul3A_314 : i32
        %dma_wait3A_316 = arith.constant 3 : i32
        %dma_wait3A_317 = arith.constant 0 : i32
        %dma_wait3A_318 = arith.constant 0 : i32
        %dma_wait3A_319 = tpu.memref_slice %arg11[%dma_wait3A_316, %dma_wait3A_317, %dma_wait3A_318] : memref<4x8x384xi32, #tpu.memory_space<vmem>> -> memref<1x8x384xi32, #tpu.memory_space<vmem>>
        %dma_wait3A_320 = tpu.memref_squeeze %dma_wait3A_319 : memref<1x8x384xi32, #tpu.memory_space<vmem>> -> memref<8x384xi32, #tpu.memory_space<vmem>>
        %dma_wait3A_321 = tpu.memref_slice %arg9[%mul3A_313] : memref<5000xi32, #tpu.memory_space<vmem>> -> memref<8xi32, #tpu.memory_space<vmem>>
        %dma_wait3A_322 = arith.constant 0 : i32
        %dma_wait3A_323 = arith.constant 0 : i32
        %dma_wait3A_324 = tpu.memref_slice %arg2[%dma_wait3A_322, %dma_wait3A_323] : memref<10000x384xi32, #tpu.memory_space<hbm>> -> memref<10000x384xi32, #tpu.memory_space<hbm>>
        tpu.wait_indirect_dma semaphore(%arg18 : memref<!tpu.dma_semaphore, #tpu.memory_space<semaphore_mem>>) src(%dma_wait3A_324 : memref<10000x384xi32, #tpu.memory_space<hbm>>) dst(%dma_wait3A_320 : memref<8x384xi32, #tpu.memory_space<vmem>>)
        %dma_wait3A_325 = arith.constant 3 : i32
        %dma_wait3A_326 = arith.constant 0 : i32
        %dma_wait3A_327 = arith.constant 0 : i32
        %dma_wait3A_328 = tpu.memref_slice %arg12[%dma_wait3A_325, %dma_wait3A_326, %dma_wait3A_327] : memref<4x8x384xi32, #tpu.memory_space<vmem>> -> memref<1x8x384xi32, #tpu.memory_space<vmem>>
        %dma_wait3A_329 = tpu.memref_squeeze %dma_wait3A_328 : memref<1x8x384xi32, #tpu.memory_space<vmem>> -> memref<8x384xi32, #tpu.memory_space<vmem>>
        %dma_wait3A_330 = tpu.memref_slice %arg10[%mul3A_315] : memref<5000xi32, #tpu.memory_space<vmem>> -> memref<8xi32, #tpu.memory_space<vmem>>
        %dma_wait3A_331 = arith.constant 0 : i32
        %dma_wait3A_332 = arith.constant 0 : i32
        %dma_wait3A_333 = tpu.memref_slice %arg3[%dma_wait3A_331, %dma_wait3A_332] : memref<10000x384xi32, #tpu.memory_space<hbm>> -> memref<10000x384xi32, #tpu.memory_space<hbm>>
        tpu.wait_indirect_dma semaphore(%arg18 : memref<!tpu.dma_semaphore, #tpu.memory_space<semaphore_mem>>) src(%dma_wait3A_333 : memref<10000x384xi32, #tpu.memory_space<hbm>>) dst(%dma_wait3A_329 : memref<8x384xi32, #tpu.memory_space<vmem>>)
        %dma_wait3A_334 = arith.constant 3 : i32
        %dma_wait3A_335 = arith.constant 0 : i32
        %dma_wait3A_336 = arith.constant 0 : i32
        %dma_wait3A_337 = tpu.memref_slice %arg13[%dma_wait3A_334, %dma_wait3A_335, %dma_wait3A_336] : memref<4x8x384xi32, #tpu.memory_space<vmem>> -> memref<1x8x384xi32, #tpu.memory_space<vmem>>
        %dma_wait3A_338 = tpu.memref_squeeze %dma_wait3A_337 : memref<1x8x384xi32, #tpu.memory_space<vmem>> -> memref<8x384xi32, #tpu.memory_space<vmem>>
        %dma_wait3A_339 = arith.constant 0 : i32
        %dma_wait3A_340 = tpu.memref_slice %arg4[%add3A_311, %dma_wait3A_339] : memref<160000x384xi32, #tpu.memory_space<hbm>> -> memref<8x384xi32, #tpu.memory_space<hbm>>
        %dma_wait3A_341 = arith.constant 0 : i32
        %dma_wait3A_342 = arith.constant 0 : i32
        %dma_wait3A_343 = tpu.memref_slice %arg13[%dma_wait3A_334, %dma_wait3A_341, %dma_wait3A_342] : memref<4x8x384xi32, #tpu.memory_space<vmem>> -> memref<1x8x384xi32, #tpu.memory_space<vmem>>
        %dma_wait3A_344 = tpu.memref_squeeze %dma_wait3A_343 : memref<1x8x384xi32, #tpu.memory_space<vmem>> -> memref<8x384xi32, #tpu.memory_space<vmem>>
        %dma_wait3A_345 = arith.constant 0 : i32
        %dma_wait3A_346 = tpu.memref_slice %arg4[%add3A_311, %dma_wait3A_345] : memref<160000x384xi32, #tpu.memory_space<hbm>> -> memref<8x384xi32, #tpu.memory_space<hbm>>
        tpu.wait_dma2 semaphore(%arg18 : memref<!tpu.dma_semaphore, #tpu.memory_space<semaphore_mem>>) src(%dma_wait3A_346 : memref<8x384xi32, #tpu.memory_space<hbm>>) dst(%dma_wait3A_344 : memref<8x384xi32, #tpu.memory_space<vmem>>)
        %dma_wait3A_347 = arith.constant 3 : i32
        %dma_wait3A_348 = arith.constant 0 : i32
        %dma_wait3A_349 = arith.constant 0 : i32
        %dma_wait3A_350 = tpu.memref_slice %arg14[%dma_wait3A_347, %dma_wait3A_348, %dma_wait3A_349] : memref<4x8x768xf32, #tpu.memory_space<vmem>> -> memref<1x8x768xf32, #tpu.memory_space<vmem>>
        %dma_wait3A_351 = tpu.memref_squeeze %dma_wait3A_350 : memref<1x8x768xf32, #tpu.memory_space<vmem>> -> memref<8x768xf32, #tpu.memory_space<vmem>>
        %dma_wait3A_352 = arith.constant 0 : i32
        %dma_wait3A_353 = tpu.memref_slice %arg5[%add3A_311, %dma_wait3A_352] : memref<160000x768xf32, #tpu.memory_space<hbm>> -> memref<8x768xf32, #tpu.memory_space<hbm>>
        %dma_wait3A_354 = arith.constant 0 : i32
        %dma_wait3A_355 = arith.constant 0 : i32
        %dma_wait3A_356 = tpu.memref_slice %arg14[%dma_wait3A_347, %dma_wait3A_354, %dma_wait3A_355] : memref<4x8x768xf32, #tpu.memory_space<vmem>> -> memref<1x8x768xf32, #tpu.memory_space<vmem>>
        %dma_wait3A_357 = tpu.memref_squeeze %dma_wait3A_356 : memref<1x8x768xf32, #tpu.memory_space<vmem>> -> memref<8x768xf32, #tpu.memory_space<vmem>>
        %dma_wait3A_358 = arith.constant 0 : i32
        %dma_wait3A_359 = tpu.memref_slice %arg5[%add3A_311, %dma_wait3A_358] : memref<160000x768xf32, #tpu.memory_space<hbm>> -> memref<8x768xf32, #tpu.memory_space<hbm>>
        tpu.wait_dma2 semaphore(%arg18 : memref<!tpu.dma_semaphore, #tpu.memory_space<semaphore_mem>>) src(%dma_wait3A_359 : memref<8x768xf32, #tpu.memory_space<hbm>>) dst(%dma_wait3A_357 : memref<8x768xf32, #tpu.memory_space<vmem>>)
        %scan3A_360 = arith.constant 0 : i32
        %scan3A_361 = arith.constant 0 : i32
        %scan3A_362 = arith.constant 24 : i32
        %scan3A_363 = arith.addi %scan3A_361, %scan3A_362 : i32
        %scan3A_364 = arith.constant 1 : i32
        scf.for %scan3A_382 = %scan3A_361 to %scan3A_363 step %scan3A_364  : i32 {
          %mul3A_383 = arith.constant 16 : i32
          %mul3A_384 = arith.muli %scan3A_382, %mul3A_383 : i32
          %multiple_of3A = tpu.assume_multiple %mul3A_384, 16 : i32
          %mul3A_385 = arith.constant 2 : i32
          %mul3A_386 = arith.muli %scan3A_382, %mul3A_385 : i32
          %mul3A_387 = arith.constant 16 : i32
          %mul3A_388 = arith.muli %mul3A_386, %mul3A_387 : i32
          %multiple_of3A_389 = tpu.assume_multiple %mul3A_388, 32 : i32
          %mul3A_390 = arith.constant 2 : i32
          %mul3A_391 = arith.muli %scan3A_382, %mul3A_390 : i32
          %mul3A_392 = arith.constant 16 : i32
          %mul3A_393 = arith.muli %mul3A_391, %mul3A_392 : i32
          %add3A_394 = arith.constant 16 : i32
          %add3A_395 = arith.addi %mul3A_393, %add3A_394 : i32
          %multiple_of3A_396 = tpu.assume_multiple %add3A_395, 16 : i32
          %get3A = arith.constant 3 : i32
          %get3A_397 = arith.constant 0 : i32
          %get3A_398 = arith.index_cast %get3A : i32 to index
          %get3A_399 = arith.index_cast %get3A_397 : i32 to index
          %get3A_400 = arith.index_cast %multiple_of3A : i32 to index
          %get3A_401 = tpu.vector_load %arg11[%get3A_398, %get3A_399, %get3A_400] {strides = array<i32>} : memref<4x8x384xi32, #tpu.memory_space<vmem>>, vector<1x1x16xi32>,
          %get3A_402 = vector.shape_cast %get3A_401 : vector<1x1x16xi32> to vector<16xi32>
          %get3A_403 = arith.constant 3 : i32
          %get3A_404 = arith.constant 0 : i32
          %get3A_405 = arith.index_cast %get3A_403 : i32 to index
          %get3A_406 = arith.index_cast %get3A_404 : i32 to index
          %get3A_407 = arith.index_cast %multiple_of3A : i32 to index
          %get3A_408 = tpu.vector_load %arg12[%get3A_405, %get3A_406, %get3A_407] {strides = array<i32>} : memref<4x8x384xi32, #tpu.memory_space<vmem>>, vector<1x1x16xi32>,
          %get3A_409 = vector.shape_cast %get3A_408 : vector<1x1x16xi32> to vector<16xi32>
          %get3A_410 = arith.constant 3 : i32
          %get3A_411 = arith.constant 0 : i32
          %get3A_412 = arith.index_cast %get3A_410 : i32 to index
          %get3A_413 = arith.index_cast %get3A_411 : i32 to index
          %get3A_414 = arith.index_cast %multiple_of3A : i32 to index
          %get3A_415 = tpu.vector_load %arg13[%get3A_412, %get3A_413, %get3A_414] {strides = array<i32>} : memref<4x8x384xi32, #tpu.memory_space<vmem>>, vector<1x1x16xi32>,
          %get3A_416 = vector.shape_cast %get3A_415 : vector<1x1x16xi32> to vector<16xi32>
          %shift_left3A = arith.constant 16 : i32
          %shift_left3A_417 = vector.broadcast %shift_left3A : i32 to vector<16xi32>
          %shift_left3A_418 = arith.shli %get3A_402, %shift_left3A_417 : vector<16xi32>
          %bitcast_convert_type3A = tpu.bitcast %shift_left3A_418 : vector<16xi32> -> vector<16xf32>
          %shift_left3A_419 = arith.constant 16 : i32
          %shift_left3A_420 = vector.broadcast %shift_left3A_419 : i32 to vector<16xi32>
          %shift_left3A_421 = arith.shli %get3A_409, %shift_left3A_420 : vector<16xi32>
          %bitcast_convert_type3A_422 = tpu.bitcast %shift_left3A_421 : vector<16xi32> -> vector<16xf32>
          %mul3A_423 = arith.mulf %bitcast_convert_type3A, %bitcast_convert_type3A_422 : vector<16xf32>
          %shift_left3A_424 = arith.constant 16 : i32
          %shift_left3A_425 = vector.broadcast %shift_left3A_424 : i32 to vector<16xi32>
          %shift_left3A_426 = arith.shli %get3A_416, %shift_left3A_425 : vector<16xi32>
          %bitcast_convert_type3A_427 = tpu.bitcast %shift_left3A_426 : vector<16xi32> -> vector<16xf32>
          %mul3A_428 = arith.mulf %mul3A_423, %bitcast_convert_type3A_427 : vector<16xf32>
          %and3A_429 = arith.constant -65536 : i32
          %and3A_430 = vector.broadcast %and3A_429 : i32 to vector<16xi32>
          %and3A_431 = arith.andi %get3A_402, %and3A_430 : vector<16xi32>
          %bitcast_convert_type3A_432 = tpu.bitcast %and3A_431 : vector<16xi32> -> vector<16xf32>
          %and3A_433 = arith.constant -65536 : i32
          %and3A_434 = vector.broadcast %and3A_433 : i32 to vector<16xi32>
          %and3A_435 = arith.andi %get3A_409, %and3A_434 : vector<16xi32>
          %bitcast_convert_type3A_436 = tpu.bitcast %and3A_435 : vector<16xi32> -> vector<16xf32>
          %mul3A_437 = arith.mulf %bitcast_convert_type3A_432, %bitcast_convert_type3A_436 : vector<16xf32>
          %and3A_438 = arith.constant -65536 : i32
          %and3A_439 = vector.broadcast %and3A_438 : i32 to vector<16xi32>
          %and3A_440 = arith.andi %get3A_416, %and3A_439 : vector<16xi32>
          %bitcast_convert_type3A_441 = tpu.bitcast %and3A_440 : vector<16xi32> -> vector<16xf32>
          %mul3A_442 = arith.mulf %mul3A_437, %bitcast_convert_type3A_441 : vector<16xf32>
          %swap3A = arith.constant 3 : i32
          %swap3A_443 = arith.constant 0 : i32
          %swap3A_444 = arith.index_cast %swap3A : i32 to index
          %swap3A_445 = arith.index_cast %swap3A_443 : i32 to index
          %swap3A_446 = arith.index_cast %multiple_of3A_389 : i32 to index
          %swap3A_447 = tpu.vector_load %arg14[%swap3A_444, %swap3A_445, %swap3A_446] {strides = array<i32>} : memref<4x8x768xf32, #tpu.memory_space<vmem>>, vector<1x1x16xf32>,
          %swap3A_448 = vector.shape_cast %swap3A_447 : vector<1x1x16xf32> to vector<16xf32>
          %swap3A_449 = vector.shape_cast %mul3A_428 : vector<16xf32> to vector<1x1x16xf32>
          tpu.vector_store %arg14[%swap3A_444, %swap3A_445, %swap3A_446], %swap3A_449 {add = true, strides = array<i32>} : memref<4x8x768xf32, #tpu.memory_space<vmem>>, vector<1x1x16xf32>,
          %swap3A_450 = arith.constant 3 : i32
          %swap3A_451 = arith.constant 0 : i32
          %swap3A_452 = arith.index_cast %swap3A_450 : i32 to index
          %swap3A_453 = arith.index_cast %swap3A_451 : i32 to index
          %swap3A_454 = arith.index_cast %multiple_of3A_396 : i32 to index
          %swap3A_455 = tpu.vector_load %arg14[%swap3A_452, %swap3A_453, %swap3A_454] {strides = array<i32>} : memref<4x8x768xf32, #tpu.memory_space<vmem>>, vector<1x1x16xf32>,
          %swap3A_456 = vector.shape_cast %swap3A_455 : vector<1x1x16xf32> to vector<16xf32>
          %swap3A_457 = vector.shape_cast %mul3A_442 : vector<16xf32> to vector<1x1x16xf32>
          tpu.vector_store %arg14[%swap3A_452, %swap3A_453, %swap3A_454], %swap3A_457 {add = true, strides = array<i32>} : memref<4x8x768xf32, #tpu.memory_space<vmem>>, vector<1x1x16xf32>,
          %get3A_458 = arith.constant 3 : i32
          %get3A_459 = arith.constant 1 : i32
          %get3A_460 = arith.index_cast %get3A_458 : i32 to index
          %get3A_461 = arith.index_cast %get3A_459 : i32 to index
          %get3A_462 = arith.index_cast %multiple_of3A : i32 to index
          %get3A_463 = tpu.vector_load %arg11[%get3A_460, %get3A_461, %get3A_462] {strides = array<i32>} : memref<4x8x384xi32, #tpu.memory_space<vmem>>, vector<1x1x16xi32>,
          %get3A_464 = vector.shape_cast %get3A_463 : vector<1x1x16xi32> to vector<16xi32>
          %get3A_465 = arith.constant 3 : i32
          %get3A_466 = arith.constant 1 : i32
          %get3A_467 = arith.index_cast %get3A_465 : i32 to index
          %get3A_468 = arith.index_cast %get3A_466 : i32 to index
          %get3A_469 = arith.index_cast %multiple_of3A : i32 to index
          %get3A_470 = tpu.vector_load %arg12[%get3A_467, %get3A_468, %get3A_469] {strides = array<i32>} : memref<4x8x384xi32, #tpu.memory_space<vmem>>, vector<1x1x16xi32>,
          %get3A_471 = vector.shape_cast %get3A_470 : vector<1x1x16xi32> to vector<16xi32>
          %get3A_472 = arith.constant 3 : i32
          %get3A_473 = arith.constant 1 : i32
          %get3A_474 = arith.index_cast %get3A_472 : i32 to index
          %get3A_475 = arith.index_cast %get3A_473 : i32 to index
          %get3A_476 = arith.index_cast %multiple_of3A : i32 to index
          %get3A_477 = tpu.vector_load %arg13[%get3A_474, %get3A_475, %get3A_476] {strides = array<i32>} : memref<4x8x384xi32, #tpu.memory_space<vmem>>, vector<1x1x16xi32>,
          %get3A_478 = vector.shape_cast %get3A_477 : vector<1x1x16xi32> to vector<16xi32>
          %shift_left3A_479 = arith.constant 16 : i32
          %shift_left3A_480 = vector.broadcast %shift_left3A_479 : i32 to vector<16xi32>
          %shift_left3A_481 = arith.shli %get3A_464, %shift_left3A_480 : vector<16xi32>
          %bitcast_convert_type3A_482 = tpu.bitcast %shift_left3A_481 : vector<16xi32> -> vector<16xf32>
          %shift_left3A_483 = arith.constant 16 : i32
          %shift_left3A_484 = vector.broadcast %shift_left3A_483 : i32 to vector<16xi32>
          %shift_left3A_485 = arith.shli %get3A_471, %shift_left3A_484 : vector<16xi32>
          %bitcast_convert_type3A_486 = tpu.bitcast %shift_left3A_485 : vector<16xi32> -> vector<16xf32>
          %mul3A_487 = arith.mulf %bitcast_convert_type3A_482, %bitcast_convert_type3A_486 : vector<16xf32>
          %shift_left3A_488 = arith.constant 16 : i32
          %shift_left3A_489 = vector.broadcast %shift_left3A_488 : i32 to vector<16xi32>
          %shift_left3A_490 = arith.shli %get3A_478, %shift_left3A_489 : vector<16xi32>
          %bitcast_convert_type3A_491 = tpu.bitcast %shift_left3A_490 : vector<16xi32> -> vector<16xf32>
          %mul3A_492 = arith.mulf %mul3A_487, %bitcast_convert_type3A_491 : vector<16xf32>
          %and3A_493 = arith.constant -65536 : i32
          %and3A_494 = vector.broadcast %and3A_493 : i32 to vector<16xi32>
          %and3A_495 = arith.andi %get3A_464, %and3A_494 : vector<16xi32>
          %bitcast_convert_type3A_496 = tpu.bitcast %and3A_495 : vector<16xi32> -> vector<16xf32>
          %and3A_497 = arith.constant -65536 : i32
          %and3A_498 = vector.broadcast %and3A_497 : i32 to vector<16xi32>
          %and3A_499 = arith.andi %get3A_471, %and3A_498 : vector<16xi32>
          %bitcast_convert_type3A_500 = tpu.bitcast %and3A_499 : vector<16xi32> -> vector<16xf32>
          %mul3A_501 = arith.mulf %bitcast_convert_type3A_496, %bitcast_convert_type3A_500 : vector<16xf32>
          %and3A_502 = arith.constant -65536 : i32
          %and3A_503 = vector.broadcast %and3A_502 : i32 to vector<16xi32>
          %and3A_504 = arith.andi %get3A_478, %and3A_503 : vector<16xi32>
          %bitcast_convert_type3A_505 = tpu.bitcast %and3A_504 : vector<16xi32> -> vector<16xf32>
          %mul3A_506 = arith.mulf %mul3A_501, %bitcast_convert_type3A_505 : vector<16xf32>
          %swap3A_507 = arith.constant 3 : i32
          %swap3A_508 = arith.constant 1 : i32
          %swap3A_509 = arith.index_cast %swap3A_507 : i32 to index
          %swap3A_510 = arith.index_cast %swap3A_508 : i32 to index
          %swap3A_511 = arith.index_cast %multiple_of3A_389 : i32 to index
          %swap3A_512 = tpu.vector_load %arg14[%swap3A_509, %swap3A_510, %swap3A_511] {strides = array<i32>} : memref<4x8x768xf32, #tpu.memory_space<vmem>>, vector<1x1x16xf32>,
          %swap3A_513 = vector.shape_cast %swap3A_512 : vector<1x1x16xf32> to vector<16xf32>
          %swap3A_514 = vector.shape_cast %mul3A_492 : vector<16xf32> to vector<1x1x16xf32>
          tpu.vector_store %arg14[%swap3A_509, %swap3A_510, %swap3A_511], %swap3A_514 {add = true, strides = array<i32>} : memref<4x8x768xf32, #tpu.memory_space<vmem>>, vector<1x1x16xf32>,
          %swap3A_515 = arith.constant 3 : i32
          %swap3A_516 = arith.constant 1 : i32
          %swap3A_517 = arith.index_cast %swap3A_515 : i32 to index
          %swap3A_518 = arith.index_cast %swap3A_516 : i32 to index
          %swap3A_519 = arith.index_cast %multiple_of3A_396 : i32 to index
          %swap3A_520 = tpu.vector_load %arg14[%swap3A_517, %swap3A_518, %swap3A_519] {strides = array<i32>} : memref<4x8x768xf32, #tpu.memory_space<vmem>>, vector<1x1x16xf32>,
          %swap3A_521 = vector.shape_cast %swap3A_520 : vector<1x1x16xf32> to vector<16xf32>
          %swap3A_522 = vector.shape_cast %mul3A_506 : vector<16xf32> to vector<1x1x16xf32>
          tpu.vector_store %arg14[%swap3A_517, %swap3A_518, %swap3A_519], %swap3A_522 {add = true, strides = array<i32>} : memref<4x8x768xf32, #tpu.memory_space<vmem>>, vector<1x1x16xf32>,
          %get3A_523 = arith.constant 3 : i32
          %get3A_524 = arith.constant 2 : i32
          %get3A_525 = arith.index_cast %get3A_523 : i32 to index
          %get3A_526 = arith.index_cast %get3A_524 : i32 to index
          %get3A_527 = arith.index_cast %multiple_of3A : i32 to index
          %get3A_528 = tpu.vector_load %arg11[%get3A_525, %get3A_526, %get3A_527] {strides = array<i32>} : memref<4x8x384xi32, #tpu.memory_space<vmem>>, vector<1x1x16xi32>,
          %get3A_529 = vector.shape_cast %get3A_528 : vector<1x1x16xi32> to vector<16xi32>
          %get3A_530 = arith.constant 3 : i32
          %get3A_531 = arith.constant 2 : i32
          %get3A_532 = arith.index_cast %get3A_530 : i32 to index
          %get3A_533 = arith.index_cast %get3A_531 : i32 to index
          %get3A_534 = arith.index_cast %multiple_of3A : i32 to index
          %get3A_535 = tpu.vector_load %arg12[%get3A_532, %get3A_533, %get3A_534] {strides = array<i32>} : memref<4x8x384xi32, #tpu.memory_space<vmem>>, vector<1x1x16xi32>,
          %get3A_536 = vector.shape_cast %get3A_535 : vector<1x1x16xi32> to vector<16xi32>
          %get3A_537 = arith.constant 3 : i32
          %get3A_538 = arith.constant 2 : i32
          %get3A_539 = arith.index_cast %get3A_537 : i32 to index
          %get3A_540 = arith.index_cast %get3A_538 : i32 to index
          %get3A_541 = arith.index_cast %multiple_of3A : i32 to index
          %get3A_542 = tpu.vector_load %arg13[%get3A_539, %get3A_540, %get3A_541] {strides = array<i32>} : memref<4x8x384xi32, #tpu.memory_space<vmem>>, vector<1x1x16xi32>,
          %get3A_543 = vector.shape_cast %get3A_542 : vector<1x1x16xi32> to vector<16xi32>
          %shift_left3A_544 = arith.constant 16 : i32
          %shift_left3A_545 = vector.broadcast %shift_left3A_544 : i32 to vector<16xi32>
          %shift_left3A_546 = arith.shli %get3A_529, %shift_left3A_545 : vector<16xi32>
          %bitcast_convert_type3A_547 = tpu.bitcast %shift_left3A_546 : vector<16xi32> -> vector<16xf32>
          %shift_left3A_548 = arith.constant 16 : i32
          %shift_left3A_549 = vector.broadcast %shift_left3A_548 : i32 to vector<16xi32>
          %shift_left3A_550 = arith.shli %get3A_536, %shift_left3A_549 : vector<16xi32>
          %bitcast_convert_type3A_551 = tpu.bitcast %shift_left3A_550 : vector<16xi32> -> vector<16xf32>
          %mul3A_552 = arith.mulf %bitcast_convert_type3A_547, %bitcast_convert_type3A_551 : vector<16xf32>
          %shift_left3A_553 = arith.constant 16 : i32
          %shift_left3A_554 = vector.broadcast %shift_left3A_553 : i32 to vector<16xi32>
          %shift_left3A_555 = arith.shli %get3A_543, %shift_left3A_554 : vector<16xi32>
          %bitcast_convert_type3A_556 = tpu.bitcast %shift_left3A_555 : vector<16xi32> -> vector<16xf32>
          %mul3A_557 = arith.mulf %mul3A_552, %bitcast_convert_type3A_556 : vector<16xf32>
          %and3A_558 = arith.constant -65536 : i32
          %and3A_559 = vector.broadcast %and3A_558 : i32 to vector<16xi32>
          %and3A_560 = arith.andi %get3A_529, %and3A_559 : vector<16xi32>
          %bitcast_convert_type3A_561 = tpu.bitcast %and3A_560 : vector<16xi32> -> vector<16xf32>
          %and3A_562 = arith.constant -65536 : i32
          %and3A_563 = vector.broadcast %and3A_562 : i32 to vector<16xi32>
          %and3A_564 = arith.andi %get3A_536, %and3A_563 : vector<16xi32>
          %bitcast_convert_type3A_565 = tpu.bitcast %and3A_564 : vector<16xi32> -> vector<16xf32>
          %mul3A_566 = arith.mulf %bitcast_convert_type3A_561, %bitcast_convert_type3A_565 : vector<16xf32>
          %and3A_567 = arith.constant -65536 : i32
          %and3A_568 = vector.broadcast %and3A_567 : i32 to vector<16xi32>
          %and3A_569 = arith.andi %get3A_543, %and3A_568 : vector<16xi32>
          %bitcast_convert_type3A_570 = tpu.bitcast %and3A_569 : vector<16xi32> -> vector<16xf32>
          %mul3A_571 = arith.mulf %mul3A_566, %bitcast_convert_type3A_570 : vector<16xf32>
          %swap3A_572 = arith.constant 3 : i32
          %swap3A_573 = arith.constant 2 : i32
          %swap3A_574 = arith.index_cast %swap3A_572 : i32 to index
          %swap3A_575 = arith.index_cast %swap3A_573 : i32 to index
          %swap3A_576 = arith.index_cast %multiple_of3A_389 : i32 to index
          %swap3A_577 = tpu.vector_load %arg14[%swap3A_574, %swap3A_575, %swap3A_576] {strides = array<i32>} : memref<4x8x768xf32, #tpu.memory_space<vmem>>, vector<1x1x16xf32>,
          %swap3A_578 = vector.shape_cast %swap3A_577 : vector<1x1x16xf32> to vector<16xf32>
          %swap3A_579 = vector.shape_cast %mul3A_557 : vector<16xf32> to vector<1x1x16xf32>
          tpu.vector_store %arg14[%swap3A_574, %swap3A_575, %swap3A_576], %swap3A_579 {add = true, strides = array<i32>} : memref<4x8x768xf32, #tpu.memory_space<vmem>>, vector<1x1x16xf32>,
          %swap3A_580 = arith.constant 3 : i32
          %swap3A_581 = arith.constant 2 : i32
          %swap3A_582 = arith.index_cast %swap3A_580 : i32 to index
          %swap3A_583 = arith.index_cast %swap3A_581 : i32 to index
          %swap3A_584 = arith.index_cast %multiple_of3A_396 : i32 to index
          %swap3A_585 = tpu.vector_load %arg14[%swap3A_582, %swap3A_583, %swap3A_584] {strides = array<i32>} : memref<4x8x768xf32, #tpu.memory_space<vmem>>, vector<1x1x16xf32>,
          %swap3A_586 = vector.shape_cast %swap3A_585 : vector<1x1x16xf32> to vector<16xf32>
          %swap3A_587 = vector.shape_cast %mul3A_571 : vector<16xf32> to vector<1x1x16xf32>
          tpu.vector_store %arg14[%swap3A_582, %swap3A_583, %swap3A_584], %swap3A_587 {add = true, strides = array<i32>} : memref<4x8x768xf32, #tpu.memory_space<vmem>>, vector<1x1x16xf32>,
          %get3A_588 = arith.constant 3 : i32
          %get3A_589 = arith.constant 3 : i32
          %get3A_590 = arith.index_cast %get3A_588 : i32 to index
          %get3A_591 = arith.index_cast %get3A_589 : i32 to index
          %get3A_592 = arith.index_cast %multiple_of3A : i32 to index
          %get3A_593 = tpu.vector_load %arg11[%get3A_590, %get3A_591, %get3A_592] {strides = array<i32>} : memref<4x8x384xi32, #tpu.memory_space<vmem>>, vector<1x1x16xi32>,
          %get3A_594 = vector.shape_cast %get3A_593 : vector<1x1x16xi32> to vector<16xi32>
          %get3A_595 = arith.constant 3 : i32
          %get3A_596 = arith.constant 3 : i32
          %get3A_597 = arith.index_cast %get3A_595 : i32 to index
          %get3A_598 = arith.index_cast %get3A_596 : i32 to index
          %get3A_599 = arith.index_cast %multiple_of3A : i32 to index
          %get3A_600 = tpu.vector_load %arg12[%get3A_597, %get3A_598, %get3A_599] {strides = array<i32>} : memref<4x8x384xi32, #tpu.memory_space<vmem>>, vector<1x1x16xi32>,
          %get3A_601 = vector.shape_cast %get3A_600 : vector<1x1x16xi32> to vector<16xi32>
          %get3A_602 = arith.constant 3 : i32
          %get3A_603 = arith.constant 3 : i32
          %get3A_604 = arith.index_cast %get3A_602 : i32 to index
          %get3A_605 = arith.index_cast %get3A_603 : i32 to index
          %get3A_606 = arith.index_cast %multiple_of3A : i32 to index
          %get3A_607 = tpu.vector_load %arg13[%get3A_604, %get3A_605, %get3A_606] {strides = array<i32>} : memref<4x8x384xi32, #tpu.memory_space<vmem>>, vector<1x1x16xi32>,
          %get3A_608 = vector.shape_cast %get3A_607 : vector<1x1x16xi32> to vector<16xi32>
          %shift_left3A_609 = arith.constant 16 : i32
          %shift_left3A_610 = vector.broadcast %shift_left3A_609 : i32 to vector<16xi32>
          %shift_left3A_611 = arith.shli %get3A_594, %shift_left3A_610 : vector<16xi32>
          %bitcast_convert_type3A_612 = tpu.bitcast %shift_left3A_611 : vector<16xi32> -> vector<16xf32>
          %shift_left3A_613 = arith.constant 16 : i32
          %shift_left3A_614 = vector.broadcast %shift_left3A_613 : i32 to vector<16xi32>
          %shift_left3A_615 = arith.shli %get3A_601, %shift_left3A_614 : vector<16xi32>
          %bitcast_convert_type3A_616 = tpu.bitcast %shift_left3A_615 : vector<16xi32> -> vector<16xf32>
          %mul3A_617 = arith.mulf %bitcast_convert_type3A_612, %bitcast_convert_type3A_616 : vector<16xf32>
          %shift_left3A_618 = arith.constant 16 : i32
          %shift_left3A_619 = vector.broadcast %shift_left3A_618 : i32 to vector<16xi32>
          %shift_left3A_620 = arith.shli %get3A_608, %shift_left3A_619 : vector<16xi32>
          %bitcast_convert_type3A_621 = tpu.bitcast %shift_left3A_620 : vector<16xi32> -> vector<16xf32>
          %mul3A_622 = arith.mulf %mul3A_617, %bitcast_convert_type3A_621 : vector<16xf32>
          %and3A_623 = arith.constant -65536 : i32
          %and3A_624 = vector.broadcast %and3A_623 : i32 to vector<16xi32>
          %and3A_625 = arith.andi %get3A_594, %and3A_624 : vector<16xi32>
          %bitcast_convert_type3A_626 = tpu.bitcast %and3A_625 : vector<16xi32> -> vector<16xf32>
          %and3A_627 = arith.constant -65536 : i32
          %and3A_628 = vector.broadcast %and3A_627 : i32 to vector<16xi32>
          %and3A_629 = arith.andi %get3A_601, %and3A_628 : vector<16xi32>
          %bitcast_convert_type3A_630 = tpu.bitcast %and3A_629 : vector<16xi32> -> vector<16xf32>
          %mul3A_631 = arith.mulf %bitcast_convert_type3A_626, %bitcast_convert_type3A_630 : vector<16xf32>
          %and3A_632 = arith.constant -65536 : i32
          %and3A_633 = vector.broadcast %and3A_632 : i32 to vector<16xi32>
          %and3A_634 = arith.andi %get3A_608, %and3A_633 : vector<16xi32>
          %bitcast_convert_type3A_635 = tpu.bitcast %and3A_634 : vector<16xi32> -> vector<16xf32>
          %mul3A_636 = arith.mulf %mul3A_631, %bitcast_convert_type3A_635 : vector<16xf32>
          %swap3A_637 = arith.constant 3 : i32
          %swap3A_638 = arith.constant 3 : i32
          %swap3A_639 = arith.index_cast %swap3A_637 : i32 to index
          %swap3A_640 = arith.index_cast %swap3A_638 : i32 to index
          %swap3A_641 = arith.index_cast %multiple_of3A_389 : i32 to index
          %swap3A_642 = tpu.vector_load %arg14[%swap3A_639, %swap3A_640, %swap3A_641] {strides = array<i32>} : memref<4x8x768xf32, #tpu.memory_space<vmem>>, vector<1x1x16xf32>,
          %swap3A_643 = vector.shape_cast %swap3A_642 : vector<1x1x16xf32> to vector<16xf32>
          %swap3A_644 = vector.shape_cast %mul3A_622 : vector<16xf32> to vector<1x1x16xf32>
          tpu.vector_store %arg14[%swap3A_639, %swap3A_640, %swap3A_641], %swap3A_644 {add = true, strides = array<i32>} : memref<4x8x768xf32, #tpu.memory_space<vmem>>, vector<1x1x16xf32>,
          %swap3A_645 = arith.constant 3 : i32
          %swap3A_646 = arith.constant 3 : i32
          %swap3A_647 = arith.index_cast %swap3A_645 : i32 to index
          %swap3A_648 = arith.index_cast %swap3A_646 : i32 to index
          %swap3A_649 = arith.index_cast %multiple_of3A_396 : i32 to index
          %swap3A_650 = tpu.vector_load %arg14[%swap3A_647, %swap3A_648, %swap3A_649] {strides = array<i32>} : memref<4x8x768xf32, #tpu.memory_space<vmem>>, vector<1x1x16xf32>,
          %swap3A_651 = vector.shape_cast %swap3A_650 : vector<1x1x16xf32> to vector<16xf32>
          %swap3A_652 = vector.shape_cast %mul3A_636 : vector<16xf32> to vector<1x1x16xf32>
          tpu.vector_store %arg14[%swap3A_647, %swap3A_648, %swap3A_649], %swap3A_652 {add = true, strides = array<i32>} : memref<4x8x768xf32, #tpu.memory_space<vmem>>, vector<1x1x16xf32>,
          %get3A_653 = arith.constant 3 : i32
          %get3A_654 = arith.constant 4 : i32
          %get3A_655 = arith.index_cast %get3A_653 : i32 to index
          %get3A_656 = arith.index_cast %get3A_654 : i32 to index
          %get3A_657 = arith.index_cast %multiple_of3A : i32 to index
          %get3A_658 = tpu.vector_load %arg11[%get3A_655, %get3A_656, %get3A_657] {strides = array<i32>} : memref<4x8x384xi32, #tpu.memory_space<vmem>>, vector<1x1x16xi32>,
          %get3A_659 = vector.shape_cast %get3A_658 : vector<1x1x16xi32> to vector<16xi32>
          %get3A_660 = arith.constant 3 : i32
          %get3A_661 = arith.constant 4 : i32
          %get3A_662 = arith.index_cast %get3A_660 : i32 to index
          %get3A_663 = arith.index_cast %get3A_661 : i32 to index
          %get3A_664 = arith.index_cast %multiple_of3A : i32 to index
          %get3A_665 = tpu.vector_load %arg12[%get3A_662, %get3A_663, %get3A_664] {strides = array<i32>} : memref<4x8x384xi32, #tpu.memory_space<vmem>>, vector<1x1x16xi32>,
          %get3A_666 = vector.shape_cast %get3A_665 : vector<1x1x16xi32> to vector<16xi32>
          %get3A_667 = arith.constant 3 : i32
          %get3A_668 = arith.constant 4 : i32
          %get3A_669 = arith.index_cast %get3A_667 : i32 to index
          %get3A_670 = arith.index_cast %get3A_668 : i32 to index
          %get3A_671 = arith.index_cast %multiple_of3A : i32 to index
          %get3A_672 = tpu.vector_load %arg13[%get3A_669, %get3A_670, %get3A_671] {strides = array<i32>} : memref<4x8x384xi32, #tpu.memory_space<vmem>>, vector<1x1x16xi32>,
          %get3A_673 = vector.shape_cast %get3A_672 : vector<1x1x16xi32> to vector<16xi32>
          %shift_left3A_674 = arith.constant 16 : i32
          %shift_left3A_675 = vector.broadcast %shift_left3A_674 : i32 to vector<16xi32>
          %shift_left3A_676 = arith.shli %get3A_659, %shift_left3A_675 : vector<16xi32>
          %bitcast_convert_type3A_677 = tpu.bitcast %shift_left3A_676 : vector<16xi32> -> vector<16xf32>
          %shift_left3A_678 = arith.constant 16 : i32
          %shift_left3A_679 = vector.broadcast %shift_left3A_678 : i32 to vector<16xi32>
          %shift_left3A_680 = arith.shli %get3A_666, %shift_left3A_679 : vector<16xi32>
          %bitcast_convert_type3A_681 = tpu.bitcast %shift_left3A_680 : vector<16xi32> -> vector<16xf32>
          %mul3A_682 = arith.mulf %bitcast_convert_type3A_677, %bitcast_convert_type3A_681 : vector<16xf32>
          %shift_left3A_683 = arith.constant 16 : i32
          %shift_left3A_684 = vector.broadcast %shift_left3A_683 : i32 to vector<16xi32>
          %shift_left3A_685 = arith.shli %get3A_673, %shift_left3A_684 : vector<16xi32>
          %bitcast_convert_type3A_686 = tpu.bitcast %shift_left3A_685 : vector<16xi32> -> vector<16xf32>
          %mul3A_687 = arith.mulf %mul3A_682, %bitcast_convert_type3A_686 : vector<16xf32>
          %and3A_688 = arith.constant -65536 : i32
          %and3A_689 = vector.broadcast %and3A_688 : i32 to vector<16xi32>
          %and3A_690 = arith.andi %get3A_659, %and3A_689 : vector<16xi32>
          %bitcast_convert_type3A_691 = tpu.bitcast %and3A_690 : vector<16xi32> -> vector<16xf32>
          %and3A_692 = arith.constant -65536 : i32
          %and3A_693 = vector.broadcast %and3A_692 : i32 to vector<16xi32>
          %and3A_694 = arith.andi %get3A_666, %and3A_693 : vector<16xi32>
          %bitcast_convert_type3A_695 = tpu.bitcast %and3A_694 : vector<16xi32> -> vector<16xf32>
          %mul3A_696 = arith.mulf %bitcast_convert_type3A_691, %bitcast_convert_type3A_695 : vector<16xf32>
          %and3A_697 = arith.constant -65536 : i32
          %and3A_698 = vector.broadcast %and3A_697 : i32 to vector<16xi32>
          %and3A_699 = arith.andi %get3A_673, %and3A_698 : vector<16xi32>
          %bitcast_convert_type3A_700 = tpu.bitcast %and3A_699 : vector<16xi32> -> vector<16xf32>
          %mul3A_701 = arith.mulf %mul3A_696, %bitcast_convert_type3A_700 : vector<16xf32>
          %swap3A_702 = arith.constant 3 : i32
          %swap3A_703 = arith.constant 4 : i32
          %swap3A_704 = arith.index_cast %swap3A_702 : i32 to index
          %swap3A_705 = arith.index_cast %swap3A_703 : i32 to index
          %swap3A_706 = arith.index_cast %multiple_of3A_389 : i32 to index
          %swap3A_707 = tpu.vector_load %arg14[%swap3A_704, %swap3A_705, %swap3A_706] {strides = array<i32>} : memref<4x8x768xf32, #tpu.memory_space<vmem>>, vector<1x1x16xf32>,
          %swap3A_708 = vector.shape_cast %swap3A_707 : vector<1x1x16xf32> to vector<16xf32>
          %swap3A_709 = vector.shape_cast %mul3A_687 : vector<16xf32> to vector<1x1x16xf32>
          tpu.vector_store %arg14[%swap3A_704, %swap3A_705, %swap3A_706], %swap3A_709 {add = true, strides = array<i32>} : memref<4x8x768xf32, #tpu.memory_space<vmem>>, vector<1x1x16xf32>,
          %swap3A_710 = arith.constant 3 : i32
          %swap3A_711 = arith.constant 4 : i32
          %swap3A_712 = arith.index_cast %swap3A_710 : i32 to index
          %swap3A_713 = arith.index_cast %swap3A_711 : i32 to index
          %swap3A_714 = arith.index_cast %multiple_of3A_396 : i32 to index
          %swap3A_715 = tpu.vector_load %arg14[%swap3A_712, %swap3A_713, %swap3A_714] {strides = array<i32>} : memref<4x8x768xf32, #tpu.memory_space<vmem>>, vector<1x1x16xf32>,
          %swap3A_716 = vector.shape_cast %swap3A_715 : vector<1x1x16xf32> to vector<16xf32>
          %swap3A_717 = vector.shape_cast %mul3A_701 : vector<16xf32> to vector<1x1x16xf32>
          tpu.vector_store %arg14[%swap3A_712, %swap3A_713, %swap3A_714], %swap3A_717 {add = true, strides = array<i32>} : memref<4x8x768xf32, #tpu.memory_space<vmem>>, vector<1x1x16xf32>,
          %get3A_718 = arith.constant 3 : i32
          %get3A_719 = arith.constant 5 : i32
          %get3A_720 = arith.index_cast %get3A_718 : i32 to index
          %get3A_721 = arith.index_cast %get3A_719 : i32 to index
          %get3A_722 = arith.index_cast %multiple_of3A : i32 to index
          %get3A_723 = tpu.vector_load %arg11[%get3A_720, %get3A_721, %get3A_722] {strides = array<i32>} : memref<4x8x384xi32, #tpu.memory_space<vmem>>, vector<1x1x16xi32>,
          %get3A_724 = vector.shape_cast %get3A_723 : vector<1x1x16xi32> to vector<16xi32>
          %get3A_725 = arith.constant 3 : i32
          %get3A_726 = arith.constant 5 : i32
          %get3A_727 = arith.index_cast %get3A_725 : i32 to index
          %get3A_728 = arith.index_cast %get3A_726 : i32 to index
          %get3A_729 = arith.index_cast %multiple_of3A : i32 to index
          %get3A_730 = tpu.vector_load %arg12[%get3A_727, %get3A_728, %get3A_729] {strides = array<i32>} : memref<4x8x384xi32, #tpu.memory_space<vmem>>, vector<1x1x16xi32>,
          %get3A_731 = vector.shape_cast %get3A_730 : vector<1x1x16xi32> to vector<16xi32>
          %get3A_732 = arith.constant 3 : i32
          %get3A_733 = arith.constant 5 : i32
          %get3A_734 = arith.index_cast %get3A_732 : i32 to index
          %get3A_735 = arith.index_cast %get3A_733 : i32 to index
          %get3A_736 = arith.index_cast %multiple_of3A : i32 to index
          %get3A_737 = tpu.vector_load %arg13[%get3A_734, %get3A_735, %get3A_736] {strides = array<i32>} : memref<4x8x384xi32, #tpu.memory_space<vmem>>, vector<1x1x16xi32>,
          %get3A_738 = vector.shape_cast %get3A_737 : vector<1x1x16xi32> to vector<16xi32>
          %shift_left3A_739 = arith.constant 16 : i32
          %shift_left3A_740 = vector.broadcast %shift_left3A_739 : i32 to vector<16xi32>
          %shift_left3A_741 = arith.shli %get3A_724, %shift_left3A_740 : vector<16xi32>
          %bitcast_convert_type3A_742 = tpu.bitcast %shift_left3A_741 : vector<16xi32> -> vector<16xf32>
          %shift_left3A_743 = arith.constant 16 : i32
          %shift_left3A_744 = vector.broadcast %shift_left3A_743 : i32 to vector<16xi32>
          %shift_left3A_745 = arith.shli %get3A_731, %shift_left3A_744 : vector<16xi32>
          %bitcast_convert_type3A_746 = tpu.bitcast %shift_left3A_745 : vector<16xi32> -> vector<16xf32>
          %mul3A_747 = arith.mulf %bitcast_convert_type3A_742, %bitcast_convert_type3A_746 : vector<16xf32>
          %shift_left3A_748 = arith.constant 16 : i32
          %shift_left3A_749 = vector.broadcast %shift_left3A_748 : i32 to vector<16xi32>
          %shift_left3A_750 = arith.shli %get3A_738, %shift_left3A_749 : vector<16xi32>
          %bitcast_convert_type3A_751 = tpu.bitcast %shift_left3A_750 : vector<16xi32> -> vector<16xf32>
          %mul3A_752 = arith.mulf %mul3A_747, %bitcast_convert_type3A_751 : vector<16xf32>
          %and3A_753 = arith.constant -65536 : i32
          %and3A_754 = vector.broadcast %and3A_753 : i32 to vector<16xi32>
          %and3A_755 = arith.andi %get3A_724, %and3A_754 : vector<16xi32>
          %bitcast_convert_type3A_756 = tpu.bitcast %and3A_755 : vector<16xi32> -> vector<16xf32>
          %and3A_757 = arith.constant -65536 : i32
          %and3A_758 = vector.broadcast %and3A_757 : i32 to vector<16xi32>
          %and3A_759 = arith.andi %get3A_731, %and3A_758 : vector<16xi32>
          %bitcast_convert_type3A_760 = tpu.bitcast %and3A_759 : vector<16xi32> -> vector<16xf32>
          %mul3A_761 = arith.mulf %bitcast_convert_type3A_756, %bitcast_convert_type3A_760 : vector<16xf32>
          %and3A_762 = arith.constant -65536 : i32
          %and3A_763 = vector.broadcast %and3A_762 : i32 to vector<16xi32>
          %and3A_764 = arith.andi %get3A_738, %and3A_763 : vector<16xi32>
          %bitcast_convert_type3A_765 = tpu.bitcast %and3A_764 : vector<16xi32> -> vector<16xf32>
          %mul3A_766 = arith.mulf %mul3A_761, %bitcast_convert_type3A_765 : vector<16xf32>
          %swap3A_767 = arith.constant 3 : i32
          %swap3A_768 = arith.constant 5 : i32
          %swap3A_769 = arith.index_cast %swap3A_767 : i32 to index
          %swap3A_770 = arith.index_cast %swap3A_768 : i32 to index
          %swap3A_771 = arith.index_cast %multiple_of3A_389 : i32 to index
          %swap3A_772 = tpu.vector_load %arg14[%swap3A_769, %swap3A_770, %swap3A_771] {strides = array<i32>} : memref<4x8x768xf32, #tpu.memory_space<vmem>>, vector<1x1x16xf32>,
          %swap3A_773 = vector.shape_cast %swap3A_772 : vector<1x1x16xf32> to vector<16xf32>
          %swap3A_774 = vector.shape_cast %mul3A_752 : vector<16xf32> to vector<1x1x16xf32>
          tpu.vector_store %arg14[%swap3A_769, %swap3A_770, %swap3A_771], %swap3A_774 {add = true, strides = array<i32>} : memref<4x8x768xf32, #tpu.memory_space<vmem>>, vector<1x1x16xf32>,
          %swap3A_775 = arith.constant 3 : i32
          %swap3A_776 = arith.constant 5 : i32
          %swap3A_777 = arith.index_cast %swap3A_775 : i32 to index
          %swap3A_778 = arith.index_cast %swap3A_776 : i32 to index
          %swap3A_779 = arith.index_cast %multiple_of3A_396 : i32 to index
          %swap3A_780 = tpu.vector_load %arg14[%swap3A_777, %swap3A_778, %swap3A_779] {strides = array<i32>} : memref<4x8x768xf32, #tpu.memory_space<vmem>>, vector<1x1x16xf32>,
          %swap3A_781 = vector.shape_cast %swap3A_780 : vector<1x1x16xf32> to vector<16xf32>
          %swap3A_782 = vector.shape_cast %mul3A_766 : vector<16xf32> to vector<1x1x16xf32>
          tpu.vector_store %arg14[%swap3A_777, %swap3A_778, %swap3A_779], %swap3A_782 {add = true, strides = array<i32>} : memref<4x8x768xf32, #tpu.memory_space<vmem>>, vector<1x1x16xf32>,
          %get3A_783 = arith.constant 3 : i32
          %get3A_784 = arith.constant 6 : i32
          %get3A_785 = arith.index_cast %get3A_783 : i32 to index
          %get3A_786 = arith.index_cast %get3A_784 : i32 to index
          %get3A_787 = arith.index_cast %multiple_of3A : i32 to index
          %get3A_788 = tpu.vector_load %arg11[%get3A_785, %get3A_786, %get3A_787] {strides = array<i32>} : memref<4x8x384xi32, #tpu.memory_space<vmem>>, vector<1x1x16xi32>,
          %get3A_789 = vector.shape_cast %get3A_788 : vector<1x1x16xi32> to vector<16xi32>
          %get3A_790 = arith.constant 3 : i32
          %get3A_791 = arith.constant 6 : i32
          %get3A_792 = arith.index_cast %get3A_790 : i32 to index
          %get3A_793 = arith.index_cast %get3A_791 : i32 to index
          %get3A_794 = arith.index_cast %multiple_of3A : i32 to index
          %get3A_795 = tpu.vector_load %arg12[%get3A_792, %get3A_793, %get3A_794] {strides = array<i32>} : memref<4x8x384xi32, #tpu.memory_space<vmem>>, vector<1x1x16xi32>,
          %get3A_796 = vector.shape_cast %get3A_795 : vector<1x1x16xi32> to vector<16xi32>
          %get3A_797 = arith.constant 3 : i32
          %get3A_798 = arith.constant 6 : i32
          %get3A_799 = arith.index_cast %get3A_797 : i32 to index
          %get3A_800 = arith.index_cast %get3A_798 : i32 to index
          %get3A_801 = arith.index_cast %multiple_of3A : i32 to index
          %get3A_802 = tpu.vector_load %arg13[%get3A_799, %get3A_800, %get3A_801] {strides = array<i32>} : memref<4x8x384xi32, #tpu.memory_space<vmem>>, vector<1x1x16xi32>,
          %get3A_803 = vector.shape_cast %get3A_802 : vector<1x1x16xi32> to vector<16xi32>
          %shift_left3A_804 = arith.constant 16 : i32
          %shift_left3A_805 = vector.broadcast %shift_left3A_804 : i32 to vector<16xi32>
          %shift_left3A_806 = arith.shli %get3A_789, %shift_left3A_805 : vector<16xi32>
          %bitcast_convert_type3A_807 = tpu.bitcast %shift_left3A_806 : vector<16xi32> -> vector<16xf32>
          %shift_left3A_808 = arith.constant 16 : i32
          %shift_left3A_809 = vector.broadcast %shift_left3A_808 : i32 to vector<16xi32>
          %shift_left3A_810 = arith.shli %get3A_796, %shift_left3A_809 : vector<16xi32>
          %bitcast_convert_type3A_811 = tpu.bitcast %shift_left3A_810 : vector<16xi32> -> vector<16xf32>
          %mul3A_812 = arith.mulf %bitcast_convert_type3A_807, %bitcast_convert_type3A_811 : vector<16xf32>
          %shift_left3A_813 = arith.constant 16 : i32
          %shift_left3A_814 = vector.broadcast %shift_left3A_813 : i32 to vector<16xi32>
          %shift_left3A_815 = arith.shli %get3A_803, %shift_left3A_814 : vector<16xi32>
          %bitcast_convert_type3A_816 = tpu.bitcast %shift_left3A_815 : vector<16xi32> -> vector<16xf32>
          %mul3A_817 = arith.mulf %mul3A_812, %bitcast_convert_type3A_816 : vector<16xf32>
          %and3A_818 = arith.constant -65536 : i32
          %and3A_819 = vector.broadcast %and3A_818 : i32 to vector<16xi32>
          %and3A_820 = arith.andi %get3A_789, %and3A_819 : vector<16xi32>
          %bitcast_convert_type3A_821 = tpu.bitcast %and3A_820 : vector<16xi32> -> vector<16xf32>
          %and3A_822 = arith.constant -65536 : i32
          %and3A_823 = vector.broadcast %and3A_822 : i32 to vector<16xi32>
          %and3A_824 = arith.andi %get3A_796, %and3A_823 : vector<16xi32>
          %bitcast_convert_type3A_825 = tpu.bitcast %and3A_824 : vector<16xi32> -> vector<16xf32>
          %mul3A_826 = arith.mulf %bitcast_convert_type3A_821, %bitcast_convert_type3A_825 : vector<16xf32>
          %and3A_827 = arith.constant -65536 : i32
          %and3A_828 = vector.broadcast %and3A_827 : i32 to vector<16xi32>
          %and3A_829 = arith.andi %get3A_803, %and3A_828 : vector<16xi32>
          %bitcast_convert_type3A_830 = tpu.bitcast %and3A_829 : vector<16xi32> -> vector<16xf32>
          %mul3A_831 = arith.mulf %mul3A_826, %bitcast_convert_type3A_830 : vector<16xf32>
          %swap3A_832 = arith.constant 3 : i32
          %swap3A_833 = arith.constant 6 : i32
          %swap3A_834 = arith.index_cast %swap3A_832 : i32 to index
          %swap3A_835 = arith.index_cast %swap3A_833 : i32 to index
          %swap3A_836 = arith.index_cast %multiple_of3A_389 : i32 to index
          %swap3A_837 = tpu.vector_load %arg14[%swap3A_834, %swap3A_835, %swap3A_836] {strides = array<i32>} : memref<4x8x768xf32, #tpu.memory_space<vmem>>, vector<1x1x16xf32>,
          %swap3A_838 = vector.shape_cast %swap3A_837 : vector<1x1x16xf32> to vector<16xf32>
          %swap3A_839 = vector.shape_cast %mul3A_817 : vector<16xf32> to vector<1x1x16xf32>
          tpu.vector_store %arg14[%swap3A_834, %swap3A_835, %swap3A_836], %swap3A_839 {add = true, strides = array<i32>} : memref<4x8x768xf32, #tpu.memory_space<vmem>>, vector<1x1x16xf32>,
          %swap3A_840 = arith.constant 3 : i32
          %swap3A_841 = arith.constant 6 : i32
          %swap3A_842 = arith.index_cast %swap3A_840 : i32 to index
          %swap3A_843 = arith.index_cast %swap3A_841 : i32 to index
          %swap3A_844 = arith.index_cast %multiple_of3A_396 : i32 to index
          %swap3A_845 = tpu.vector_load %arg14[%swap3A_842, %swap3A_843, %swap3A_844] {strides = array<i32>} : memref<4x8x768xf32, #tpu.memory_space<vmem>>, vector<1x1x16xf32>,
          %swap3A_846 = vector.shape_cast %swap3A_845 : vector<1x1x16xf32> to vector<16xf32>
          %swap3A_847 = vector.shape_cast %mul3A_831 : vector<16xf32> to vector<1x1x16xf32>
          tpu.vector_store %arg14[%swap3A_842, %swap3A_843, %swap3A_844], %swap3A_847 {add = true, strides = array<i32>} : memref<4x8x768xf32, #tpu.memory_space<vmem>>, vector<1x1x16xf32>,
          %get3A_848 = arith.constant 3 : i32
          %get3A_849 = arith.constant 7 : i32
          %get3A_850 = arith.index_cast %get3A_848 : i32 to index
          %get3A_851 = arith.index_cast %get3A_849 : i32 to index
          %get3A_852 = arith.index_cast %multiple_of3A : i32 to index
          %get3A_853 = tpu.vector_load %arg11[%get3A_850, %get3A_851, %get3A_852] {strides = array<i32>} : memref<4x8x384xi32, #tpu.memory_space<vmem>>, vector<1x1x16xi32>,
          %get3A_854 = vector.shape_cast %get3A_853 : vector<1x1x16xi32> to vector<16xi32>
          %get3A_855 = arith.constant 3 : i32
          %get3A_856 = arith.constant 7 : i32
          %get3A_857 = arith.index_cast %get3A_855 : i32 to index
          %get3A_858 = arith.index_cast %get3A_856 : i32 to index
          %get3A_859 = arith.index_cast %multiple_of3A : i32 to index
          %get3A_860 = tpu.vector_load %arg12[%get3A_857, %get3A_858, %get3A_859] {strides = array<i32>} : memref<4x8x384xi32, #tpu.memory_space<vmem>>, vector<1x1x16xi32>,
          %get3A_861 = vector.shape_cast %get3A_860 : vector<1x1x16xi32> to vector<16xi32>
          %get3A_862 = arith.constant 3 : i32
          %get3A_863 = arith.constant 7 : i32
          %get3A_864 = arith.index_cast %get3A_862 : i32 to index
          %get3A_865 = arith.index_cast %get3A_863 : i32 to index
          %get3A_866 = arith.index_cast %multiple_of3A : i32 to index
          %get3A_867 = tpu.vector_load %arg13[%get3A_864, %get3A_865, %get3A_866] {strides = array<i32>} : memref<4x8x384xi32, #tpu.memory_space<vmem>>, vector<1x1x16xi32>,
          %get3A_868 = vector.shape_cast %get3A_867 : vector<1x1x16xi32> to vector<16xi32>
          %shift_left3A_869 = arith.constant 16 : i32
          %shift_left3A_870 = vector.broadcast %shift_left3A_869 : i32 to vector<16xi32>
          %shift_left3A_871 = arith.shli %get3A_854, %shift_left3A_870 : vector<16xi32>
          %bitcast_convert_type3A_872 = tpu.bitcast %shift_left3A_871 : vector<16xi32> -> vector<16xf32>
          %shift_left3A_873 = arith.constant 16 : i32
          %shift_left3A_874 = vector.broadcast %shift_left3A_873 : i32 to vector<16xi32>
          %shift_left3A_875 = arith.shli %get3A_861, %shift_left3A_874 : vector<16xi32>
          %bitcast_convert_type3A_876 = tpu.bitcast %shift_left3A_875 : vector<16xi32> -> vector<16xf32>
          %mul3A_877 = arith.mulf %bitcast_convert_type3A_872, %bitcast_convert_type3A_876 : vector<16xf32>
          %shift_left3A_878 = arith.constant 16 : i32
          %shift_left3A_879 = vector.broadcast %shift_left3A_878 : i32 to vector<16xi32>
          %shift_left3A_880 = arith.shli %get3A_868, %shift_left3A_879 : vector<16xi32>
          %bitcast_convert_type3A_881 = tpu.bitcast %shift_left3A_880 : vector<16xi32> -> vector<16xf32>
          %mul3A_882 = arith.mulf %mul3A_877, %bitcast_convert_type3A_881 : vector<16xf32>
          %and3A_883 = arith.constant -65536 : i32
          %and3A_884 = vector.broadcast %and3A_883 : i32 to vector<16xi32>
          %and3A_885 = arith.andi %get3A_854, %and3A_884 : vector<16xi32>
          %bitcast_convert_type3A_886 = tpu.bitcast %and3A_885 : vector<16xi32> -> vector<16xf32>
          %and3A_887 = arith.constant -65536 : i32
          %and3A_888 = vector.broadcast %and3A_887 : i32 to vector<16xi32>
          %and3A_889 = arith.andi %get3A_861, %and3A_888 : vector<16xi32>
          %bitcast_convert_type3A_890 = tpu.bitcast %and3A_889 : vector<16xi32> -> vector<16xf32>
          %mul3A_891 = arith.mulf %bitcast_convert_type3A_886, %bitcast_convert_type3A_890 : vector<16xf32>
          %and3A_892 = arith.constant -65536 : i32
          %and3A_893 = vector.broadcast %and3A_892 : i32 to vector<16xi32>
          %and3A_894 = arith.andi %get3A_868, %and3A_893 : vector<16xi32>
          %bitcast_convert_type3A_895 = tpu.bitcast %and3A_894 : vector<16xi32> -> vector<16xf32>
          %mul3A_896 = arith.mulf %mul3A_891, %bitcast_convert_type3A_895 : vector<16xf32>
          %swap3A_897 = arith.constant 3 : i32
          %swap3A_898 = arith.constant 7 : i32
          %swap3A_899 = arith.index_cast %swap3A_897 : i32 to index
          %swap3A_900 = arith.index_cast %swap3A_898 : i32 to index
          %swap3A_901 = arith.index_cast %multiple_of3A_389 : i32 to index
          %swap3A_902 = tpu.vector_load %arg14[%swap3A_899, %swap3A_900, %swap3A_901] {strides = array<i32>} : memref<4x8x768xf32, #tpu.memory_space<vmem>>, vector<1x1x16xf32>,
          %swap3A_903 = vector.shape_cast %swap3A_902 : vector<1x1x16xf32> to vector<16xf32>
          %swap3A_904 = vector.shape_cast %mul3A_882 : vector<16xf32> to vector<1x1x16xf32>
          tpu.vector_store %arg14[%swap3A_899, %swap3A_900, %swap3A_901], %swap3A_904 {add = true, strides = array<i32>} : memref<4x8x768xf32, #tpu.memory_space<vmem>>, vector<1x1x16xf32>,
          %swap3A_905 = arith.constant 3 : i32
          %swap3A_906 = arith.constant 7 : i32
          %swap3A_907 = arith.index_cast %swap3A_905 : i32 to index
          %swap3A_908 = arith.index_cast %swap3A_906 : i32 to index
          %swap3A_909 = arith.index_cast %multiple_of3A_396 : i32 to index
          %swap3A_910 = tpu.vector_load %arg14[%swap3A_907, %swap3A_908, %swap3A_909] {strides = array<i32>} : memref<4x8x768xf32, #tpu.memory_space<vmem>>, vector<1x1x16xf32>,
          %swap3A_911 = vector.shape_cast %swap3A_910 : vector<1x1x16xf32> to vector<16xf32>
          %swap3A_912 = vector.shape_cast %mul3A_896 : vector<16xf32> to vector<1x1x16xf32>
          tpu.vector_store %arg14[%swap3A_907, %swap3A_908, %swap3A_909], %swap3A_912 {add = true, strides = array<i32>} : memref<4x8x768xf32, #tpu.memory_space<vmem>>, vector<1x1x16xf32>,
        }
        %scan3A_365 = arith.constant 24 : i32
        %mul3A_366 = arith.constant 8 : i32
        %mul3A_367 = arith.muli %add3A_286, %mul3A_366 : i32
        %add3A_368 = arith.addi %mul3A_2, %mul3A_367 : i32
        %dma_start3A_369 = arith.constant 3 : i32
        %dma_start3A_370 = arith.constant 0 : i32
        %dma_start3A_371 = arith.constant 0 : i32
        %dma_start3A_372 = tpu.memref_slice %arg14[%dma_start3A_369, %dma_start3A_370, %dma_start3A_371] : memref<4x8x768xf32, #tpu.memory_space<vmem>> -> memref<1x8x768xf32, #tpu.memory_space<vmem>>
        %dma_start3A_373 = tpu.memref_squeeze %dma_start3A_372 : memref<1x8x768xf32, #tpu.memory_space<vmem>> -> memref<8x768xf32, #tpu.memory_space<vmem>>
        %dma_start3A_374 = arith.constant 0 : i32
        %dma_start3A_375 = tpu.memref_slice %arg8[%add3A_368, %dma_start3A_374] : memref<160000x768xf32, #tpu.memory_space<hbm>> -> memref<8x768xf32, #tpu.memory_space<hbm>>
        %dma_start3A_376 = arith.constant 0 : i32
        %dma_start3A_377 = tpu.memref_slice %arg8[%add3A_368, %dma_start3A_376] : memref<160000x768xf32, #tpu.memory_space<hbm>> -> memref<8x768xf32, #tpu.memory_space<hbm>>
        %dma_start3A_378 = arith.constant 0 : i32
        %dma_start3A_379 = arith.constant 0 : i32
        %dma_start3A_380 = tpu.memref_slice %arg14[%dma_start3A_369, %dma_start3A_378, %dma_start3A_379] : memref<4x8x768xf32, #tpu.memory_space<vmem>> -> memref<1x8x768xf32, #tpu.memory_space<vmem>>
        %dma_start3A_381 = tpu.memref_squeeze %dma_start3A_380 : memref<1x8x768xf32, #tpu.memory_space<vmem>> -> memref<8x768xf32, #tpu.memory_space<vmem>>
        tpu.enqueue_dma source(%dma_start3A_381 : memref<8x768xf32, #tpu.memory_space<vmem>>) target(%dma_start3A_377 : memref<8x768xf32, #tpu.memory_space<hbm>>) target_semaphore(%arg22 : memref<!tpu.dma_semaphore, #tpu.memory_space<semaphore_mem>>)
      } else {
      }
      %add3A_292 = arith.constant 4 : i32
      %add3A_293 = arith.addi %add3A_286, %add3A_292 : i32
      %sub3A_294 = arith.constant 1 : i32
      %sub3A_295 = arith.subi %add3A_293, %sub3A_294 : i32
      %ge3A_296 = arith.constant 4 : i32
      %ge3A_297 = arith.cmpi sge, %sub3A_295, %ge3A_296 : i32
      %lt3A_298 = arith.constant 625 : i32
      %lt3A_299 = arith.cmpi slt, %sub3A_295, %lt3A_298 : i32
      %and3A_300 = arith.andi %ge3A_297, %lt3A_299 : i1
      %convert_element_type3A_301 = arith.extui %and3A_300 : i1 to i32
      %cond3A_302 = arith.constant 0 : i32
      %cond3A_303 = arith.cmpi ne, %convert_element_type3A_301, %cond3A_302 : i32
      scf.if %cond3A_303 {
        %sub3A_309 = arith.constant 4 : i32
        %sub3A_310 = arith.subi %sub3A_295, %sub3A_309 : i32
        %mul3A_311 = arith.constant 8 : i32
        %mul3A_312 = arith.muli %sub3A_310, %mul3A_311 : i32
        %add3A_313 = arith.addi %mul3A_2, %mul3A_312 : i32
        %dma_wait3A_314 = arith.constant 2 : i32
        %dma_wait3A_315 = arith.constant 0 : i32
        %dma_wait3A_316 = arith.constant 0 : i32
        %dma_wait3A_317 = tpu.memref_slice %arg14[%dma_wait3A_314, %dma_wait3A_315, %dma_wait3A_316] : memref<4x8x768xf32, #tpu.memory_space<vmem>> -> memref<1x8x768xf32, #tpu.memory_space<vmem>>
        %dma_wait3A_318 = tpu.memref_squeeze %dma_wait3A_317 : memref<1x8x768xf32, #tpu.memory_space<vmem>> -> memref<8x768xf32, #tpu.memory_space<vmem>>
        %dma_wait3A_319 = arith.constant 0 : i32
        %dma_wait3A_320 = tpu.memref_slice %arg8[%add3A_313, %dma_wait3A_319] : memref<160000x768xf32, #tpu.memory_space<hbm>> -> memref<8x768xf32, #tpu.memory_space<hbm>>
        %dma_wait3A_321 = arith.constant 0 : i32
        %dma_wait3A_322 = tpu.memref_slice %arg8[%add3A_313, %dma_wait3A_321] : memref<160000x768xf32, #tpu.memory_space<hbm>> -> memref<8x768xf32, #tpu.memory_space<hbm>>
        %dma_wait3A_323 = arith.constant 0 : i32
        %dma_wait3A_324 = arith.constant 0 : i32
        %dma_wait3A_325 = tpu.memref_slice %arg14[%dma_wait3A_314, %dma_wait3A_323, %dma_wait3A_324] : memref<4x8x768xf32, #tpu.memory_space<vmem>> -> memref<1x8x768xf32, #tpu.memory_space<vmem>>
        %dma_wait3A_326 = tpu.memref_squeeze %dma_wait3A_325 : memref<1x8x768xf32, #tpu.memory_space<vmem>> -> memref<8x768xf32, #tpu.memory_space<vmem>>
        tpu.wait_dma2 semaphore(%arg21 : memref<!tpu.dma_semaphore, #tpu.memory_space<semaphore_mem>>) src(%dma_wait3A_326 : memref<8x768xf32, #tpu.memory_space<vmem>>) dst(%dma_wait3A_322 : memref<8x768xf32, #tpu.memory_space<hbm>>)
      } else {
      }
      %lt3A_304 = arith.constant 625 : i32
      %lt3A_305 = arith.cmpi slt, %sub3A_295, %lt3A_304 : i32
      %convert_element_type3A_306 = arith.extui %lt3A_305 : i1 to i32
      %cond3A_307 = arith.constant 0 : i32
      %cond3A_308 = arith.cmpi ne, %convert_element_type3A_306, %cond3A_307 : i32
      scf.if %cond3A_308 {
        %mul3A_309 = arith.constant 8 : i32
        %mul3A_310 = arith.muli %sub3A_295, %mul3A_309 : i32
        %add3A_311 = arith.addi %mul3A_2, %mul3A_310 : i32
        %mul3A_312 = arith.constant 8 : i32
        %mul3A_313 = arith.muli %sub3A_295, %mul3A_312 : i32
        %mul3A_314 = arith.constant 8 : i32
        %mul3A_315 = arith.muli %sub3A_295, %mul3A_314 : i32
        %dma_start3A_316 = arith.constant 2 : i32
        %dma_start3A_317 = arith.constant 0 : i32
        %dma_start3A_318 = arith.constant 0 : i32
        %dma_start3A_319 = tpu.memref_slice %arg11[%dma_start3A_316, %dma_start3A_317, %dma_start3A_318] : memref<4x8x384xi32, #tpu.memory_space<vmem>> -> memref<1x8x384xi32, #tpu.memory_space<vmem>>
        %dma_start3A_320 = tpu.memref_squeeze %dma_start3A_319 : memref<1x8x384xi32, #tpu.memory_space<vmem>> -> memref<8x384xi32, #tpu.memory_space<vmem>>
        %dma_start3A_321 = tpu.memref_slice %arg9[%mul3A_313] : memref<5000xi32, #tpu.memory_space<vmem>> -> memref<8xi32, #tpu.memory_space<vmem>>
        %dma_start3A_322 = arith.constant 0 : i32
        %dma_start3A_323 = arith.constant 0 : i32
        %dma_start3A_324 = tpu.memref_slice %arg2[%dma_start3A_322, %dma_start3A_323] : memref<10000x384xi32, #tpu.memory_space<hbm>> -> memref<10000x384xi32, #tpu.memory_space<hbm>>
        tpu.enqueue_indirect_dma source(%dma_start3A_324 : memref<10000x384xi32, #tpu.memory_space<hbm>>) target(%dma_start3A_320 : memref<8x384xi32, #tpu.memory_space<vmem>>) offsets(%dma_start3A_321 : memref<8xi32, #tpu.memory_space<vmem>>) semaphore(%arg17 : memref<!tpu.dma_semaphore, #tpu.memory_space<semaphore_mem>>)
        %dma_start3A_325 = arith.constant 2 : i32
        %dma_start3A_326 = arith.constant 0 : i32
        %dma_start3A_327 = arith.constant 0 : i32
        %dma_start3A_328 = tpu.memref_slice %arg12[%dma_start3A_325, %dma_start3A_326, %dma_start3A_327] : memref<4x8x384xi32, #tpu.memory_space<vmem>> -> memref<1x8x384xi32, #tpu.memory_space<vmem>>
        %dma_start3A_329 = tpu.memref_squeeze %dma_start3A_328 : memref<1x8x384xi32, #tpu.memory_space<vmem>> -> memref<8x384xi32, #tpu.memory_space<vmem>>
        %dma_start3A_330 = tpu.memref_slice %arg10[%mul3A_315] : memref<5000xi32, #tpu.memory_space<vmem>> -> memref<8xi32, #tpu.memory_space<vmem>>
        %dma_start3A_331 = arith.constant 0 : i32
        %dma_start3A_332 = arith.constant 0 : i32
        %dma_start3A_333 = tpu.memref_slice %arg3[%dma_start3A_331, %dma_start3A_332] : memref<10000x384xi32, #tpu.memory_space<hbm>> -> memref<10000x384xi32, #tpu.memory_space<hbm>>
        tpu.enqueue_indirect_dma source(%dma_start3A_333 : memref<10000x384xi32, #tpu.memory_space<hbm>>) target(%dma_start3A_329 : memref<8x384xi32, #tpu.memory_space<vmem>>) offsets(%dma_start3A_330 : memref<8xi32, #tpu.memory_space<vmem>>) semaphore(%arg17 : memref<!tpu.dma_semaphore, #tpu.memory_space<semaphore_mem>>)
        %dma_start3A_334 = arith.constant 2 : i32
        %dma_start3A_335 = arith.constant 0 : i32
        %dma_start3A_336 = arith.constant 0 : i32
        %dma_start3A_337 = tpu.memref_slice %arg13[%dma_start3A_334, %dma_start3A_335, %dma_start3A_336] : memref<4x8x384xi32, #tpu.memory_space<vmem>> -> memref<1x8x384xi32, #tpu.memory_space<vmem>>
        %dma_start3A_338 = tpu.memref_squeeze %dma_start3A_337 : memref<1x8x384xi32, #tpu.memory_space<vmem>> -> memref<8x384xi32, #tpu.memory_space<vmem>>
        %dma_start3A_339 = arith.constant 0 : i32
        %dma_start3A_340 = tpu.memref_slice %arg4[%add3A_311, %dma_start3A_339] : memref<160000x384xi32, #tpu.memory_space<hbm>> -> memref<8x384xi32, #tpu.memory_space<hbm>>
        %dma_start3A_341 = arith.constant 0 : i32
        %dma_start3A_342 = arith.constant 0 : i32
        %dma_start3A_343 = tpu.memref_slice %arg13[%dma_start3A_334, %dma_start3A_341, %dma_start3A_342] : memref<4x8x384xi32, #tpu.memory_space<vmem>> -> memref<1x8x384xi32, #tpu.memory_space<vmem>>
        %dma_start3A_344 = tpu.memref_squeeze %dma_start3A_343 : memref<1x8x384xi32, #tpu.memory_space<vmem>> -> memref<8x384xi32, #tpu.memory_space<vmem>>
        %dma_start3A_345 = arith.constant 0 : i32
        %dma_start3A_346 = tpu.memref_slice %arg4[%add3A_311, %dma_start3A_345] : memref<160000x384xi32, #tpu.memory_space<hbm>> -> memref<8x384xi32, #tpu.memory_space<hbm>>
        tpu.enqueue_dma source(%dma_start3A_346 : memref<8x384xi32, #tpu.memory_space<hbm>>) target(%dma_start3A_344 : memref<8x384xi32, #tpu.memory_space<vmem>>) target_semaphore(%arg17 : memref<!tpu.dma_semaphore, #tpu.memory_space<semaphore_mem>>)
        %dma_start3A_347 = arith.constant 2 : i32
        %dma_start3A_348 = arith.constant 0 : i32
        %dma_start3A_349 = arith.constant 0 : i32
        %dma_start3A_350 = tpu.memref_slice %arg14[%dma_start3A_347, %dma_start3A_348, %dma_start3A_349] : memref<4x8x768xf32, #tpu.memory_space<vmem>> -> memref<1x8x768xf32, #tpu.memory_space<vmem>>
        %dma_start3A_351 = tpu.memref_squeeze %dma_start3A_350 : memref<1x8x768xf32, #tpu.memory_space<vmem>> -> memref<8x768xf32, #tpu.memory_space<vmem>>
        %dma_start3A_352 = arith.constant 0 : i32
        %dma_start3A_353 = tpu.memref_slice %arg5[%add3A_311, %dma_start3A_352] : memref<160000x768xf32, #tpu.memory_space<hbm>> -> memref<8x768xf32, #tpu.memory_space<hbm>>
        %dma_start3A_354 = arith.constant 0 : i32
        %dma_start3A_355 = arith.constant 0 : i32
        %dma_start3A_356 = tpu.memref_slice %arg14[%dma_start3A_347, %dma_start3A_354, %dma_start3A_355] : memref<4x8x768xf32, #tpu.memory_space<vmem>> -> memref<1x8x768xf32, #tpu.memory_space<vmem>>
        %dma_start3A_357 = tpu.memref_squeeze %dma_start3A_356 : memref<1x8x768xf32, #tpu.memory_space<vmem>> -> memref<8x768xf32, #tpu.memory_space<vmem>>
        %dma_start3A_358 = arith.constant 0 : i32
        %dma_start3A_359 = tpu.memref_slice %arg5[%add3A_311, %dma_start3A_358] : memref<160000x768xf32, #tpu.memory_space<hbm>> -> memref<8x768xf32, #tpu.memory_space<hbm>>
        tpu.enqueue_dma source(%dma_start3A_359 : memref<8x768xf32, #tpu.memory_space<hbm>>) target(%dma_start3A_357 : memref<8x768xf32, #tpu.memory_space<vmem>>) target_semaphore(%arg17 : memref<!tpu.dma_semaphore, #tpu.memory_space<semaphore_mem>>)
      } else {
      }
    }
    %scan3A_150 = arith.constant 157 : i32
    %add3A_151 = arith.constant 4992 : i32
    %add3A_152 = arith.addi %mul3A_2, %add3A_151 : i32
    %dma_wait3A = arith.constant 0 : i32
    %dma_wait3A_153 = arith.constant 0 : i32
    %dma_wait3A_154 = arith.constant 0 : i32
    %dma_wait3A_155 = tpu.memref_slice %arg14[%dma_wait3A, %dma_wait3A_153, %dma_wait3A_154] : memref<4x8x768xf32, #tpu.memory_space<vmem>> -> memref<1x8x768xf32, #tpu.memory_space<vmem>>
    %dma_wait3A_156 = tpu.memref_squeeze %dma_wait3A_155 : memref<1x8x768xf32, #tpu.memory_space<vmem>> -> memref<8x768xf32, #tpu.memory_space<vmem>>
    %dma_wait3A_157 = arith.constant 0 : i32
    %dma_wait3A_158 = tpu.memref_slice %arg8[%add3A_152, %dma_wait3A_157] : memref<160000x768xf32, #tpu.memory_space<hbm>> -> memref<8x768xf32, #tpu.memory_space<hbm>>
    %dma_wait3A_159 = arith.constant 0 : i32
    %dma_wait3A_160 = tpu.memref_slice %arg8[%add3A_152, %dma_wait3A_159] : memref<160000x768xf32, #tpu.memory_space<hbm>> -> memref<8x768xf32, #tpu.memory_space<hbm>>
    %dma_wait3A_161 = arith.constant 0 : i32
    %dma_wait3A_162 = arith.constant 0 : i32
    %dma_wait3A_163 = tpu.memref_slice %arg14[%dma_wait3A, %dma_wait3A_161, %dma_wait3A_162] : memref<4x8x768xf32, #tpu.memory_space<vmem>> -> memref<1x8x768xf32, #tpu.memory_space<vmem>>
    %dma_wait3A_164 = tpu.memref_squeeze %dma_wait3A_163 : memref<1x8x768xf32, #tpu.memory_space<vmem>> -> memref<8x768xf32, #tpu.memory_space<vmem>>
    tpu.wait_dma2 semaphore(%arg19 : memref<!tpu.dma_semaphore, #tpu.memory_space<semaphore_mem>>) src(%dma_wait3A_164 : memref<8x768xf32, #tpu.memory_space<vmem>>) dst(%dma_wait3A_160 : memref<8x768xf32, #tpu.memory_space<hbm>>)
    %add3A_165 = arith.constant 4968 : i32
    %add3A_166 = arith.addi %mul3A_2, %add3A_165 : i32
    %dma_wait3A_167 = arith.constant 1 : i32
    %dma_wait3A_168 = arith.constant 0 : i32
    %dma_wait3A_169 = arith.constant 0 : i32
    %dma_wait3A_170 = tpu.memref_slice %arg14[%dma_wait3A_167, %dma_wait3A_168, %dma_wait3A_169] : memref<4x8x768xf32, #tpu.memory_space<vmem>> -> memref<1x8x768xf32, #tpu.memory_space<vmem>>
    %dma_wait3A_171 = tpu.memref_squeeze %dma_wait3A_170 : memref<1x8x768xf32, #tpu.memory_space<vmem>> -> memref<8x768xf32, #tpu.memory_space<vmem>>
    %dma_wait3A_172 = arith.constant 0 : i32
    %dma_wait3A_173 = tpu.memref_slice %arg8[%add3A_166, %dma_wait3A_172] : memref<160000x768xf32, #tpu.memory_space<hbm>> -> memref<8x768xf32, #tpu.memory_space<hbm>>
    %dma_wait3A_174 = arith.constant 0 : i32
    %dma_wait3A_175 = tpu.memref_slice %arg8[%add3A_166, %dma_wait3A_174] : memref<160000x768xf32, #tpu.memory_space<hbm>> -> memref<8x768xf32, #tpu.memory_space<hbm>>
    %dma_wait3A_176 = arith.constant 0 : i32
    %dma_wait3A_177 = arith.constant 0 : i32
    %dma_wait3A_178 = tpu.memref_slice %arg14[%dma_wait3A_167, %dma_wait3A_176, %dma_wait3A_177] : memref<4x8x768xf32, #tpu.memory_space<vmem>> -> memref<1x8x768xf32, #tpu.memory_space<vmem>>
    %dma_wait3A_179 = tpu.memref_squeeze %dma_wait3A_178 : memref<1x8x768xf32, #tpu.memory_space<vmem>> -> memref<8x768xf32, #tpu.memory_space<vmem>>
    tpu.wait_dma2 semaphore(%arg20 : memref<!tpu.dma_semaphore, #tpu.memory_space<semaphore_mem>>) src(%dma_wait3A_179 : memref<8x768xf32, #tpu.memory_space<vmem>>) dst(%dma_wait3A_175 : memref<8x768xf32, #tpu.memory_space<hbm>>)
    %add3A_180 = arith.constant 4976 : i32
    %add3A_181 = arith.addi %mul3A_2, %add3A_180 : i32
    %dma_wait3A_182 = arith.constant 2 : i32
    %dma_wait3A_183 = arith.constant 0 : i32
    %dma_wait3A_184 = arith.constant 0 : i32
    %dma_wait3A_185 = tpu.memref_slice %arg14[%dma_wait3A_182, %dma_wait3A_183, %dma_wait3A_184] : memref<4x8x768xf32, #tpu.memory_space<vmem>> -> memref<1x8x768xf32, #tpu.memory_space<vmem>>
    %dma_wait3A_186 = tpu.memref_squeeze %dma_wait3A_185 : memref<1x8x768xf32, #tpu.memory_space<vmem>> -> memref<8x768xf32, #tpu.memory_space<vmem>>
    %dma_wait3A_187 = arith.constant 0 : i32
    %dma_wait3A_188 = tpu.memref_slice %arg8[%add3A_181, %dma_wait3A_187] : memref<160000x768xf32, #tpu.memory_space<hbm>> -> memref<8x768xf32, #tpu.memory_space<hbm>>
    %dma_wait3A_189 = arith.constant 0 : i32
    %dma_wait3A_190 = tpu.memref_slice %arg8[%add3A_181, %dma_wait3A_189] : memref<160000x768xf32, #tpu.memory_space<hbm>> -> memref<8x768xf32, #tpu.memory_space<hbm>>
    %dma_wait3A_191 = arith.constant 0 : i32
    %dma_wait3A_192 = arith.constant 0 : i32
    %dma_wait3A_193 = tpu.memref_slice %arg14[%dma_wait3A_182, %dma_wait3A_191, %dma_wait3A_192] : memref<4x8x768xf32, #tpu.memory_space<vmem>> -> memref<1x8x768xf32, #tpu.memory_space<vmem>>
    %dma_wait3A_194 = tpu.memref_squeeze %dma_wait3A_193 : memref<1x8x768xf32, #tpu.memory_space<vmem>> -> memref<8x768xf32, #tpu.memory_space<vmem>>
    tpu.wait_dma2 semaphore(%arg21 : memref<!tpu.dma_semaphore, #tpu.memory_space<semaphore_mem>>) src(%dma_wait3A_194 : memref<8x768xf32, #tpu.memory_space<vmem>>) dst(%dma_wait3A_190 : memref<8x768xf32, #tpu.memory_space<hbm>>)
    %add3A_195 = arith.constant 4984 : i32
    %add3A_196 = arith.addi %mul3A_2, %add3A_195 : i32
    %dma_wait3A_197 = arith.constant 3 : i32
    %dma_wait3A_198 = arith.constant 0 : i32
    %dma_wait3A_199 = arith.constant 0 : i32
    %dma_wait3A_200 = tpu.memref_slice %arg14[%dma_wait3A_197, %dma_wait3A_198, %dma_wait3A_199] : memref<4x8x768xf32, #tpu.memory_space<vmem>> -> memref<1x8x768xf32, #tpu.memory_space<vmem>>
    %dma_wait3A_201 = tpu.memref_squeeze %dma_wait3A_200 : memref<1x8x768xf32, #tpu.memory_space<vmem>> -> memref<8x768xf32, #tpu.memory_space<vmem>>
    %dma_wait3A_202 = arith.constant 0 : i32
    %dma_wait3A_203 = tpu.memref_slice %arg8[%add3A_196, %dma_wait3A_202] : memref<160000x768xf32, #tpu.memory_space<hbm>> -> memref<8x768xf32, #tpu.memory_space<hbm>>
    %dma_wait3A_204 = arith.constant 0 : i32
    %dma_wait3A_205 = tpu.memref_slice %arg8[%add3A_196, %dma_wait3A_204] : memref<160000x768xf32, #tpu.memory_space<hbm>> -> memref<8x768xf32, #tpu.memory_space<hbm>>
    %dma_wait3A_206 = arith.constant 0 : i32
    %dma_wait3A_207 = arith.constant 0 : i32
    %dma_wait3A_208 = tpu.memref_slice %arg14[%dma_wait3A_197, %dma_wait3A_206, %dma_wait3A_207] : memref<4x8x768xf32, #tpu.memory_space<vmem>> -> memref<1x8x768xf32, #tpu.memory_space<vmem>>
    %dma_wait3A_209 = tpu.memref_squeeze %dma_wait3A_208 : memref<1x8x768xf32, #tpu.memory_space<vmem>> -> memref<8x768xf32, #tpu.memory_space<vmem>>
    tpu.wait_dma2 semaphore(%arg22 : memref<!tpu.dma_semaphore, #tpu.memory_space<semaphore_mem>>) src(%dma_wait3A_209 : memref<8x768xf32, #tpu.memory_space<vmem>>) dst(%dma_wait3A_205 : memref<8x768xf32, #tpu.memory_space<hbm>>)
    return
  }
}

module attributes {stable_mosaic.version = 14 : i64} {
  func.func @_h_body(%arg0: i32, %arg1: memref<1000x1152xf32, #tpu.memory_space<vmem>>, %arg2: memref<1152x768xf32, #tpu.memory_space<vmem>>, %arg3: memref<1152x768xf32, #tpu.memory_space<vmem>>, %arg4: memref<1000x384xi32, #tpu.memory_space<vmem>>, %arg5: memref<1000x384xi32, #tpu.memory_space<vmem>>) attributes {dimension_semantics = [#tpu.dimension_semantics<arbitrary>], iteration_bounds = array<i64: 10>, scalar_prefetch = 0 : i64, scratch_operands = 0 : i64, tpu.core_type = #tpu.core_type<tc>, window_params = [{transform_indices = @transform_0, window_bounds = array<i64: 1000, 1152>}, {pipeline_mode = #tpu.pipeline_mode<synchronous>, transform_indices = @transform_1, window_bounds = array<i64: 1152, 768>}, {pipeline_mode = #tpu.pipeline_mode<synchronous>, transform_indices = @transform_2, window_bounds = array<i64: 1152, 768>}, {transform_indices = @transform_3, window_bounds = array<i64: 1000, 384>}, {transform_indices = @transform_4, window_bounds = array<i64: 1000, 384>}]} {
    %get3A = arith.constant 0 : index
    %get3A_0 = arith.constant 0 : index
    %get3A_1 = vector.load %arg1[%get3A, %get3A_0] : memref<1000x1152xf32, #tpu.memory_space<vmem>>, vector<1000x1152xf32>
    %get3A_2 = arith.constant 0 : index
    %get3A_3 = arith.constant 0 : index
    %get3A_4 = vector.load %arg2[%get3A_2, %get3A_3] : memref<1152x768xf32, #tpu.memory_space<vmem>>, vector<1152x768xf32>
    %dot_general3A = arith.constant dense<0.000000e+00> : vector<1000x768xf32>
    %dot_general3A_5 = tpu.matmul %get3A_1, %get3A_4, %dot_general3A {dimension_numbers = #tpu.dot_dimension_numbers<[1], [0], [0], [1], [0, 0, 1, 1], [], []>, transpose_lhs_hint = false} : vector<1000x1152xf32>, vector<1152x768xf32>, vector<1000x768xf32> -> vector<1000x768xf32>
    %slice3A = vector.extract_strided_slice %dot_general3A_5 {offsets = [0, 0], sizes = [1000, 384], strides = [1, 1]} : vector<1000x768xf32> to vector<1000x384xf32>
    %convert_element_type3A = arith.truncf %slice3A : vector<1000x384xf32> to vector<1000x384xbf16>
    %bitcast_convert_type3A = tpu.bitcast %convert_element_type3A : vector<1000x384xbf16> -> vector<1000x384xi16>
    %convert_element_type3A_6 = arith.extui %bitcast_convert_type3A : vector<1000x384xi16> to vector<1000x384xi32>
    %slice3A_7 = vector.extract_strided_slice %dot_general3A_5 {offsets = [0, 384], sizes = [1000, 384], strides = [1, 1]} : vector<1000x768xf32> to vector<1000x384xf32>
    %convert_element_type3A_8 = arith.truncf %slice3A_7 : vector<1000x384xf32> to vector<1000x384xbf16>
    %bitcast_convert_type3A_9 = tpu.bitcast %convert_element_type3A_8 : vector<1000x384xbf16> -> vector<1000x384xi16>
    %convert_element_type3A_10 = arith.extui %bitcast_convert_type3A_9 : vector<1000x384xi16> to vector<1000x384xi32>
    %shift_left3A = arith.constant 16 : i32
    %shift_left3A_11 = vector.broadcast %shift_left3A : i32 to vector<1000x384xi32>
    %shift_left3A_12 = arith.shli %convert_element_type3A_10, %shift_left3A_11 : vector<1000x384xi32>
    %or3A = arith.ori %convert_element_type3A_6, %shift_left3A_12 : vector<1000x384xi32>
    %bitcast_convert_type3A_13 = tpu.bitcast %or3A : vector<1000x384xi32> -> vector<1000x384xi32>
    %swap3A = arith.constant 0 : index
    %swap3A_14 = arith.constant 0 : index
    %swap3A_15 = vector.load %arg4[%swap3A, %swap3A_14] : memref<1000x384xi32, #tpu.memory_space<vmem>>, vector<1000x384xi32>
    tpu.vector_store %arg4[%swap3A, %swap3A_14], %bitcast_convert_type3A_13 {strides = array<i32>} : memref<1000x384xi32, #tpu.memory_space<vmem>>, vector<1000x384xi32>,
    %get3A_16 = arith.constant 0 : index
    %get3A_17 = arith.constant 0 : index
    %get3A_18 = vector.load %arg3[%get3A_16, %get3A_17] : memref<1152x768xf32, #tpu.memory_space<vmem>>, vector<1152x768xf32>
    %dot_general3A_19 = arith.constant dense<0.000000e+00> : vector<1000x768xf32>
    %dot_general3A_20 = tpu.matmul %get3A_1, %get3A_18, %dot_general3A_19 {dimension_numbers = #tpu.dot_dimension_numbers<[1], [0], [0], [1], [0, 0, 1, 1], [], []>, transpose_lhs_hint = false} : vector<1000x1152xf32>, vector<1152x768xf32>, vector<1000x768xf32> -> vector<1000x768xf32>
    %slice3A_21 = vector.extract_strided_slice %dot_general3A_20 {offsets = [0, 0], sizes = [1000, 384], strides = [1, 1]} : vector<1000x768xf32> to vector<1000x384xf32>
    %convert_element_type3A_22 = arith.truncf %slice3A_21 : vector<1000x384xf32> to vector<1000x384xbf16>
    %bitcast_convert_type3A_23 = tpu.bitcast %convert_element_type3A_22 : vector<1000x384xbf16> -> vector<1000x384xi16>
    %convert_element_type3A_24 = arith.extui %bitcast_convert_type3A_23 : vector<1000x384xi16> to vector<1000x384xi32>
    %slice3A_25 = vector.extract_strided_slice %dot_general3A_20 {offsets = [0, 384], sizes = [1000, 384], strides = [1, 1]} : vector<1000x768xf32> to vector<1000x384xf32>
    %convert_element_type3A_26 = arith.truncf %slice3A_25 : vector<1000x384xf32> to vector<1000x384xbf16>
    %bitcast_convert_type3A_27 = tpu.bitcast %convert_element_type3A_26 : vector<1000x384xbf16> -> vector<1000x384xi16>
    %convert_element_type3A_28 = arith.extui %bitcast_convert_type3A_27 : vector<1000x384xi16> to vector<1000x384xi32>
    %shift_left3A_29 = arith.constant 16 : i32
    %shift_left3A_30 = vector.broadcast %shift_left3A_29 : i32 to vector<1000x384xi32>
    %shift_left3A_31 = arith.shli %convert_element_type3A_28, %shift_left3A_30 : vector<1000x384xi32>
    %or3A_32 = arith.ori %convert_element_type3A_24, %shift_left3A_31 : vector<1000x384xi32>
    %bitcast_convert_type3A_33 = tpu.bitcast %or3A_32 : vector<1000x384xi32> -> vector<1000x384xi32>
    %swap3A_34 = arith.constant 0 : index
    %swap3A_35 = arith.constant 0 : index
    %swap3A_36 = vector.load %arg5[%swap3A_34, %swap3A_35] : memref<1000x384xi32, #tpu.memory_space<vmem>>, vector<1000x384xi32>
    tpu.vector_store %arg5[%swap3A_34, %swap3A_35], %bitcast_convert_type3A_33 {strides = array<i32>} : memref<1000x384xi32, #tpu.memory_space<vmem>>, vector<1000x384xi32>,
    return
  }
  func.func @transform_0(%arg0: i32) -> (i32, i32) {
    %c0_i32 = arith.constant 0 : i32
    %c0_i32_0 = arith.constant 0 : i32
    return %arg0, %c0_i32 : i32, i32
  }
  func.func @transform_1(%arg0: i32) -> (i32, i32) {
    %c0_i32 = arith.constant 0 : i32
    %c0_i32_0 = arith.constant 0 : i32
    %c0_i32_1 = arith.constant 0 : i32
    return %c0_i32, %c0_i32_0 : i32, i32
  }
  func.func @transform_2(%arg0: i32) -> (i32, i32) {
    %c0_i32 = arith.constant 0 : i32
    %c0_i32_0 = arith.constant 0 : i32
    %c0_i32_1 = arith.constant 0 : i32
    return %c0_i32, %c0_i32_0 : i32, i32
  }
  func.func @transform_3(%arg0: i32) -> (i32, i32) {
    %c0_i32 = arith.constant 0 : i32
    %c0_i32_0 = arith.constant 0 : i32
    return %arg0, %c0_i32 : i32, i32
  }
  func.func @transform_4(%arg0: i32) -> (i32, i32) {
    %c0_i32 = arith.constant 0 : i32
    %c0_i32_0 = arith.constant 0 : i32
    return %arg0, %c0_i32 : i32, i32
  }
}

module attributes {stable_mosaic.version = 14 : i64} {
  func.func @_gate_body(%arg0: i32, %arg1: memref<2000x16xf32, #tpu.memory_space<vmem>>, %arg2: memref<16x64xf32, #tpu.memory_space<vmem>>, %arg3: memref<1x64xf32, #tpu.memory_space<vmem>>, %arg4: memref<64x768xf32, #tpu.memory_space<vmem>>, %arg5: memref<1x768xf32, #tpu.memory_space<vmem>>, %arg6: memref<2000x384xi32, #tpu.memory_space<vmem>>) attributes {dimension_semantics = [#tpu.dimension_semantics<arbitrary>], iteration_bounds = array<i64: 80>, scalar_prefetch = 0 : i64, scratch_operands = 0 : i64, tpu.core_type = #tpu.core_type<tc>, window_params = [{transform_indices = @transform_0, window_bounds = array<i64: 2000, 16>}, {pipeline_mode = #tpu.pipeline_mode<synchronous>, transform_indices = @transform_1, window_bounds = array<i64: 16, 64>}, {pipeline_mode = #tpu.pipeline_mode<synchronous>, transform_indices = @transform_2, window_bounds = array<i64: 1, 64>}, {pipeline_mode = #tpu.pipeline_mode<synchronous>, transform_indices = @transform_3, window_bounds = array<i64: 64, 768>}, {pipeline_mode = #tpu.pipeline_mode<synchronous>, transform_indices = @transform_4, window_bounds = array<i64: 1, 768>}, {transform_indices = @transform_5, window_bounds = array<i64: 2000, 384>}]} {
    %get3A = arith.constant 0 : index
    %get3A_0 = arith.constant 0 : index
    %get3A_1 = vector.load %arg1[%get3A, %get3A_0] : memref<2000x16xf32, #tpu.memory_space<vmem>>, vector<2000x16xf32>
    %get3A_2 = arith.constant 0 : index
    %get3A_3 = arith.constant 0 : index
    %get3A_4 = vector.load %arg2[%get3A_2, %get3A_3] : memref<16x64xf32, #tpu.memory_space<vmem>>, vector<16x64xf32>
    %dot_general3A = arith.constant dense<0.000000e+00> : vector<2000x64xf32>
    %dot_general3A_5 = tpu.matmul %get3A_1, %get3A_4, %dot_general3A {dimension_numbers = #tpu.dot_dimension_numbers<[1], [0], [0], [1], [0, 0, 1, 1], [], []>, transpose_lhs_hint = false} : vector<2000x16xf32>, vector<16x64xf32>, vector<2000x64xf32> -> vector<2000x64xf32>
    %get3A_6 = arith.constant 0 : index
    %get3A_7 = arith.constant 0 : index
    %get3A_8 = vector.load %arg3[%get3A_6, %get3A_7] : memref<1x64xf32, #tpu.memory_space<vmem>>, vector<1x64xf32>
    %add3A = vector.broadcast %get3A_8 : vector<1x64xf32> to vector<2000x64xf32>
    %add3A_9 = arith.addf %dot_general3A_5, %add3A : vector<2000x64xf32>
    %logistic3A = arith.negf %add3A_9 : vector<2000x64xf32>
    %logistic3A_10 = math.exp %logistic3A : vector<2000x64xf32>
    %logistic3A_11 = arith.constant 1.000000e+00 : f32
    %logistic3A_12 = vector.broadcast %logistic3A_11 : f32 to vector<2000x64xf32>
    %logistic3A_13 = arith.addf %logistic3A_12, %logistic3A_10 : vector<2000x64xf32>
    %logistic3A_14 = arith.divf %logistic3A_12, %logistic3A_13 : vector<2000x64xf32>
    %mul3A = arith.mulf %add3A_9, %logistic3A_14 : vector<2000x64xf32>
    %get3A_15 = arith.constant 0 : index
    %get3A_16 = arith.constant 0 : index
    %get3A_17 = vector.load %arg4[%get3A_15, %get3A_16] : memref<64x768xf32, #tpu.memory_space<vmem>>, vector<64x768xf32>
    %dot_general3A_18 = arith.constant dense<0.000000e+00> : vector<2000x768xf32>
    %dot_general3A_19 = tpu.matmul %mul3A, %get3A_17, %dot_general3A_18 {dimension_numbers = #tpu.dot_dimension_numbers<[1], [0], [0], [1], [0, 0, 1, 1], [], []>, transpose_lhs_hint = false} : vector<2000x64xf32>, vector<64x768xf32>, vector<2000x768xf32> -> vector<2000x768xf32>
    %get3A_20 = arith.constant 0 : index
    %get3A_21 = arith.constant 0 : index
    %get3A_22 = vector.load %arg5[%get3A_20, %get3A_21] : memref<1x768xf32, #tpu.memory_space<vmem>>, vector<1x768xf32>
    %add3A_23 = vector.broadcast %get3A_22 : vector<1x768xf32> to vector<2000x768xf32>
    %add3A_24 = arith.addf %dot_general3A_19, %add3A_23 : vector<2000x768xf32>
    %slice3A = vector.extract_strided_slice %add3A_24 {offsets = [0, 0], sizes = [2000, 384], strides = [1, 1]} : vector<2000x768xf32> to vector<2000x384xf32>
    %convert_element_type3A = arith.truncf %slice3A : vector<2000x384xf32> to vector<2000x384xbf16>
    %bitcast_convert_type3A = tpu.bitcast %convert_element_type3A : vector<2000x384xbf16> -> vector<2000x384xi16>
    %convert_element_type3A_25 = arith.extui %bitcast_convert_type3A : vector<2000x384xi16> to vector<2000x384xi32>
    %slice3A_26 = vector.extract_strided_slice %add3A_24 {offsets = [0, 384], sizes = [2000, 384], strides = [1, 1]} : vector<2000x768xf32> to vector<2000x384xf32>
    %convert_element_type3A_27 = arith.truncf %slice3A_26 : vector<2000x384xf32> to vector<2000x384xbf16>
    %bitcast_convert_type3A_28 = tpu.bitcast %convert_element_type3A_27 : vector<2000x384xbf16> -> vector<2000x384xi16>
    %convert_element_type3A_29 = arith.extui %bitcast_convert_type3A_28 : vector<2000x384xi16> to vector<2000x384xi32>
    %shift_left3A = arith.constant 16 : i32
    %shift_left3A_30 = vector.broadcast %shift_left3A : i32 to vector<2000x384xi32>
    %shift_left3A_31 = arith.shli %convert_element_type3A_29, %shift_left3A_30 : vector<2000x384xi32>
    %or3A = arith.ori %convert_element_type3A_25, %shift_left3A_31 : vector<2000x384xi32>
    %bitcast_convert_type3A_32 = tpu.bitcast %or3A : vector<2000x384xi32> -> vector<2000x384xi32>
    %swap3A = arith.constant 0 : index
    %swap3A_33 = arith.constant 0 : index
    %swap3A_34 = vector.load %arg6[%swap3A, %swap3A_33] : memref<2000x384xi32, #tpu.memory_space<vmem>>, vector<2000x384xi32>
    tpu.vector_store %arg6[%swap3A, %swap3A_33], %bitcast_convert_type3A_32 {strides = array<i32>} : memref<2000x384xi32, #tpu.memory_space<vmem>>, vector<2000x384xi32>,
    return
  }
  func.func @transform_0(%arg0: i32) -> (i32, i32) {
    %c0_i32 = arith.constant 0 : i32
    %c0_i32_0 = arith.constant 0 : i32
    return %arg0, %c0_i32 : i32, i32
  }
  func.func @transform_1(%arg0: i32) -> (i32, i32) {
    %c0_i32 = arith.constant 0 : i32
    %c0_i32_0 = arith.constant 0 : i32
    %c0_i32_1 = arith.constant 0 : i32
    return %c0_i32, %c0_i32_0 : i32, i32
  }
  func.func @transform_2(%arg0: i32) -> (i32, i32) {
    %c0_i32 = arith.constant 0 : i32
    %c0_i32_0 = arith.constant 0 : i32
    %c0_i32_1 = arith.constant 0 : i32
    return %c0_i32, %c0_i32_0 : i32, i32
  }
  func.func @transform_3(%arg0: i32) -> (i32, i32) {
    %c0_i32 = arith.constant 0 : i32
    %c0_i32_0 = arith.constant 0 : i32
    %c0_i32_1 = arith.constant 0 : i32
    return %c0_i32, %c0_i32_0 : i32, i32
  }
  func.func @transform_4(%arg0: i32) -> (i32, i32) {
    %c0_i32 = arith.constant 0 : i32
    %c0_i32_0 = arith.constant 0 : i32
    %c0_i32_1 = arith.constant 0 : i32
    return %c0_i32, %c0_i32_0 : i32, i32
  }
  func.func @transform_5(%arg0: i32) -> (i32, i32) {
    %c0_i32 = arith.constant 0 : i32
    %c0_i32_0 = arith.constant 0 : i32
    return %arg0, %c0_i32 : i32, i32
  }
}

module attributes {stable_mosaic.version = 14 : i64} {
  func.func @_fii_body(%arg0: i32, %arg1: memref<1000x1152xf32, #tpu.memory_space<vmem>>, %arg2: memref<1000x768xf32, #tpu.memory_space<vmem>>, %arg3: memref<1152x768xf32, #tpu.memory_space<vmem>>, %arg4: memref<1152x768xf32, #tpu.memory_space<vmem>>, %arg5: memref<1000x768xf32, #tpu.memory_space<vmem>>) attributes {dimension_semantics = [#tpu.dimension_semantics<arbitrary>], iteration_bounds = array<i64: 10>, scalar_prefetch = 0 : i64, scratch_operands = 0 : i64, tpu.core_type = #tpu.core_type<tc>, window_params = [{transform_indices = @transform_0, window_bounds = array<i64: 1000, 1152>}, {transform_indices = @transform_1, window_bounds = array<i64: 1000, 768>}, {pipeline_mode = #tpu.pipeline_mode<synchronous>, transform_indices = @transform_2, window_bounds = array<i64: 1152, 768>}, {pipeline_mode = #tpu.pipeline_mode<synchronous>, transform_indices = @transform_3, window_bounds = array<i64: 1152, 768>}, {transform_indices = @transform_4, window_bounds = array<i64: 1000, 768>}]} {
    %get3A = arith.constant 0 : index
    %get3A_0 = arith.constant 0 : index
    %get3A_1 = vector.load %arg1[%get3A, %get3A_0] : memref<1000x1152xf32, #tpu.memory_space<vmem>>, vector<1000x1152xf32>
    %get3A_2 = arith.constant 0 : index
    %get3A_3 = arith.constant 0 : index
    %get3A_4 = vector.load %arg3[%get3A_2, %get3A_3] : memref<1152x768xf32, #tpu.memory_space<vmem>>, vector<1152x768xf32>
    %dot_general3A = arith.constant dense<0.000000e+00> : vector<1000x768xf32>
    %dot_general3A_5 = tpu.matmul %get3A_1, %get3A_4, %dot_general3A {dimension_numbers = #tpu.dot_dimension_numbers<[1], [0], [0], [1], [0, 0, 1, 1], [], []>, transpose_lhs_hint = false} : vector<1000x1152xf32>, vector<1152x768xf32>, vector<1000x768xf32> -> vector<1000x768xf32>
    %get3A_6 = arith.constant 0 : index
    %get3A_7 = arith.constant 0 : index
    %get3A_8 = vector.load %arg4[%get3A_6, %get3A_7] : memref<1152x768xf32, #tpu.memory_space<vmem>>, vector<1152x768xf32>
    %dot_general3A_9 = arith.constant dense<0.000000e+00> : vector<1000x768xf32>
    %dot_general3A_10 = tpu.matmul %get3A_1, %get3A_8, %dot_general3A_9 {dimension_numbers = #tpu.dot_dimension_numbers<[1], [0], [0], [1], [0, 0, 1, 1], [], []>, transpose_lhs_hint = false} : vector<1000x1152xf32>, vector<1152x768xf32>, vector<1000x768xf32> -> vector<1000x768xf32>
    %get3A_11 = arith.constant 0 : index
    %get3A_12 = arith.constant 0 : index
    %get3A_13 = vector.load %arg2[%get3A_11, %get3A_12] : memref<1000x768xf32, #tpu.memory_space<vmem>>, vector<1000x768xf32>
    %logistic3A = arith.negf %dot_general3A_5 : vector<1000x768xf32>
    %logistic3A_14 = math.exp %logistic3A : vector<1000x768xf32>
    %logistic3A_15 = arith.constant 1.000000e+00 : f32
    %logistic3A_16 = vector.broadcast %logistic3A_15 : f32 to vector<1000x768xf32>
    %logistic3A_17 = arith.addf %logistic3A_16, %logistic3A_14 : vector<1000x768xf32>
    %logistic3A_18 = arith.divf %logistic3A_16, %logistic3A_17 : vector<1000x768xf32>
    %mul3A = arith.mulf %dot_general3A_5, %logistic3A_18 : vector<1000x768xf32>
    %mul3A_19 = arith.mulf %mul3A, %dot_general3A_10 : vector<1000x768xf32>
    %add3A = arith.addf %get3A_13, %mul3A_19 : vector<1000x768xf32>
    %swap3A = arith.constant 0 : index
    %swap3A_20 = arith.constant 0 : index
    %swap3A_21 = vector.load %arg5[%swap3A, %swap3A_20] : memref<1000x768xf32, #tpu.memory_space<vmem>>, vector<1000x768xf32>
    tpu.vector_store %arg5[%swap3A, %swap3A_20], %add3A {strides = array<i32>} : memref<1000x768xf32, #tpu.memory_space<vmem>>, vector<1000x768xf32>,
    return
  }
  func.func @transform_0(%arg0: i32) -> (i32, i32) {
    %c0_i32 = arith.constant 0 : i32
    %c0_i32_0 = arith.constant 0 : i32
    return %arg0, %c0_i32 : i32, i32
  }
  func.func @transform_1(%arg0: i32) -> (i32, i32) {
    %c0_i32 = arith.constant 0 : i32
    %c0_i32_0 = arith.constant 0 : i32
    return %arg0, %c0_i32 : i32, i32
  }
  func.func @transform_2(%arg0: i32) -> (i32, i32) {
    %c0_i32 = arith.constant 0 : i32
    %c0_i32_0 = arith.constant 0 : i32
    %c0_i32_1 = arith.constant 0 : i32
    return %c0_i32, %c0_i32_0 : i32, i32
  }
  func.func @transform_3(%arg0: i32) -> (i32, i32) {
    %c0_i32 = arith.constant 0 : i32
    %c0_i32_0 = arith.constant 0 : i32
    %c0_i32_1 = arith.constant 0 : i32
    return %c0_i32, %c0_i32_0 : i32, i32
  }
  func.func @transform_4(%arg0: i32) -> (i32, i32) {
    %c0_i32 = arith.constant 0 : i32
    %c0_i32_0 = arith.constant 0 : i32
    return %arg0, %c0_i32 : i32, i32
  }
}

</mosaic_0001>

<sc_bundles>
// kernel: kernel.6.cloned.1.call-start
scs
__scs_entry_jumppad:
0x0: {  	(pc) =	sbr.rel $0x88, $3  }
0x1: {  	(tag) =	ssettag $0x0;
	lr =	simm.s32 $0x1  }
0x2: {  	[smem:$0x3F94] =	sst lr;
	_ =	strace $0xD0000000  }
0x3: {  	_ = 	snop  }
0x4: {  	_ = 	snop  }
0x5: {  	_ = 	snop  }
0x6: {  	_ = 	snop  }
0x7: {  	_ = 	snop  }
__scs_overlays_trampoline_lowered:
0x8: {  	[smem:$0x3FA3] =	sst s0  }
0x9: {  	[smem:$0x3FA4] =	sst s1  }
0xa: {  	[smem:$0x3FA5] =	sst s2  }
0xb: {  	[smem:$0x3FA6] =	sst s3  }
0xc: {  	[smem:$0x3FA7] =	sst s4  }
0xd: {  	[smem:$0x3FA8] =	sst s5  }
0xe: {  	[smem:$0x3FA9] =	sst s6  }
0xf: {  	[smem:$0x3FAA] =	sst s7  }
0x10: {  	[smem:$0x3FAB] =	sst s8  }
0x11: {  	[smem:$0x3FAC] =	sst s9;
	s0 =	simm.s32 @!p0 $0x0  }
0x12: {  	s1 =	sld [smem:$0x3F92];
	s0 =	simm.s32 @p0 $0x1  }
0x13: {  	[smem:$0x3FAD] =	sst s0;
	s0 =	simm.s32 @!p1 $0x0  }
0x14: {  	s2 =	sld [smem:$0x3F91];
	s0 =	simm.s32 @p1 $0x1  }
0x15: {  	[smem:$0x3FAE] =	sst s0;
	s0 =	simm.s32 @!p2 $0x0  }
0x16: {  	s3 =	sld [smem:$0x3FDB];
	s0 =	simm.s32 @p2 $0x1  }
0x17: {  	s4 =	simm.s32 $0x1BF5;
	[smem:$0x3FB0] =	sst s0  }
0x18: {  	s0 =	sld [smem:$0x3F93];
	_ =	swait.ge [sflag:s4], $0x0  }
0x19: {  	s7 =	sld [smem:$0x3F94]  }
0x1a: {  	s8 =	sadd.s32 $0xFFFFE003, lr  }
0x1b: {  	s9 =	sadd.s32 $0xFFFFFEF7, lr;
	s5 =	simm.s32 $0xFFFFFFFF;
	p2 =	slt.u32 s8, $0xFFFFF086  }
0x1c: {  	p1 =	slt.u32 s9, $0xF7A;
	s5 =	simm.s32 @!p2 $0x0  }
0x1d: {  	s5 =	simm.s32 @p1 $0x1;
	p0 =	seq.s32 s7, s2  }
0x1e: {  	s7 =	smul.u32 @!p0 $0xF7A, s2;
	p2 =	seq.s32 @!p0 s5, $0x0  }
0x1f: {  	s9 =	smul.u32 $0xF7A, s1;
	s8 =	simm.s32 @!p0 $0x1BF5;
	p2 =	por !p2, p0  }
0x20: {  	[sflag:s8] =	ssyncset.s32 @!p0 $0xFFFFF086;
	s6 =	sadd.s32 @!p0 s3, s7;
	s7 =	simm.s32 @!p0 $0x108  }
0x21: {  	s3 =	sadd.s32 s3, s9;
	s6 =	sadd.s32 @!p0 $0x88, s6;
	s7 =	simm.s32 @p2 $0x1082  }
0x22: {  	[simem:s7], [sflag:s8] =	dma.local @!p0 [hbm:s6], $0xF7A  }
0x23: {  	s9 =	sor.u32 $0xD0000000, s2;
	s6 =	simm.s32 $0x108;
	_ =	swait.ge @!p0 [sflag:s8], $0x0  }
0x24: {  	s3 =	sadd.s32 $0x88, s3;
	s6 =	simm.s32 @!p1 $0x1082;
	[sflag:s4] =	ssyncset.s32 $0xFFFFF086  }
0x25: {  	[simem:s6], [sflag:s4] =	dma.local [hbm:s3], $0xF7A  }
0x26: {  	[smem:$0x3F94] =	sst s1;
	(tag) =	ssettag s2;
	_ =	strace s9  }
0x27: {  	s1 =	sld [smem:$0x3FA4]  }
0x28: {  	s2 =	sld [smem:$0x3FA5]  }
0x29: {  	s4 =	sld [smem:$0x3FA7]  }
0x2a: {  	p0 =	seq.s32 s5, $0x0;
	s5 =	sld [smem:$0x3FA8]  }
0x2b: {  	s6 =	sld [smem:$0x3FA9]  }
0x2c: {  	s7 =	sld [smem:$0x3FAA]  }
0x2d: {  	s3 =	simm.s32 $0x108;
	s8 =	sld [smem:$0x3FAB]  }
0x2e: {  	s3 =	simm.s32 @!p0 $0x1082;
	s9 =	sld [smem:$0x3FAC]  }
0x2f: {  	lr =	sadd.s32 s0, s3;
	s0 =	sld [smem:$0x3FA3]  }
0x30: {  	s3 =	sld [smem:$0x3FA6]  }
0x31: {  	[smem:$0x3FAF] =	sst s10  }
0x32: {  	s10 =	sld [smem:$0x3FAD];
	_ =	sdelay $0x3  }
0x33: {  	p0 =	seq.s32 s10, $0x1;
	s10 =	sld [smem:$0x3FAF];
	_ =	sdelay $0x3  }
0x34: {  	[smem:$0x3FAF] =	sst s10  }
0x35: {  	s10 =	sld [smem:$0x3FAE];
	_ =	sdelay $0x3  }
0x36: {  	p1 =	seq.s32 s10, $0x1;
	s10 =	sld [smem:$0x3FAF];
	_ =	sdelay $0x3  }
0x37: {  	[smem:$0x3FAF] =	sst s10  }
0x38: {  	s10 =	sld [smem:$0x3FB0]  }
0x39: {  	_ = 	snop;
	(pc) =	sbr.ind lr, $3  }
0x3a: {  	_ = 	snop  }
0x3b: {  	_ = 	snop  }
0x3c: {  	p2 =	seq.s32 s10, $0x1;
	s10 =	sld [smem:$0x3FAF]  }
0x3d: {  	_ =	shalt  }
0x3e: {  	_ =	shalt  }
0x3f: {  	_ =	shalt  }
0x40: {  	_ =	shalt  }
0x41: {  	_ =	shalt  }
0x42: {  	_ =	shalt  }
0x43: {  	_ =	shalt  }
0x44: {  	_ =	shalt  }
0x45: {  	_ =	shalt  }
0x46: {  	_ =	shalt  }
0x47: {  	_ =	shalt  }
0x48: {  	_ =	shalt  }
0x49: {  	_ =	shalt  }
0x4a: {  	_ =	shalt  }
0x4b: {  	_ =	shalt  }
0x4c: {  	_ =	shalt  }
0x4d: {  	_ =	shalt  }
0x4e: {  	_ =	shalt  }
0x4f: {  	_ =	shalt  }
0x50: {  	_ =	shalt  }
0x51: {  	_ =	shalt  }
0x52: {  	_ =	shalt  }
0x53: {  	_ =	shalt  }
0x54: {  	_ =	shalt  }
0x55: {  	_ =	shalt  }
0x56: {  	_ =	shalt  }
0x57: {  	_ =	shalt  }
0x58: {  	_ =	shalt  }
0x59: {  	_ =	shalt  }
0x5a: {  	_ =	shalt  }
0x5b: {  	_ =	shalt  }
0x5c: {  	_ =	shalt  }
0x5d: {  	_ =	shalt  }
0x5e: {  	_ =	shalt  }
0x5f: {  	_ =	shalt  }
0x60: {  	_ =	shalt  }
0x61: {  	_ =	shalt  }
0x62: {  	_ =	shalt  }
0x63: {  	_ =	shalt  }
0x64: {  	_ =	shalt  }
0x65: {  	_ =	shalt  }
0x66: {  	_ =	shalt  }
0x67: {  	_ =	shalt  }
0x68: {  	_ =	shalt  }
0x69: {  	_ =	shalt  }
0x6a: {  	_ =	shalt  }
0x6b: {  	_ =	shalt  }
0x6c: {  	_ =	shalt  }
0x6d: {  	_ =	shalt  }
0x6e: {  	_ =	shalt  }
0x6f: {  	_ =	shalt  }
0x70: {  	_ =	shalt  }
0x71: {  	_ =	shalt  }
0x72: {  	_ =	shalt  }
0x73: {  	_ =	shalt  }
0x74: {  	_ =	shalt  }
0x75: {  	_ =	shalt  }
0x76: {  	_ =	shalt  }
0x77: {  	_ =	shalt  }
0x78: {  	_ =	shalt  }
0x79: {  	_ =	shalt  }
0x7a: {  	_ =	shalt  }
0x7b: {  	_ =	shalt  }
0x7c: {  	_ =	shalt  }
0x7d: {  	_ =	shalt  }
0x7e: {  	_ =	shalt  }
0x7f: {  	_ =	shalt  }
0x80: {  	_ =	shalt  }
0x81: {  	_ =	shalt  }
0x82: {  	_ =	shalt  }
0x83: {  	_ =	shalt  }
0x84: {  	_ =	shalt  }
0x85: {  	_ =	shalt  }
0x86: {  	_ =	shalt  }
0x87: {  	_ =	shalt  }
.Lfunc_end0:
.L_simem_size_0:
called_computation_lowered:
.L_overlay_start_0:
0x88: {  	s2 =	sld [smem:$0x3FD9]  }
0x89: {  	s3 =	sld [smem:$0x3FFE];
	_ =	sdelay $0x1  }
0x8a: {  	s1 =	srdreg.scid  }
0x8b: {  	s0 =	sand.u32 $0x1, s1  }
0x8c: {  	s14 =	sshll.u32 s0, $0xA;
	s2 =	sadd.s32 s3, s2  }
0x8d: {  	s2 =	sadd.s32 s2, s14  }
0x8e: {  	[smem:$0x3FBB] =	sst s2  }
0x8f: {  	_ = 	snop  }
0x90: {  	s2 =	sld [smem:$0x3FD0];
	_ =	sdelay $0x2  }
0x91: {  	s4 =	simm.s32 $0xA;
	s5 =	simm.s32 $0x10;
	s15 =	sld [smem:$0x3FC5]  }
0x92: {  	[smem:s5], [sflag:s4] =	dma.local [hbm:s2], $0x1  }
0x93: {  	_ =	swait.eq [sflag:s4], $0x1  }
0x94: {  	[sflag:s4] =	ssyncset.done $0x0  }
0x95: {  	[sflag:s4] =	ssyncadd.s32 $0xFFFFFFFF  }
0x96: {  	s16 =	sld [smem:$0x11];
	(tm) =	ssettm $0x1  }
0x97: {  	s17 =	sld [smem:$0x3FFB];
	_ =	sdelay $0x3  }
0x98: {  	_ =	strace s17  }
0x99: {  	s4 =	sld [smem:$0x3FFC];
	_ =	sdelay $0x3  }
0x9a: {  	_ =	strace s4  }
0x9b: {  	s4 =	sld [smem:$0x3FFD];
	_ =	sdelay $0x3  }
0x9c: {  	_ =	strace s4  }
0x9d: {  	_ =	strace $0x8FFFFFFF  }
0x9e: {  	s18 =	sld [smem:$0x3FDB];
	_ =	sdelay $0x1  }
0x9f: {  	s19 =	simm.s32 $_scs_section_size  }
0xa0: {  	s6 =	simm.s32 $_size__tile_overlayer_lowered;
	s7 =	simm.s32 $_tile_overlayer_lowered  }
0xa1: {  	s22 =	simm.s32 $0x1BFF;
	s21 =	sshll.u32 s7, $0x1;
	s4 =	sadd.s32 s19, s18  }
0xa2: {  	s8 =	simm.s32 $0x0;
	s20 =	sshll.u32 s6, $0x1;
	s6 =	sadd.s32 s21, s4  }
0xa3: {  	[timem:s8], [sflag:s22] =	dma.local [hbm:s6], s20  }
0xa4: {  	_ =	swait.ge [sflag:s22], s20  }
0xa5: {  	s5 =	ssub.s32 $0x0, s20;
	[sflag:s22] =	ssyncset.done $0x0  }
0xa6: {  	[sflag:s22] =	ssyncadd.s32 s5;
	_ =	sdelay $0x1  }
0xa7: {  	s23 =	simm.s32 $0x1B8B  }
0xa8: {  	_ =	swait.ge [sflag:s23], $0x1  }
0xa9: {  	[sflag:s23] =	ssyncset.done $0x0  }
0xaa: {  	s25 =	simm.s32 $0x1B8E;
	s24 =	sld [smem:$0x3FFE];
	[sflag:s23] =	ssyncadd.s32 $0xFFFFFFFF  }
0xab: {  	s26 =	simm.s32 $execute0_lowered;
	[smem:$0x3FD2] =	sst s25  }
0xac: {  	s6 =	sshll.u32 s26, $0x1;
	_ =	strace $0x80000046;
	[dreg:$0x1] =	wrdreg $0xFFFFFFFF  }
0xad: {  	s28 =	simm.s32 $_size_execute0_lowered;
	s4 =	sadd.s32 s4, s6;
	[dreg:$0x0] =	wrdreg $0x0  }
0xae: {  	s6 =	sshll.u32 s28, $0x1;
	[dreg:$0x2] =	wrdreg s4  }
0xaf: {  	[dreg:$0x3] =	wrdreg s6  }
0xb0: {  	[dreg:$0x4] =	wrdreg $0xC0  }
0xb1: {  	_ =	task [dreg:s8], $0x5FFFF  }
0xb2: {  	[dreg:$0x1] =	wrdreg $0xFFFFFFFF  }
0xb3: {  	[dreg:$0x0] =	wrdreg $0x60  }
0xb4: {  	[dreg:$0x2] =	wrdreg s24  }
0xb5: {  	[dreg:$0x3] =	wrdreg s15  }
0xb6: {  	[dreg:$0x4] =	wrdreg s16  }
0xb7: {  	[dreg:$0x5] =	wrdreg $0x9  }
0xb8: {  	_ =	task.clear_ibuf [dreg:s8], $0x6FFFF;
	_ =	strace $0x90000046  }
0xb9: {  	s29 =	simm.s32 $0x9;
	_ =	strace $0x80000048  }
0xba: {  	_ =	swait.ge [sflag:s29], $0x1  }
0xbb: {  	[sflag:s29] =	ssyncadd.s32 $0xFFFFFFFF  }
0xbc: {  	_ =	strace $0x90000048  }
0xbd: {  	_ =	sfence  }
0xbe: {  	s30 =	sld [smem:$0x0];
	_ =	sdelay $0x2  }
0xbf: {  	s31 =	sshll.u32 s1, $0xD;
	s1 =	sshrl.u32 s1, $0x2  }
0xc0: {  	s3 =	sand.u32 $0x4000, s31;
	s1 =	sadd.s32 s1, s30  }
0xc1: {  	s0 =	sor.u32 s3, s0;
	s1 =	sshll.u32 s1, $0x11  }
0xc2: {  	s0 =	sor.u32 s1, s0  }
0xc3: {  	s0 =	sadd.s32 $0x8F2B, s0  }
0xc4: {  	[sflag:s0] =	ssyncadd.remote.s32 $0x1  }
0xc5: {  	_ =	sfence.sel $0xFFFF  }
0xc6: {  	[dreg:$0x0] =	wrdreg $0xFFFFFFFF;
	(pc) =	sbr.abs _section_cstart, $3  }
0xc7: {  	[dreg:$0x1] =	wrdreg $0xFFFFFFFF  }
0xc8: {  	_ =	task.clear_ibuf [dreg:s8], $0x2FFFF;
	_ =	strace $0x9FFFFFFF  }
0xc9: {  	(tm) =	ssettm $0x7FFFFFFF  }
tec
execute0_lowered:
.L_overlay_start_1:
0x0: {  	(tag) =	ssettag $0x1  }
0x1: {  	s0 =	rddreg [dreg:$0x0]  }
0x2: {  	s12 =	rddreg [dreg:$0x1]  }
0x3: {  	s1 =	srdreg.scid;
	s2 =	stileid.u32  }
0x4: {  	s4 =	simm.s32 $0x0;
	s1 =	sand.u32 $0x1, s1;
	s2 =	sshll.u32 s2, $0x1  }
0x5: {  	[smem:$0x7FF] =	sst s4;
	s13 =	sadd.s32 $0x81200, s0;
	s15 =	sadd.s32 $0xBE00, s0  }
0x6: {  	s17 =	sadd.s32 $0xF6600, s0;
	_ =	strace $0x80000047;
	[dreg:$0x4] =	wrdreg s13  }
0x7: {  	s18 =	sadd.s32 $0x81300, s0;
	s2 =	sor.u32 s1, s2;
	[dreg:$0x5] =	wrdreg s15  }
0x8: {  	s1 =	ssub.s32 $0x2, s1;
	[dreg:$0x7] =	wrdreg s17;
	s5 =	smul.u32 $0x1388, s2  }
0x9: {  	[dreg:$0xa] =	wrdreg s18;
	s3 =	sshrl.u32 s1, $0x1  }
0xa: {  	s1 =	ssub.s32 s1, s3;
	s6 =	sshrl.u32 s5, $0x3;
	s9 =	sadd.s32 $0x8, s5  }
0xb: {  	s31 =	smax.u32 s1, $0x1;
	s22 =	sadd.s32 s6, s0;
	[dreg:$0x6] =	wrdreg s6  }
0xc: {  	s8 =	smul.u32 $0x180, s6;
	[dreg:$0x12] =	wrdreg s31;
	s24 =	sadd.s32 $0x6E00, s22  }
0xd: {  	s23 =	smul.u32 $0x300, s6;
	s2 =	sadd.s32 $0x1E00, s22;
	[dreg:$0x8] =	wrdreg s24  }
0xe: {  	s9 =	sshrl.u32 s9, $0x3;
	s22 =	sadd.s32 $0xBF00, s0;
	[dreg:$0x9] =	wrdreg s2  }
0xf: {  	s25 =	smul.u32 $0x180, s9;
	s28 =	sadd.s32 s17, s8;
	[dreg:$0xb] =	wrdreg s22  }
0x10: {  	s26 =	smul.u32 $0x300, s9;
	s3 =	sadd.s32 s12, s23;
	[dreg:$0xc] =	wrdreg s28  }
.Ltmp0:
0x11: {  	s2 =	sadd.s32 s17, s25;
	[dreg:$0xd] =	wrdreg s3;
	(pc) =	sbr.rel .LBB2_1-.Ltmp0, $4  }
0x12: {  	s0 =	sadd.s32 s12, s26;
	[dreg:$0xe] =	wrdreg s2  }
0x13: {  	v0 =	vlaneseq.u32;
	s19 =	simm.s32 $0x2;
	s29 =	sadd.s32 $0x300, s28;
	[dreg:$0xf] =	wrdreg s0  }
0x14: {  	vm0 =	vmmov $0xff;
	s20 =	simm.s32 $0x4;
	v1 =	vshrl.u32 v0, $0x3;
	s30 =	sadd.s32 $0x600, s3;
	[dreg:$0x10] =	wrdreg s29  }
0x15: {  	vm1 =	vmmov $0xffff;
	v0 =	vand.u32 $0x7, v0;
	v1 =	vmul.u32 $0x8, v1;
	s3 =	simm.s32 $0x0;
	[dreg:$0x11] =	wrdreg s30;
	s0 =	simm.s32 $0x1  }
.LBB2_23:
0x16: {  	s1 =	simm.s32 $0x5  }
0x17: {  	_ =	swait.ge [sflag:s1], $0x1800  }
0x18: {  	[sflag:s1] =	ssyncset.done $0x0  }
0x19: {  	s29 =	simm.s32 $0x6;
	[sflag:s1] =	ssyncadd.s32 $0xFFFFE800  }
0x1a: {  	_ =	swait.ge [sflag:s29], $0x1800  }
0x1b: {  	[sflag:s29] =	ssyncset.done $0x0  }
0x1c: {  	s30 =	simm.s32 $0x7;
	[sflag:s29] =	ssyncadd.s32 $0xFFFFE800  }
0x1d: {  	_ =	swait.ge [sflag:s30], $0x1800  }
0x1e: {  	[sflag:s30] =	ssyncset.done $0x0  }
0x1f: {  	s2 =	simm.s32 $0x8;
	[sflag:s30] =	ssyncadd.s32 $0xFFFFE800  }
0x20: {  	_ =	swait.ge [sflag:s2], $0x1800  }
0x21: {  	s3 =	rddreg [dreg:$0x13]  }
0x22: {  	s31 =	rddreg [dreg:$0x12];
	s3 =	sadd.s32 $0x1, s3  }
0x23: {  	p0 =	sne.s32 s3, s31  }
.Ltmp1:
0x24: {  	_ = 	snop;
	(pc) =	sbr.rel @!p0 .LBB2_24-.Ltmp1, $3  }
0x25: {  	_ =	sdelay $0x1  }
0x26: {  	[sflag:s2] =	ssyncset.done $0x0  }
0x27: {  	[sflag:s2] =	ssyncadd.s32 $0xFFFFE800  }
.LBB2_1:
0x28: {  	[dreg:$0x13] =	wrdreg s3  }
0x29: {  	s1 =	rddreg [dreg:$0x8];
	s2 =	simm.s32 $0x9  }
0x2a: {  	[tilespmem:s4], [sflag:$0x9] =	stream.linear.gather [hbm4b:s1+s4], $0x1388, $0x38;
	[tilespmem:$0x11800] =	vst v63  }
0x2b: {  	_ =	swait.ge [sflag:s2], $0x1388  }
0x2c: {  	[sflag:s2] =	ssyncset.done $0x0  }
0x2d: {  	s24 =	simm.s32 $0x1400;
	s23 =	rddreg [dreg:$0x9];
	[sflag:s2] =	ssyncadd.s32 $0xFFFFEC78  }
0x2e: {  	[tilespmem:s24], [sflag:$0x9] =	stream.linear.gather [hbm4b:s23+s4], $0x1388, $0x38;
	[tilespmem:$0x11800] =	vst v63  }
0x2f: {  	_ =	swait.ge [sflag:s2], $0x1388  }
0x30: {  	[sflag:s2] =	ssyncset.done $0x0  }
0x31: {  	[sflag:s2] =	ssyncadd.s32 $0xFFFFEC78  }
0x32: {  	v2 =	vld.msk [tilespmem:$0x0], $0xff;
	_ =	sdelay $0x4  }
0x33: {  	v3 =	vshrl.u32 v2, $0x3  }
0x34: {  	v3 =	vmul.u32 $0x18, v3  }
0x35: {  	v2 =	vand.u32 $0x7, v2  }
0x36: {  	v2 =	vor.u32 v2, v3  }
0x37: {  	v2 =	vperm.xlane v2, v0;
	_ =	sdelay $0x1  }
0x38: {  	v2 =	vadd.s32 v1, v2;
	_ =	sdelay $0x3  }
0x39: {  	s25 =	simm.s32 $0x2800  }
0x3a: {  	[tilespmem:s25], [sflag:$0x1] =	stream.indirect_vreg.gather [hbm4b:s13+s4], $0x80, v2, vm1, $0xb8;
	[tilespmem:$0x11800] =	vst v63  }
0x3b: {  	s26 =	simm.s32 $0x3000  }
0x3c: {  	[tilespmem:s26], [sflag:$0x1] =	stream.indirect_vreg.gather [hbm4b:s18+s4], $0x80, v2, vm0, $0xb8;
	[tilespmem:$0x11800] =	vst v63  }
0x3d: {  	v2 =	vld.msk [tilespmem:$0x1400], $0xff;
	_ =	sdelay $0x4  }
0x3e: {  	v3 =	vshrl.u32 v2, $0x3  }
0x3f: {  	v3 =	vmul.u32 $0x18, v3  }
0x40: {  	v2 =	vand.u32 $0x7, v2  }
0x41: {  	v2 =	vor.u32 v2, v3  }
0x42: {  	v2 =	vperm.xlane v2, v0;
	_ =	sdelay $0x1  }
0x43: {  	v2 =	vadd.s32 v1, v2;
	_ =	sdelay $0x3  }
0x44: {  	s28 =	simm.s32 $0x5800  }
0x45: {  	[tilespmem:s28], [sflag:$0x1] =	stream.indirect_vreg.gather [hbm4b:s15+s4], $0x80, v2, vm1, $0xb8;
	[tilespmem:$0x11800] =	vst v63  }
0x46: {  	s29 =	simm.s32 $0x6000  }
0x47: {  	[tilespmem:s29], [sflag:$0x1] =	stream.indirect_vreg.gather [hbm4b:s22+s4], $0x80, v2, vm0, $0xb8;
	[tilespmem:$0x11800] =	vst v63  }
0x48: {  	s31 =	simm.s32 $0x8800;
	s30 =	rddreg [dreg:$0xc]  }
0x49: {  	[tilespmem:s31], [sflag:$0x1] =	stream.linear.gather [hbm4b:s30+s4], $0xC00, $0x38;
	[tilespmem:$0x11800] =	vst v63  }
0x4a: {  	s6 =	simm.s32 $0xB800;
	s3 =	rddreg [dreg:$0xd]  }
0x4b: {  	[tilespmem:s6], [sflag:$0x1] =	stream.linear.gather [hbm4b:s3+s4], $0x1800, $0x38;
	[tilespmem:$0x11800] =	vst v63  }
0x4c: {  	v2 =	vld.msk [tilespmem:$0x8], $0xff;
	_ =	sdelay $0x4  }
0x4d: {  	v3 =	vshrl.u32 v2, $0x3  }
0x4e: {  	v3 =	vmul.u32 $0x18, v3  }
0x4f: {  	v2 =	vand.u32 $0x7, v2  }
0x50: {  	v2 =	vor.u32 v2, v3  }
0x51: {  	v2 =	vperm.xlane v2, v0;
	_ =	sdelay $0x1  }
0x52: {  	v2 =	vadd.s32 v1, v2;
	_ =	sdelay $0x3  }
0x53: {  	s7 =	simm.s32 $0x3400  }
0x54: {  	[tilespmem:s7], [sflag:$0x2] =	stream.indirect_vreg.gather [hbm4b:s13+s4], $0x80, v2, vm1, $0xb8;
	[tilespmem:$0x11800] =	vst v63  }
0x55: {  	s8 =	simm.s32 $0x3C00  }
0x56: {  	[tilespmem:s8], [sflag:$0x2] =	stream.indirect_vreg.gather [hbm4b:s18+s4], $0x80, v2, vm0, $0xb8;
	[tilespmem:$0x11800] =	vst v63  }
0x57: {  	v2 =	vld.msk [tilespmem:$0x1408], $0xff;
	_ =	sdelay $0x4  }
0x58: {  	v3 =	vshrl.u32 v2, $0x3  }
0x59: {  	v3 =	vmul.u32 $0x18, v3  }
0x5a: {  	v2 =	vand.u32 $0x7, v2  }
0x5b: {  	v2 =	vor.u32 v2, v3  }
0x5c: {  	v2 =	vperm.xlane v2, v0;
	_ =	sdelay $0x1  }
0x5d: {  	v2 =	vadd.s32 v1, v2;
	_ =	sdelay $0x3  }
0x5e: {  	s9 =	simm.s32 $0x6400  }
0x5f: {  	[tilespmem:s9], [sflag:$0x2] =	stream.indirect_vreg.gather [hbm4b:s15+s4], $0x80, v2, vm1, $0xb8;
	[tilespmem:$0x11800] =	vst v63  }
0x60: {  	s10 =	simm.s32 $0x6C00  }
0x61: {  	[tilespmem:s10], [sflag:$0x2] =	stream.indirect_vreg.gather [hbm4b:s22+s4], $0x80, v2, vm0, $0xb8;
	[tilespmem:$0x11800] =	vst v63  }
0x62: {  	s14 =	simm.s32 $0x9400;
	s11 =	rddreg [dreg:$0xe]  }
0x63: {  	[tilespmem:s14], [sflag:$0x2] =	stream.linear.gather [hbm4b:s11+s4], $0xC00, $0x38;
	[tilespmem:$0x11800] =	vst v63  }
0x64: {  	s21 =	simm.s32 $0xD000;
	s16 =	rddreg [dreg:$0xf]  }
0x65: {  	[tilespmem:s21], [sflag:$0x2] =	stream.linear.gather [hbm4b:s16+s4], $0x1800, $0x38;
	[tilespmem:$0x11800] =	vst v63  }
0x66: {  	v2 =	vld.msk [tilespmem:$0x10], $0xff;
	_ =	sdelay $0x4  }
0x67: {  	v3 =	vshrl.u32 v2, $0x3  }
0x68: {  	v3 =	vmul.u32 $0x18, v3  }
0x69: {  	v2 =	vand.u32 $0x7, v2  }
0x6a: {  	v2 =	vor.u32 v2, v3  }
0x6b: {  	v2 =	vperm.xlane v2, v0;
	_ =	sdelay $0x1  }
0x6c: {  	v2 =	vadd.s32 v1, v2;
	_ =	sdelay $0x3  }
0x6d: {  	s23 =	simm.s32 $0x4000  }
0x6e: {  	[tilespmem:s23], [sflag:$0x3] =	stream.indirect_vreg.gather [hbm4b:s13+s4], $0x80, v2, vm1, $0xb8;
	[tilespmem:$0x11800] =	vst v63  }
0x6f: {  	s24 =	simm.s32 $0x4800  }
0x70: {  	[tilespmem:s24], [sflag:$0x3] =	stream.indirect_vreg.gather [hbm4b:s18+s4], $0x80, v2, vm0, $0xb8;
	[tilespmem:$0x11800] =	vst v63  }
0x71: {  	v2 =	vld.msk [tilespmem:$0x1410], $0xff;
	_ =	sdelay $0x4  }
0x72: {  	v3 =	vshrl.u32 v2, $0x3  }
0x73: {  	v3 =	vmul.u32 $0x18, v3  }
0x74: {  	v2 =	vand.u32 $0x7, v2  }
0x75: {  	v2 =	vor.u32 v2, v3  }
0x76: {  	v2 =	vperm.xlane v2, v0;
	_ =	sdelay $0x1  }
0x77: {  	v2 =	vadd.s32 v1, v2;
	_ =	sdelay $0x3  }
0x78: {  	s25 =	simm.s32 $0x7000  }
0x79: {  	[tilespmem:s25], [sflag:$0x3] =	stream.indirect_vreg.gather [hbm4b:s15+s4], $0x80, v2, vm1, $0xb8;
	[tilespmem:$0x11800] =	vst v63  }
0x7a: {  	s26 =	simm.s32 $0x7800  }
0x7b: {  	[tilespmem:s26], [sflag:$0x3] =	stream.indirect_vreg.gather [hbm4b:s22+s4], $0x80, v2, vm0, $0xb8;
	[tilespmem:$0x11800] =	vst v63  }
.Ltmp2:
0x7c: {  	_ = 	snop;
	(pc) =	sbr.rel .LBB2_2-.Ltmp2, $4  }
0x7d: {  	s28 =	rddreg [dreg:$0x10];
	s29 =	simm.s32 $0xA000  }
0x7e: {  	[tilespmem:s29], [sflag:$0x3] =	stream.linear.gather [hbm4b:s28+s4], $0xC00, $0x38;
	[tilespmem:$0x11800] =	vst v63  }
0x7f: {  	s1 =	simm.s32 $0x0;
	s30 =	rddreg [dreg:$0x11];
	s31 =	simm.s32 $0xE800  }
0x80: {  	[tilespmem:s31], [sflag:$0x3] =	stream.linear.gather [hbm4b:s30+s4], $0x1800, $0x38;
	[tilespmem:$0x11800] =	vst v63  }
.LBB2_22:
0x81: {  	s2 =	simm.s32 @p0 $0x7  }
0x82: {  	_ =	swait.ge @p0 [sflag:s2], $0x1800  }
0x83: {  	[sflag:s2] =	ssyncset.done @p0 $0x0  }
0x84: {  	[sflag:s2] =	ssyncadd.s32 @p0 $0xFFFFE800  }
0x85: {  	v2 =	vld.msk @p0 [tilespmem:s21+$0x30], $0xff;
	_ =	sdelay $0x4  }
0x86: {  	v3 =	vshrl.u32 @p0 v2, $0x3  }
0x87: {  	v3 =	vmul.u32 @p0 $0x18, v3  }
0x88: {  	v4 =	vlaneseq.u32 @p0;
	v2 =	vand.u32 @p0 $0x7, v2  }
0x89: {  	v2 =	vor.u32 @p0 v2, v3;
	v3 =	vand.u32 @p0 $0x7, v4;
	v4 =	vshrl.u32 @p0 v4, $0x3  }
0x8a: {  	v2 =	vperm.xlane @p0 v2, v3;
	v4 =	vmul.u32 @p0 $0x8, v4;
	_ =	sdelay $0x1  }
0x8b: {  	v2 =	vadd.s32 @p0 v4, v2;
	_ =	sdelay $0x3  }
0x8c: {  	vm2 =	vmmov @p0 $0xffff;
	s3 =	simm.s32 @p0 $0x4000;
	s2 =	simm.s32 @p0 $0x0  }
0x8d: {  	[tilespmem:s3], [sflag:$0x3] =	stream.indirect_vreg.gather @p0 [hbm4b:s13+s2], $0x80, v2, vm2, $0xb8;
	[tilespmem:$0x11800] =	vst v63  }
0x8e: {  	vm3 =	vmmov @p0 $0xff;
	s3 =	simm.s32 @p0 $0x4800  }
0x8f: {  	[tilespmem:s3], [sflag:$0x3] =	stream.indirect_vreg.gather @p0 [hbm4b:s18+s2], $0x80, v2, vm3, $0xb8;
	[tilespmem:$0x11800] =	vst v63  }
0x90: {  	v2 =	vld.msk @p0 [tilespmem:s21+$0x1430], $0xff;
	_ =	sdelay $0x4  }
0x91: {  	v5 =	vshrl.u32 @p0 v2, $0x3  }
0x92: {  	v5 =	vmul.u32 @p0 $0x18, v5  }
0x93: {  	v2 =	vand.u32 @p0 $0x7, v2  }
0x94: {  	v2 =	vor.u32 @p0 v2, v5  }
0x95: {  	v2 =	vperm.xlane @p0 v2, v3;
	_ =	sdelay $0x1  }
0x96: {  	v2 =	vadd.s32 @p0 v4, v2;
	_ =	sdelay $0x1  }
0x97: {  	s3 =	sadd.s32 @p0 $0x30, s21  }
0x98: {  	s3 =	sadd.s32 @p0 s5, s3  }
0x99: {  	s6 =	simm.s32 @p0 $0x7000;
	s3 =	sshrl.u32 @p0 s3, $0x3  }
0x9a: {  	[tilespmem:s6], [sflag:$0x3] =	stream.indirect_vreg.gather @p0 [hbm4b:s15+s2], $0x80, v2, vm2, $0xb8;
	[tilespmem:$0x11800] =	vst v63  }
0x9b: {  	s7 =	smul.u32 @p0 $0x180, s3;
	s6 =	simm.s32 @p0 $0x7800  }
0x9c: {  	[tilespmem:s6], [sflag:$0x3] =	stream.indirect_vreg.gather @p0 [hbm4b:s22+s2], $0x80, v2, vm3, $0xb8;
	[tilespmem:$0x11800] =	vst v63  }
0x9d: {  	s3 =	smul.u32 @p0 $0x300, s3;
	s6 =	sadd.s32 @p0 s17, s7;
	s7 =	simm.s32 @p0 $0xA000  }
0x9e: {  	[tilespmem:s7], [sflag:$0x3] =	stream.linear.gather @p0 [hbm4b:s6+s2], $0xC00, $0x38;
	[tilespmem:$0x11800] =	vst v63  }
0x9f: {  	s1 =	sadd.s32 $0x1, s1;
	s3 =	sadd.s32 @p0 s12, s3;
	s6 =	simm.s32 @p0 $0xE800  }
0xa0: {  	[tilespmem:s6], [sflag:$0x3] =	stream.linear.gather @p0 [hbm4b:s3+s2], $0x1800, $0x38;
	[tilespmem:$0x11800] =	vst v63  }
0xa1: {  	p0 =	sne.s32 s1, $0x9D  }
.Ltmp3:
0xa2: {  	_ = 	snop;
	(pc) =	sbr.rel @!p0 .LBB2_23-.Ltmp3, $1  }
0xa3: {  	_ =	sdelay $0x3  }
.LBB2_2:
0xa4: {  	_ =	swait.ge [sflag:s0], $0xC00  }
0xa5: {  	[sflag:s0] =	ssyncset.done $0x0  }
0xa6: {  	[sflag:s0] =	ssyncadd.s32 $0xFFFFF400  }
0xa7: {  	_ =	swait.ge [sflag:s0], $0xC00  }
0xa8: {  	[sflag:s0] =	ssyncset.done $0x0  }
0xa9: {  	[sflag:s0] =	ssyncadd.s32 $0xFFFFF400  }
0xaa: {  	_ =	swait.ge [sflag:s0], $0xC00  }
0xab: {  	[sflag:s0] =	ssyncset.done $0x0  }
0xac: {  	[sflag:s0] =	ssyncadd.s32 $0xFFFFF400  }
0xad: {  	s21 =	simm.s32 $0x0;
	_ =	swait.ge [sflag:s0], $0x1800  }
0xae: {  	s2 =	sand.u32 $0x70, s21;
	s8 =	sand.u32 $0xC00, s21;
	[sflag:s0] =	ssyncset.done $0x0  }
0xaf: {  	s3 =	sor.u32 s2, s8;
	[sflag:s0] =	ssyncadd.s32 $0xFFFFE800  }
0xb0: {  	v2 =	vld [tilespmem:s3+$0x2800]  }
0xb1: {  	v3 =	vld [tilespmem:s3+$0x5800];
	_ =	sdelay $0x1  }
0xb2: {  	v4 =	vld [tilespmem:s3+$0x8800];
	_ =	sdelay $0x2  }
0xb3: {  	v5 =	vshll.u32 v2, $0x10;
	v6 =	vshll.u32 v3, $0x10  }
0xb4: {  	v2 =	vand.u32 $0xFFFF0000, v2;
	v3 =	vand.u32 $0xFFFF0000, v3;
	v5 =	vmul.f32 v6, v5  }
0xb5: {  	v2 =	vmul.f32 v3, v2;
	v3 =	vshll.u32 v4, $0x10  }
0xb6: {  	s29 =	sand.u32 $0x60, s21;
	s9 =	sand.u32 $0x1C00, s21;
	v4 =	vand.u32 $0xFFFF0000, v4;
	v3 =	vmul.f32 v3, v5  }
0xb7: {  	s2 =	sor.u32 s29, s9;
	v2 =	vmul.f32 v4, v2  }
0xb8: {  	[tilespmem:s2+$0xB800] =	vst.add.f32.msk $0xffff, v3  }
0xb9: {  	[tilespmem:s2+$0xB810] =	vst.add.f32.msk $0xffff, v2  }
0xba: {  	v2 =	vld [tilespmem:s3+$0x2880]  }
0xbb: {  	v3 =	vld [tilespmem:s3+$0x5880];
	_ =	sdelay $0x1  }
0xbc: {  	v4 =	vld [tilespmem:s3+$0x8880];
	_ =	sdelay $0x2  }
0xbd: {  	v5 =	vshll.u32 v2, $0x10;
	v6 =	vshll.u32 v3, $0x10  }
0xbe: {  	v2 =	vand.u32 $0xFFFF0000, v2;
	v3 =	vand.u32 $0xFFFF0000, v3;
	v5 =	vmul.f32 v6, v5  }
0xbf: {  	v2 =	vmul.f32 v3, v2;
	v3 =	vshll.u32 v4, $0x10  }
0xc0: {  	v4 =	vand.u32 $0xFFFF0000, v4;
	v3 =	vmul.f32 v3, v5  }
0xc1: {  	v2 =	vmul.f32 v4, v2  }
0xc2: {  	[tilespmem:s2+$0xB880] =	vst.add.f32.msk $0xffff, v3  }
0xc3: {  	[tilespmem:s2+$0xB890] =	vst.add.f32.msk $0xffff, v2  }
0xc4: {  	v2 =	vld [tilespmem:s3+$0x2900]  }
0xc5: {  	v3 =	vld [tilespmem:s3+$0x5900];
	_ =	sdelay $0x1  }
0xc6: {  	v4 =	vld [tilespmem:s3+$0x8900];
	_ =	sdelay $0x2  }
0xc7: {  	v5 =	vshll.u32 v2, $0x10;
	v6 =	vshll.u32 v3, $0x10  }
0xc8: {  	v2 =	vand.u32 $0xFFFF0000, v2;
	v3 =	vand.u32 $0xFFFF0000, v3;
	v5 =	vmul.f32 v6, v5  }
0xc9: {  	v2 =	vmul.f32 v3, v2;
	v3 =	vshll.u32 v4, $0x10  }
0xca: {  	v4 =	vand.u32 $0xFFFF0000, v4;
	v3 =	vmul.f32 v3, v5  }
0xcb: {  	v2 =	vmul.f32 v4, v2  }
0xcc: {  	s8 =	sor.u32 s8, s21;
	[tilespmem:s2+$0xB900] =	vst.add.f32.msk $0xffff, v3  }
0xcd: {  	s8 =	sor.u32 $0x180, s8;
	[tilespmem:s2+$0xB910] =	vst.add.f32.msk $0xffff, v2  }
0xce: {  	v2 =	vld [tilespmem:s8+$0x2800]  }
0xcf: {  	v3 =	vld [tilespmem:s8+$0x5800];
	_ =	sdelay $0x1  }
0xd0: {  	v4 =	vld [tilespmem:s8+$0x8800];
	_ =	sdelay $0x2  }
0xd1: {  	v5 =	vshll.u32 v2, $0x10;
	v6 =	vshll.u32 v3, $0x10  }
0xd2: {  	v2 =	vand.u32 $0xFFFF0000, v2;
	v3 =	vand.u32 $0xFFFF0000, v3;
	v5 =	vmul.f32 v6, v5  }
0xd3: {  	v2 =	vmul.f32 v3, v2;
	v3 =	vshll.u32 v4, $0x10  }
0xd4: {  	v4 =	vand.u32 $0xFFFF0000, v4;
	v3 =	vmul.f32 v3, v5  }
0xd5: {  	v2 =	vmul.f32 v4, v2  }
0xd6: {  	[tilespmem:s2+$0xB980] =	vst.add.f32.msk $0xffff, v3  }
0xd7: {  	[tilespmem:s2+$0xB990] =	vst.add.f32.msk $0xffff, v2  }
0xd8: {  	v2 =	vld [tilespmem:s3+$0x2A00]  }
0xd9: {  	v3 =	vld [tilespmem:s3+$0x5A00];
	_ =	sdelay $0x1  }
0xda: {  	v4 =	vld [tilespmem:s3+$0x8A00];
	_ =	sdelay $0x2  }
0xdb: {  	v5 =	vshll.u32 v2, $0x10;
	v6 =	vshll.u32 v3, $0x10  }
0xdc: {  	v2 =	vand.u32 $0xFFFF0000, v2;
	v3 =	vand.u32 $0xFFFF0000, v3;
	v5 =	vmul.f32 v6, v5  }
0xdd: {  	v2 =	vmul.f32 v3, v2;
	v3 =	vshll.u32 v4, $0x10  }
0xde: {  	v4 =	vand.u32 $0xFFFF0000, v4;
	v3 =	vmul.f32 v3, v5  }
0xdf: {  	v2 =	vmul.f32 v4, v2  }
0xe0: {  	[tilespmem:s2+$0xBA00] =	vst.add.f32.msk $0xffff, v3  }
0xe1: {  	[tilespmem:s2+$0xBA10] =	vst.add.f32.msk $0xffff, v2  }
0xe2: {  	v2 =	vld [tilespmem:s3+$0x2A80]  }
0xe3: {  	v3 =	vld [tilespmem:s3+$0x5A80];
	_ =	sdelay $0x1  }
0xe4: {  	v4 =	vld [tilespmem:s3+$0x8A80];
	_ =	sdelay $0x2  }
0xe5: {  	v5 =	vand.u32 $0xFFFF0000, v2;
	v6 =	vand.u32 $0xFFFF0000, v3  }
0xe6: {  	v2 =	vshll.u32 v2, $0x10;
	v3 =	vshll.u32 v3, $0x10;
	v5 =	vmul.f32 v6, v5  }
0xe7: {  	v2 =	vmul.f32 v3, v2;
	v3 =	vand.u32 $0xFFFF0000, v4  }
0xe8: {  	v4 =	vshll.u32 v4, $0x10;
	v3 =	vmul.f32 v3, v5  }
0xe9: {  	v2 =	vmul.f32 v4, v2  }
0xea: {  	[tilespmem:s2+$0xBA90] =	vst.add.f32.msk $0xffff, v3  }
0xeb: {  	[tilespmem:s2+$0xBA80] =	vst.add.f32.msk $0xffff, v2  }
0xec: {  	v3 =	vld [tilespmem:s3+$0x2B00]  }
0xed: {  	v4 =	vld [tilespmem:s3+$0x5B00];
	_ =	sdelay $0x2  }
0xee: {  	s25 =	simm.s32 $0x10;
	s10 =	simm.s32 $0x20;
	s26 =	simm.s32 $0x0;
	v2 =	vld [tilespmem:s3+$0x8B00]  }
0xef: {  	s30 =	simm.s32 $0x0;
	s28 =	simm.s32 $0x0;
	s31 =	sand.u32 $0x3, s21;
	v5 =	vshll.u32 v3, $0x10  }
0xf0: {  	s24 =	sor.u32 s21, s21;
	s23 =	sor.u32 s21, s21;
	s2 =	sshll.u32 s31, $0x5;
	v3 =	vand.u32 $0xFFFF0000, v3;
	v6 =	vshll.u32 v4, $0x10;
	v4 =	vand.u32 $0xFFFF0000, v4  }
.LBB2_3:
0xf1: {  	s21 =	sadd.s32 $0x100, s21  }
0xf2: {  	v5 =	vmul.f32 v6, v5;
	s26 =	sadd.s32 $0x1, s26;
	s30 =	sadd.s32 $0x80, s30;
	s3 =	smov.u32 s25  }
0xf3: {  	p0 =	sne.s32 s25, $0x170;
	s25 =	sadd.s32 $0x10, s25;
	v6 =	vshll.u32 v2, $0x10;
	v3 =	vmul.f32 v4, v3;
	s31 =	sand.u32 $0x3, s26  }
0xf4: {  	v2 =	vand.u32 $0xFFFF0000, v2;
	s2 =	sadd.s32 s2, s28;
	s8 =	sor.u32 s30, s3;
	s9 =	sor.u32 s21, s10;
	v4 =	vmul.f32 v6, v5  }
0xf5: {  	s11 =	sor.u32 $0x300, s2;
	s2 =	sadd.s32 $0x10, s2;
	s28 =	smov.u32 s21;
	v2 =	vmul.f32 v2, v3  }
0xf6: {  	[tilespmem:s11+$0xB800] =	vst.add.f32.msk $0xffff, v4;
	s11 =	sor.u32 $0x300, s2  }
0xf7: {  	[tilespmem:s11+$0xB800] =	vst.add.f32.msk $0xffff, v2;
	s11 =	sor.u32 $0x380, s24;
	s24 =	smov.u32 s8  }
0xf8: {  	v2 =	vld [tilespmem:s11+$0x2800]  }
0xf9: {  	v3 =	vld [tilespmem:s11+$0x5800]  }
0xfa: {  	v4 =	vld [tilespmem:s11+$0x8800];
	_ =	sdelay $0x2  }
0xfb: {  	v5 =	vshll.u32 v2, $0x10  }
0xfc: {  	s8 =	sor.u32 $0x380, s23;
	s23 =	smov.u32 s9;
	v2 =	vand.u32 $0xFFFF0000, v2;
	v6 =	vshll.u32 v3, $0x10;
	v3 =	vand.u32 $0xFFFF0000, v3  }
0xfd: {  	s14 =	sand.u32 $0xC00, s30;
	s2 =	sor.u32 $0x380, s2;
	s9 =	sand.u32 $0x70, s3;
	v5 =	vmul.f32 v6, v5;
	v2 =	vmul.f32 v3, v2  }
0xfe: {  	s3 =	sor.u32 s14, s3;
	s11 =	sor.u32 s9, s14;
	v3 =	vshll.u32 v4, $0x10  }
0xff: {  	v4 =	vand.u32 $0xFFFF0000, v4;
	v3 =	vmul.f32 v3, v5  }
0x100: {  	v2 =	vmul.f32 v4, v2  }
0x101: {  	[tilespmem:s8+$0xB800] =	vst.add.f32.msk $0xffff, v3  }
0x102: {  	[tilespmem:s2+$0xB800] =	vst.add.f32.msk $0xffff, v2  }
0x103: {  	v2 =	vld [tilespmem:s11+$0x2800]  }
0x104: {  	v3 =	vld [tilespmem:s11+$0x5800];
	_ =	sdelay $0x1  }
0x105: {  	v4 =	vld [tilespmem:s11+$0x8800];
	_ =	sdelay $0x1  }
0x106: {  	v5 =	vshll.u32 v2, $0x10  }
0x107: {  	v2 =	vand.u32 $0xFFFF0000, v2;
	v6 =	vshll.u32 v3, $0x10;
	v3 =	vand.u32 $0xFFFF0000, v3  }
0x108: {  	v5 =	vmul.f32 v6, v5;
	v2 =	vmul.f32 v3, v2  }
0x109: {  	v3 =	vshll.u32 v4, $0x10;
	v4 =	vand.u32 $0xFFFF0000, v4  }
0x10a: {  	s8 =	sand.u32 $0x1C00, s21;
	s2 =	sand.u32 $0x60, s10;
	v3 =	vmul.f32 v3, v5;
	v2 =	vmul.f32 v4, v2  }
0x10b: {  	s16 =	sor.u32 s2, s8  }
0x10c: {  	[tilespmem:s16+$0xB800] =	vst.add.f32.msk $0xffff, v3  }
0x10d: {  	[tilespmem:s16+$0xB810] =	vst.add.f32.msk $0xffff, v2  }
0x10e: {  	v2 =	vld [tilespmem:s11+$0x2880]  }
0x10f: {  	v3 =	vld [tilespmem:s11+$0x5880];
	_ =	sdelay $0x1  }
0x110: {  	v4 =	vld [tilespmem:s11+$0x8880];
	_ =	sdelay $0x1  }
0x111: {  	v5 =	vshll.u32 v2, $0x10;
	v2 =	vand.u32 $0xFFFF0000, v2  }
0x112: {  	v6 =	vshll.u32 v3, $0x10;
	v3 =	vand.u32 $0xFFFF0000, v3  }
0x113: {  	v5 =	vmul.f32 v6, v5;
	v2 =	vmul.f32 v3, v2  }
0x114: {  	v3 =	vshll.u32 v4, $0x10;
	v4 =	vand.u32 $0xFFFF0000, v4  }
0x115: {  	v3 =	vmul.f32 v3, v5;
	v2 =	vmul.f32 v4, v2;
	_ =	sdelay $0x1  }
0x116: {  	[tilespmem:s16+$0xB880] =	vst.add.f32.msk $0xffff, v3  }
0x117: {  	[tilespmem:s16+$0xB890] =	vst.add.f32.msk $0xffff, v2  }
0x118: {  	v2 =	vld [tilespmem:s11+$0x2900]  }
0x119: {  	v3 =	vld [tilespmem:s11+$0x5900]  }
0x11a: {  	v4 =	vld [tilespmem:s11+$0x8900];
	_ =	sdelay $0x2  }
0x11b: {  	v5 =	vshll.u32 v2, $0x10;
	v2 =	vand.u32 $0xFFFF0000, v2  }
0x11c: {  	v6 =	vshll.u32 v3, $0x10;
	v3 =	vand.u32 $0xFFFF0000, v3  }
0x11d: {  	v5 =	vmul.f32 v6, v5;
	v2 =	vmul.f32 v3, v2  }
0x11e: {  	v3 =	vshll.u32 v4, $0x10;
	v4 =	vand.u32 $0xFFFF0000, v4  }
0x11f: {  	v3 =	vmul.f32 v3, v5;
	v2 =	vmul.f32 v4, v2;
	_ =	sdelay $0x1  }
0x120: {  	[tilespmem:s16+$0xB900] =	vst.add.f32.msk $0xffff, v3  }
0x121: {  	s2 =	sor.u32 $0x180, s3;
	[tilespmem:s16+$0xB910] =	vst.add.f32.msk $0xffff, v2  }
0x122: {  	v2 =	vld [tilespmem:s2+$0x2800]  }
0x123: {  	v3 =	vld [tilespmem:s2+$0x5800]  }
0x124: {  	v4 =	vld [tilespmem:s2+$0x8800];
	_ =	sdelay $0x2  }
0x125: {  	v5 =	vshll.u32 v2, $0x10  }
0x126: {  	v2 =	vand.u32 $0xFFFF0000, v2;
	v6 =	vshll.u32 v3, $0x10;
	v3 =	vand.u32 $0xFFFF0000, v3  }
0x127: {  	v5 =	vmul.f32 v6, v5;
	v2 =	vmul.f32 v3, v2  }
0x128: {  	v3 =	vshll.u32 v4, $0x10;
	v4 =	vand.u32 $0xFFFF0000, v4  }
0x129: {  	v3 =	vmul.f32 v3, v5;
	v2 =	vmul.f32 v4, v2;
	_ =	sdelay $0x1  }
0x12a: {  	[tilespmem:s16+$0xB980] =	vst.add.f32.msk $0xffff, v3  }
0x12b: {  	[tilespmem:s16+$0xB990] =	vst.add.f32.msk $0xffff, v2  }
0x12c: {  	v2 =	vld [tilespmem:s11+$0x2A00]  }
0x12d: {  	v3 =	vld [tilespmem:s11+$0x5A00]  }
0x12e: {  	v4 =	vld [tilespmem:s11+$0x8A00];
	_ =	sdelay $0x2  }
0x12f: {  	v5 =	vshll.u32 v2, $0x10  }
0x130: {  	v2 =	vand.u32 $0xFFFF0000, v2;
	v6 =	vshll.u32 v3, $0x10;
	v3 =	vand.u32 $0xFFFF0000, v3  }
0x131: {  	v5 =	vmul.f32 v6, v5;
	v2 =	vmul.f32 v3, v2  }
0x132: {  	v3 =	vshll.u32 v4, $0x10;
	v4 =	vand.u32 $0xFFFF0000, v4  }
0x133: {  	v3 =	vmul.f32 v3, v5;
	v2 =	vmul.f32 v4, v2;
	_ =	sdelay $0x1  }
0x134: {  	[tilespmem:s16+$0xBA00] =	vst.add.f32.msk $0xffff, v3  }
0x135: {  	[tilespmem:s16+$0xBA10] =	vst.add.f32.msk $0xffff, v2  }
0x136: {  	v2 =	vld [tilespmem:s11+$0x2A80]  }
0x137: {  	v3 =	vld [tilespmem:s11+$0x5A80]  }
0x138: {  	v4 =	vld [tilespmem:s11+$0x8A80];
	_ =	sdelay $0x2  }
0x139: {  	v5 =	vshll.u32 v2, $0x10;
	v2 =	vand.u32 $0xFFFF0000, v2  }
0x13a: {  	v6 =	vshll.u32 v3, $0x10;
	v3 =	vand.u32 $0xFFFF0000, v3  }
0x13b: {  	v5 =	vmul.f32 v6, v5;
	v2 =	vmul.f32 v3, v2  }
0x13c: {  	v3 =	vshll.u32 v4, $0x10;
	v4 =	vand.u32 $0xFFFF0000, v4  }
0x13d: {  	v3 =	vmul.f32 v3, v5;
	v2 =	vmul.f32 v4, v2;
	_ =	sdelay $0x1  }
0x13e: {  	[tilespmem:s16+$0xBA90] =	vst.add.f32.msk $0xffff, v2  }
0x13f: {  	[tilespmem:s16+$0xBA80] =	vst.add.f32.msk $0xffff, v3  }
0x140: {  	v3 =	vld [tilespmem:s11+$0x2B00]  }
0x141: {  	v4 =	vld [tilespmem:s11+$0x5B00]  }
.Ltmp4:
0x142: {  	v2 =	vld [tilespmem:s11+$0x8B00];
	(pc) =	sbr.rel @p0 .LBB2_3-.Ltmp4, $3  }
0x143: {  	_ =	sdelay $0x1  }
0x144: {  	v5 =	vshll.u32 v3, $0x10;
	v3 =	vand.u32 $0xFFFF0000, v3  }
0x145: {  	s10 =	sadd.s32 $0x20, s10;
	s2 =	sshll.u32 s31, $0x5;
	v6 =	vshll.u32 v4, $0x10;
	v4 =	vand.u32 $0xFFFF0000, v4  }
0x146: {  	v5 =	vmul.f32 v6, v5  }
0x147: {  	v60 =	vshll.u32 v2, $0x10;
	v3 =	vmul.f32 v4, v3  }
0x148: {  	v2 =	vand.u32 $0xFFFF0000, v2;
	s2 =	sadd.s32 s2, s28;
	v61 =	vmul.f32 v60, v5  }
0x149: {  	s3 =	sor.u32 $0x300, s2;
	s2 =	sadd.s32 $0x10, s2;
	v2 =	vmul.f32 v2, v3  }
0x14a: {  	s26 =	sor.u32 $0x300, s2;
	[tilespmem:s3+$0xB800] =	vst.add.f32.msk $0xffff, v61  }
0x14b: {  	s28 =	sor.u32 $0x380, s24;
	[tilespmem:s26+$0xB800] =	vst.add.f32.msk $0xffff, v2  }
0x14c: {  	v2 =	vld [tilespmem:s28+$0x2800]  }
0x14d: {  	v3 =	vld [tilespmem:s28+$0x5800];
	_ =	sdelay $0x1  }
0x14e: {  	v4 =	vld [tilespmem:s28+$0x8800];
	_ =	sdelay $0x2  }
0x14f: {  	s8 =	sor.u32 $0x380, s23;
	s23 =	sshllo.u32 s1, $0x2;
	p0 =	seq.s32 s1, $0x0;
	v62 =	vshll.u32 v2, $0x10;
	v63 =	vshll.u32 v3, $0x10  }
0x150: {  	s21 =	sshll.u32 s1, $0x5;
	p1 =	sgt.u32 @!p0 s23, $0x270;
	v2 =	vand.u32 $0xFFFF0000, v2;
	v3 =	vand.u32 $0xFFFF0000, v3;
	v5 =	vmul.f32 v63, v62  }
0x151: {  	s29 =	sadd.s32 s5, s21;
	p0 =	por p0, p1;
	v2 =	vmul.f32 v3, v2;
	v3 =	vshll.u32 v4, $0x10  }
.Ltmp5:
0x152: {  	s3 =	sshrl.u32 s29, $0x3;
	v4 =	vand.u32 $0xFFFF0000, v4;
	v3 =	vmul.f32 v3, v5;
	(pc) =	sbr.rel @p0 .LBB2_6-.Ltmp5, $4  }
0x153: {  	s3 =	smul.u32 $0x300, s3;
	v2 =	vmul.f32 v4, v2  }
0x154: {  	s30 =	rddreg [dreg:$0x2];
	s2 =	sor.u32 $0x380, s2;
	[tilespmem:s8+$0xB800] =	vst.add.f32.msk $0xffff, v3  }
0x155: {  	s31 =	simm.s32 $0xB800;
	[tilespmem:s2+$0xB800] =	vst.add.f32.msk $0xffff, v2;
	s2 =	sadd.s32 s30, s3  }
0x156: {  	[hbm4b:s2+s4] =	stream.linear.scatter [tilespmem:s31], [sflag:$0x5], $0x1800, $0x38;
	[tilespmem:$0x11800] =	vst v63  }
0x157: {  	s2 =	simm.s32 $0x8  }
0x158: {  	_ =	swait.ge [sflag:s2], $0x1800  }
0x159: {  	[sflag:s2] =	ssyncset.done $0x0  }
0x15a: {  	[sflag:s2] =	ssyncadd.s32 $0xFFFFE800  }
.LBB2_7:
0x15b: {  	s2 =	sshll.u32 s23, $0x3  }
0x15c: {  	v2 =	vld.msk [tilespmem:s2+$0x0], $0xff;
	_ =	sdelay $0x4  }
0x15d: {  	v3 =	vshrl.u32 v2, $0x3  }
0x15e: {  	v3 =	vmul.u32 $0x18, v3  }
0x15f: {  	v2 =	vand.u32 $0x7, v2  }
0x160: {  	v2 =	vor.u32 v2, v3  }
0x161: {  	v2 =	vperm.xlane v2, v0;
	_ =	sdelay $0x1  }
0x162: {  	v2 =	vadd.s32 v1, v2;
	_ =	sdelay $0x3  }
0x163: {  	s3 =	simm.s32 $0x4C00  }
0x164: {  	[tilespmem:s3], [sflag:$0x4] =	stream.indirect_vreg.gather [hbm4b:s13+s4], $0x80, v2, vm1, $0xb8;
	[tilespmem:$0x11800] =	vst v63  }
0x165: {  	s25 =	simm.s32 $0x5400  }
0x166: {  	[tilespmem:s25], [sflag:$0x4] =	stream.indirect_vreg.gather [hbm4b:s18+s4], $0x80, v2, vm0, $0xb8;
	[tilespmem:$0x11800] =	vst v63  }
0x167: {  	v2 =	vld.msk [tilespmem:s2+$0x1400], $0xff;
	_ =	sdelay $0x4  }
0x168: {  	v3 =	vshrl.u32 v2, $0x3  }
0x169: {  	v3 =	vmul.u32 $0x18, v3  }
0x16a: {  	v2 =	vand.u32 $0x7, v2  }
0x16b: {  	v2 =	vor.u32 v2, v3  }
0x16c: {  	v2 =	vperm.xlane v2, v0;
	_ =	sdelay $0x1  }
0x16d: {  	v2 =	vadd.s32 v1, v2;
	_ =	sdelay $0x2  }
0x16e: {  	s28 =	rddreg [dreg:$0x6]  }
0x16f: {  	s26 =	simm.s32 $0x7C00;
	s2 =	sadd.s32 s28, s23  }
0x170: {  	[tilespmem:s26], [sflag:$0x4] =	stream.indirect_vreg.gather [hbm4b:s15+s4], $0x80, v2, vm1, $0xb8;
	[tilespmem:$0x11800] =	vst v63  }
0x171: {  	s6 =	simm.s32 $0x8400;
	s29 =	smul.u32 $0x180, s2  }
0x172: {  	[tilespmem:s6], [sflag:$0x4] =	stream.indirect_vreg.gather [hbm4b:s22+s4], $0x80, v2, vm0, $0xb8;
	[tilespmem:$0x11800] =	vst v63  }
0x173: {  	s30 =	simm.s32 $0xAC00;
	s2 =	smul.u32 $0x300, s2;
	s3 =	sadd.s32 s17, s29  }
0x174: {  	[tilespmem:s30], [sflag:$0x4] =	stream.linear.gather [hbm4b:s3+s4], $0xC00, $0x38;
	[tilespmem:$0x11800] =	vst v63  }
0x175: {  	s31 =	simm.s32 $0x10000;
	s2 =	sadd.s32 s12, s2  }
0x176: {  	[tilespmem:s31], [sflag:$0x4] =	stream.linear.gather [hbm4b:s2+s4], $0x1800, $0x38;
	[tilespmem:$0x11800] =	vst v63  }
.LBB2_8:
0x177: {  	s24 =	sshll.u32 s1, $0x2  }
0x178: {  	s25 =	sor.u32 $0x1, s24  }
0x179: {  	p0 =	sgt.u32 s25, $0x270  }
.Ltmp6:
0x17a: {  	_ = 	snop;
	(pc) =	sbr.rel @p0 .LBB2_12-.Ltmp6, $1  }
0x17b: {  	_ =	sdelay $0x3  }
0x17c: {  	_ =	swait.ge [sflag:s19], $0xC00  }
0x17d: {  	[sflag:s19] =	ssyncset.done $0x0  }
0x17e: {  	[sflag:s19] =	ssyncadd.s32 $0xFFFFF400  }
0x17f: {  	_ =	swait.ge [sflag:s19], $0xC00  }
0x180: {  	[sflag:s19] =	ssyncset.done $0x0  }
0x181: {  	[sflag:s19] =	ssyncadd.s32 $0xFFFFF400  }
0x182: {  	_ =	swait.ge [sflag:s19], $0xC00  }
0x183: {  	[sflag:s19] =	ssyncset.done $0x0  }
0x184: {  	[sflag:s19] =	ssyncadd.s32 $0xFFFFF400  }
0x185: {  	s26 =	simm.s32 $0x0;
	_ =	swait.ge [sflag:s19], $0x1800  }
0x186: {  	s2 =	sand.u32 $0x70, s26;
	s3 =	sand.u32 $0xC00, s26;
	[sflag:s19] =	ssyncset.done $0x0  }
0x187: {  	s28 =	sor.u32 s2, s3;
	[sflag:s19] =	ssyncadd.s32 $0xFFFFE800  }
0x188: {  	v2 =	vld [tilespmem:s28+$0x3400]  }
0x189: {  	v3 =	vld [tilespmem:s28+$0x6400];
	_ =	sdelay $0x1  }
0x18a: {  	v4 =	vld [tilespmem:s28+$0x9400];
	_ =	sdelay $0x2  }
0x18b: {  	v5 =	vshll.u32 v2, $0x10;
	v6 =	vshll.u32 v3, $0x10  }
0x18c: {  	v2 =	vand.u32 $0xFFFF0000, v2;
	v3 =	vand.u32 $0xFFFF0000, v3;
	v5 =	vmul.f32 v6, v5  }
0x18d: {  	s11 =	sand.u32 $0x1C00, s26;
	v57 =	vshll.u32 v4, $0x10;
	v2 =	vmul.f32 v3, v2  }
0x18e: {  	s3 =	sand.u32 $0x60, s26;
	s29 =	sadd.s32 $0xD000, s11;
	v3 =	vand.u32 $0xFFFF0000, v4;
	v4 =	vmul.f32 v57, v5  }
0x18f: {  	s8 =	sor.u32 s3, s29;
	s10 =	sor.u32 $0x10, s3;
	v2 =	vmul.f32 v3, v2  }
0x190: {  	s2 =	sor.u32 s10, s29;
	[tilespmem:s8+$0x0] =	vst.add.f32.msk $0xffff, v4  }
0x191: {  	[tilespmem:s2+$0x0] =	vst.add.f32.msk $0xffff, v2  }
0x192: {  	v2 =	vld [tilespmem:s28+$0x3480]  }
0x193: {  	v3 =	vld [tilespmem:s28+$0x6480];
	_ =	sdelay $0x1  }
0x194: {  	v4 =	vld [tilespmem:s28+$0x9480];
	_ =	sdelay $0x2  }
0x195: {  	v5 =	vshll.u32 v2, $0x10;
	v58 =	vshll.u32 v3, $0x10  }
0x196: {  	v2 =	vand.u32 $0xFFFF0000, v2;
	v3 =	vand.u32 $0xFFFF0000, v3;
	v5 =	vmul.f32 v58, v5  }
0x197: {  	v2 =	vmul.f32 v3, v2;
	v3 =	vshll.u32 v4, $0x10  }
0x198: {  	s6 =	sadd.s32 $0xD080, s11;
	v4 =	vand.u32 $0xFFFF0000, v4;
	v3 =	vmul.f32 v3, v5  }
0x199: {  	s7 =	sor.u32 s3, s6;
	v2 =	vmul.f32 v4, v2  }
0x19a: {  	s2 =	sor.u32 s10, s6;
	[tilespmem:s7+$0x0] =	vst.add.f32.msk $0xffff, v3  }
0x19b: {  	[tilespmem:s2+$0x0] =	vst.add.f32.msk $0xffff, v2  }
0x19c: {  	v2 =	vld [tilespmem:s28+$0x3500]  }
0x19d: {  	v3 =	vld [tilespmem:s28+$0x6500];
	_ =	sdelay $0x1  }
0x19e: {  	v4 =	vld [tilespmem:s28+$0x9500];
	_ =	sdelay $0x2  }
0x19f: {  	v5 =	vshll.u32 v2, $0x10;
	v59 =	vshll.u32 v3, $0x10  }
0x1a0: {  	v2 =	vand.u32 $0xFFFF0000, v2;
	v3 =	vand.u32 $0xFFFF0000, v3;
	v5 =	vmul.f32 v59, v5  }
0x1a1: {  	v2 =	vmul.f32 v3, v2;
	v3 =	vshll.u32 v4, $0x10  }
0x1a2: {  	s9 =	sadd.s32 $0xD100, s11;
	v4 =	vand.u32 $0xFFFF0000, v4;
	v3 =	vmul.f32 v3, v5  }
0x1a3: {  	s12 =	sor.u32 s3, s9;
	v2 =	vmul.f32 v4, v2  }
0x1a4: {  	s2 =	sor.u32 s10, s9;
	[tilespmem:s12+$0x0] =	vst.add.f32.msk $0xffff, v3  }
0x1a5: {  	[tilespmem:s2+$0x0] =	vst.add.f32.msk $0xffff, v2  }
0x1a6: {  	v2 =	vld [tilespmem:s28+$0x3580]  }
0x1a7: {  	v3 =	vld [tilespmem:s28+$0x6580];
	_ =	sdelay $0x1  }
0x1a8: {  	v4 =	vld [tilespmem:s28+$0x9580];
	_ =	sdelay $0x2  }
0x1a9: {  	v5 =	vshll.u32 v2, $0x10;
	v60 =	vshll.u32 v3, $0x10  }
0x1aa: {  	v2 =	vand.u32 $0xFFFF0000, v2;
	v3 =	vand.u32 $0xFFFF0000, v3;
	v5 =	vmul.f32 v60, v5  }
0x1ab: {  	v2 =	vmul.f32 v3, v2;
	v3 =	vshll.u32 v4, $0x10  }
0x1ac: {  	s13 =	sadd.s32 $0xD180, s11;
	v4 =	vand.u32 $0xFFFF0000, v4;
	v3 =	vmul.f32 v3, v5  }
0x1ad: {  	s14 =	sor.u32 s3, s13;
	v2 =	vmul.f32 v4, v2  }
0x1ae: {  	s2 =	sor.u32 s10, s13;
	[tilespmem:s14+$0x0] =	vst.add.f32.msk $0xffff, v3  }
0x1af: {  	[tilespmem:s2+$0x0] =	vst.add.f32.msk $0xffff, v2  }
0x1b0: {  	v2 =	vld [tilespmem:s28+$0x3600]  }
0x1b1: {  	v3 =	vld [tilespmem:s28+$0x6600];
	_ =	sdelay $0x1  }
0x1b2: {  	v4 =	vld [tilespmem:s28+$0x9600];
	_ =	sdelay $0x2  }
0x1b3: {  	v5 =	vshll.u32 v2, $0x10;
	v61 =	vshll.u32 v3, $0x10  }
0x1b4: {  	v2 =	vand.u32 $0xFFFF0000, v2;
	v3 =	vand.u32 $0xFFFF0000, v3;
	v5 =	vmul.f32 v61, v5  }
0x1b5: {  	v2 =	vmul.f32 v3, v2;
	v3 =	vshll.u32 v4, $0x10  }
0x1b6: {  	s15 =	sadd.s32 $0xD200, s11;
	v4 =	vand.u32 $0xFFFF0000, v4;
	v3 =	vmul.f32 v3, v5  }
0x1b7: {  	s16 =	sor.u32 s3, s15;
	v2 =	vmul.f32 v4, v2  }
0x1b8: {  	s2 =	sor.u32 s10, s15;
	[tilespmem:s16+$0x0] =	vst.add.f32.msk $0xffff, v3  }
0x1b9: {  	[tilespmem:s2+$0x0] =	vst.add.f32.msk $0xffff, v2  }
0x1ba: {  	v2 =	vld [tilespmem:s28+$0x3680]  }
0x1bb: {  	v3 =	vld [tilespmem:s28+$0x6680];
	_ =	sdelay $0x1  }
0x1bc: {  	v4 =	vld [tilespmem:s28+$0x9680];
	_ =	sdelay $0x2  }
0x1bd: {  	v5 =	vshll.u32 v2, $0x10;
	v62 =	vshll.u32 v3, $0x10  }
0x1be: {  	v2 =	vand.u32 $0xFFFF0000, v2;
	v3 =	vand.u32 $0xFFFF0000, v3;
	v5 =	vmul.f32 v62, v5  }
0x1bf: {  	v2 =	vmul.f32 v3, v2;
	v3 =	vshll.u32 v4, $0x10  }
0x1c0: {  	s17 =	sadd.s32 $0xD280, s11;
	v4 =	vand.u32 $0xFFFF0000, v4;
	v3 =	vmul.f32 v3, v5  }
0x1c1: {  	s18 =	sor.u32 s3, s17;
	v2 =	vmul.f32 v4, v2  }
0x1c2: {  	s2 =	sor.u32 s10, s17;
	[tilespmem:s18+$0x0] =	vst.add.f32.msk $0xffff, v3  }
0x1c3: {  	[tilespmem:s2+$0x0] =	vst.add.f32.msk $0xffff, v2  }
0x1c4: {  	v2 =	vld [tilespmem:s28+$0x3700]  }
0x1c5: {  	v3 =	vld [tilespmem:s28+$0x6700];
	_ =	sdelay $0x1  }
0x1c6: {  	v4 =	vld [tilespmem:s28+$0x9700];
	_ =	sdelay $0x1  }
0x1c7: {  	v5 =	vand.u32 $0xFFFF0000, v2  }
0x1c8: {  	v2 =	vshll.u32 v2, $0x10;
	v63 =	vshll.u32 v3, $0x10;
	v3 =	vand.u32 $0xFFFF0000, v3  }
0x1c9: {  	s30 =	simm.s32 $0x10;
	s31 =	simm.s32 $0x0;
	s29 =	sadd.s32 $0xD380, s11;
	v2 =	vmul.f32 v63, v2;
	v5 =	vmul.f32 v3, v5  }
0x1ca: {  	s22 =	sadd.s32 $0xD300, s11;
	s11 =	sor.u32 s3, s29;
	s16 =	sor.u32 s10, s29;
	v3 =	vshll.u32 v4, $0x10;
	v4 =	vand.u32 $0xFFFF0000, v4  }
0x1cb: {  	s17 =	sor.u32 s10, s22;
	s10 =	simm.s32 $0x0;
	s18 =	sor.u32 s3, s22;
	v3 =	vmul.f32 v3, v2;
	v2 =	vmul.f32 v4, v5  }
.LBB2_10:
0x1cc: {  	s26 =	sadd.s32 $0x100, s26;
	s31 =	sadd.s32 $0x80, s31;
	s10 =	sadd.s32 $0x20, s10  }
0x1cd: {  	p0 =	sne.s32 s30, $0x170;
	s2 =	smov.u32 s30;
	s30 =	sadd.s32 $0x10, s30;
	[tilespmem:s18+$0x0] =	vst.add.f32.msk $0xffff, v3  }
0x1ce: {  	[tilespmem:s17+$0x0] =	vst.add.f32.msk $0xffff, v2  }
0x1cf: {  	v2 =	vld [tilespmem:s28+$0x3780]  }
0x1d0: {  	v3 =	vld [tilespmem:s28+$0x6780]  }
0x1d1: {  	v4 =	vld [tilespmem:s28+$0x9780];
	_ =	sdelay $0x2  }
0x1d2: {  	s2 =	sand.u32 $0x70, s2;
	s3 =	sand.u32 $0xC00, s31;
	v5 =	vshll.u32 v2, $0x10  }
0x1d3: {  	s28 =	sor.u32 s2, s3;
	v2 =	vand.u32 $0xFFFF0000, v2;
	v6 =	vshll.u32 v3, $0x10;
	v3 =	vand.u32 $0xFFFF0000, v3  }
0x1d4: {  	v5 =	vmul.f32 v6, v5;
	v2 =	vmul.f32 v3, v2  }
0x1d5: {  	v3 =	vshll.u32 v4, $0x10  }
0x1d6: {  	v4 =	vand.u32 $0xFFFF0000, v4;
	v3 =	vmul.f32 v3, v5  }
0x1d7: {  	v2 =	vmul.f32 v4, v2  }
0x1d8: {  	[tilespmem:s11+$0x0] =	vst.add.f32.msk $0xffff, v3  }
0x1d9: {  	[tilespmem:s16+$0x0] =	vst.add.f32.msk $0xffff, v2  }
0x1da: {  	v2 =	vld [tilespmem:s28+$0x3400]  }
0x1db: {  	v3 =	vld [tilespmem:s28+$0x9400]  }
0x1dc: {  	v4 =	vld [tilespmem:s28+$0x6400];
	_ =	sdelay $0x3  }
0x1dd: {  	v5 =	vshll.u32 v2, $0x10  }
0x1de: {  	v2 =	vand.u32 $0xFFFF0000, v2;
	v7 =	vand.u32 $0xFFFF0000, v3;
	v6 =	vshll.u32 v4, $0x10  }
0x1df: {  	v4 =	vand.u32 $0xFFFF0000, v4;
	v5 =	vmul.f32 v6, v5  }
0x1e0: {  	s11 =	sand.u32 $0x1C00, s26;
	v3 =	vshll.u32 v3, $0x10;
	v2 =	vmul.f32 v4, v2  }
0x1e1: {  	s16 =	sand.u32 $0x60, s10;
	s2 =	sadd.s32 $0xD000, s11;
	s3 =	sadd.s32 $0xD080, s11;
	v3 =	vmul.f32 v3, v5  }
0x1e2: {  	s8 =	sor.u32 s16, s2;
	s6 =	sor.u32 $0x10, s16;
	s7 =	sor.u32 s16, s3;
	v2 =	vmul.f32 v7, v2  }
0x1e3: {  	s2 =	sor.u32 s6, s2;
	s12 =	sor.u32 s6, s3;
	s3 =	sadd.s32 $0xD100, s11;
	[tilespmem:s8+$0x0] =	vst.add.f32.msk $0xffff, v3  }
0x1e4: {  	s9 =	sor.u32 s16, s3;
	s8 =	sor.u32 s6, s3;
	[tilespmem:s2+$0x0] =	vst.add.f32.msk $0xffff, v2;
	s2 =	sadd.s32 $0xD180, s11  }
0x1e5: {  	s14 =	sadd.s32 $0xD200, s11;
	v2 =	vld [tilespmem:s28+$0x3480];
	s15 =	sor.u32 s16, s2;
	s2 =	sor.u32 s6, s2  }
0x1e6: {  	s17 =	sadd.s32 $0xD280, s11;
	s22 =	sor.u32 s6, s14;
	s3 =	sor.u32 s16, s14;
	v3 =	vld [tilespmem:s28+$0x6480]  }
0x1e7: {  	s29 =	sor.u32 s6, s17;
	s14 =	sor.u32 s16, s17;
	s17 =	sadd.s32 $0xD300, s11  }
0x1e8: {  	s13 =	sadd.s32 $0xD380, s11;
	s18 =	sor.u32 s16, s17;
	s17 =	sor.u32 s6, s17;
	v4 =	vld [tilespmem:s28+$0x9480]  }
0x1e9: {  	s11 =	sor.u32 s16, s13;
	s16 =	sor.u32 s6, s13  }
0x1ea: {  	v5 =	vand.u32 $0xFFFF0000, v2  }
0x1eb: {  	v2 =	vshll.u32 v2, $0x10;
	v6 =	vshll.u32 v3, $0x10;
	v3 =	vand.u32 $0xFFFF0000, v3  }
0x1ec: {  	v2 =	vmul.f32 v6, v2;
	v3 =	vmul.f32 v3, v5  }
0x1ed: {  	v5 =	vshll.u32 v4, $0x10  }
0x1ee: {  	v4 =	vand.u32 $0xFFFF0000, v4;
	v2 =	vmul.f32 v5, v2  }
0x1ef: {  	v3 =	vmul.f32 v4, v3  }
0x1f0: {  	[tilespmem:s7+$0x0] =	vst.add.f32.msk $0xffff, v2  }
0x1f1: {  	[tilespmem:s12+$0x0] =	vst.add.f32.msk $0xffff, v3  }
0x1f2: {  	v2 =	vld [tilespmem:s28+$0x3500]  }
0x1f3: {  	v3 =	vld [tilespmem:s28+$0x6500]  }
0x1f4: {  	v4 =	vld [tilespmem:s28+$0x9500];
	_ =	sdelay $0x2  }
0x1f5: {  	v5 =	vshll.u32 v2, $0x10  }
0x1f6: {  	v2 =	vand.u32 $0xFFFF0000, v2;
	v6 =	vshll.u32 v3, $0x10;
	v3 =	vand.u32 $0xFFFF0000, v3  }
0x1f7: {  	v5 =	vmul.f32 v6, v5;
	v2 =	vmul.f32 v3, v2  }
0x1f8: {  	v3 =	vshll.u32 v4, $0x10  }
0x1f9: {  	v4 =	vand.u32 $0xFFFF0000, v4;
	v3 =	vmul.f32 v3, v5  }
0x1fa: {  	v2 =	vmul.f32 v4, v2  }
0x1fb: {  	[tilespmem:s9+$0x0] =	vst.add.f32.msk $0xffff, v3  }
0x1fc: {  	[tilespmem:s8+$0x0] =	vst.add.f32.msk $0xffff, v2  }
0x1fd: {  	v2 =	vld [tilespmem:s28+$0x3580]  }
0x1fe: {  	v3 =	vld [tilespmem:s28+$0x6580]  }
0x1ff: {  	v4 =	vld [tilespmem:s28+$0x9580];
	_ =	sdelay $0x2  }
0x200: {  	v5 =	vand.u32 $0xFFFF0000, v2  }
0x201: {  	v2 =	vshll.u32 v2, $0x10;
	v6 =	vshll.u32 v3, $0x10;
	v3 =	vand.u32 $0xFFFF0000, v3  }
0x202: {  	v2 =	vmul.f32 v6, v2;
	v3 =	vmul.f32 v3, v5  }
0x203: {  	v5 =	vshll.u32 v4, $0x10  }
0x204: {  	v4 =	vand.u32 $0xFFFF0000, v4;
	v2 =	vmul.f32 v5, v2  }
0x205: {  	v3 =	vmul.f32 v4, v3  }
0x206: {  	[tilespmem:s15+$0x0] =	vst.add.f32.msk $0xffff, v2  }
0x207: {  	[tilespmem:s2+$0x0] =	vst.add.f32.msk $0xffff, v3  }
0x208: {  	v2 =	vld [tilespmem:s28+$0x3600]  }
0x209: {  	v3 =	vld [tilespmem:s28+$0x6600]  }
0x20a: {  	v4 =	vld [tilespmem:s28+$0x9600];
	_ =	sdelay $0x2  }
0x20b: {  	v5 =	vand.u32 $0xFFFF0000, v2  }
0x20c: {  	v2 =	vshll.u32 v2, $0x10;
	v6 =	vshll.u32 v3, $0x10;
	v3 =	vand.u32 $0xFFFF0000, v3  }
0x20d: {  	v2 =	vmul.f32 v6, v2;
	v3 =	vmul.f32 v3, v5  }
0x20e: {  	v5 =	vshll.u32 v4, $0x10  }
0x20f: {  	v4 =	vand.u32 $0xFFFF0000, v4;
	v2 =	vmul.f32 v5, v2  }
0x210: {  	v3 =	vmul.f32 v4, v3  }
0x211: {  	[tilespmem:s3+$0x0] =	vst.add.f32.msk $0xffff, v2  }
0x212: {  	[tilespmem:s22+$0x0] =	vst.add.f32.msk $0xffff, v3  }
0x213: {  	v2 =	vld [tilespmem:s28+$0x3680]  }
0x214: {  	v3 =	vld [tilespmem:s28+$0x6680]  }
0x215: {  	v4 =	vld [tilespmem:s28+$0x9680];
	_ =	sdelay $0x2  }
0x216: {  	v5 =	vshll.u32 v2, $0x10;
	v2 =	vand.u32 $0xFFFF0000, v2  }
0x217: {  	v6 =	vshll.u32 v3, $0x10;
	v3 =	vand.u32 $0xFFFF0000, v3  }
0x218: {  	v5 =	vmul.f32 v6, v5;
	v2 =	vmul.f32 v3, v2  }
0x219: {  	v3 =	vshll.u32 v4, $0x10  }
0x21a: {  	v4 =	vand.u32 $0xFFFF0000, v4;
	v3 =	vmul.f32 v3, v5  }
0x21b: {  	v2 =	vmul.f32 v4, v2  }
0x21c: {  	[tilespmem:s14+$0x0] =	vst.add.f32.msk $0xffff, v3  }
0x21d: {  	[tilespmem:s29+$0x0] =	vst.add.f32.msk $0xffff, v2  }
0x21e: {  	v2 =	vld [tilespmem:s28+$0x3700]  }
0x21f: {  	v3 =	vld [tilespmem:s28+$0x6700]  }
0x220: {  	v4 =	vld [tilespmem:s28+$0x9700];
	_ =	sdelay $0x2  }
.Ltmp7:
0x221: {  	v5 =	vand.u32 $0xFFFF0000, v2;
	(pc) =	sbr.rel @p0 .LBB2_10-.Ltmp7, $4  }
0x222: {  	v2 =	vshll.u32 v2, $0x10;
	v6 =	vshll.u32 v3, $0x10;
	v3 =	vand.u32 $0xFFFF0000, v3  }
0x223: {  	v2 =	vmul.f32 v6, v2;
	v5 =	vmul.f32 v3, v5  }
0x224: {  	v3 =	vshll.u32 v4, $0x10;
	v4 =	vand.u32 $0xFFFF0000, v4  }
0x225: {  	v3 =	vmul.f32 v3, v2;
	v2 =	vmul.f32 v4, v5  }
0x226: {  	_ = 	snop  }
0x227: {  	[tilespmem:s18+$0x0] =	vst.add.f32.msk $0xffff, v3  }
0x228: {  	[tilespmem:s17+$0x0] =	vst.add.f32.msk $0xffff, v2  }
0x229: {  	v2 =	vld [tilespmem:s28+$0x3780]  }
0x22a: {  	v3 =	vld [tilespmem:s28+$0x6780];
	_ =	sdelay $0x1  }
0x22b: {  	v4 =	vld [tilespmem:s28+$0x9780];
	_ =	sdelay $0x1  }
0x22c: {  	s2 =	rddreg [dreg:$0x6]  }
0x22d: {  	s3 =	rddreg [dreg:$0x2];
	v5 =	vshll.u32 v2, $0x10;
	v6 =	vshll.u32 v3, $0x10  }
0x22e: {  	s12 =	rddreg [dreg:$0x1];
	v2 =	vand.u32 $0xFFFF0000, v2;
	v3 =	vand.u32 $0xFFFF0000, v3;
	v5 =	vmul.f32 v6, v5  }
0x22f: {  	s13 =	rddreg [dreg:$0x4];
	v2 =	vmul.f32 v3, v2;
	v3 =	vshll.u32 v4, $0x10  }
0x230: {  	s15 =	rddreg [dreg:$0x5];
	s2 =	sadd.s32 s2, s25;
	v4 =	vand.u32 $0xFFFF0000, v4;
	v3 =	vmul.f32 v3, v5  }
0x231: {  	s22 =	rddreg [dreg:$0xb];
	s2 =	smul.u32 $0x300, s2;
	v2 =	vmul.f32 v4, v2  }
0x232: {  	s18 =	rddreg [dreg:$0xa];
	[tilespmem:s11+$0x0] =	vst.add.f32.msk $0xffff, v3  }
0x233: {  	s31 =	simm.s32 $0xD000;
	s17 =	rddreg [dreg:$0x7];
	s2 =	sadd.s32 s3, s2;
	[tilespmem:s16+$0x0] =	vst.add.f32.msk $0xffff, v2  }
0x234: {  	[hbm4b:s2+s4] =	stream.linear.scatter [tilespmem:s31], [sflag:$0x6], $0x1800, $0x38;
	[tilespmem:$0x11800] =	vst v63  }
.LBB2_12:
0x235: {  	p1 =	seq.s32 s1, $0x9C  }
.Ltmp8:
0x236: {  	_ = 	snop;
	(pc) =	sbr.rel @p1 .LBB2_18-.Ltmp8, $2  }
0x237: {  	_ =	sdelay $0x2  }
0x238: {  	p0 =	por $0x0, $0x0  }
0x239: {  	s2 =	simm.s32 $0x5  }
0x23a: {  	_ =	swait.ge [sflag:s2], $0x1800  }
0x23b: {  	[sflag:s2] =	ssyncset.done $0x0  }
0x23c: {  	[sflag:s2] =	ssyncadd.s32 $0xFFFFE800  }
0x23d: {  	v2 =	vld.msk [tilespmem:s21+$0x20], $0xff;
	_ =	sdelay $0x4  }
0x23e: {  	v3 =	vshrl.u32 v2, $0x3  }
0x23f: {  	v3 =	vmul.u32 $0x18, v3  }
0x240: {  	v2 =	vand.u32 $0x7, v2  }
0x241: {  	v2 =	vor.u32 v2, v3  }
0x242: {  	v2 =	vperm.xlane v2, v0;
	_ =	sdelay $0x1  }
0x243: {  	v2 =	vadd.s32 v1, v2;
	_ =	sdelay $0x3  }
0x244: {  	s25 =	simm.s32 $0x2800  }
0x245: {  	[tilespmem:s25], [sflag:$0x1] =	stream.indirect_vreg.gather [hbm4b:s13+s4], $0x80, v2, vm1, $0xb8;
	[tilespmem:$0x11800] =	vst v63  }
0x246: {  	s26 =	simm.s32 $0x3000  }
0x247: {  	[tilespmem:s26], [sflag:$0x1] =	stream.indirect_vreg.gather [hbm4b:s18+s4], $0x80, v2, vm0, $0xb8;
	[tilespmem:$0x11800] =	vst v63  }
0x248: {  	v2 =	vld.msk [tilespmem:s21+$0x1420], $0xff;
	_ =	sdelay $0x4  }
0x249: {  	v3 =	vshrl.u32 v2, $0x3  }
0x24a: {  	v3 =	vmul.u32 $0x18, v3  }
0x24b: {  	v2 =	vand.u32 $0x7, v2  }
0x24c: {  	v2 =	vor.u32 v2, v3  }
0x24d: {  	v2 =	vperm.xlane v2, v0;
	_ =	sdelay $0x1  }
0x24e: {  	v2 =	vadd.s32 v1, v2;
	_ =	sdelay $0x1  }
0x24f: {  	s28 =	sadd.s32 $0x20, s21  }
0x250: {  	s2 =	sadd.s32 s5, s28  }
0x251: {  	s3 =	simm.s32 $0x5800;
	s24 =	sor.u32 $0x2, s24;
	s2 =	sshrl.u32 s2, $0x3  }
0x252: {  	[tilespmem:s3], [sflag:$0x1] =	stream.indirect_vreg.gather [hbm4b:s15+s4], $0x80, v2, vm1, $0xb8;
	[tilespmem:$0x11800] =	vst v63  }
0x253: {  	s6 =	simm.s32 $0x6000;
	p0 =	sgt.u32 s24, $0x270;
	s29 =	smul.u32 $0x180, s2  }
0x254: {  	[tilespmem:s6], [sflag:$0x1] =	stream.indirect_vreg.gather [hbm4b:s22+s4], $0x80, v2, vm0, $0xb8;
	[tilespmem:$0x11800] =	vst v63  }
.Ltmp9:
0x255: {  	_ = 	snop;
	(pc) =	sbr.rel @p0 .LBB2_17-.Ltmp9, $4  }
0x256: {  	s30 =	simm.s32 $0x8800;
	s2 =	smul.u32 $0x300, s2;
	s3 =	sadd.s32 s17, s29  }
0x257: {  	[tilespmem:s30], [sflag:$0x1] =	stream.linear.gather [hbm4b:s3+s4], $0xC00, $0x38;
	[tilespmem:$0x11800] =	vst v63  }
0x258: {  	s31 =	simm.s32 $0xB800;
	s2 =	sadd.s32 s12, s2  }
0x259: {  	[tilespmem:s31], [sflag:$0x1] =	stream.linear.gather [hbm4b:s2+s4], $0x1800, $0x38;
	[tilespmem:$0x11800] =	vst v63  }
0x25a: {  	s6 =	simm.s32 $0x3  }
0x25b: {  	_ =	swait.ge [sflag:s6], $0xC00  }
0x25c: {  	[sflag:s6] =	ssyncset.done $0x0  }
0x25d: {  	[sflag:s6] =	ssyncadd.s32 $0xFFFFF400  }
0x25e: {  	_ =	swait.ge [sflag:s6], $0xC00  }
0x25f: {  	[sflag:s6] =	ssyncset.done $0x0  }
0x260: {  	[sflag:s6] =	ssyncadd.s32 $0xFFFFF400  }
0x261: {  	_ =	swait.ge [sflag:s6], $0xC00  }
0x262: {  	[sflag:s6] =	ssyncset.done $0x0  }
0x263: {  	[sflag:s6] =	ssyncadd.s32 $0xFFFFF400  }
0x264: {  	s25 =	simm.s32 $0x0;
	_ =	swait.ge [sflag:s6], $0x1800  }
0x265: {  	s2 =	sand.u32 $0x70, s25;
	s3 =	sand.u32 $0xC00, s25;
	[sflag:s6] =	ssyncset.done $0x0  }
0x266: {  	s26 =	sor.u32 s2, s3;
	[sflag:s6] =	ssyncadd.s32 $0xFFFFE800  }
0x267: {  	v2 =	vld [tilespmem:s26+$0x4000]  }
0x268: {  	v3 =	vld [tilespmem:s26+$0x7000];
	_ =	sdelay $0x1  }
0x269: {  	v4 =	vld [tilespmem:s26+$0xA000];
	_ =	sdelay $0x2  }
0x26a: {  	v5 =	vshll.u32 v2, $0x10;
	v6 =	vshll.u32 v3, $0x10  }
0x26b: {  	v2 =	vand.u32 $0xFFFF0000, v2;
	v3 =	vand.u32 $0xFFFF0000, v3;
	v5 =	vmul.f32 v6, v5  }
0x26c: {  	s11 =	sand.u32 $0x1C00, s25;
	v57 =	vshll.u32 v4, $0x10;
	v2 =	vmul.f32 v3, v2  }
0x26d: {  	s3 =	sand.u32 $0x60, s25;
	s31 =	sadd.s32 $0xE800, s11;
	v3 =	vand.u32 $0xFFFF0000, v4;
	v4 =	vmul.f32 v57, v5  }
0x26e: {  	s7 =	sor.u32 s3, s31;
	s10 =	sor.u32 $0x10, s3;
	v2 =	vmul.f32 v3, v2  }
0x26f: {  	s2 =	sor.u32 s10, s31;
	[tilespmem:s7+$0x0] =	vst.add.f32.msk $0xffff, v4  }
0x270: {  	[tilespmem:s2+$0x0] =	vst.add.f32.msk $0xffff, v2  }
0x271: {  	v2 =	vld [tilespmem:s26+$0x4080]  }
0x272: {  	v3 =	vld [tilespmem:s26+$0x7080];
	_ =	sdelay $0x1  }
0x273: {  	v4 =	vld [tilespmem:s26+$0xA080];
	_ =	sdelay $0x2  }
0x274: {  	v5 =	vshll.u32 v2, $0x10;
	v58 =	vshll.u32 v3, $0x10  }
0x275: {  	v2 =	vand.u32 $0xFFFF0000, v2;
	v3 =	vand.u32 $0xFFFF0000, v3;
	v5 =	vmul.f32 v58, v5  }
0x276: {  	v2 =	vmul.f32 v3, v2;
	v3 =	vshll.u32 v4, $0x10  }
0x277: {  	s8 =	sadd.s32 $0xE880, s11;
	v4 =	vand.u32 $0xFFFF0000, v4;
	v3 =	vmul.f32 v3, v5  }
0x278: {  	s9 =	sor.u32 s3, s8;
	v2 =	vmul.f32 v4, v2  }
0x279: {  	s2 =	sor.u32 s10, s8;
	[tilespmem:s9+$0x0] =	vst.add.f32.msk $0xffff, v3  }
0x27a: {  	[tilespmem:s2+$0x0] =	vst.add.f32.msk $0xffff, v2  }
0x27b: {  	v2 =	vld [tilespmem:s26+$0x4100]  }
0x27c: {  	v3 =	vld [tilespmem:s26+$0x7100];
	_ =	sdelay $0x1  }
0x27d: {  	v4 =	vld [tilespmem:s26+$0xA100];
	_ =	sdelay $0x2  }
0x27e: {  	v5 =	vshll.u32 v2, $0x10;
	v59 =	vshll.u32 v3, $0x10  }
0x27f: {  	v2 =	vand.u32 $0xFFFF0000, v2;
	v3 =	vand.u32 $0xFFFF0000, v3;
	v5 =	vmul.f32 v59, v5  }
0x280: {  	v2 =	vmul.f32 v3, v2;
	v3 =	vshll.u32 v4, $0x10  }
0x281: {  	s12 =	sadd.s32 $0xE900, s11;
	v4 =	vand.u32 $0xFFFF0000, v4;
	v3 =	vmul.f32 v3, v5  }
0x282: {  	s13 =	sor.u32 s3, s12;
	v2 =	vmul.f32 v4, v2  }
0x283: {  	s2 =	sor.u32 s10, s12;
	[tilespmem:s13+$0x0] =	vst.add.f32.msk $0xffff, v3  }
0x284: {  	[tilespmem:s2+$0x0] =	vst.add.f32.msk $0xffff, v2  }
0x285: {  	v2 =	vld [tilespmem:s26+$0x4180]  }
0x286: {  	v3 =	vld [tilespmem:s26+$0x7180];
	_ =	sdelay $0x1  }
0x287: {  	v4 =	vld [tilespmem:s26+$0xA180];
	_ =	sdelay $0x2  }
0x288: {  	v5 =	vshll.u32 v2, $0x10;
	v60 =	vshll.u32 v3, $0x10  }
0x289: {  	v2 =	vand.u32 $0xFFFF0000, v2;
	v3 =	vand.u32 $0xFFFF0000, v3;
	v5 =	vmul.f32 v60, v5  }
0x28a: {  	v2 =	vmul.f32 v3, v2;
	v3 =	vshll.u32 v4, $0x10  }
0x28b: {  	s14 =	sadd.s32 $0xE980, s11;
	v4 =	vand.u32 $0xFFFF0000, v4;
	v3 =	vmul.f32 v3, v5  }
0x28c: {  	s15 =	sor.u32 s3, s14;
	v2 =	vmul.f32 v4, v2  }
0x28d: {  	s2 =	sor.u32 s10, s14;
	[tilespmem:s15+$0x0] =	vst.add.f32.msk $0xffff, v3  }
0x28e: {  	[tilespmem:s2+$0x0] =	vst.add.f32.msk $0xffff, v2  }
0x28f: {  	v2 =	vld [tilespmem:s26+$0x4200]  }
0x290: {  	v3 =	vld [tilespmem:s26+$0x7200];
	_ =	sdelay $0x1  }
0x291: {  	v4 =	vld [tilespmem:s26+$0xA200];
	_ =	sdelay $0x2  }
0x292: {  	v5 =	vshll.u32 v2, $0x10;
	v61 =	vshll.u32 v3, $0x10  }
0x293: {  	v2 =	vand.u32 $0xFFFF0000, v2;
	v3 =	vand.u32 $0xFFFF0000, v3;
	v5 =	vmul.f32 v61, v5  }
0x294: {  	v2 =	vmul.f32 v3, v2;
	v3 =	vshll.u32 v4, $0x10  }
0x295: {  	s16 =	sadd.s32 $0xEA00, s11;
	v4 =	vand.u32 $0xFFFF0000, v4;
	v3 =	vmul.f32 v3, v5  }
0x296: {  	s17 =	sor.u32 s3, s16;
	v2 =	vmul.f32 v4, v2  }
0x297: {  	s2 =	sor.u32 s10, s16;
	[tilespmem:s17+$0x0] =	vst.add.f32.msk $0xffff, v3  }
0x298: {  	[tilespmem:s2+$0x0] =	vst.add.f32.msk $0xffff, v2  }
0x299: {  	v2 =	vld [tilespmem:s26+$0x4280]  }
0x29a: {  	v3 =	vld [tilespmem:s26+$0x7280];
	_ =	sdelay $0x1  }
0x29b: {  	v4 =	vld [tilespmem:s26+$0xA280];
	_ =	sdelay $0x2  }
0x29c: {  	v5 =	vshll.u32 v2, $0x10;
	v62 =	vshll.u32 v3, $0x10  }
0x29d: {  	v2 =	vand.u32 $0xFFFF0000, v2;
	v3 =	vand.u32 $0xFFFF0000, v3;
	v5 =	vmul.f32 v62, v5  }
0x29e: {  	v2 =	vmul.f32 v3, v2;
	v3 =	vshll.u32 v4, $0x10  }
0x29f: {  	s18 =	sadd.s32 $0xEA80, s11;
	v4 =	vand.u32 $0xFFFF0000, v4;
	v3 =	vmul.f32 v3, v5  }
0x2a0: {  	s22 =	sor.u32 s3, s18;
	v2 =	vmul.f32 v4, v2  }
0x2a1: {  	s2 =	sor.u32 s10, s18;
	[tilespmem:s22+$0x0] =	vst.add.f32.msk $0xffff, v3  }
0x2a2: {  	[tilespmem:s2+$0x0] =	vst.add.f32.msk $0xffff, v2  }
0x2a3: {  	v2 =	vld [tilespmem:s26+$0x4300]  }
0x2a4: {  	v3 =	vld [tilespmem:s26+$0x7300];
	_ =	sdelay $0x1  }
0x2a5: {  	v4 =	vld [tilespmem:s26+$0xA300];
	_ =	sdelay $0x1  }
0x2a6: {  	v5 =	vand.u32 $0xFFFF0000, v2  }
0x2a7: {  	v2 =	vshll.u32 v2, $0x10;
	v63 =	vshll.u32 v3, $0x10;
	v3 =	vand.u32 $0xFFFF0000, v3  }
0x2a8: {  	s28 =	simm.s32 $0x10;
	s30 =	simm.s32 $0x0;
	s31 =	sadd.s32 $0xEB80, s11;
	v2 =	vmul.f32 v63, v2;
	v5 =	vmul.f32 v3, v5  }
0x2a9: {  	s29 =	sadd.s32 $0xEB00, s11;
	s11 =	sor.u32 s3, s31;
	s16 =	sor.u32 s10, s31;
	v3 =	vshll.u32 v4, $0x10;
	v4 =	vand.u32 $0xFFFF0000, v4  }
0x2aa: {  	s17 =	sor.u32 s10, s29;
	s18 =	sor.u32 s3, s29;
	s10 =	simm.s32 $0x0;
	v3 =	vmul.f32 v3, v2;
	v2 =	vmul.f32 v4, v5  }
.LBB2_15:
0x2ab: {  	s25 =	sadd.s32 $0x100, s25;
	s30 =	sadd.s32 $0x80, s30;
	s10 =	sadd.s32 $0x20, s10  }
0x2ac: {  	p0 =	sne.s32 s28, $0x170;
	s2 =	smov.u32 s28;
	s28 =	sadd.s32 $0x10, s28;
	[tilespmem:s18+$0x0] =	vst.add.f32.msk $0xffff, v3  }
0x2ad: {  	[tilespmem:s17+$0x0] =	vst.add.f32.msk $0xffff, v2  }
0x2ae: {  	v2 =	vld [tilespmem:s26+$0x4380]  }
0x2af: {  	v3 =	vld [tilespmem:s26+$0x7380]  }
0x2b0: {  	v4 =	vld [tilespmem:s26+$0xA380];
	_ =	sdelay $0x2  }
0x2b1: {  	s2 =	sand.u32 $0x70, s2;
	s3 =	sand.u32 $0xC00, s30;
	v5 =	vshll.u32 v2, $0x10  }
0x2b2: {  	s26 =	sor.u32 s2, s3;
	v2 =	vand.u32 $0xFFFF0000, v2;
	v6 =	vshll.u32 v3, $0x10;
	v3 =	vand.u32 $0xFFFF0000, v3  }
0x2b3: {  	v5 =	vmul.f32 v6, v5;
	v2 =	vmul.f32 v3, v2  }
0x2b4: {  	v3 =	vshll.u32 v4, $0x10  }
0x2b5: {  	v4 =	vand.u32 $0xFFFF0000, v4;
	v3 =	vmul.f32 v3, v5  }
0x2b6: {  	v2 =	vmul.f32 v4, v2  }
0x2b7: {  	[tilespmem:s11+$0x0] =	vst.add.f32.msk $0xffff, v3  }
0x2b8: {  	[tilespmem:s16+$0x0] =	vst.add.f32.msk $0xffff, v2  }
0x2b9: {  	v2 =	vld [tilespmem:s26+$0x4000]  }
0x2ba: {  	v3 =	vld [tilespmem:s26+$0xA000]  }
0x2bb: {  	v4 =	vld [tilespmem:s26+$0x7000];
	_ =	sdelay $0x3  }
0x2bc: {  	v5 =	vshll.u32 v2, $0x10  }
0x2bd: {  	v2 =	vand.u32 $0xFFFF0000, v2;
	v7 =	vand.u32 $0xFFFF0000, v3;
	v6 =	vshll.u32 v4, $0x10  }
0x2be: {  	v4 =	vand.u32 $0xFFFF0000, v4;
	v5 =	vmul.f32 v6, v5  }
0x2bf: {  	s6 =	sand.u32 $0x1C00, s25;
	v3 =	vshll.u32 v3, $0x10;
	v2 =	vmul.f32 v4, v2  }
0x2c0: {  	s7 =	sand.u32 $0x60, s10;
	s2 =	sadd.s32 $0xE800, s6;
	s3 =	sadd.s32 $0xE880, s6;
	v3 =	vmul.f32 v3, v5  }
0x2c1: {  	s12 =	sor.u32 $0x10, s7;
	s8 =	sor.u32 s7, s2;
	s13 =	sor.u32 s7, s3;
	v2 =	vmul.f32 v7, v2  }
0x2c2: {  	s2 =	sor.u32 s12, s2;
	s31 =	sor.u32 s12, s3;
	s3 =	sadd.s32 $0xE900, s6;
	[tilespmem:s8+$0x0] =	vst.add.f32.msk $0xffff, v3  }
0x2c3: {  	s9 =	sor.u32 s7, s3;
	s8 =	sor.u32 s12, s3;
	[tilespmem:s2+$0x0] =	vst.add.f32.msk $0xffff, v2;
	s2 =	sadd.s32 $0xE980, s6  }
0x2c4: {  	s11 =	sadd.s32 $0xEA00, s6;
	v2 =	vld [tilespmem:s26+$0x4080];
	s15 =	sor.u32 s7, s2;
	s2 =	sor.u32 s12, s2  }
0x2c5: {  	s22 =	sor.u32 s12, s11;
	s3 =	sor.u32 s7, s11;
	s11 =	sadd.s32 $0xEA80, s6;
	v3 =	vld [tilespmem:s26+$0x7080]  }
0x2c6: {  	s14 =	sor.u32 s7, s11;
	s29 =	sor.u32 s12, s11;
	s11 =	sadd.s32 $0xEB00, s6  }
0x2c7: {  	s6 =	sadd.s32 $0xEB80, s6;
	s18 =	sor.u32 s7, s11;
	s17 =	sor.u32 s12, s11;
	v4 =	vld [tilespmem:s26+$0xA080]  }
0x2c8: {  	s11 =	sor.u32 s7, s6;
	s16 =	sor.u32 s12, s6  }
0x2c9: {  	v5 =	vand.u32 $0xFFFF0000, v2  }
0x2ca: {  	v2 =	vshll.u32 v2, $0x10;
	v6 =	vshll.u32 v3, $0x10;
	v3 =	vand.u32 $0xFFFF0000, v3  }
0x2cb: {  	v2 =	vmul.f32 v6, v2;
	v3 =	vmul.f32 v3, v5  }
0x2cc: {  	v5 =	vshll.u32 v4, $0x10  }
0x2cd: {  	v4 =	vand.u32 $0xFFFF0000, v4;
	v2 =	vmul.f32 v5, v2  }
0x2ce: {  	v3 =	vmul.f32 v4, v3  }
0x2cf: {  	[tilespmem:s13+$0x0] =	vst.add.f32.msk $0xffff, v2  }
0x2d0: {  	[tilespmem:s31+$0x0] =	vst.add.f32.msk $0xffff, v3  }
0x2d1: {  	v2 =	vld [tilespmem:s26+$0x4100]  }
0x2d2: {  	v3 =	vld [tilespmem:s26+$0x7100]  }
0x2d3: {  	v4 =	vld [tilespmem:s26+$0xA100];
	_ =	sdelay $0x2  }
0x2d4: {  	v5 =	vshll.u32 v2, $0x10  }
0x2d5: {  	v2 =	vand.u32 $0xFFFF0000, v2;
	v6 =	vshll.u32 v3, $0x10;
	v3 =	vand.u32 $0xFFFF0000, v3  }
0x2d6: {  	v5 =	vmul.f32 v6, v5;
	v2 =	vmul.f32 v3, v2  }
0x2d7: {  	v3 =	vshll.u32 v4, $0x10  }
0x2d8: {  	v4 =	vand.u32 $0xFFFF0000, v4;
	v3 =	vmul.f32 v3, v5  }
0x2d9: {  	v2 =	vmul.f32 v4, v2  }
0x2da: {  	[tilespmem:s9+$0x0] =	vst.add.f32.msk $0xffff, v3  }
0x2db: {  	[tilespmem:s8+$0x0] =	vst.add.f32.msk $0xffff, v2  }
0x2dc: {  	v2 =	vld [tilespmem:s26+$0x4180]  }
0x2dd: {  	v3 =	vld [tilespmem:s26+$0x7180]  }
0x2de: {  	v4 =	vld [tilespmem:s26+$0xA180];
	_ =	sdelay $0x2  }
0x2df: {  	v5 =	vand.u32 $0xFFFF0000, v2  }
0x2e0: {  	v2 =	vshll.u32 v2, $0x10;
	v6 =	vshll.u32 v3, $0x10;
	v3 =	vand.u32 $0xFFFF0000, v3  }
0x2e1: {  	v2 =	vmul.f32 v6, v2;
	v3 =	vmul.f32 v3, v5  }
0x2e2: {  	v5 =	vshll.u32 v4, $0x10  }
0x2e3: {  	v4 =	vand.u32 $0xFFFF0000, v4;
	v2 =	vmul.f32 v5, v2  }
0x2e4: {  	v3 =	vmul.f32 v4, v3  }
0x2e5: {  	[tilespmem:s15+$0x0] =	vst.add.f32.msk $0xffff, v2  }
0x2e6: {  	[tilespmem:s2+$0x0] =	vst.add.f32.msk $0xffff, v3  }
0x2e7: {  	v2 =	vld [tilespmem:s26+$0x4200]  }
0x2e8: {  	v3 =	vld [tilespmem:s26+$0x7200]  }
0x2e9: {  	v4 =	vld [tilespmem:s26+$0xA200];
	_ =	sdelay $0x2  }
0x2ea: {  	v5 =	vand.u32 $0xFFFF0000, v2  }
0x2eb: {  	v2 =	vshll.u32 v2, $0x10;
	v6 =	vshll.u32 v3, $0x10;
	v3 =	vand.u32 $0xFFFF0000, v3  }
0x2ec: {  	v2 =	vmul.f32 v6, v2;
	v3 =	vmul.f32 v3, v5  }
0x2ed: {  	v5 =	vshll.u32 v4, $0x10  }
0x2ee: {  	v4 =	vand.u32 $0xFFFF0000, v4;
	v2 =	vmul.f32 v5, v2  }
0x2ef: {  	v3 =	vmul.f32 v4, v3  }
0x2f0: {  	[tilespmem:s3+$0x0] =	vst.add.f32.msk $0xffff, v2  }
0x2f1: {  	[tilespmem:s22+$0x0] =	vst.add.f32.msk $0xffff, v3  }
0x2f2: {  	v2 =	vld [tilespmem:s26+$0x4280]  }
0x2f3: {  	v3 =	vld [tilespmem:s26+$0x7280]  }
0x2f4: {  	v4 =	vld [tilespmem:s26+$0xA280];
	_ =	sdelay $0x2  }
0x2f5: {  	v5 =	vshll.u32 v2, $0x10;
	v2 =	vand.u32 $0xFFFF0000, v2  }
0x2f6: {  	v6 =	vshll.u32 v3, $0x10;
	v3 =	vand.u32 $0xFFFF0000, v3  }
0x2f7: {  	v5 =	vmul.f32 v6, v5;
	v2 =	vmul.f32 v3, v2  }
0x2f8: {  	v3 =	vshll.u32 v4, $0x10  }
0x2f9: {  	v4 =	vand.u32 $0xFFFF0000, v4;
	v3 =	vmul.f32 v3, v5  }
0x2fa: {  	v2 =	vmul.f32 v4, v2  }
0x2fb: {  	[tilespmem:s14+$0x0] =	vst.add.f32.msk $0xffff, v3  }
0x2fc: {  	[tilespmem:s29+$0x0] =	vst.add.f32.msk $0xffff, v2  }
0x2fd: {  	v2 =	vld [tilespmem:s26+$0x4300]  }
0x2fe: {  	v3 =	vld [tilespmem:s26+$0x7300]  }
0x2ff: {  	v4 =	vld [tilespmem:s26+$0xA300];
	_ =	sdelay $0x2  }
.Ltmp10:
0x300: {  	v5 =	vand.u32 $0xFFFF0000, v2;
	(pc) =	sbr.rel @p0 .LBB2_15-.Ltmp10, $4  }
0x301: {  	v2 =	vshll.u32 v2, $0x10;
	v6 =	vshll.u32 v3, $0x10;
	v3 =	vand.u32 $0xFFFF0000, v3  }
0x302: {  	v2 =	vmul.f32 v6, v2;
	v5 =	vmul.f32 v3, v5  }
0x303: {  	v3 =	vshll.u32 v4, $0x10;
	v4 =	vand.u32 $0xFFFF0000, v4  }
0x304: {  	v3 =	vmul.f32 v3, v2;
	v2 =	vmul.f32 v4, v5  }
0x305: {  	_ = 	snop  }
0x306: {  	[tilespmem:s18+$0x0] =	vst.add.f32.msk $0xffff, v3  }
0x307: {  	[tilespmem:s17+$0x0] =	vst.add.f32.msk $0xffff, v2  }
0x308: {  	v2 =	vld [tilespmem:s26+$0x4380]  }
0x309: {  	v3 =	vld [tilespmem:s26+$0x7380];
	_ =	sdelay $0x1  }
0x30a: {  	v4 =	vld [tilespmem:s26+$0xA380];
	_ =	sdelay $0x1  }
0x30b: {  	s2 =	rddreg [dreg:$0x6]  }
0x30c: {  	s3 =	rddreg [dreg:$0x2];
	v5 =	vshll.u32 v2, $0x10;
	v6 =	vshll.u32 v3, $0x10  }
0x30d: {  	s12 =	rddreg [dreg:$0x1];
	v2 =	vand.u32 $0xFFFF0000, v2;
	v3 =	vand.u32 $0xFFFF0000, v3;
	v5 =	vmul.f32 v6, v5  }
0x30e: {  	s13 =	rddreg [dreg:$0x4];
	v2 =	vmul.f32 v3, v2;
	v3 =	vshll.u32 v4, $0x10  }
0x30f: {  	s15 =	rddreg [dreg:$0x5];
	s2 =	sadd.s32 s2, s24;
	v4 =	vand.u32 $0xFFFF0000, v4;
	v3 =	vmul.f32 v3, v5  }
0x310: {  	s22 =	rddreg [dreg:$0xb];
	s2 =	smul.u32 $0x300, s2;
	v2 =	vmul.f32 v4, v2  }
0x311: {  	s18 =	rddreg [dreg:$0xa];
	[tilespmem:s11+$0x0] =	vst.add.f32.msk $0xffff, v3  }
0x312: {  	s31 =	simm.s32 $0xE800;
	s17 =	rddreg [dreg:$0x7];
	s2 =	sadd.s32 s3, s2;
	[tilespmem:s16+$0x0] =	vst.add.f32.msk $0xffff, v2  }
0x313: {  	[hbm4b:s2+s4] =	stream.linear.scatter [tilespmem:s31], [sflag:$0x7], $0x1800, $0x38;
	[tilespmem:$0x11800] =	vst v63  }
.LBB2_17:
0x314: {  	p1 =	sgt.u32 s1, $0x9A  }
0x315: {  	s2 =	simm.s32 @!p1 $0x6  }
0x316: {  	_ =	swait.ge @!p1 [sflag:s2], $0x1800  }
0x317: {  	[sflag:s2] =	ssyncset.done @!p1 $0x0  }
0x318: {  	[sflag:s2] =	ssyncadd.s32 @!p1 $0xFFFFE800  }
0x319: {  	v2 =	vld.msk @!p1 [tilespmem:s21+$0x28], $0xff;
	_ =	sdelay $0x4  }
0x31a: {  	v3 =	vshrl.u32 @!p1 v2, $0x3  }
0x31b: {  	v3 =	vmul.u32 @!p1 $0x18, v3  }
0x31c: {  	v4 =	vlaneseq.u32 @!p1;
	v2 =	vand.u32 @!p1 $0x7, v2  }
0x31d: {  	v2 =	vor.u32 @!p1 v2, v3;
	v3 =	vand.u32 @!p1 $0x7, v4;
	v4 =	vshrl.u32 @!p1 v4, $0x3  }
0x31e: {  	v2 =	vperm.xlane @!p1 v2, v3;
	v4 =	vmul.u32 @!p1 $0x8, v4;
	_ =	sdelay $0x1  }
0x31f: {  	v2 =	vadd.s32 @!p1 v4, v2;
	_ =	sdelay $0x3  }
0x320: {  	vm2 =	vmmov @!p1 $0xffff;
	s3 =	simm.s32 @!p1 $0x3400;
	s2 =	simm.s32 @!p1 $0x0  }
0x321: {  	[tilespmem:s3], [sflag:$0x2] =	stream.indirect_vreg.gather @!p1 [hbm4b:s13+s2], $0x80, v2, vm2, $0xb8;
	[tilespmem:$0x11800] =	vst v63  }
0x322: {  	vm3 =	vmmov @!p1 $0xff;
	s3 =	simm.s32 @!p1 $0x3C00  }
0x323: {  	[tilespmem:s3], [sflag:$0x2] =	stream.indirect_vreg.gather @!p1 [hbm4b:s18+s2], $0x80, v2, vm3, $0xb8;
	[tilespmem:$0x11800] =	vst v63  }
0x324: {  	v2 =	vld.msk @!p1 [tilespmem:s21+$0x1428], $0xff;
	_ =	sdelay $0x4  }
0x325: {  	v5 =	vshrl.u32 @!p1 v2, $0x3  }
0x326: {  	v5 =	vmul.u32 @!p1 $0x18, v5  }
0x327: {  	v2 =	vand.u32 @!p1 $0x7, v2  }
0x328: {  	v2 =	vor.u32 @!p1 v2, v5  }
0x329: {  	v2 =	vperm.xlane @!p1 v2, v3;
	_ =	sdelay $0x1  }
0x32a: {  	v2 =	vadd.s32 @!p1 v4, v2;
	_ =	sdelay $0x1  }
0x32b: {  	s3 =	sadd.s32 @!p1 $0x28, s21  }
0x32c: {  	s3 =	sadd.s32 @!p1 s5, s3  }
0x32d: {  	p0 =	por $0x0, $0x0;
	s6 =	simm.s32 @!p1 $0x6400;
	s3 =	sshrl.u32 @!p1 s3, $0x3  }
0x32e: {  	[tilespmem:s6], [sflag:$0x2] =	stream.indirect_vreg.gather @!p1 [hbm4b:s15+s2], $0x80, v2, vm2, $0xb8;
	[tilespmem:$0x11800] =	vst v63  }
0x32f: {  	p2 =	por @!p1 $0x1, $0x1;
	s7 =	smul.u32 @!p1 $0x180, s3;
	s6 =	simm.s32 @!p1 $0x6C00  }
0x330: {  	[tilespmem:s6], [sflag:$0x2] =	stream.indirect_vreg.gather @!p1 [hbm4b:s22+s2], $0x80, v2, vm3, $0xb8;
	[tilespmem:$0x11800] =	vst v63  }
0x331: {  	s3 =	smul.u32 @!p1 $0x300, s3;
	s6 =	sadd.s32 @!p1 s17, s7;
	s7 =	simm.s32 @!p1 $0x9400  }
0x332: {  	[tilespmem:s7], [sflag:$0x2] =	stream.linear.gather @!p1 [hbm4b:s6+s2], $0xC00, $0x38;
	[tilespmem:$0x11800] =	vst v63  }
0x333: {  	p0 =	por @!p1 p2, p2;
	s3 =	sadd.s32 @!p1 s12, s3;
	s6 =	simm.s32 @!p1 $0xD000  }
0x334: {  	[tilespmem:s6], [sflag:$0x2] =	stream.linear.gather @!p1 [hbm4b:s3+s2], $0x1800, $0x38;
	[tilespmem:$0x11800] =	vst v63  }
.LBB2_18:
0x335: {  	p1 =	sgt.u32 s23, $0x270  }
.Ltmp11:
0x336: {  	_ = 	snop;
	(pc) =	sbr.rel @p1 .LBB2_22-.Ltmp11, $1  }
0x337: {  	_ =	sdelay $0x3  }
0x338: {  	_ =	swait.ge [sflag:s20], $0xC00  }
0x339: {  	[sflag:s20] =	ssyncset.done $0x0  }
0x33a: {  	[sflag:s20] =	ssyncadd.s32 $0xFFFFF400  }
0x33b: {  	_ =	swait.ge [sflag:s20], $0xC00  }
0x33c: {  	[sflag:s20] =	ssyncset.done $0x0  }
0x33d: {  	[sflag:s20] =	ssyncadd.s32 $0xFFFFF400  }
0x33e: {  	_ =	swait.ge [sflag:s20], $0xC00  }
0x33f: {  	[sflag:s20] =	ssyncset.done $0x0  }
0x340: {  	[sflag:s20] =	ssyncadd.s32 $0xFFFFF400  }
0x341: {  	s24 =	simm.s32 $0x0;
	_ =	swait.ge [sflag:s20], $0x1800  }
0x342: {  	s2 =	sand.u32 $0x70, s24;
	s3 =	sand.u32 $0xC00, s24;
	[sflag:s20] =	ssyncset.done $0x0  }
0x343: {  	s25 =	sor.u32 s2, s3;
	[sflag:s20] =	ssyncadd.s32 $0xFFFFE800  }
0x344: {  	v2 =	vld [tilespmem:s25+$0x4C00]  }
0x345: {  	v3 =	vld [tilespmem:s25+$0x7C00];
	_ =	sdelay $0x1  }
0x346: {  	v4 =	vld [tilespmem:s25+$0xAC00];
	_ =	sdelay $0x2  }
0x347: {  	v5 =	vshll.u32 v2, $0x10;
	v6 =	vshll.u32 v3, $0x10  }
0x348: {  	v2 =	vand.u32 $0xFFFF0000, v2;
	v3 =	vand.u32 $0xFFFF0000, v3;
	v5 =	vmul.f32 v6, v5  }
0x349: {  	s11 =	sand.u32 $0x1C00, s24;
	v57 =	vshll.u32 v4, $0x10;
	v2 =	vmul.f32 v3, v2  }
0x34a: {  	s8 =	sand.u32 $0x60, s24;
	s9 =	sor.u32 $0x10000, s11;
	v3 =	vand.u32 $0xFFFF0000, v4;
	v4 =	vmul.f32 v57, v5  }
0x34b: {  	s10 =	sor.u32 $0x10, s8;
	s6 =	sor.u32 s8, s9;
	v2 =	vmul.f32 v3, v2  }
0x34c: {  	s2 =	sor.u32 s10, s9;
	[tilespmem:s6+$0x0] =	vst.add.f32.msk $0xffff, v4  }
0x34d: {  	[tilespmem:s2+$0x0] =	vst.add.f32.msk $0xffff, v2  }
0x34e: {  	v2 =	vld [tilespmem:s25+$0x4C80]  }
0x34f: {  	v3 =	vld [tilespmem:s25+$0x7C80];
	_ =	sdelay $0x1  }
0x350: {  	v4 =	vld [tilespmem:s25+$0xAC80];
	_ =	sdelay $0x2  }
0x351: {  	v5 =	vshll.u32 v2, $0x10;
	v58 =	vshll.u32 v3, $0x10  }
0x352: {  	v2 =	vand.u32 $0xFFFF0000, v2;
	v3 =	vand.u32 $0xFFFF0000, v3;
	v5 =	vmul.f32 v58, v5  }
0x353: {  	v2 =	vmul.f32 v3, v2;
	v3 =	vshll.u32 v4, $0x10  }
0x354: {  	s12 =	sor.u32 $0x10080, s11;
	v4 =	vand.u32 $0xFFFF0000, v4;
	v3 =	vmul.f32 v3, v5  }
0x355: {  	s13 =	sor.u32 s8, s12;
	v2 =	vmul.f32 v4, v2  }
0x356: {  	s2 =	sor.u32 s10, s12;
	[tilespmem:s13+$0x0] =	vst.add.f32.msk $0xffff, v3  }
0x357: {  	[tilespmem:s2+$0x0] =	vst.add.f32.msk $0xffff, v2  }
0x358: {  	v2 =	vld [tilespmem:s25+$0x4D00]  }
0x359: {  	v3 =	vld [tilespmem:s25+$0x7D00];
	_ =	sdelay $0x1  }
0x35a: {  	v4 =	vld [tilespmem:s25+$0xAD00];
	_ =	sdelay $0x2  }
0x35b: {  	v5 =	vshll.u32 v2, $0x10;
	v59 =	vshll.u32 v3, $0x10  }
0x35c: {  	v2 =	vand.u32 $0xFFFF0000, v2;
	v3 =	vand.u32 $0xFFFF0000, v3;
	v5 =	vmul.f32 v59, v5  }
0x35d: {  	v2 =	vmul.f32 v3, v2;
	v3 =	vshll.u32 v4, $0x10  }
0x35e: {  	s14 =	sor.u32 $0x10100, s11;
	v4 =	vand.u32 $0xFFFF0000, v4;
	v3 =	vmul.f32 v3, v5  }
0x35f: {  	s15 =	sor.u32 s8, s14;
	v2 =	vmul.f32 v4, v2  }
0x360: {  	s2 =	sor.u32 s10, s14;
	[tilespmem:s15+$0x0] =	vst.add.f32.msk $0xffff, v3  }
0x361: {  	[tilespmem:s2+$0x0] =	vst.add.f32.msk $0xffff, v2  }
0x362: {  	v2 =	vld [tilespmem:s25+$0x4D80]  }
0x363: {  	v3 =	vld [tilespmem:s25+$0x7D80];
	_ =	sdelay $0x1  }
0x364: {  	v4 =	vld [tilespmem:s25+$0xAD80];
	_ =	sdelay $0x2  }
0x365: {  	v5 =	vshll.u32 v2, $0x10;
	v60 =	vshll.u32 v3, $0x10  }
0x366: {  	v2 =	vand.u32 $0xFFFF0000, v2;
	v3 =	vand.u32 $0xFFFF0000, v3;
	v5 =	vmul.f32 v60, v5  }
0x367: {  	v2 =	vmul.f32 v3, v2;
	v3 =	vshll.u32 v4, $0x10  }
0x368: {  	s16 =	sor.u32 $0x10180, s11;
	v4 =	vand.u32 $0xFFFF0000, v4;
	v3 =	vmul.f32 v3, v5  }
0x369: {  	s17 =	sor.u32 s8, s16;
	v2 =	vmul.f32 v4, v2  }
0x36a: {  	s2 =	sor.u32 s10, s16;
	[tilespmem:s17+$0x0] =	vst.add.f32.msk $0xffff, v3  }
0x36b: {  	[tilespmem:s2+$0x0] =	vst.add.f32.msk $0xffff, v2  }
0x36c: {  	v2 =	vld [tilespmem:s25+$0x4E00]  }
0x36d: {  	v3 =	vld [tilespmem:s25+$0x7E00];
	_ =	sdelay $0x1  }
0x36e: {  	v4 =	vld [tilespmem:s25+$0xAE00];
	_ =	sdelay $0x2  }
0x36f: {  	v5 =	vshll.u32 v2, $0x10;
	v61 =	vshll.u32 v3, $0x10  }
0x370: {  	v2 =	vand.u32 $0xFFFF0000, v2;
	v3 =	vand.u32 $0xFFFF0000, v3;
	v5 =	vmul.f32 v61, v5  }
0x371: {  	v2 =	vmul.f32 v3, v2;
	v3 =	vshll.u32 v4, $0x10  }
0x372: {  	s18 =	sor.u32 $0x10200, s11;
	v4 =	vand.u32 $0xFFFF0000, v4;
	v3 =	vmul.f32 v3, v5  }
0x373: {  	s22 =	sor.u32 s8, s18;
	v2 =	vmul.f32 v4, v2  }
0x374: {  	s2 =	sor.u32 s10, s18;
	[tilespmem:s22+$0x0] =	vst.add.f32.msk $0xffff, v3  }
0x375: {  	[tilespmem:s2+$0x0] =	vst.add.f32.msk $0xffff, v2  }
0x376: {  	v2 =	vld [tilespmem:s25+$0x4E80]  }
0x377: {  	v3 =	vld [tilespmem:s25+$0x7E80];
	_ =	sdelay $0x1  }
0x378: {  	v4 =	vld [tilespmem:s25+$0xAE80];
	_ =	sdelay $0x2  }
0x379: {  	v5 =	vshll.u32 v2, $0x10;
	v62 =	vshll.u32 v3, $0x10  }
0x37a: {  	v2 =	vand.u32 $0xFFFF0000, v2;
	v3 =	vand.u32 $0xFFFF0000, v3;
	v5 =	vmul.f32 v62, v5  }
0x37b: {  	v2 =	vmul.f32 v3, v2;
	v3 =	vshll.u32 v4, $0x10  }
0x37c: {  	s26 =	sor.u32 $0x10280, s11;
	v4 =	vand.u32 $0xFFFF0000, v4;
	v3 =	vmul.f32 v3, v5  }
0x37d: {  	s29 =	sor.u32 s8, s26;
	v2 =	vmul.f32 v4, v2  }
0x37e: {  	s2 =	sor.u32 s10, s26;
	[tilespmem:s29+$0x0] =	vst.add.f32.msk $0xffff, v3  }
0x37f: {  	[tilespmem:s2+$0x0] =	vst.add.f32.msk $0xffff, v2  }
0x380: {  	v2 =	vld [tilespmem:s25+$0x4F00]  }
0x381: {  	v3 =	vld [tilespmem:s25+$0x7F00];
	_ =	sdelay $0x1  }
0x382: {  	v4 =	vld [tilespmem:s25+$0xAF00];
	_ =	sdelay $0x1  }
0x383: {  	v5 =	vand.u32 $0xFFFF0000, v2  }
0x384: {  	v2 =	vshll.u32 v2, $0x10;
	v63 =	vshll.u32 v3, $0x10;
	v3 =	vand.u32 $0xFFFF0000, v3  }
0x385: {  	s28 =	simm.s32 $0x0;
	s30 =	sor.u32 $0x10300, s11;
	s31 =	sor.u32 $0x10380, s11;
	v2 =	vmul.f32 v63, v2;
	v5 =	vmul.f32 v3, v5  }
0x386: {  	s11 =	sor.u32 s8, s31;
	s16 =	sor.u32 s10, s31;
	s17 =	sor.u32 s10, s30;
	v3 =	vshll.u32 v4, $0x10;
	v4 =	vand.u32 $0xFFFF0000, v4  }
0x387: {  	s18 =	sor.u32 s8, s30;
	s26 =	simm.s32 $0x10;
	s10 =	simm.s32 $0x0;
	v3 =	vmul.f32 v3, v2;
	v2 =	vmul.f32 v4, v5  }
.LBB2_20:
0x388: {  	s24 =	sadd.s32 $0x100, s24;
	s28 =	sadd.s32 $0x80, s28;
	s10 =	sadd.s32 $0x20, s10  }
0x389: {  	p1 =	sne.s32 s26, $0x170;
	s2 =	smov.u32 s26;
	s26 =	sadd.s32 $0x10, s26;
	[tilespmem:s18+$0x0] =	vst.add.f32.msk $0xffff, v3  }
0x38a: {  	[tilespmem:s17+$0x0] =	vst.add.f32.msk $0xffff, v2  }
0x38b: {  	v2 =	vld [tilespmem:s25+$0x4F80]  }
0x38c: {  	v3 =	vld [tilespmem:s25+$0x7F80]  }
0x38d: {  	v4 =	vld [tilespmem:s25+$0xAF80];
	_ =	sdelay $0x2  }
0x38e: {  	s2 =	sand.u32 $0x70, s2;
	s3 =	sand.u32 $0xC00, s28;
	v5 =	vshll.u32 v2, $0x10  }
0x38f: {  	s25 =	sor.u32 s2, s3;
	v2 =	vand.u32 $0xFFFF0000, v2;
	v6 =	vshll.u32 v3, $0x10;
	v3 =	vand.u32 $0xFFFF0000, v3  }
0x390: {  	v5 =	vmul.f32 v6, v5;
	v2 =	vmul.f32 v3, v2  }
0x391: {  	v3 =	vshll.u32 v4, $0x10  }
0x392: {  	v4 =	vand.u32 $0xFFFF0000, v4;
	v3 =	vmul.f32 v3, v5  }
0x393: {  	v2 =	vmul.f32 v4, v2  }
0x394: {  	[tilespmem:s11+$0x0] =	vst.add.f32.msk $0xffff, v3  }
0x395: {  	[tilespmem:s16+$0x0] =	vst.add.f32.msk $0xffff, v2  }
0x396: {  	v2 =	vld [tilespmem:s25+$0x4C00]  }
0x397: {  	v3 =	vld [tilespmem:s25+$0xAC00]  }
0x398: {  	v4 =	vld [tilespmem:s25+$0x7C00];
	_ =	sdelay $0x3  }
0x399: {  	v5 =	vshll.u32 v2, $0x10  }
0x39a: {  	v2 =	vand.u32 $0xFFFF0000, v2;
	v7 =	vand.u32 $0xFFFF0000, v3;
	v6 =	vshll.u32 v4, $0x10  }
0x39b: {  	v4 =	vand.u32 $0xFFFF0000, v4;
	v5 =	vmul.f32 v6, v5  }
0x39c: {  	s6 =	sand.u32 $0x1C00, s24;
	v3 =	vshll.u32 v3, $0x10;
	v2 =	vmul.f32 v4, v2  }
0x39d: {  	s7 =	sand.u32 $0x60, s10;
	s2 =	sor.u32 $0x10000, s6;
	s3 =	sor.u32 $0x10080, s6;
	v3 =	vmul.f32 v3, v5  }
0x39e: {  	s12 =	sor.u32 $0x10, s7;
	s8 =	sor.u32 s7, s2;
	s13 =	sor.u32 s7, s3;
	v2 =	vmul.f32 v7, v2  }
0x39f: {  	s2 =	sor.u32 s12, s2;
	s30 =	sor.u32 s12, s3;
	s3 =	sor.u32 $0x10100, s6;
	[tilespmem:s8+$0x0] =	vst.add.f32.msk $0xffff, v3  }
0x3a0: {  	s9 =	sor.u32 s7, s3;
	s8 =	sor.u32 s12, s3;
	[tilespmem:s2+$0x0] =	vst.add.f32.msk $0xffff, v2;
	s2 =	sor.u32 $0x10180, s6  }
0x3a1: {  	s11 =	sor.u32 $0x10200, s6;
	v2 =	vld [tilespmem:s25+$0x4C80];
	s15 =	sor.u32 s7, s2;
	s2 =	sor.u32 s12, s2  }
0x3a2: {  	s22 =	sor.u32 s12, s11;
	s3 =	sor.u32 s7, s11;
	s11 =	sor.u32 $0x10280, s6;
	v3 =	vld [tilespmem:s25+$0x7C80]  }
0x3a3: {  	s14 =	sor.u32 s7, s11;
	s29 =	sor.u32 s12, s11;
	s11 =	sor.u32 $0x10300, s6  }
0x3a4: {  	s6 =	sor.u32 $0x10380, s6;
	s18 =	sor.u32 s7, s11;
	s17 =	sor.u32 s12, s11;
	v4 =	vld [tilespmem:s25+$0xAC80]  }
0x3a5: {  	s11 =	sor.u32 s7, s6;
	s16 =	sor.u32 s12, s6  }
0x3a6: {  	v5 =	vand.u32 $0xFFFF0000, v2  }
0x3a7: {  	v2 =	vshll.u32 v2, $0x10;
	v6 =	vshll.u32 v3, $0x10;
	v3 =	vand.u32 $0xFFFF0000, v3  }
0x3a8: {  	v2 =	vmul.f32 v6, v2;
	v3 =	vmul.f32 v3, v5  }
0x3a9: {  	v5 =	vshll.u32 v4, $0x10  }
0x3aa: {  	v4 =	vand.u32 $0xFFFF0000, v4;
	v2 =	vmul.f32 v5, v2  }
0x3ab: {  	v3 =	vmul.f32 v4, v3  }
0x3ac: {  	[tilespmem:s13+$0x0] =	vst.add.f32.msk $0xffff, v2  }
0x3ad: {  	[tilespmem:s30+$0x0] =	vst.add.f32.msk $0xffff, v3  }
0x3ae: {  	v2 =	vld [tilespmem:s25+$0x4D00]  }
0x3af: {  	v3 =	vld [tilespmem:s25+$0x7D00]  }
0x3b0: {  	v4 =	vld [tilespmem:s25+$0xAD00];
	_ =	sdelay $0x2  }
0x3b1: {  	v5 =	vshll.u32 v2, $0x10  }
0x3b2: {  	v2 =	vand.u32 $0xFFFF0000, v2;
	v6 =	vshll.u32 v3, $0x10;
	v3 =	vand.u32 $0xFFFF0000, v3  }
0x3b3: {  	v5 =	vmul.f32 v6, v5;
	v2 =	vmul.f32 v3, v2  }
0x3b4: {  	v3 =	vshll.u32 v4, $0x10  }
0x3b5: {  	v4 =	vand.u32 $0xFFFF0000, v4;
	v3 =	vmul.f32 v3, v5  }
0x3b6: {  	v2 =	vmul.f32 v4, v2  }
0x3b7: {  	[tilespmem:s9+$0x0] =	vst.add.f32.msk $0xffff, v3  }
0x3b8: {  	[tilespmem:s8+$0x0] =	vst.add.f32.msk $0xffff, v2  }
0x3b9: {  	v2 =	vld [tilespmem:s25+$0x4D80]  }
0x3ba: {  	v3 =	vld [tilespmem:s25+$0x7D80]  }
0x3bb: {  	v4 =	vld [tilespmem:s25+$0xAD80];
	_ =	sdelay $0x2  }
0x3bc: {  	v5 =	vand.u32 $0xFFFF0000, v2  }
0x3bd: {  	v2 =	vshll.u32 v2, $0x10;
	v6 =	vshll.u32 v3, $0x10;
	v3 =	vand.u32 $0xFFFF0000, v3  }
0x3be: {  	v2 =	vmul.f32 v6, v2;
	v3 =	vmul.f32 v3, v5  }
0x3bf: {  	v5 =	vshll.u32 v4, $0x10  }
0x3c0: {  	v4 =	vand.u32 $0xFFFF0000, v4;
	v2 =	vmul.f32 v5, v2  }
0x3c1: {  	v3 =	vmul.f32 v4, v3  }
0x3c2: {  	[tilespmem:s15+$0x0] =	vst.add.f32.msk $0xffff, v2  }
0x3c3: {  	[tilespmem:s2+$0x0] =	vst.add.f32.msk $0xffff, v3  }
0x3c4: {  	v2 =	vld [tilespmem:s25+$0x4E00]  }
0x3c5: {  	v3 =	vld [tilespmem:s25+$0x7E00]  }
0x3c6: {  	v4 =	vld [tilespmem:s25+$0xAE00];
	_ =	sdelay $0x2  }
0x3c7: {  	v5 =	vand.u32 $0xFFFF0000, v2  }
0x3c8: {  	v2 =	vshll.u32 v2, $0x10;
	v6 =	vshll.u32 v3, $0x10;
	v3 =	vand.u32 $0xFFFF0000, v3  }
0x3c9: {  	v2 =	vmul.f32 v6, v2;
	v3 =	vmul.f32 v3, v5  }
0x3ca: {  	v5 =	vshll.u32 v4, $0x10  }
0x3cb: {  	v4 =	vand.u32 $0xFFFF0000, v4;
	v2 =	vmul.f32 v5, v2  }
0x3cc: {  	v3 =	vmul.f32 v4, v3  }
0x3cd: {  	[tilespmem:s3+$0x0] =	vst.add.f32.msk $0xffff, v2  }
0x3ce: {  	[tilespmem:s22+$0x0] =	vst.add.f32.msk $0xffff, v3  }
0x3cf: {  	v2 =	vld [tilespmem:s25+$0x4E80]  }
0x3d0: {  	v3 =	vld [tilespmem:s25+$0x7E80]  }
0x3d1: {  	v4 =	vld [tilespmem:s25+$0xAE80];
	_ =	sdelay $0x2  }
0x3d2: {  	v5 =	vshll.u32 v2, $0x10;
	v2 =	vand.u32 $0xFFFF0000, v2  }
0x3d3: {  	v6 =	vshll.u32 v3, $0x10;
	v3 =	vand.u32 $0xFFFF0000, v3  }
0x3d4: {  	v5 =	vmul.f32 v6, v5;
	v2 =	vmul.f32 v3, v2  }
0x3d5: {  	v3 =	vshll.u32 v4, $0x10  }
0x3d6: {  	v4 =	vand.u32 $0xFFFF0000, v4;
	v3 =	vmul.f32 v3, v5  }
0x3d7: {  	v2 =	vmul.f32 v4, v2  }
0x3d8: {  	[tilespmem:s14+$0x0] =	vst.add.f32.msk $0xffff, v3  }
0x3d9: {  	[tilespmem:s29+$0x0] =	vst.add.f32.msk $0xffff, v2  }
0x3da: {  	v2 =	vld [tilespmem:s25+$0x4F00]  }
0x3db: {  	v3 =	vld [tilespmem:s25+$0x7F00]  }
0x3dc: {  	v4 =	vld [tilespmem:s25+$0xAF00];
	_ =	sdelay $0x2  }
.Ltmp12:
0x3dd: {  	v5 =	vand.u32 $0xFFFF0000, v2;
	(pc) =	sbr.rel @p1 .LBB2_20-.Ltmp12, $4  }
0x3de: {  	v2 =	vshll.u32 v2, $0x10;
	v6 =	vshll.u32 v3, $0x10;
	v3 =	vand.u32 $0xFFFF0000, v3  }
0x3df: {  	v2 =	vmul.f32 v6, v2;
	v5 =	vmul.f32 v3, v5  }
0x3e0: {  	v3 =	vshll.u32 v4, $0x10;
	v4 =	vand.u32 $0xFFFF0000, v4  }
0x3e1: {  	v3 =	vmul.f32 v3, v2;
	v2 =	vmul.f32 v4, v5  }
0x3e2: {  	_ = 	snop  }
0x3e3: {  	[tilespmem:s18+$0x0] =	vst.add.f32.msk $0xffff, v3  }
0x3e4: {  	[tilespmem:s17+$0x0] =	vst.add.f32.msk $0xffff, v2  }
0x3e5: {  	v2 =	vld [tilespmem:s25+$0x4F80]  }
0x3e6: {  	v3 =	vld [tilespmem:s25+$0x7F80];
	_ =	sdelay $0x1  }
0x3e7: {  	v4 =	vld [tilespmem:s25+$0xAF80];
	_ =	sdelay $0x1  }
0x3e8: {  	s2 =	rddreg [dreg:$0x6]  }
0x3e9: {  	s3 =	rddreg [dreg:$0x2];
	v5 =	vshll.u32 v2, $0x10;
	v6 =	vshll.u32 v3, $0x10  }
0x3ea: {  	s12 =	rddreg [dreg:$0x1];
	v2 =	vand.u32 $0xFFFF0000, v2;
	v3 =	vand.u32 $0xFFFF0000, v3;
	v5 =	vmul.f32 v6, v5  }
0x3eb: {  	s13 =	rddreg [dreg:$0x4];
	v2 =	vmul.f32 v3, v2;
	v3 =	vshll.u32 v4, $0x10  }
.Ltmp13:
0x3ec: {  	s15 =	rddreg [dreg:$0x5];
	s2 =	sadd.s32 s2, s23;
	v4 =	vand.u32 $0xFFFF0000, v4;
	v3 =	vmul.f32 v3, v5;
	(pc) =	sbr.rel .LBB2_22-.Ltmp13, $4  }
0x3ed: {  	s22 =	rddreg [dreg:$0xb];
	s2 =	smul.u32 $0x300, s2;
	v2 =	vmul.f32 v4, v2  }
0x3ee: {  	s18 =	rddreg [dreg:$0xa];
	[tilespmem:s11+$0x0] =	vst.add.f32.msk $0xffff, v3  }
0x3ef: {  	s31 =	simm.s32 $0x10000;
	s17 =	rddreg [dreg:$0x7];
	s2 =	sadd.s32 s3, s2;
	[tilespmem:s16+$0x0] =	vst.add.f32.msk $0xffff, v2  }
0x3f0: {  	[hbm4b:s2+s4] =	stream.linear.scatter [tilespmem:s31], [sflag:$0x8], $0x1800, $0x38;
	[tilespmem:$0x11800] =	vst v63  }
.LBB2_6:
0x3f1: {  	p0 =	sgt.u32 s23, $0x270  }
.Ltmp14:
0x3f2: {  	_ = 	snop;
	(pc) =	sbr.rel @p0 .LBB2_8-.Ltmp14, $4  }
.Ltmp15:
0x3f3: {  	_ = 	snop;
	(pc) =	sbr.rel @!p0 .LBB2_7-.Ltmp15, $4  }
0x3f4: {  	_ = 	snop  }
0x3f5: {  	_ = 	snop  }
0x3f6: {  	_ = 	snop  }
0x3f7: {  	_ = 	snop  }
.LBB2_24:
0x3f8: {  	_ =	sfence.sel $0x180000  }
0x3f9: {  	[bflag:$0x0] =	sbarrier.arrive $0xFFFF  }
0x3fa: {  	_ =	strace $0x90000047  }
0x3fb: {  	s0 =	stileid.u32;
	[bflag:$0x2] =	sbarrier.arrive $0xFFFF  }
0x3fc: {  	p0 =	sne.s32 s0, $0x0;
	s0 =	rddreg [dreg:$0x3]  }
0x3fd: {  	s0 =	sadd.s32 @!p0 $0x100000, s0  }
0x3fe: {  	[sflag:s0] =	ssyncadd.tile.s32 @!p0 $0x1;
	_ =	shalt  }
.Lfunc_end2:
_tile_overlayer_lowered:
.L_overlay_start_2:
0x3ff: {  	(tag) =	ssettag $0x2  }
0x400: {  	s0 =	rddreg [dreg:$0x0];
	s2 =	stileid.u32  }
0x401: {  	s1 =	rddreg [dreg:$0x1];
	p0 =	sne.s32 s2, $0x0  }
0x402: {  	s3 =	rddreg [dreg:$0x2];
	[bflag:$0x3] =	sbarrier.arrive $0xFFFF;
	s2 =	simm.s32 @!p0 $0x1C09  }
0x403: {  	[timem:s3], [sflag:s2] =	dma.local @!p0 [hbm:s0], s1  }
0x404: {  	s0 =	simm.s32 @!p0 $0x9  }
0x405: {  	_ =	swait.ge @!p0 [sflag:s0], s1  }
0x406: {  	s1 =	ssub.s32 @!p0 $0x0, s1;
	[sflag:s0] =	ssyncset.done @!p0 $0x0  }
0x407: {  	[sflag:s0] =	ssyncadd.s32 @!p0 s1  }
0x408: {  	[bflag:$0x3] =	sbarrier.arrive $0xFFFF  }
0x409: {  	_ =	shalt  }

</sc_bundles>
